<compile_context>
chip_gen: v7x
topology: tpu7x:2x2x1
jax: 0.10.2.dev20260603
libtpu: 0.0.44.dev20260713+nightly
codegen_flags: <defaults>
</compile_context>

<pallas_src>
import functools
import jax
import jax.numpy as jnp
from jax import lax
from jax.experimental import pallas as pl
from jax.experimental.pallas import tpu as pltpu
from jax.experimental.pallas import tpu_sc as plsc

EMBED = 64
PAD = 128
SEQ = 200
CHUNKS = ((0, 128), (128, 72))
NUM_WORKERS = 32
NUM_CHUNKS = 4
TC_ROWS = 8


def _sc_gather(word_padded, flat_idx, batch):
    num_idx = batch * SEQ
    rows_per_w = batch // NUM_WORKERS
    idx_per_w = rows_per_w * SEQ
    n_chunks = 2 * rows_per_w

    mesh = plsc.VectorSubcoreMesh(core_axis_name="c", subcore_axis_name="s")

    @functools.partial(
        pl.kernel,
        out_type=jax.ShapeDtypeStruct((num_idx, PAD), jnp.float32),
        mesh=mesh,
        scratch_types=[
            pltpu.VMEM((idx_per_w,), jnp.int32),
            pltpu.VMEM((4, CHUNKS[0][1], PAD), jnp.float32),
            pltpu.SemaphoreType.DMA,
            pltpu.SemaphoreType.DMA,
            pltpu.SemaphoreType.DMA,
            pltpu.SemaphoreType.DMA,
            pltpu.SemaphoreType.DMA,
            pltpu.SemaphoreType.DMA,
            pltpu.SemaphoreType.DMA,
            pltpu.SemaphoreType.DMA,
        ],
    )
    def sc_kernel(word_hbm, idx_hbm, out_hbm, idx_v, rows_v,
                  g0, g1, g2, g3, o0, o1, o2, o3):
        wid = lax.axis_index("s") * 2 + lax.axis_index("c")
        idx_base = pl.multiple_of(wid * idx_per_w, idx_per_w)
        pltpu.sync_copy(idx_hbm.at[pl.ds(idx_base, idx_per_w)], idx_v)

        gsems = (g0, g1, g2, g3)
        osems = (o0, o1, o2, o3)

        def gather(t, h, b):
            start, size = CHUNKS[h]
            return pltpu.make_async_copy(
                word_hbm.at[idx_v.at[pl.ds(t * SEQ + start, size)]],
                rows_v.at[b, pl.ds(0, size)], gsems[b],
            )

        def out_copy(t, h, b):
            start, size = CHUNKS[h]
            out_base = pl.multiple_of(idx_base + t * SEQ + start, 8)
            return pltpu.make_async_copy(
                rows_v.at[b, pl.ds(0, size)],
                out_hbm.at[pl.ds(out_base, size)], osems[b],
            )

        def do_chunk(t, h, b, wait_out, issue_next):
            gather(t, h, b).wait()
            out_copy(t, h, b).start()
            if wait_out:
                out_copy(t - 1, h, (b + 2) % 4).wait()
            if issue_next:
                gather(t + 1, h, (b + 2) % 4).start()

        gather(0, 0, 0).start()
        gather(0, 1, 1).start()
        do_chunk(0, 0, 0, wait_out=False, issue_next=True)
        do_chunk(0, 1, 1, wait_out=False, issue_next=True)

        @pl.loop(0, (rows_per_w - 2) // 2)
        def _(u):
            for k in range(4):
                t = 1 + 2 * u + k // 2
                do_chunk(t, k % 2, (2 + k) % 4, wait_out=True,
                         issue_next=True)

        do_chunk(rows_per_w - 1, 0, (2 * rows_per_w - 2) % 4, wait_out=True,
                 issue_next=False)
        do_chunk(rows_per_w - 1, 1, (2 * rows_per_w - 1) % 4, wait_out=True,
                 issue_next=False)
        out_copy(rows_per_w - 1, 0, (2 * rows_per_w - 2) % 4).wait()
        out_copy(rows_per_w - 1, 1, (2 * rows_per_w - 1) % 4).wait()

    return sc_kernel(word_padded, flat_idx)


def _tc_unpack_body(rows_ref, pos_ref, out_ref):
    x = rows_ref[...][:, :EMBED]
    x = x.reshape(TC_ROWS, SEQ, EMBED)
    out_ref[...] = x + pos_ref[...][None, :, :]


def _tc_unpack_acc_body(acc_ref, rows_ref, pos_ref, out_ref):
    del acc_ref
    _tc_unpack_body(rows_ref, pos_ref, out_ref)


def _tc_unpack(acc, rows128, pos_table, chunk, chunk_batch, batch):
    grid = chunk_batch // TC_ROWS

    def out_map(i, chunk=chunk, grid=grid):
        return (chunk * grid + i, 0, 0)

    out_shape = jax.ShapeDtypeStruct((batch, SEQ, EMBED), jnp.float32)
    data_specs = [
        pl.BlockSpec((TC_ROWS * SEQ, PAD), lambda i: (i, 0)),
        pl.BlockSpec((SEQ, EMBED), lambda i: (0, 0)),
    ]
    out_spec = pl.BlockSpec((TC_ROWS, SEQ, EMBED), out_map)
    if acc is None:
        return pl.pallas_call(
            _tc_unpack_body,
            out_shape=out_shape,
            grid=(grid,),
            in_specs=data_specs,
            out_specs=out_spec,
        )(rows128, pos_table)
    return pl.pallas_call(
        _tc_unpack_acc_body,
        out_shape=out_shape,
        grid=(grid,),
        in_specs=[pl.BlockSpec(memory_space=pltpu.MemorySpace.HBM)] + data_specs,
        out_specs=out_spec,
        input_output_aliases={0: 0},
    )(acc, rows128, pos_table)


def kernel(inputs, word_table, pos_table):
    batch, seq = inputs.shape
    chunk_batch = batch // NUM_CHUNKS
    chunk_idx = chunk_batch * seq
    flat_idx = inputs.reshape(batch * seq)
    word_padded = jnp.pad(word_table, ((0, 0), (0, PAD - EMBED)))

    acc = None
    for k in range(NUM_CHUNKS):
        rows128 = _sc_gather(
            word_padded,
            lax.slice_in_dim(flat_idx, k * chunk_idx, (k + 1) * chunk_idx),
            chunk_batch,
        )
        acc = _tc_unpack(acc, rows128, pos_table, k, chunk_batch, batch)
    return acc

# --- scband reference (transcript-rebuilt; emitter-appended) ---
"""Pipeline reference for scband-positional-embedding-67473936220825 (READ-ONLY COPY).

The authoritative reference and input builder live on the scoring server;
editing this copy changes nothing except your own understanding.
"""

import jax, jax.numpy as jnp
import numpy as np

MAX_WORD = 100000
EMBED_DIM = 64
SEQ_LENGTH = 200
BATCH = 4096

def setup_inputs(seed: int = 0) -> dict:
    key = jax.random.key(seed)
    k1, k2, k3 = jax.random.split(key, 3)
    inputs = jax.random.randint(k1, (BATCH, SEQ_LENGTH), 0, MAX_WORD, dtype=jnp.int64 if jax.config.jax_enable_x64 else jnp.int32)
    # Keras Embedding default init: uniform(-0.05, 0.05)
    word_table = jax.random.uniform(k2, (MAX_WORD, EMBED_DIM), minval=-0.05, maxval=0.05, dtype=jnp.float32)
    pos_table = jax.random.uniform(k3, (SEQ_LENGTH, EMBED_DIM), minval=-0.05, maxval=0.05, dtype=jnp.float32)
    return {"inputs": inputs, "word_table": word_table, "pos_table": pos_table}

def reference(inputs, word_table, pos_table):
    length = inputs.shape[-1]
    position = jnp.arange(0, length)
    embedded_tokens = jnp.take(word_table, inputs, axis=0)   # [B, L, D]
    embedded_pos = jnp.take(pos_table, position, axis=0)     # [L, D]
    return embedded_tokens + embedded_pos[None, :, :]

if __name__ == "__main__":
    import jax
    _d = setup_inputs()
    print(jax.jit(kernel)(*tuple(_d.values())))

</pallas_src>

<mosaic_0001>
#map = affine_map<(d0, d1) -> (0, 0)>
#map1 = affine_map<(d0, d1) -> (0)>
module attributes {stable_mosaic.version = 14 : i64} {
  func.func @sc_kernel(%arg0: i32, %arg1: i32, %arg2: memref<100000x128xf32, #tpu.memory_space<hbm>>, %arg3: memref<204800xi32, #tpu.memory_space<hbm>>, %arg4: memref<204800x128xf32, #tpu.memory_space<hbm>>, %arg5: memref<6400xi32, #tpu.memory_space<vmem>>, %arg6: memref<4x128x128xf32, #tpu.memory_space<vmem>>, %arg7: memref<!tpu.dma_semaphore, #tpu.memory_space<semaphore_mem>>, %arg8: memref<!tpu.dma_semaphore, #tpu.memory_space<semaphore_mem>>, %arg9: memref<!tpu.dma_semaphore, #tpu.memory_space<semaphore_mem>>, %arg10: memref<!tpu.dma_semaphore, #tpu.memory_space<semaphore_mem>>, %arg11: memref<!tpu.dma_semaphore, #tpu.memory_space<semaphore_mem>>, %arg12: memref<!tpu.dma_semaphore, #tpu.memory_space<semaphore_mem>>, %arg13: memref<!tpu.dma_semaphore, #tpu.memory_space<semaphore_mem>>, %arg14: memref<!tpu.dma_semaphore, #tpu.memory_space<semaphore_mem>>) attributes {dimension_semantics = [#tpu.dimension_semantics<core_parallel>, #tpu.dimension_semantics<subcore_parallel>], iteration_bounds = array<i64: 2, 16>, scalar_prefetch = 0 : i64, scratch_operands = 10 : i64, tpu.core_type = #tpu.core_type<sc_vector_subcore>, window_params = [{transform_indices = #map}, {transform_indices = #map1}, {transform_indices = #map}]} {
    %mul3A = arith.constant 2 : i32
    %mul3A_0 = arith.muli %arg1, %mul3A : i32
    %add3A = arith.addi %mul3A_0, %arg0 : i32
    %mul3A_1 = arith.constant 6400 : i32
    %mul3A_2 = arith.muli %add3A, %mul3A_1 : i32
    %multiple_of3A = tpu.assume_multiple %mul3A_2, 6400 : i32
    "tpu.region"() ({
      %run_scoped3A = tpu.sem_alloc : memref<!tpu.dma_semaphore, #tpu.memory_space<semaphore_mem>>
      %dma_start3A_229 = tpu.memref_slice %arg3[%multiple_of3A] : memref<204800xi32, #tpu.memory_space<hbm>> -> memref<6400xi32, #tpu.memory_space<hbm>>
      %dma_start3A_230 = tpu.memref_slice %arg3[%multiple_of3A] : memref<204800xi32, #tpu.memory_space<hbm>> -> memref<6400xi32, #tpu.memory_space<hbm>>
      tpu.enqueue_dma source(%dma_start3A_230 : memref<6400xi32, #tpu.memory_space<hbm>>) target(%arg5 : memref<6400xi32, #tpu.memory_space<vmem>>) target_semaphore(%run_scoped3A : memref<!tpu.dma_semaphore, #tpu.memory_space<semaphore_mem>>)
      %dma_wait3A_231 = tpu.memref_slice %arg3[%multiple_of3A] : memref<204800xi32, #tpu.memory_space<hbm>> -> memref<6400xi32, #tpu.memory_space<hbm>>
      %dma_wait3A_232 = tpu.memref_slice %arg3[%multiple_of3A] : memref<204800xi32, #tpu.memory_space<hbm>> -> memref<6400xi32, #tpu.memory_space<hbm>>
      tpu.wait_dma2 semaphore(%run_scoped3A : memref<!tpu.dma_semaphore, #tpu.memory_space<semaphore_mem>>) src(%dma_wait3A_232 : memref<6400xi32, #tpu.memory_space<hbm>>) dst(%arg5 : memref<6400xi32, #tpu.memory_space<vmem>>)
      tpu.yield
    }) : () -> ()
    %dma_start3A = arith.constant 0 : i32
    %dma_start3A_3 = arith.constant 0 : i32
    %dma_start3A_4 = arith.constant 0 : i32
    %dma_start3A_5 = tpu.memref_slice %arg6[%dma_start3A, %dma_start3A_3, %dma_start3A_4] : memref<4x128x128xf32, #tpu.memory_space<vmem>> -> memref<1x128x128xf32, #tpu.memory_space<vmem>>
    %dma_start3A_6 = tpu.memref_squeeze %dma_start3A_5 : memref<1x128x128xf32, #tpu.memory_space<vmem>> -> memref<128x128xf32, #tpu.memory_space<vmem>>
    %dma_start3A_7 = arith.constant 0 : i32
    %dma_start3A_8 = tpu.memref_slice %arg5[%dma_start3A_7] : memref<6400xi32, #tpu.memory_space<vmem>> -> memref<128xi32, #tpu.memory_space<vmem>>
    %dma_start3A_9 = arith.constant 0 : i32
    %dma_start3A_10 = arith.constant 0 : i32
    %dma_start3A_11 = tpu.memref_slice %arg2[%dma_start3A_9, %dma_start3A_10] : memref<100000x128xf32, #tpu.memory_space<hbm>> -> memref<100000x128xf32, #tpu.memory_space<hbm>>
    tpu.enqueue_indirect_dma source(%dma_start3A_11 : memref<100000x128xf32, #tpu.memory_space<hbm>>) target(%dma_start3A_6 : memref<128x128xf32, #tpu.memory_space<vmem>>) offsets(%dma_start3A_8 : memref<128xi32, #tpu.memory_space<vmem>>) semaphore(%arg7 : memref<!tpu.dma_semaphore, #tpu.memory_space<semaphore_mem>>)
    %dma_start3A_12 = arith.constant 1 : i32
    %dma_start3A_13 = arith.constant 0 : i32
    %dma_start3A_14 = arith.constant 0 : i32
    %dma_start3A_15 = tpu.memref_slice %arg6[%dma_start3A_12, %dma_start3A_13, %dma_start3A_14] : memref<4x128x128xf32, #tpu.memory_space<vmem>> -> memref<1x72x128xf32, #tpu.memory_space<vmem>>
    %dma_start3A_16 = tpu.memref_squeeze %dma_start3A_15 : memref<1x72x128xf32, #tpu.memory_space<vmem>> -> memref<72x128xf32, #tpu.memory_space<vmem>>
    %dma_start3A_17 = arith.constant 128 : i32
    %dma_start3A_18 = tpu.memref_slice %arg5[%dma_start3A_17] : memref<6400xi32, #tpu.memory_space<vmem>> -> memref<72xi32, #tpu.memory_space<vmem>>
    %dma_start3A_19 = arith.constant 0 : i32
    %dma_start3A_20 = arith.constant 0 : i32
    %dma_start3A_21 = tpu.memref_slice %arg2[%dma_start3A_19, %dma_start3A_20] : memref<100000x128xf32, #tpu.memory_space<hbm>> -> memref<100000x128xf32, #tpu.memory_space<hbm>>
    tpu.enqueue_indirect_dma source(%dma_start3A_21 : memref<100000x128xf32, #tpu.memory_space<hbm>>) target(%dma_start3A_16 : memref<72x128xf32, #tpu.memory_space<vmem>>) offsets(%dma_start3A_18 : memref<72xi32, #tpu.memory_space<vmem>>) semaphore(%arg8 : memref<!tpu.dma_semaphore, #tpu.memory_space<semaphore_mem>>)
    %dma_wait3A = arith.constant 0 : i32
    %dma_wait3A_22 = arith.constant 0 : i32
    %dma_wait3A_23 = arith.constant 0 : i32
    %dma_wait3A_24 = tpu.memref_slice %arg6[%dma_wait3A, %dma_wait3A_22, %dma_wait3A_23] : memref<4x128x128xf32, #tpu.memory_space<vmem>> -> memref<1x128x128xf32, #tpu.memory_space<vmem>>
    %dma_wait3A_25 = tpu.memref_squeeze %dma_wait3A_24 : memref<1x128x128xf32, #tpu.memory_space<vmem>> -> memref<128x128xf32, #tpu.memory_space<vmem>>
    %dma_wait3A_26 = arith.constant 0 : i32
    %dma_wait3A_27 = tpu.memref_slice %arg5[%dma_wait3A_26] : memref<6400xi32, #tpu.memory_space<vmem>> -> memref<128xi32, #tpu.memory_space<vmem>>
    %dma_wait3A_28 = arith.constant 0 : i32
    %dma_wait3A_29 = arith.constant 0 : i32
    %dma_wait3A_30 = tpu.memref_slice %arg2[%dma_wait3A_28, %dma_wait3A_29] : memref<100000x128xf32, #tpu.memory_space<hbm>> -> memref<100000x128xf32, #tpu.memory_space<hbm>>
    tpu.wait_indirect_dma semaphore(%arg7 : memref<!tpu.dma_semaphore, #tpu.memory_space<semaphore_mem>>) src(%dma_wait3A_30 : memref<100000x128xf32, #tpu.memory_space<hbm>>) dst(%dma_wait3A_25 : memref<128x128xf32, #tpu.memory_space<vmem>>)
    %add3A_31 = arith.constant 0 : i32
    %add3A_32 = arith.addi %multiple_of3A, %add3A_31 : i32
    %add3A_33 = arith.constant 0 : i32
    %add3A_34 = arith.addi %add3A_32, %add3A_33 : i32
    %multiple_of3A_35 = tpu.assume_multiple %add3A_34, 8 : i32
    %dma_start3A_36 = arith.constant 0 : i32
    %dma_start3A_37 = arith.constant 0 : i32
    %dma_start3A_38 = arith.constant 0 : i32
    %dma_start3A_39 = tpu.memref_slice %arg6[%dma_start3A_36, %dma_start3A_37, %dma_start3A_38] : memref<4x128x128xf32, #tpu.memory_space<vmem>> -> memref<1x128x128xf32, #tpu.memory_space<vmem>>
    %dma_start3A_40 = tpu.memref_squeeze %dma_start3A_39 : memref<1x128x128xf32, #tpu.memory_space<vmem>> -> memref<128x128xf32, #tpu.memory_space<vmem>>
    %dma_start3A_41 = arith.constant 0 : i32
    %dma_start3A_42 = tpu.memref_slice %arg4[%multiple_of3A_35, %dma_start3A_41] : memref<204800x128xf32, #tpu.memory_space<hbm>> -> memref<128x128xf32, #tpu.memory_space<hbm>>
    %dma_start3A_43 = arith.constant 0 : i32
    %dma_start3A_44 = tpu.memref_slice %arg4[%multiple_of3A_35, %dma_start3A_43] : memref<204800x128xf32, #tpu.memory_space<hbm>> -> memref<128x128xf32, #tpu.memory_space<hbm>>
    %dma_start3A_45 = arith.constant 0 : i32
    %dma_start3A_46 = arith.constant 0 : i32
    %dma_start3A_47 = tpu.memref_slice %arg6[%dma_start3A_36, %dma_start3A_45, %dma_start3A_46] : memref<4x128x128xf32, #tpu.memory_space<vmem>> -> memref<1x128x128xf32, #tpu.memory_space<vmem>>
    %dma_start3A_48 = tpu.memref_squeeze %dma_start3A_47 : memref<1x128x128xf32, #tpu.memory_space<vmem>> -> memref<128x128xf32, #tpu.memory_space<vmem>>
    tpu.enqueue_dma source(%dma_start3A_48 : memref<128x128xf32, #tpu.memory_space<vmem>>) target(%dma_start3A_44 : memref<128x128xf32, #tpu.memory_space<hbm>>) target_semaphore(%arg11 : memref<!tpu.dma_semaphore, #tpu.memory_space<semaphore_mem>>)
    %dma_start3A_49 = arith.constant 2 : i32
    %dma_start3A_50 = arith.constant 0 : i32
    %dma_start3A_51 = arith.constant 0 : i32
    %dma_start3A_52 = tpu.memref_slice %arg6[%dma_start3A_49, %dma_start3A_50, %dma_start3A_51] : memref<4x128x128xf32, #tpu.memory_space<vmem>> -> memref<1x128x128xf32, #tpu.memory_space<vmem>>
    %dma_start3A_53 = tpu.memref_squeeze %dma_start3A_52 : memref<1x128x128xf32, #tpu.memory_space<vmem>> -> memref<128x128xf32, #tpu.memory_space<vmem>>
    %dma_start3A_54 = arith.constant 200 : i32
    %dma_start3A_55 = tpu.memref_slice %arg5[%dma_start3A_54] : memref<6400xi32, #tpu.memory_space<vmem>> -> memref<128xi32, #tpu.memory_space<vmem>>
    %dma_start3A_56 = arith.constant 0 : i32
    %dma_start3A_57 = arith.constant 0 : i32
    %dma_start3A_58 = tpu.memref_slice %arg2[%dma_start3A_56, %dma_start3A_57] : memref<100000x128xf32, #tpu.memory_space<hbm>> -> memref<100000x128xf32, #tpu.memory_space<hbm>>
    tpu.enqueue_indirect_dma source(%dma_start3A_58 : memref<100000x128xf32, #tpu.memory_space<hbm>>) target(%dma_start3A_53 : memref<128x128xf32, #tpu.memory_space<vmem>>) offsets(%dma_start3A_55 : memref<128xi32, #tpu.memory_space<vmem>>) semaphore(%arg9 : memref<!tpu.dma_semaphore, #tpu.memory_space<semaphore_mem>>)
    %dma_wait3A_59 = arith.constant 1 : i32
    %dma_wait3A_60 = arith.constant 0 : i32
    %dma_wait3A_61 = arith.constant 0 : i32
    %dma_wait3A_62 = tpu.memref_slice %arg6[%dma_wait3A_59, %dma_wait3A_60, %dma_wait3A_61] : memref<4x128x128xf32, #tpu.memory_space<vmem>> -> memref<1x72x128xf32, #tpu.memory_space<vmem>>
    %dma_wait3A_63 = tpu.memref_squeeze %dma_wait3A_62 : memref<1x72x128xf32, #tpu.memory_space<vmem>> -> memref<72x128xf32, #tpu.memory_space<vmem>>
    %dma_wait3A_64 = arith.constant 128 : i32
    %dma_wait3A_65 = tpu.memref_slice %arg5[%dma_wait3A_64] : memref<6400xi32, #tpu.memory_space<vmem>> -> memref<72xi32, #tpu.memory_space<vmem>>
    %dma_wait3A_66 = arith.constant 0 : i32
    %dma_wait3A_67 = arith.constant 0 : i32
    %dma_wait3A_68 = tpu.memref_slice %arg2[%dma_wait3A_66, %dma_wait3A_67] : memref<100000x128xf32, #tpu.memory_space<hbm>> -> memref<100000x128xf32, #tpu.memory_space<hbm>>
    tpu.wait_indirect_dma semaphore(%arg8 : memref<!tpu.dma_semaphore, #tpu.memory_space<semaphore_mem>>) src(%dma_wait3A_68 : memref<100000x128xf32, #tpu.memory_space<hbm>>) dst(%dma_wait3A_63 : memref<72x128xf32, #tpu.memory_space<vmem>>)
    %add3A_69 = arith.constant 0 : i32
    %add3A_70 = arith.addi %multiple_of3A, %add3A_69 : i32
    %add3A_71 = arith.constant 128 : i32
    %add3A_72 = arith.addi %add3A_70, %add3A_71 : i32
    %multiple_of3A_73 = tpu.assume_multiple %add3A_72, 8 : i32
    %dma_start3A_74 = arith.constant 1 : i32
    %dma_start3A_75 = arith.constant 0 : i32
    %dma_start3A_76 = arith.constant 0 : i32
    %dma_start3A_77 = tpu.memref_slice %arg6[%dma_start3A_74, %dma_start3A_75, %dma_start3A_76] : memref<4x128x128xf32, #tpu.memory_space<vmem>> -> memref<1x72x128xf32, #tpu.memory_space<vmem>>
    %dma_start3A_78 = tpu.memref_squeeze %dma_start3A_77 : memref<1x72x128xf32, #tpu.memory_space<vmem>> -> memref<72x128xf32, #tpu.memory_space<vmem>>
    %dma_start3A_79 = arith.constant 0 : i32
    %dma_start3A_80 = tpu.memref_slice %arg4[%multiple_of3A_73, %dma_start3A_79] : memref<204800x128xf32, #tpu.memory_space<hbm>> -> memref<72x128xf32, #tpu.memory_space<hbm>>
    %dma_start3A_81 = arith.constant 0 : i32
    %dma_start3A_82 = tpu.memref_slice %arg4[%multiple_of3A_73, %dma_start3A_81] : memref<204800x128xf32, #tpu.memory_space<hbm>> -> memref<72x128xf32, #tpu.memory_space<hbm>>
    %dma_start3A_83 = arith.constant 0 : i32
    %dma_start3A_84 = arith.constant 0 : i32
    %dma_start3A_85 = tpu.memref_slice %arg6[%dma_start3A_74, %dma_start3A_83, %dma_start3A_84] : memref<4x128x128xf32, #tpu.memory_space<vmem>> -> memref<1x72x128xf32, #tpu.memory_space<vmem>>
    %dma_start3A_86 = tpu.memref_squeeze %dma_start3A_85 : memref<1x72x128xf32, #tpu.memory_space<vmem>> -> memref<72x128xf32, #tpu.memory_space<vmem>>
    tpu.enqueue_dma source(%dma_start3A_86 : memref<72x128xf32, #tpu.memory_space<vmem>>) target(%dma_start3A_82 : memref<72x128xf32, #tpu.memory_space<hbm>>) target_semaphore(%arg12 : memref<!tpu.dma_semaphore, #tpu.memory_space<semaphore_mem>>)
    %dma_start3A_87 = arith.constant 3 : i32
    %dma_start3A_88 = arith.constant 0 : i32
    %dma_start3A_89 = arith.constant 0 : i32
    %dma_start3A_90 = tpu.memref_slice %arg6[%dma_start3A_87, %dma_start3A_88, %dma_start3A_89] : memref<4x128x128xf32, #tpu.memory_space<vmem>> -> memref<1x72x128xf32, #tpu.memory_space<vmem>>
    %dma_start3A_91 = tpu.memref_squeeze %dma_start3A_90 : memref<1x72x128xf32, #tpu.memory_space<vmem>> -> memref<72x128xf32, #tpu.memory_space<vmem>>
    %dma_start3A_92 = arith.constant 328 : i32
    %dma_start3A_93 = tpu.memref_slice %arg5[%dma_start3A_92] : memref<6400xi32, #tpu.memory_space<vmem>> -> memref<72xi32, #tpu.memory_space<vmem>>
    %dma_start3A_94 = arith.constant 0 : i32
    %dma_start3A_95 = arith.constant 0 : i32
    %dma_start3A_96 = tpu.memref_slice %arg2[%dma_start3A_94, %dma_start3A_95] : memref<100000x128xf32, #tpu.memory_space<hbm>> -> memref<100000x128xf32, #tpu.memory_space<hbm>>
    tpu.enqueue_indirect_dma source(%dma_start3A_96 : memref<100000x128xf32, #tpu.memory_space<hbm>>) target(%dma_start3A_91 : memref<72x128xf32, #tpu.memory_space<vmem>>) offsets(%dma_start3A_93 : memref<72xi32, #tpu.memory_space<vmem>>) semaphore(%arg10 : memref<!tpu.dma_semaphore, #tpu.memory_space<semaphore_mem>>)
    %scan3A = arith.constant 0 : i32
    %scan3A_97 = arith.constant 15 : i32
    %scan3A_98 = arith.addi %scan3A, %scan3A_97 : i32
    %scan3A_99 = arith.constant 1 : i32
    scf.for %scan3A_229 = %scan3A to %scan3A_98 step %scan3A_99  : i32 {
      %mul3A_230 = arith.constant 1 : i32
      %mul3A_231 = arith.muli %scan3A_229, %mul3A_230 : i32
      %add3A_232 = arith.constant 0 : i32
      %add3A_233 = arith.addi %add3A_232, %mul3A_231 : i32
      %mul3A_234 = arith.constant 2 : i32
      %mul3A_235 = arith.muli %mul3A_234, %add3A_233 : i32
      %add3A_236 = arith.constant 1 : i32
      %add3A_237 = arith.addi %add3A_236, %mul3A_235 : i32
      %add3A_238 = arith.constant 0 : i32
      %add3A_239 = arith.addi %add3A_237, %add3A_238 : i32
      %mul3A_240 = arith.constant 200 : i32
      %mul3A_241 = arith.muli %add3A_239, %mul3A_240 : i32
      %add3A_242 = arith.constant 0 : i32
      %add3A_243 = arith.addi %mul3A_241, %add3A_242 : i32
      %dma_wait3A_244 = arith.constant 2 : i32
      %dma_wait3A_245 = arith.constant 0 : i32
      %dma_wait3A_246 = arith.constant 0 : i32
      %dma_wait3A_247 = tpu.memref_slice %arg6[%dma_wait3A_244, %dma_wait3A_245, %dma_wait3A_246] : memref<4x128x128xf32, #tpu.memory_space<vmem>> -> memref<1x128x128xf32, #tpu.memory_space<vmem>>
      %dma_wait3A_248 = tpu.memref_squeeze %dma_wait3A_247 : memref<1x128x128xf32, #tpu.memory_space<vmem>> -> memref<128x128xf32, #tpu.memory_space<vmem>>
      %dma_wait3A_249 = tpu.memref_slice %arg5[%add3A_243] : memref<6400xi32, #tpu.memory_space<vmem>> -> memref<128xi32, #tpu.memory_space<vmem>>
      %dma_wait3A_250 = arith.constant 0 : i32
      %dma_wait3A_251 = arith.constant 0 : i32
      %dma_wait3A_252 = tpu.memref_slice %arg2[%dma_wait3A_250, %dma_wait3A_251] : memref<100000x128xf32, #tpu.memory_space<hbm>> -> memref<100000x128xf32, #tpu.memory_space<hbm>>
      tpu.wait_indirect_dma semaphore(%arg9 : memref<!tpu.dma_semaphore, #tpu.memory_space<semaphore_mem>>) src(%dma_wait3A_252 : memref<100000x128xf32, #tpu.memory_space<hbm>>) dst(%dma_wait3A_248 : memref<128x128xf32, #tpu.memory_space<vmem>>)
      %mul3A_253 = arith.constant 200 : i32
      %mul3A_254 = arith.muli %add3A_239, %mul3A_253 : i32
      %add3A_255 = arith.addi %multiple_of3A, %mul3A_254 : i32
      %add3A_256 = arith.constant 0 : i32
      %add3A_257 = arith.addi %add3A_255, %add3A_256 : i32
      %multiple_of3A_258 = tpu.assume_multiple %add3A_257, 8 : i32
      %dma_start3A_259 = arith.constant 2 : i32
      %dma_start3A_260 = arith.constant 0 : i32
      %dma_start3A_261 = arith.constant 0 : i32
      %dma_start3A_262 = tpu.memref_slice %arg6[%dma_start3A_259, %dma_start3A_260, %dma_start3A_261] : memref<4x128x128xf32, #tpu.memory_space<vmem>> -> memref<1x128x128xf32, #tpu.memory_space<vmem>>
      %dma_start3A_263 = tpu.memref_squeeze %dma_start3A_262 : memref<1x128x128xf32, #tpu.memory_space<vmem>> -> memref<128x128xf32, #tpu.memory_space<vmem>>
      %dma_start3A_264 = arith.constant 0 : i32
      %dma_start3A_265 = tpu.memref_slice %arg4[%multiple_of3A_258, %dma_start3A_264] : memref<204800x128xf32, #tpu.memory_space<hbm>> -> memref<128x128xf32, #tpu.memory_space<hbm>>
      %dma_start3A_266 = arith.constant 0 : i32
      %dma_start3A_267 = tpu.memref_slice %arg4[%multiple_of3A_258, %dma_start3A_266] : memref<204800x128xf32, #tpu.memory_space<hbm>> -> memref<128x128xf32, #tpu.memory_space<hbm>>
      %dma_start3A_268 = arith.constant 0 : i32
      %dma_start3A_269 = arith.constant 0 : i32
      %dma_start3A_270 = tpu.memref_slice %arg6[%dma_start3A_259, %dma_start3A_268, %dma_start3A_269] : memref<4x128x128xf32, #tpu.memory_space<vmem>> -> memref<1x128x128xf32, #tpu.memory_space<vmem>>
      %dma_start3A_271 = tpu.memref_squeeze %dma_start3A_270 : memref<1x128x128xf32, #tpu.memory_space<vmem>> -> memref<128x128xf32, #tpu.memory_space<vmem>>
      tpu.enqueue_dma source(%dma_start3A_271 : memref<128x128xf32, #tpu.memory_space<vmem>>) target(%dma_start3A_267 : memref<128x128xf32, #tpu.memory_space<hbm>>) target_semaphore(%arg13 : memref<!tpu.dma_semaphore, #tpu.memory_space<semaphore_mem>>)
      %sub3A = arith.constant 1 : i32
      %sub3A_272 = arith.subi %add3A_239, %sub3A : i32
      %mul3A_273 = arith.constant 200 : i32
      %mul3A_274 = arith.muli %sub3A_272, %mul3A_273 : i32
      %add3A_275 = arith.addi %multiple_of3A, %mul3A_274 : i32
      %add3A_276 = arith.constant 0 : i32
      %add3A_277 = arith.addi %add3A_275, %add3A_276 : i32
      %multiple_of3A_278 = tpu.assume_multiple %add3A_277, 8 : i32
      %dma_wait3A_279 = arith.constant 0 : i32
      %dma_wait3A_280 = arith.constant 0 : i32
      %dma_wait3A_281 = arith.constant 0 : i32
      %dma_wait3A_282 = tpu.memref_slice %arg6[%dma_wait3A_279, %dma_wait3A_280, %dma_wait3A_281] : memref<4x128x128xf32, #tpu.memory_space<vmem>> -> memref<1x128x128xf32, #tpu.memory_space<vmem>>
      %dma_wait3A_283 = tpu.memref_squeeze %dma_wait3A_282 : memref<1x128x128xf32, #tpu.memory_space<vmem>> -> memref<128x128xf32, #tpu.memory_space<vmem>>
      %dma_wait3A_284 = arith.constant 0 : i32
      %dma_wait3A_285 = tpu.memref_slice %arg4[%multiple_of3A_278, %dma_wait3A_284] : memref<204800x128xf32, #tpu.memory_space<hbm>> -> memref<128x128xf32, #tpu.memory_space<hbm>>
      %dma_wait3A_286 = arith.constant 0 : i32
      %dma_wait3A_287 = tpu.memref_slice %arg4[%multiple_of3A_278, %dma_wait3A_286] : memref<204800x128xf32, #tpu.memory_space<hbm>> -> memref<128x128xf32, #tpu.memory_space<hbm>>
      %dma_wait3A_288 = arith.constant 0 : i32
      %dma_wait3A_289 = arith.constant 0 : i32
      %dma_wait3A_290 = tpu.memref_slice %arg6[%dma_wait3A_279, %dma_wait3A_288, %dma_wait3A_289] : memref<4x128x128xf32, #tpu.memory_space<vmem>> -> memref<1x128x128xf32, #tpu.memory_space<vmem>>
      %dma_wait3A_291 = tpu.memref_squeeze %dma_wait3A_290 : memref<1x128x128xf32, #tpu.memory_space<vmem>> -> memref<128x128xf32, #tpu.memory_space<vmem>>
      tpu.wait_dma2 semaphore(%arg11 : memref<!tpu.dma_semaphore, #tpu.memory_space<semaphore_mem>>) src(%dma_wait3A_291 : memref<128x128xf32, #tpu.memory_space<vmem>>) dst(%dma_wait3A_287 : memref<128x128xf32, #tpu.memory_space<hbm>>)
      %add3A_292 = arith.constant 1 : i32
      %add3A_293 = arith.addi %add3A_239, %add3A_292 : i32
      %mul3A_294 = arith.constant 200 : i32
      %mul3A_295 = arith.muli %add3A_293, %mul3A_294 : i32
      %add3A_296 = arith.constant 0 : i32
      %add3A_297 = arith.addi %mul3A_295, %add3A_296 : i32
      %dma_start3A_298 = arith.constant 0 : i32
      %dma_start3A_299 = arith.constant 0 : i32
      %dma_start3A_300 = arith.constant 0 : i32
      %dma_start3A_301 = tpu.memref_slice %arg6[%dma_start3A_298, %dma_start3A_299, %dma_start3A_300] : memref<4x128x128xf32, #tpu.memory_space<vmem>> -> memref<1x128x128xf32, #tpu.memory_space<vmem>>
      %dma_start3A_302 = tpu.memref_squeeze %dma_start3A_301 : memref<1x128x128xf32, #tpu.memory_space<vmem>> -> memref<128x128xf32, #tpu.memory_space<vmem>>
      %dma_start3A_303 = tpu.memref_slice %arg5[%add3A_297] : memref<6400xi32, #tpu.memory_space<vmem>> -> memref<128xi32, #tpu.memory_space<vmem>>
      %dma_start3A_304 = arith.constant 0 : i32
      %dma_start3A_305 = arith.constant 0 : i32
      %dma_start3A_306 = tpu.memref_slice %arg2[%dma_start3A_304, %dma_start3A_305] : memref<100000x128xf32, #tpu.memory_space<hbm>> -> memref<100000x128xf32, #tpu.memory_space<hbm>>
      tpu.enqueue_indirect_dma source(%dma_start3A_306 : memref<100000x128xf32, #tpu.memory_space<hbm>>) target(%dma_start3A_302 : memref<128x128xf32, #tpu.memory_space<vmem>>) offsets(%dma_start3A_303 : memref<128xi32, #tpu.memory_space<vmem>>) semaphore(%arg7 : memref<!tpu.dma_semaphore, #tpu.memory_space<semaphore_mem>>)
      %mul3A_307 = arith.constant 2 : i32
      %mul3A_308 = arith.muli %mul3A_307, %add3A_233 : i32
      %add3A_309 = arith.constant 1 : i32
      %add3A_310 = arith.addi %add3A_309, %mul3A_308 : i32
      %add3A_311 = arith.constant 0 : i32
      %add3A_312 = arith.addi %add3A_310, %add3A_311 : i32
      %mul3A_313 = arith.constant 200 : i32
      %mul3A_314 = arith.muli %add3A_312, %mul3A_313 : i32
      %add3A_315 = arith.constant 128 : i32
      %add3A_316 = arith.addi %mul3A_314, %add3A_315 : i32
      %dma_wait3A_317 = arith.constant 3 : i32
      %dma_wait3A_318 = arith.constant 0 : i32
      %dma_wait3A_319 = arith.constant 0 : i32
      %dma_wait3A_320 = tpu.memref_slice %arg6[%dma_wait3A_317, %dma_wait3A_318, %dma_wait3A_319] : memref<4x128x128xf32, #tpu.memory_space<vmem>> -> memref<1x72x128xf32, #tpu.memory_space<vmem>>
      %dma_wait3A_321 = tpu.memref_squeeze %dma_wait3A_320 : memref<1x72x128xf32, #tpu.memory_space<vmem>> -> memref<72x128xf32, #tpu.memory_space<vmem>>
      %dma_wait3A_322 = tpu.memref_slice %arg5[%add3A_316] : memref<6400xi32, #tpu.memory_space<vmem>> -> memref<72xi32, #tpu.memory_space<vmem>>
      %dma_wait3A_323 = arith.constant 0 : i32
      %dma_wait3A_324 = arith.constant 0 : i32
      %dma_wait3A_325 = tpu.memref_slice %arg2[%dma_wait3A_323, %dma_wait3A_324] : memref<100000x128xf32, #tpu.memory_space<hbm>> -> memref<100000x128xf32, #tpu.memory_space<hbm>>
      tpu.wait_indirect_dma semaphore(%arg10 : memref<!tpu.dma_semaphore, #tpu.memory_space<semaphore_mem>>) src(%dma_wait3A_325 : memref<100000x128xf32, #tpu.memory_space<hbm>>) dst(%dma_wait3A_321 : memref<72x128xf32, #tpu.memory_space<vmem>>)
      %mul3A_326 = arith.constant 200 : i32
      %mul3A_327 = arith.muli %add3A_312, %mul3A_326 : i32
      %add3A_328 = arith.addi %multiple_of3A, %mul3A_327 : i32
      %add3A_329 = arith.constant 128 : i32
      %add3A_330 = arith.addi %add3A_328, %add3A_329 : i32
      %multiple_of3A_331 = tpu.assume_multiple %add3A_330, 8 : i32
      %dma_start3A_332 = arith.constant 3 : i32
      %dma_start3A_333 = arith.constant 0 : i32
      %dma_start3A_334 = arith.constant 0 : i32
      %dma_start3A_335 = tpu.memref_slice %arg6[%dma_start3A_332, %dma_start3A_333, %dma_start3A_334] : memref<4x128x128xf32, #tpu.memory_space<vmem>> -> memref<1x72x128xf32, #tpu.memory_space<vmem>>
      %dma_start3A_336 = tpu.memref_squeeze %dma_start3A_335 : memref<1x72x128xf32, #tpu.memory_space<vmem>> -> memref<72x128xf32, #tpu.memory_space<vmem>>
      %dma_start3A_337 = arith.constant 0 : i32
      %dma_start3A_338 = tpu.memref_slice %arg4[%multiple_of3A_331, %dma_start3A_337] : memref<204800x128xf32, #tpu.memory_space<hbm>> -> memref<72x128xf32, #tpu.memory_space<hbm>>
      %dma_start3A_339 = arith.constant 0 : i32
      %dma_start3A_340 = tpu.memref_slice %arg4[%multiple_of3A_331, %dma_start3A_339] : memref<204800x128xf32, #tpu.memory_space<hbm>> -> memref<72x128xf32, #tpu.memory_space<hbm>>
      %dma_start3A_341 = arith.constant 0 : i32
      %dma_start3A_342 = arith.constant 0 : i32
      %dma_start3A_343 = tpu.memref_slice %arg6[%dma_start3A_332, %dma_start3A_341, %dma_start3A_342] : memref<4x128x128xf32, #tpu.memory_space<vmem>> -> memref<1x72x128xf32, #tpu.memory_space<vmem>>
      %dma_start3A_344 = tpu.memref_squeeze %dma_start3A_343 : memref<1x72x128xf32, #tpu.memory_space<vmem>> -> memref<72x128xf32, #tpu.memory_space<vmem>>
      tpu.enqueue_dma source(%dma_start3A_344 : memref<72x128xf32, #tpu.memory_space<vmem>>) target(%dma_start3A_340 : memref<72x128xf32, #tpu.memory_space<hbm>>) target_semaphore(%arg14 : memref<!tpu.dma_semaphore, #tpu.memory_space<semaphore_mem>>)
      %sub3A_345 = arith.constant 1 : i32
      %sub3A_346 = arith.subi %add3A_312, %sub3A_345 : i32
      %mul3A_347 = arith.constant 200 : i32
      %mul3A_348 = arith.muli %sub3A_346, %mul3A_347 : i32
      %add3A_349 = arith.addi %multiple_of3A, %mul3A_348 : i32
      %add3A_350 = arith.constant 128 : i32
      %add3A_351 = arith.addi %add3A_349, %add3A_350 : i32
      %multiple_of3A_352 = tpu.assume_multiple %add3A_351, 8 : i32
      %dma_wait3A_353 = arith.constant 1 : i32
      %dma_wait3A_354 = arith.constant 0 : i32
      %dma_wait3A_355 = arith.constant 0 : i32
      %dma_wait3A_356 = tpu.memref_slice %arg6[%dma_wait3A_353, %dma_wait3A_354, %dma_wait3A_355] : memref<4x128x128xf32, #tpu.memory_space<vmem>> -> memref<1x72x128xf32, #tpu.memory_space<vmem>>
      %dma_wait3A_357 = tpu.memref_squeeze %dma_wait3A_356 : memref<1x72x128xf32, #tpu.memory_space<vmem>> -> memref<72x128xf32, #tpu.memory_space<vmem>>
      %dma_wait3A_358 = arith.constant 0 : i32
      %dma_wait3A_359 = tpu.memref_slice %arg4[%multiple_of3A_352, %dma_wait3A_358] : memref<204800x128xf32, #tpu.memory_space<hbm>> -> memref<72x128xf32, #tpu.memory_space<hbm>>
      %dma_wait3A_360 = arith.constant 0 : i32
      %dma_wait3A_361 = tpu.memref_slice %arg4[%multiple_of3A_352, %dma_wait3A_360] : memref<204800x128xf32, #tpu.memory_space<hbm>> -> memref<72x128xf32, #tpu.memory_space<hbm>>
      %dma_wait3A_362 = arith.constant 0 : i32
      %dma_wait3A_363 = arith.constant 0 : i32
      %dma_wait3A_364 = tpu.memref_slice %arg6[%dma_wait3A_353, %dma_wait3A_362, %dma_wait3A_363] : memref<4x128x128xf32, #tpu.memory_space<vmem>> -> memref<1x72x128xf32, #tpu.memory_space<vmem>>
      %dma_wait3A_365 = tpu.memref_squeeze %dma_wait3A_364 : memref<1x72x128xf32, #tpu.memory_space<vmem>> -> memref<72x128xf32, #tpu.memory_space<vmem>>
      tpu.wait_dma2 semaphore(%arg12 : memref<!tpu.dma_semaphore, #tpu.memory_space<semaphore_mem>>) src(%dma_wait3A_365 : memref<72x128xf32, #tpu.memory_space<vmem>>) dst(%dma_wait3A_361 : memref<72x128xf32, #tpu.memory_space<hbm>>)
      %add3A_366 = arith.constant 1 : i32
      %add3A_367 = arith.addi %add3A_312, %add3A_366 : i32
      %mul3A_368 = arith.constant 200 : i32
      %mul3A_369 = arith.muli %add3A_367, %mul3A_368 : i32
      %add3A_370 = arith.constant 128 : i32
      %add3A_371 = arith.addi %mul3A_369, %add3A_370 : i32
      %dma_start3A_372 = arith.constant 1 : i32
      %dma_start3A_373 = arith.constant 0 : i32
      %dma_start3A_374 = arith.constant 0 : i32
      %dma_start3A_375 = tpu.memref_slice %arg6[%dma_start3A_372, %dma_start3A_373, %dma_start3A_374] : memref<4x128x128xf32, #tpu.memory_space<vmem>> -> memref<1x72x128xf32, #tpu.memory_space<vmem>>
      %dma_start3A_376 = tpu.memref_squeeze %dma_start3A_375 : memref<1x72x128xf32, #tpu.memory_space<vmem>> -> memref<72x128xf32, #tpu.memory_space<vmem>>
      %dma_start3A_377 = tpu.memref_slice %arg5[%add3A_371] : memref<6400xi32, #tpu.memory_space<vmem>> -> memref<72xi32, #tpu.memory_space<vmem>>
      %dma_start3A_378 = arith.constant 0 : i32
      %dma_start3A_379 = arith.constant 0 : i32
      %dma_start3A_380 = tpu.memref_slice %arg2[%dma_start3A_378, %dma_start3A_379] : memref<100000x128xf32, #tpu.memory_space<hbm>> -> memref<100000x128xf32, #tpu.memory_space<hbm>>
      tpu.enqueue_indirect_dma source(%dma_start3A_380 : memref<100000x128xf32, #tpu.memory_space<hbm>>) target(%dma_start3A_376 : memref<72x128xf32, #tpu.memory_space<vmem>>) offsets(%dma_start3A_377 : memref<72xi32, #tpu.memory_space<vmem>>) semaphore(%arg8 : memref<!tpu.dma_semaphore, #tpu.memory_space<semaphore_mem>>)
      %mul3A_381 = arith.constant 2 : i32
      %mul3A_382 = arith.muli %mul3A_381, %add3A_233 : i32
      %add3A_383 = arith.constant 1 : i32
      %add3A_384 = arith.addi %add3A_383, %mul3A_382 : i32
      %add3A_385 = arith.constant 1 : i32
      %add3A_386 = arith.addi %add3A_384, %add3A_385 : i32
      %mul3A_387 = arith.constant 200 : i32
      %mul3A_388 = arith.muli %add3A_386, %mul3A_387 : i32
      %add3A_389 = arith.constant 0 : i32
      %add3A_390 = arith.addi %mul3A_388, %add3A_389 : i32
      %dma_wait3A_391 = arith.constant 0 : i32
      %dma_wait3A_392 = arith.constant 0 : i32
      %dma_wait3A_393 = arith.constant 0 : i32
      %dma_wait3A_394 = tpu.memref_slice %arg6[%dma_wait3A_391, %dma_wait3A_392, %dma_wait3A_393] : memref<4x128x128xf32, #tpu.memory_space<vmem>> -> memref<1x128x128xf32, #tpu.memory_space<vmem>>
      %dma_wait3A_395 = tpu.memref_squeeze %dma_wait3A_394 : memref<1x128x128xf32, #tpu.memory_space<vmem>> -> memref<128x128xf32, #tpu.memory_space<vmem>>
      %dma_wait3A_396 = tpu.memref_slice %arg5[%add3A_390] : memref<6400xi32, #tpu.memory_space<vmem>> -> memref<128xi32, #tpu.memory_space<vmem>>
      %dma_wait3A_397 = arith.constant 0 : i32
      %dma_wait3A_398 = arith.constant 0 : i32
      %dma_wait3A_399 = tpu.memref_slice %arg2[%dma_wait3A_397, %dma_wait3A_398] : memref<100000x128xf32, #tpu.memory_space<hbm>> -> memref<100000x128xf32, #tpu.memory_space<hbm>>
      tpu.wait_indirect_dma semaphore(%arg7 : memref<!tpu.dma_semaphore, #tpu.memory_space<semaphore_mem>>) src(%dma_wait3A_399 : memref<100000x128xf32, #tpu.memory_space<hbm>>) dst(%dma_wait3A_395 : memref<128x128xf32, #tpu.memory_space<vmem>>)
      %mul3A_400 = arith.constant 200 : i32
      %mul3A_401 = arith.muli %add3A_386, %mul3A_400 : i32
      %add3A_402 = arith.addi %multiple_of3A, %mul3A_401 : i32
      %add3A_403 = arith.constant 0 : i32
      %add3A_404 = arith.addi %add3A_402, %add3A_403 : i32
      %multiple_of3A_405 = tpu.assume_multiple %add3A_404, 8 : i32
      %dma_start3A_406 = arith.constant 0 : i32
      %dma_start3A_407 = arith.constant 0 : i32
      %dma_start3A_408 = arith.constant 0 : i32
      %dma_start3A_409 = tpu.memref_slice %arg6[%dma_start3A_406, %dma_start3A_407, %dma_start3A_408] : memref<4x128x128xf32, #tpu.memory_space<vmem>> -> memref<1x128x128xf32, #tpu.memory_space<vmem>>
      %dma_start3A_410 = tpu.memref_squeeze %dma_start3A_409 : memref<1x128x128xf32, #tpu.memory_space<vmem>> -> memref<128x128xf32, #tpu.memory_space<vmem>>
      %dma_start3A_411 = arith.constant 0 : i32
      %dma_start3A_412 = tpu.memref_slice %arg4[%multiple_of3A_405, %dma_start3A_411] : memref<204800x128xf32, #tpu.memory_space<hbm>> -> memref<128x128xf32, #tpu.memory_space<hbm>>
      %dma_start3A_413 = arith.constant 0 : i32
      %dma_start3A_414 = tpu.memref_slice %arg4[%multiple_of3A_405, %dma_start3A_413] : memref<204800x128xf32, #tpu.memory_space<hbm>> -> memref<128x128xf32, #tpu.memory_space<hbm>>
      %dma_start3A_415 = arith.constant 0 : i32
      %dma_start3A_416 = arith.constant 0 : i32
      %dma_start3A_417 = tpu.memref_slice %arg6[%dma_start3A_406, %dma_start3A_415, %dma_start3A_416] : memref<4x128x128xf32, #tpu.memory_space<vmem>> -> memref<1x128x128xf32, #tpu.memory_space<vmem>>
      %dma_start3A_418 = tpu.memref_squeeze %dma_start3A_417 : memref<1x128x128xf32, #tpu.memory_space<vmem>> -> memref<128x128xf32, #tpu.memory_space<vmem>>
      tpu.enqueue_dma source(%dma_start3A_418 : memref<128x128xf32, #tpu.memory_space<vmem>>) target(%dma_start3A_414 : memref<128x128xf32, #tpu.memory_space<hbm>>) target_semaphore(%arg11 : memref<!tpu.dma_semaphore, #tpu.memory_space<semaphore_mem>>)
      %sub3A_419 = arith.constant 1 : i32
      %sub3A_420 = arith.subi %add3A_386, %sub3A_419 : i32
      %mul3A_421 = arith.constant 200 : i32
      %mul3A_422 = arith.muli %sub3A_420, %mul3A_421 : i32
      %add3A_423 = arith.addi %multiple_of3A, %mul3A_422 : i32
      %add3A_424 = arith.constant 0 : i32
      %add3A_425 = arith.addi %add3A_423, %add3A_424 : i32
      %multiple_of3A_426 = tpu.assume_multiple %add3A_425, 8 : i32
      %dma_wait3A_427 = arith.constant 2 : i32
      %dma_wait3A_428 = arith.constant 0 : i32
      %dma_wait3A_429 = arith.constant 0 : i32
      %dma_wait3A_430 = tpu.memref_slice %arg6[%dma_wait3A_427, %dma_wait3A_428, %dma_wait3A_429] : memref<4x128x128xf32, #tpu.memory_space<vmem>> -> memref<1x128x128xf32, #tpu.memory_space<vmem>>
      %dma_wait3A_431 = tpu.memref_squeeze %dma_wait3A_430 : memref<1x128x128xf32, #tpu.memory_space<vmem>> -> memref<128x128xf32, #tpu.memory_space<vmem>>
      %dma_wait3A_432 = arith.constant 0 : i32
      %dma_wait3A_433 = tpu.memref_slice %arg4[%multiple_of3A_426, %dma_wait3A_432] : memref<204800x128xf32, #tpu.memory_space<hbm>> -> memref<128x128xf32, #tpu.memory_space<hbm>>
      %dma_wait3A_434 = arith.constant 0 : i32
      %dma_wait3A_435 = tpu.memref_slice %arg4[%multiple_of3A_426, %dma_wait3A_434] : memref<204800x128xf32, #tpu.memory_space<hbm>> -> memref<128x128xf32, #tpu.memory_space<hbm>>
      %dma_wait3A_436 = arith.constant 0 : i32
      %dma_wait3A_437 = arith.constant 0 : i32
      %dma_wait3A_438 = tpu.memref_slice %arg6[%dma_wait3A_427, %dma_wait3A_436, %dma_wait3A_437] : memref<4x128x128xf32, #tpu.memory_space<vmem>> -> memref<1x128x128xf32, #tpu.memory_space<vmem>>
      %dma_wait3A_439 = tpu.memref_squeeze %dma_wait3A_438 : memref<1x128x128xf32, #tpu.memory_space<vmem>> -> memref<128x128xf32, #tpu.memory_space<vmem>>
      tpu.wait_dma2 semaphore(%arg13 : memref<!tpu.dma_semaphore, #tpu.memory_space<semaphore_mem>>) src(%dma_wait3A_439 : memref<128x128xf32, #tpu.memory_space<vmem>>) dst(%dma_wait3A_435 : memref<128x128xf32, #tpu.memory_space<hbm>>)
      %add3A_440 = arith.constant 1 : i32
      %add3A_441 = arith.addi %add3A_386, %add3A_440 : i32
      %mul3A_442 = arith.constant 200 : i32
      %mul3A_443 = arith.muli %add3A_441, %mul3A_442 : i32
      %add3A_444 = arith.constant 0 : i32
      %add3A_445 = arith.addi %mul3A_443, %add3A_444 : i32
      %dma_start3A_446 = arith.constant 2 : i32
      %dma_start3A_447 = arith.constant 0 : i32
      %dma_start3A_448 = arith.constant 0 : i32
      %dma_start3A_449 = tpu.memref_slice %arg6[%dma_start3A_446, %dma_start3A_447, %dma_start3A_448] : memref<4x128x128xf32, #tpu.memory_space<vmem>> -> memref<1x128x128xf32, #tpu.memory_space<vmem>>
      %dma_start3A_450 = tpu.memref_squeeze %dma_start3A_449 : memref<1x128x128xf32, #tpu.memory_space<vmem>> -> memref<128x128xf32, #tpu.memory_space<vmem>>
      %dma_start3A_451 = tpu.memref_slice %arg5[%add3A_445] : memref<6400xi32, #tpu.memory_space<vmem>> -> memref<128xi32, #tpu.memory_space<vmem>>
      %dma_start3A_452 = arith.constant 0 : i32
      %dma_start3A_453 = arith.constant 0 : i32
      %dma_start3A_454 = tpu.memref_slice %arg2[%dma_start3A_452, %dma_start3A_453] : memref<100000x128xf32, #tpu.memory_space<hbm>> -> memref<100000x128xf32, #tpu.memory_space<hbm>>
      tpu.enqueue_indirect_dma source(%dma_start3A_454 : memref<100000x128xf32, #tpu.memory_space<hbm>>) target(%dma_start3A_450 : memref<128x128xf32, #tpu.memory_space<vmem>>) offsets(%dma_start3A_451 : memref<128xi32, #tpu.memory_space<vmem>>) semaphore(%arg9 : memref<!tpu.dma_semaphore, #tpu.memory_space<semaphore_mem>>)
      %mul3A_455 = arith.constant 2 : i32
      %mul3A_456 = arith.muli %mul3A_455, %add3A_233 : i32
      %add3A_457 = arith.constant 1 : i32
      %add3A_458 = arith.addi %add3A_457, %mul3A_456 : i32
      %add3A_459 = arith.constant 1 : i32
      %add3A_460 = arith.addi %add3A_458, %add3A_459 : i32
      %mul3A_461 = arith.constant 200 : i32
      %mul3A_462 = arith.muli %add3A_460, %mul3A_461 : i32
      %add3A_463 = arith.constant 128 : i32
      %add3A_464 = arith.addi %mul3A_462, %add3A_463 : i32
      %dma_wait3A_465 = arith.constant 1 : i32
      %dma_wait3A_466 = arith.constant 0 : i32
      %dma_wait3A_467 = arith.constant 0 : i32
      %dma_wait3A_468 = tpu.memref_slice %arg6[%dma_wait3A_465, %dma_wait3A_466, %dma_wait3A_467] : memref<4x128x128xf32, #tpu.memory_space<vmem>> -> memref<1x72x128xf32, #tpu.memory_space<vmem>>
      %dma_wait3A_469 = tpu.memref_squeeze %dma_wait3A_468 : memref<1x72x128xf32, #tpu.memory_space<vmem>> -> memref<72x128xf32, #tpu.memory_space<vmem>>
      %dma_wait3A_470 = tpu.memref_slice %arg5[%add3A_464] : memref<6400xi32, #tpu.memory_space<vmem>> -> memref<72xi32, #tpu.memory_space<vmem>>
      %dma_wait3A_471 = arith.constant 0 : i32
      %dma_wait3A_472 = arith.constant 0 : i32
      %dma_wait3A_473 = tpu.memref_slice %arg2[%dma_wait3A_471, %dma_wait3A_472] : memref<100000x128xf32, #tpu.memory_space<hbm>> -> memref<100000x128xf32, #tpu.memory_space<hbm>>
      tpu.wait_indirect_dma semaphore(%arg8 : memref<!tpu.dma_semaphore, #tpu.memory_space<semaphore_mem>>) src(%dma_wait3A_473 : memref<100000x128xf32, #tpu.memory_space<hbm>>) dst(%dma_wait3A_469 : memref<72x128xf32, #tpu.memory_space<vmem>>)
      %mul3A_474 = arith.constant 200 : i32
      %mul3A_475 = arith.muli %add3A_460, %mul3A_474 : i32
      %add3A_476 = arith.addi %multiple_of3A, %mul3A_475 : i32
      %add3A_477 = arith.constant 128 : i32
      %add3A_478 = arith.addi %add3A_476, %add3A_477 : i32
      %multiple_of3A_479 = tpu.assume_multiple %add3A_478, 8 : i32
      %dma_start3A_480 = arith.constant 1 : i32
      %dma_start3A_481 = arith.constant 0 : i32
      %dma_start3A_482 = arith.constant 0 : i32
      %dma_start3A_483 = tpu.memref_slice %arg6[%dma_start3A_480, %dma_start3A_481, %dma_start3A_482] : memref<4x128x128xf32, #tpu.memory_space<vmem>> -> memref<1x72x128xf32, #tpu.memory_space<vmem>>
      %dma_start3A_484 = tpu.memref_squeeze %dma_start3A_483 : memref<1x72x128xf32, #tpu.memory_space<vmem>> -> memref<72x128xf32, #tpu.memory_space<vmem>>
      %dma_start3A_485 = arith.constant 0 : i32
      %dma_start3A_486 = tpu.memref_slice %arg4[%multiple_of3A_479, %dma_start3A_485] : memref<204800x128xf32, #tpu.memory_space<hbm>> -> memref<72x128xf32, #tpu.memory_space<hbm>>
      %dma_start3A_487 = arith.constant 0 : i32
      %dma_start3A_488 = tpu.memref_slice %arg4[%multiple_of3A_479, %dma_start3A_487] : memref<204800x128xf32, #tpu.memory_space<hbm>> -> memref<72x128xf32, #tpu.memory_space<hbm>>
      %dma_start3A_489 = arith.constant 0 : i32
      %dma_start3A_490 = arith.constant 0 : i32
      %dma_start3A_491 = tpu.memref_slice %arg6[%dma_start3A_480, %dma_start3A_489, %dma_start3A_490] : memref<4x128x128xf32, #tpu.memory_space<vmem>> -> memref<1x72x128xf32, #tpu.memory_space<vmem>>
      %dma_start3A_492 = tpu.memref_squeeze %dma_start3A_491 : memref<1x72x128xf32, #tpu.memory_space<vmem>> -> memref<72x128xf32, #tpu.memory_space<vmem>>
      tpu.enqueue_dma source(%dma_start3A_492 : memref<72x128xf32, #tpu.memory_space<vmem>>) target(%dma_start3A_488 : memref<72x128xf32, #tpu.memory_space<hbm>>) target_semaphore(%arg12 : memref<!tpu.dma_semaphore, #tpu.memory_space<semaphore_mem>>)
      %sub3A_493 = arith.constant 1 : i32
      %sub3A_494 = arith.subi %add3A_460, %sub3A_493 : i32
      %mul3A_495 = arith.constant 200 : i32
      %mul3A_496 = arith.muli %sub3A_494, %mul3A_495 : i32
      %add3A_497 = arith.addi %multiple_of3A, %mul3A_496 : i32
      %add3A_498 = arith.constant 128 : i32
      %add3A_499 = arith.addi %add3A_497, %add3A_498 : i32
      %multiple_of3A_500 = tpu.assume_multiple %add3A_499, 8 : i32
      %dma_wait3A_501 = arith.constant 3 : i32
      %dma_wait3A_502 = arith.constant 0 : i32
      %dma_wait3A_503 = arith.constant 0 : i32
      %dma_wait3A_504 = tpu.memref_slice %arg6[%dma_wait3A_501, %dma_wait3A_502, %dma_wait3A_503] : memref<4x128x128xf32, #tpu.memory_space<vmem>> -> memref<1x72x128xf32, #tpu.memory_space<vmem>>
      %dma_wait3A_505 = tpu.memref_squeeze %dma_wait3A_504 : memref<1x72x128xf32, #tpu.memory_space<vmem>> -> memref<72x128xf32, #tpu.memory_space<vmem>>
      %dma_wait3A_506 = arith.constant 0 : i32
      %dma_wait3A_507 = tpu.memref_slice %arg4[%multiple_of3A_500, %dma_wait3A_506] : memref<204800x128xf32, #tpu.memory_space<hbm>> -> memref<72x128xf32, #tpu.memory_space<hbm>>
      %dma_wait3A_508 = arith.constant 0 : i32
      %dma_wait3A_509 = tpu.memref_slice %arg4[%multiple_of3A_500, %dma_wait3A_508] : memref<204800x128xf32, #tpu.memory_space<hbm>> -> memref<72x128xf32, #tpu.memory_space<hbm>>
      %dma_wait3A_510 = arith.constant 0 : i32
      %dma_wait3A_511 = arith.constant 0 : i32
      %dma_wait3A_512 = tpu.memref_slice %arg6[%dma_wait3A_501, %dma_wait3A_510, %dma_wait3A_511] : memref<4x128x128xf32, #tpu.memory_space<vmem>> -> memref<1x72x128xf32, #tpu.memory_space<vmem>>
      %dma_wait3A_513 = tpu.memref_squeeze %dma_wait3A_512 : memref<1x72x128xf32, #tpu.memory_space<vmem>> -> memref<72x128xf32, #tpu.memory_space<vmem>>
      tpu.wait_dma2 semaphore(%arg14 : memref<!tpu.dma_semaphore, #tpu.memory_space<semaphore_mem>>) src(%dma_wait3A_513 : memref<72x128xf32, #tpu.memory_space<vmem>>) dst(%dma_wait3A_509 : memref<72x128xf32, #tpu.memory_space<hbm>>)
      %add3A_514 = arith.constant 1 : i32
      %add3A_515 = arith.addi %add3A_460, %add3A_514 : i32
      %mul3A_516 = arith.constant 200 : i32
      %mul3A_517 = arith.muli %add3A_515, %mul3A_516 : i32
      %add3A_518 = arith.constant 128 : i32
      %add3A_519 = arith.addi %mul3A_517, %add3A_518 : i32
      %dma_start3A_520 = arith.constant 3 : i32
      %dma_start3A_521 = arith.constant 0 : i32
      %dma_start3A_522 = arith.constant 0 : i32
      %dma_start3A_523 = tpu.memref_slice %arg6[%dma_start3A_520, %dma_start3A_521, %dma_start3A_522] : memref<4x128x128xf32, #tpu.memory_space<vmem>> -> memref<1x72x128xf32, #tpu.memory_space<vmem>>
      %dma_start3A_524 = tpu.memref_squeeze %dma_start3A_523 : memref<1x72x128xf32, #tpu.memory_space<vmem>> -> memref<72x128xf32, #tpu.memory_space<vmem>>
      %dma_start3A_525 = tpu.memref_slice %arg5[%add3A_519] : memref<6400xi32, #tpu.memory_space<vmem>> -> memref<72xi32, #tpu.memory_space<vmem>>
      %dma_start3A_526 = arith.constant 0 : i32
      %dma_start3A_527 = arith.constant 0 : i32
      %dma_start3A_528 = tpu.memref_slice %arg2[%dma_start3A_526, %dma_start3A_527] : memref<100000x128xf32, #tpu.memory_space<hbm>> -> memref<100000x128xf32, #tpu.memory_space<hbm>>
      tpu.enqueue_indirect_dma source(%dma_start3A_528 : memref<100000x128xf32, #tpu.memory_space<hbm>>) target(%dma_start3A_524 : memref<72x128xf32, #tpu.memory_space<vmem>>) offsets(%dma_start3A_525 : memref<72xi32, #tpu.memory_space<vmem>>) semaphore(%arg10 : memref<!tpu.dma_semaphore, #tpu.memory_space<semaphore_mem>>)
    }
    %scan3A_100 = arith.constant 15 : i32
    %dma_wait3A_101 = arith.constant 2 : i32
    %dma_wait3A_102 = arith.constant 0 : i32
    %dma_wait3A_103 = arith.constant 0 : i32
    %dma_wait3A_104 = tpu.memref_slice %arg6[%dma_wait3A_101, %dma_wait3A_102, %dma_wait3A_103] : memref<4x128x128xf32, #tpu.memory_space<vmem>> -> memref<1x128x128xf32, #tpu.memory_space<vmem>>
    %dma_wait3A_105 = tpu.memref_squeeze %dma_wait3A_104 : memref<1x128x128xf32, #tpu.memory_space<vmem>> -> memref<128x128xf32, #tpu.memory_space<vmem>>
    %dma_wait3A_106 = arith.constant 6200 : i32
    %dma_wait3A_107 = tpu.memref_slice %arg5[%dma_wait3A_106] : memref<6400xi32, #tpu.memory_space<vmem>> -> memref<128xi32, #tpu.memory_space<vmem>>
    %dma_wait3A_108 = arith.constant 0 : i32
    %dma_wait3A_109 = arith.constant 0 : i32
    %dma_wait3A_110 = tpu.memref_slice %arg2[%dma_wait3A_108, %dma_wait3A_109] : memref<100000x128xf32, #tpu.memory_space<hbm>> -> memref<100000x128xf32, #tpu.memory_space<hbm>>
    tpu.wait_indirect_dma semaphore(%arg9 : memref<!tpu.dma_semaphore, #tpu.memory_space<semaphore_mem>>) src(%dma_wait3A_110 : memref<100000x128xf32, #tpu.memory_space<hbm>>) dst(%dma_wait3A_105 : memref<128x128xf32, #tpu.memory_space<vmem>>)
    %add3A_111 = arith.constant 6200 : i32
    %add3A_112 = arith.addi %multiple_of3A, %add3A_111 : i32
    %add3A_113 = arith.constant 0 : i32
    %add3A_114 = arith.addi %add3A_112, %add3A_113 : i32
    %multiple_of3A_115 = tpu.assume_multiple %add3A_114, 8 : i32
    %dma_start3A_116 = arith.constant 2 : i32
    %dma_start3A_117 = arith.constant 0 : i32
    %dma_start3A_118 = arith.constant 0 : i32
    %dma_start3A_119 = tpu.memref_slice %arg6[%dma_start3A_116, %dma_start3A_117, %dma_start3A_118] : memref<4x128x128xf32, #tpu.memory_space<vmem>> -> memref<1x128x128xf32, #tpu.memory_space<vmem>>
    %dma_start3A_120 = tpu.memref_squeeze %dma_start3A_119 : memref<1x128x128xf32, #tpu.memory_space<vmem>> -> memref<128x128xf32, #tpu.memory_space<vmem>>
    %dma_start3A_121 = arith.constant 0 : i32
    %dma_start3A_122 = tpu.memref_slice %arg4[%multiple_of3A_115, %dma_start3A_121] : memref<204800x128xf32, #tpu.memory_space<hbm>> -> memref<128x128xf32, #tpu.memory_space<hbm>>
    %dma_start3A_123 = arith.constant 0 : i32
    %dma_start3A_124 = tpu.memref_slice %arg4[%multiple_of3A_115, %dma_start3A_123] : memref<204800x128xf32, #tpu.memory_space<hbm>> -> memref<128x128xf32, #tpu.memory_space<hbm>>
    %dma_start3A_125 = arith.constant 0 : i32
    %dma_start3A_126 = arith.constant 0 : i32
    %dma_start3A_127 = tpu.memref_slice %arg6[%dma_start3A_116, %dma_start3A_125, %dma_start3A_126] : memref<4x128x128xf32, #tpu.memory_space<vmem>> -> memref<1x128x128xf32, #tpu.memory_space<vmem>>
    %dma_start3A_128 = tpu.memref_squeeze %dma_start3A_127 : memref<1x128x128xf32, #tpu.memory_space<vmem>> -> memref<128x128xf32, #tpu.memory_space<vmem>>
    tpu.enqueue_dma source(%dma_start3A_128 : memref<128x128xf32, #tpu.memory_space<vmem>>) target(%dma_start3A_124 : memref<128x128xf32, #tpu.memory_space<hbm>>) target_semaphore(%arg13 : memref<!tpu.dma_semaphore, #tpu.memory_space<semaphore_mem>>)
    %add3A_129 = arith.constant 6000 : i32
    %add3A_130 = arith.addi %multiple_of3A, %add3A_129 : i32
    %add3A_131 = arith.constant 0 : i32
    %add3A_132 = arith.addi %add3A_130, %add3A_131 : i32
    %multiple_of3A_133 = tpu.assume_multiple %add3A_132, 8 : i32
    %dma_wait3A_134 = arith.constant 0 : i32
    %dma_wait3A_135 = arith.constant 0 : i32
    %dma_wait3A_136 = arith.constant 0 : i32
    %dma_wait3A_137 = tpu.memref_slice %arg6[%dma_wait3A_134, %dma_wait3A_135, %dma_wait3A_136] : memref<4x128x128xf32, #tpu.memory_space<vmem>> -> memref<1x128x128xf32, #tpu.memory_space<vmem>>
    %dma_wait3A_138 = tpu.memref_squeeze %dma_wait3A_137 : memref<1x128x128xf32, #tpu.memory_space<vmem>> -> memref<128x128xf32, #tpu.memory_space<vmem>>
    %dma_wait3A_139 = arith.constant 0 : i32
    %dma_wait3A_140 = tpu.memref_slice %arg4[%multiple_of3A_133, %dma_wait3A_139] : memref<204800x128xf32, #tpu.memory_space<hbm>> -> memref<128x128xf32, #tpu.memory_space<hbm>>
    %dma_wait3A_141 = arith.constant 0 : i32
    %dma_wait3A_142 = tpu.memref_slice %arg4[%multiple_of3A_133, %dma_wait3A_141] : memref<204800x128xf32, #tpu.memory_space<hbm>> -> memref<128x128xf32, #tpu.memory_space<hbm>>
    %dma_wait3A_143 = arith.constant 0 : i32
    %dma_wait3A_144 = arith.constant 0 : i32
    %dma_wait3A_145 = tpu.memref_slice %arg6[%dma_wait3A_134, %dma_wait3A_143, %dma_wait3A_144] : memref<4x128x128xf32, #tpu.memory_space<vmem>> -> memref<1x128x128xf32, #tpu.memory_space<vmem>>
    %dma_wait3A_146 = tpu.memref_squeeze %dma_wait3A_145 : memref<1x128x128xf32, #tpu.memory_space<vmem>> -> memref<128x128xf32, #tpu.memory_space<vmem>>
    tpu.wait_dma2 semaphore(%arg11 : memref<!tpu.dma_semaphore, #tpu.memory_space<semaphore_mem>>) src(%dma_wait3A_146 : memref<128x128xf32, #tpu.memory_space<vmem>>) dst(%dma_wait3A_142 : memref<128x128xf32, #tpu.memory_space<hbm>>)
    %dma_wait3A_147 = arith.constant 3 : i32
    %dma_wait3A_148 = arith.constant 0 : i32
    %dma_wait3A_149 = arith.constant 0 : i32
    %dma_wait3A_150 = tpu.memref_slice %arg6[%dma_wait3A_147, %dma_wait3A_148, %dma_wait3A_149] : memref<4x128x128xf32, #tpu.memory_space<vmem>> -> memref<1x72x128xf32, #tpu.memory_space<vmem>>
    %dma_wait3A_151 = tpu.memref_squeeze %dma_wait3A_150 : memref<1x72x128xf32, #tpu.memory_space<vmem>> -> memref<72x128xf32, #tpu.memory_space<vmem>>
    %dma_wait3A_152 = arith.constant 6328 : i32
    %dma_wait3A_153 = tpu.memref_slice %arg5[%dma_wait3A_152] : memref<6400xi32, #tpu.memory_space<vmem>> -> memref<72xi32, #tpu.memory_space<vmem>>
    %dma_wait3A_154 = arith.constant 0 : i32
    %dma_wait3A_155 = arith.constant 0 : i32
    %dma_wait3A_156 = tpu.memref_slice %arg2[%dma_wait3A_154, %dma_wait3A_155] : memref<100000x128xf32, #tpu.memory_space<hbm>> -> memref<100000x128xf32, #tpu.memory_space<hbm>>
    tpu.wait_indirect_dma semaphore(%arg10 : memref<!tpu.dma_semaphore, #tpu.memory_space<semaphore_mem>>) src(%dma_wait3A_156 : memref<100000x128xf32, #tpu.memory_space<hbm>>) dst(%dma_wait3A_151 : memref<72x128xf32, #tpu.memory_space<vmem>>)
    %add3A_157 = arith.constant 6200 : i32
    %add3A_158 = arith.addi %multiple_of3A, %add3A_157 : i32
    %add3A_159 = arith.constant 128 : i32
    %add3A_160 = arith.addi %add3A_158, %add3A_159 : i32
    %multiple_of3A_161 = tpu.assume_multiple %add3A_160, 8 : i32
    %dma_start3A_162 = arith.constant 3 : i32
    %dma_start3A_163 = arith.constant 0 : i32
    %dma_start3A_164 = arith.constant 0 : i32
    %dma_start3A_165 = tpu.memref_slice %arg6[%dma_start3A_162, %dma_start3A_163, %dma_start3A_164] : memref<4x128x128xf32, #tpu.memory_space<vmem>> -> memref<1x72x128xf32, #tpu.memory_space<vmem>>
    %dma_start3A_166 = tpu.memref_squeeze %dma_start3A_165 : memref<1x72x128xf32, #tpu.memory_space<vmem>> -> memref<72x128xf32, #tpu.memory_space<vmem>>
    %dma_start3A_167 = arith.constant 0 : i32
    %dma_start3A_168 = tpu.memref_slice %arg4[%multiple_of3A_161, %dma_start3A_167] : memref<204800x128xf32, #tpu.memory_space<hbm>> -> memref<72x128xf32, #tpu.memory_space<hbm>>
    %dma_start3A_169 = arith.constant 0 : i32
    %dma_start3A_170 = tpu.memref_slice %arg4[%multiple_of3A_161, %dma_start3A_169] : memref<204800x128xf32, #tpu.memory_space<hbm>> -> memref<72x128xf32, #tpu.memory_space<hbm>>
    %dma_start3A_171 = arith.constant 0 : i32
    %dma_start3A_172 = arith.constant 0 : i32
    %dma_start3A_173 = tpu.memref_slice %arg6[%dma_start3A_162, %dma_start3A_171, %dma_start3A_172] : memref<4x128x128xf32, #tpu.memory_space<vmem>> -> memref<1x72x128xf32, #tpu.memory_space<vmem>>
    %dma_start3A_174 = tpu.memref_squeeze %dma_start3A_173 : memref<1x72x128xf32, #tpu.memory_space<vmem>> -> memref<72x128xf32, #tpu.memory_space<vmem>>
    tpu.enqueue_dma source(%dma_start3A_174 : memref<72x128xf32, #tpu.memory_space<vmem>>) target(%dma_start3A_170 : memref<72x128xf32, #tpu.memory_space<hbm>>) target_semaphore(%arg14 : memref<!tpu.dma_semaphore, #tpu.memory_space<semaphore_mem>>)
    %add3A_175 = arith.constant 6000 : i32
    %add3A_176 = arith.addi %multiple_of3A, %add3A_175 : i32
    %add3A_177 = arith.constant 128 : i32
    %add3A_178 = arith.addi %add3A_176, %add3A_177 : i32
    %multiple_of3A_179 = tpu.assume_multiple %add3A_178, 8 : i32
    %dma_wait3A_180 = arith.constant 1 : i32
    %dma_wait3A_181 = arith.constant 0 : i32
    %dma_wait3A_182 = arith.constant 0 : i32
    %dma_wait3A_183 = tpu.memref_slice %arg6[%dma_wait3A_180, %dma_wait3A_181, %dma_wait3A_182] : memref<4x128x128xf32, #tpu.memory_space<vmem>> -> memref<1x72x128xf32, #tpu.memory_space<vmem>>
    %dma_wait3A_184 = tpu.memref_squeeze %dma_wait3A_183 : memref<1x72x128xf32, #tpu.memory_space<vmem>> -> memref<72x128xf32, #tpu.memory_space<vmem>>
    %dma_wait3A_185 = arith.constant 0 : i32
    %dma_wait3A_186 = tpu.memref_slice %arg4[%multiple_of3A_179, %dma_wait3A_185] : memref<204800x128xf32, #tpu.memory_space<hbm>> -> memref<72x128xf32, #tpu.memory_space<hbm>>
    %dma_wait3A_187 = arith.constant 0 : i32
    %dma_wait3A_188 = tpu.memref_slice %arg4[%multiple_of3A_179, %dma_wait3A_187] : memref<204800x128xf32, #tpu.memory_space<hbm>> -> memref<72x128xf32, #tpu.memory_space<hbm>>
    %dma_wait3A_189 = arith.constant 0 : i32
    %dma_wait3A_190 = arith.constant 0 : i32
    %dma_wait3A_191 = tpu.memref_slice %arg6[%dma_wait3A_180, %dma_wait3A_189, %dma_wait3A_190] : memref<4x128x128xf32, #tpu.memory_space<vmem>> -> memref<1x72x128xf32, #tpu.memory_space<vmem>>
    %dma_wait3A_192 = tpu.memref_squeeze %dma_wait3A_191 : memref<1x72x128xf32, #tpu.memory_space<vmem>> -> memref<72x128xf32, #tpu.memory_space<vmem>>
    tpu.wait_dma2 semaphore(%arg12 : memref<!tpu.dma_semaphore, #tpu.memory_space<semaphore_mem>>) src(%dma_wait3A_192 : memref<72x128xf32, #tpu.memory_space<vmem>>) dst(%dma_wait3A_188 : memref<72x128xf32, #tpu.memory_space<hbm>>)
    %add3A_193 = arith.constant 6200 : i32
    %add3A_194 = arith.addi %multiple_of3A, %add3A_193 : i32
    %add3A_195 = arith.constant 0 : i32
    %add3A_196 = arith.addi %add3A_194, %add3A_195 : i32
    %multiple_of3A_197 = tpu.assume_multiple %add3A_196, 8 : i32
    %dma_wait3A_198 = arith.constant 2 : i32
    %dma_wait3A_199 = arith.constant 0 : i32
    %dma_wait3A_200 = arith.constant 0 : i32
    %dma_wait3A_201 = tpu.memref_slice %arg6[%dma_wait3A_198, %dma_wait3A_199, %dma_wait3A_200] : memref<4x128x128xf32, #tpu.memory_space<vmem>> -> memref<1x128x128xf32, #tpu.memory_space<vmem>>
    %dma_wait3A_202 = tpu.memref_squeeze %dma_wait3A_201 : memref<1x128x128xf32, #tpu.memory_space<vmem>> -> memref<128x128xf32, #tpu.memory_space<vmem>>
    %dma_wait3A_203 = arith.constant 0 : i32
    %dma_wait3A_204 = tpu.memref_slice %arg4[%multiple_of3A_197, %dma_wait3A_203] : memref<204800x128xf32, #tpu.memory_space<hbm>> -> memref<128x128xf32, #tpu.memory_space<hbm>>
    %dma_wait3A_205 = arith.constant 0 : i32
    %dma_wait3A_206 = tpu.memref_slice %arg4[%multiple_of3A_197, %dma_wait3A_205] : memref<204800x128xf32, #tpu.memory_space<hbm>> -> memref<128x128xf32, #tpu.memory_space<hbm>>
    %dma_wait3A_207 = arith.constant 0 : i32
    %dma_wait3A_208 = arith.constant 0 : i32
    %dma_wait3A_209 = tpu.memref_slice %arg6[%dma_wait3A_198, %dma_wait3A_207, %dma_wait3A_208] : memref<4x128x128xf32, #tpu.memory_space<vmem>> -> memref<1x128x128xf32, #tpu.memory_space<vmem>>
    %dma_wait3A_210 = tpu.memref_squeeze %dma_wait3A_209 : memref<1x128x128xf32, #tpu.memory_space<vmem>> -> memref<128x128xf32, #tpu.memory_space<vmem>>
    tpu.wait_dma2 semaphore(%arg13 : memref<!tpu.dma_semaphore, #tpu.memory_space<semaphore_mem>>) src(%dma_wait3A_210 : memref<128x128xf32, #tpu.memory_space<vmem>>) dst(%dma_wait3A_206 : memref<128x128xf32, #tpu.memory_space<hbm>>)
    %add3A_211 = arith.constant 6200 : i32
    %add3A_212 = arith.addi %multiple_of3A, %add3A_211 : i32
    %add3A_213 = arith.constant 128 : i32
    %add3A_214 = arith.addi %add3A_212, %add3A_213 : i32
    %multiple_of3A_215 = tpu.assume_multiple %add3A_214, 8 : i32
    %dma_wait3A_216 = arith.constant 3 : i32
    %dma_wait3A_217 = arith.constant 0 : i32
    %dma_wait3A_218 = arith.constant 0 : i32
    %dma_wait3A_219 = tpu.memref_slice %arg6[%dma_wait3A_216, %dma_wait3A_217, %dma_wait3A_218] : memref<4x128x128xf32, #tpu.memory_space<vmem>> -> memref<1x72x128xf32, #tpu.memory_space<vmem>>
    %dma_wait3A_220 = tpu.memref_squeeze %dma_wait3A_219 : memref<1x72x128xf32, #tpu.memory_space<vmem>> -> memref<72x128xf32, #tpu.memory_space<vmem>>
    %dma_wait3A_221 = arith.constant 0 : i32
    %dma_wait3A_222 = tpu.memref_slice %arg4[%multiple_of3A_215, %dma_wait3A_221] : memref<204800x128xf32, #tpu.memory_space<hbm>> -> memref<72x128xf32, #tpu.memory_space<hbm>>
    %dma_wait3A_223 = arith.constant 0 : i32
    %dma_wait3A_224 = tpu.memref_slice %arg4[%multiple_of3A_215, %dma_wait3A_223] : memref<204800x128xf32, #tpu.memory_space<hbm>> -> memref<72x128xf32, #tpu.memory_space<hbm>>
    %dma_wait3A_225 = arith.constant 0 : i32
    %dma_wait3A_226 = arith.constant 0 : i32
    %dma_wait3A_227 = tpu.memref_slice %arg6[%dma_wait3A_216, %dma_wait3A_225, %dma_wait3A_226] : memref<4x128x128xf32, #tpu.memory_space<vmem>> -> memref<1x72x128xf32, #tpu.memory_space<vmem>>
    %dma_wait3A_228 = tpu.memref_squeeze %dma_wait3A_227 : memref<1x72x128xf32, #tpu.memory_space<vmem>> -> memref<72x128xf32, #tpu.memory_space<vmem>>
    tpu.wait_dma2 semaphore(%arg14 : memref<!tpu.dma_semaphore, #tpu.memory_space<semaphore_mem>>) src(%dma_wait3A_228 : memref<72x128xf32, #tpu.memory_space<vmem>>) dst(%dma_wait3A_224 : memref<72x128xf32, #tpu.memory_space<hbm>>)
    return
  }
}

#map = affine_map<(d0, d1) -> (0, 0)>
#map1 = affine_map<(d0, d1) -> (0)>
module attributes {stable_mosaic.version = 14 : i64} {
  func.func @sc_kernel(%arg0: i32, %arg1: i32, %arg2: memref<100000x128xf32, #tpu.memory_space<hbm>>, %arg3: memref<204800xi32, #tpu.memory_space<hbm>>, %arg4: memref<204800x128xf32, #tpu.memory_space<hbm>>, %arg5: memref<6400xi32, #tpu.memory_space<vmem>>, %arg6: memref<4x128x128xf32, #tpu.memory_space<vmem>>, %arg7: memref<!tpu.dma_semaphore, #tpu.memory_space<semaphore_mem>>, %arg8: memref<!tpu.dma_semaphore, #tpu.memory_space<semaphore_mem>>, %arg9: memref<!tpu.dma_semaphore, #tpu.memory_space<semaphore_mem>>, %arg10: memref<!tpu.dma_semaphore, #tpu.memory_space<semaphore_mem>>, %arg11: memref<!tpu.dma_semaphore, #tpu.memory_space<semaphore_mem>>, %arg12: memref<!tpu.dma_semaphore, #tpu.memory_space<semaphore_mem>>, %arg13: memref<!tpu.dma_semaphore, #tpu.memory_space<semaphore_mem>>, %arg14: memref<!tpu.dma_semaphore, #tpu.memory_space<semaphore_mem>>) attributes {dimension_semantics = [#tpu.dimension_semantics<core_parallel>, #tpu.dimension_semantics<subcore_parallel>], iteration_bounds = array<i64: 2, 16>, scalar_prefetch = 0 : i64, scratch_operands = 10 : i64, tpu.core_type = #tpu.core_type<sc_vector_subcore>, window_params = [{transform_indices = #map}, {transform_indices = #map1}, {transform_indices = #map}]} {
    %mul3A = arith.constant 2 : i32
    %mul3A_0 = arith.muli %arg1, %mul3A : i32
    %add3A = arith.addi %mul3A_0, %arg0 : i32
    %mul3A_1 = arith.constant 6400 : i32
    %mul3A_2 = arith.muli %add3A, %mul3A_1 : i32
    %multiple_of3A = tpu.assume_multiple %mul3A_2, 6400 : i32
    "tpu.region"() ({
      %run_scoped3A = tpu.sem_alloc : memref<!tpu.dma_semaphore, #tpu.memory_space<semaphore_mem>>
      %dma_start3A_229 = tpu.memref_slice %arg3[%multiple_of3A] : memref<204800xi32, #tpu.memory_space<hbm>> -> memref<6400xi32, #tpu.memory_space<hbm>>
      %dma_start3A_230 = tpu.memref_slice %arg3[%multiple_of3A] : memref<204800xi32, #tpu.memory_space<hbm>> -> memref<6400xi32, #tpu.memory_space<hbm>>
      tpu.enqueue_dma source(%dma_start3A_230 : memref<6400xi32, #tpu.memory_space<hbm>>) target(%arg5 : memref<6400xi32, #tpu.memory_space<vmem>>) target_semaphore(%run_scoped3A : memref<!tpu.dma_semaphore, #tpu.memory_space<semaphore_mem>>)
      %dma_wait3A_231 = tpu.memref_slice %arg3[%multiple_of3A] : memref<204800xi32, #tpu.memory_space<hbm>> -> memref<6400xi32, #tpu.memory_space<hbm>>
      %dma_wait3A_232 = tpu.memref_slice %arg3[%multiple_of3A] : memref<204800xi32, #tpu.memory_space<hbm>> -> memref<6400xi32, #tpu.memory_space<hbm>>
      tpu.wait_dma2 semaphore(%run_scoped3A : memref<!tpu.dma_semaphore, #tpu.memory_space<semaphore_mem>>) src(%dma_wait3A_232 : memref<6400xi32, #tpu.memory_space<hbm>>) dst(%arg5 : memref<6400xi32, #tpu.memory_space<vmem>>)
      tpu.yield
    }) : () -> ()
    %dma_start3A = arith.constant 0 : i32
    %dma_start3A_3 = arith.constant 0 : i32
    %dma_start3A_4 = arith.constant 0 : i32
    %dma_start3A_5 = tpu.memref_slice %arg6[%dma_start3A, %dma_start3A_3, %dma_start3A_4] : memref<4x128x128xf32, #tpu.memory_space<vmem>> -> memref<1x128x128xf32, #tpu.memory_space<vmem>>
    %dma_start3A_6 = tpu.memref_squeeze %dma_start3A_5 : memref<1x128x128xf32, #tpu.memory_space<vmem>> -> memref<128x128xf32, #tpu.memory_space<vmem>>
    %dma_start3A_7 = arith.constant 0 : i32
    %dma_start3A_8 = tpu.memref_slice %arg5[%dma_start3A_7] : memref<6400xi32, #tpu.memory_space<vmem>> -> memref<128xi32, #tpu.memory_space<vmem>>
    %dma_start3A_9 = arith.constant 0 : i32
    %dma_start3A_10 = arith.constant 0 : i32
    %dma_start3A_11 = tpu.memref_slice %arg2[%dma_start3A_9, %dma_start3A_10] : memref<100000x128xf32, #tpu.memory_space<hbm>> -> memref<100000x128xf32, #tpu.memory_space<hbm>>
    tpu.enqueue_indirect_dma source(%dma_start3A_11 : memref<100000x128xf32, #tpu.memory_space<hbm>>) target(%dma_start3A_6 : memref<128x128xf32, #tpu.memory_space<vmem>>) offsets(%dma_start3A_8 : memref<128xi32, #tpu.memory_space<vmem>>) semaphore(%arg7 : memref<!tpu.dma_semaphore, #tpu.memory_space<semaphore_mem>>)
    %dma_start3A_12 = arith.constant 1 : i32
    %dma_start3A_13 = arith.constant 0 : i32
    %dma_start3A_14 = arith.constant 0 : i32
    %dma_start3A_15 = tpu.memref_slice %arg6[%dma_start3A_12, %dma_start3A_13, %dma_start3A_14] : memref<4x128x128xf32, #tpu.memory_space<vmem>> -> memref<1x72x128xf32, #tpu.memory_space<vmem>>
    %dma_start3A_16 = tpu.memref_squeeze %dma_start3A_15 : memref<1x72x128xf32, #tpu.memory_space<vmem>> -> memref<72x128xf32, #tpu.memory_space<vmem>>
    %dma_start3A_17 = arith.constant 128 : i32
    %dma_start3A_18 = tpu.memref_slice %arg5[%dma_start3A_17] : memref<6400xi32, #tpu.memory_space<vmem>> -> memref<72xi32, #tpu.memory_space<vmem>>
    %dma_start3A_19 = arith.constant 0 : i32
    %dma_start3A_20 = arith.constant 0 : i32
    %dma_start3A_21 = tpu.memref_slice %arg2[%dma_start3A_19, %dma_start3A_20] : memref<100000x128xf32, #tpu.memory_space<hbm>> -> memref<100000x128xf32, #tpu.memory_space<hbm>>
    tpu.enqueue_indirect_dma source(%dma_start3A_21 : memref<100000x128xf32, #tpu.memory_space<hbm>>) target(%dma_start3A_16 : memref<72x128xf32, #tpu.memory_space<vmem>>) offsets(%dma_start3A_18 : memref<72xi32, #tpu.memory_space<vmem>>) semaphore(%arg8 : memref<!tpu.dma_semaphore, #tpu.memory_space<semaphore_mem>>)
    %dma_wait3A = arith.constant 0 : i32
    %dma_wait3A_22 = arith.constant 0 : i32
    %dma_wait3A_23 = arith.constant 0 : i32
    %dma_wait3A_24 = tpu.memref_slice %arg6[%dma_wait3A, %dma_wait3A_22, %dma_wait3A_23] : memref<4x128x128xf32, #tpu.memory_space<vmem>> -> memref<1x128x128xf32, #tpu.memory_space<vmem>>
    %dma_wait3A_25 = tpu.memref_squeeze %dma_wait3A_24 : memref<1x128x128xf32, #tpu.memory_space<vmem>> -> memref<128x128xf32, #tpu.memory_space<vmem>>
    %dma_wait3A_26 = arith.constant 0 : i32
    %dma_wait3A_27 = tpu.memref_slice %arg5[%dma_wait3A_26] : memref<6400xi32, #tpu.memory_space<vmem>> -> memref<128xi32, #tpu.memory_space<vmem>>
    %dma_wait3A_28 = arith.constant 0 : i32
    %dma_wait3A_29 = arith.constant 0 : i32
    %dma_wait3A_30 = tpu.memref_slice %arg2[%dma_wait3A_28, %dma_wait3A_29] : memref<100000x128xf32, #tpu.memory_space<hbm>> -> memref<100000x128xf32, #tpu.memory_space<hbm>>
    tpu.wait_indirect_dma semaphore(%arg7 : memref<!tpu.dma_semaphore, #tpu.memory_space<semaphore_mem>>) src(%dma_wait3A_30 : memref<100000x128xf32, #tpu.memory_space<hbm>>) dst(%dma_wait3A_25 : memref<128x128xf32, #tpu.memory_space<vmem>>)
    %add3A_31 = arith.constant 0 : i32
    %add3A_32 = arith.addi %multiple_of3A, %add3A_31 : i32
    %add3A_33 = arith.constant 0 : i32
    %add3A_34 = arith.addi %add3A_32, %add3A_33 : i32
    %multiple_of3A_35 = tpu.assume_multiple %add3A_34, 8 : i32
    %dma_start3A_36 = arith.constant 0 : i32
    %dma_start3A_37 = arith.constant 0 : i32
    %dma_start3A_38 = arith.constant 0 : i32
    %dma_start3A_39 = tpu.memref_slice %arg6[%dma_start3A_36, %dma_start3A_37, %dma_start3A_38] : memref<4x128x128xf32, #tpu.memory_space<vmem>> -> memref<1x128x128xf32, #tpu.memory_space<vmem>>
    %dma_start3A_40 = tpu.memref_squeeze %dma_start3A_39 : memref<1x128x128xf32, #tpu.memory_space<vmem>> -> memref<128x128xf32, #tpu.memory_space<vmem>>
    %dma_start3A_41 = arith.constant 0 : i32
    %dma_start3A_42 = tpu.memref_slice %arg4[%multiple_of3A_35, %dma_start3A_41] : memref<204800x128xf32, #tpu.memory_space<hbm>> -> memref<128x128xf32, #tpu.memory_space<hbm>>
    %dma_start3A_43 = arith.constant 0 : i32
    %dma_start3A_44 = tpu.memref_slice %arg4[%multiple_of3A_35, %dma_start3A_43] : memref<204800x128xf32, #tpu.memory_space<hbm>> -> memref<128x128xf32, #tpu.memory_space<hbm>>
    %dma_start3A_45 = arith.constant 0 : i32
    %dma_start3A_46 = arith.constant 0 : i32
    %dma_start3A_47 = tpu.memref_slice %arg6[%dma_start3A_36, %dma_start3A_45, %dma_start3A_46] : memref<4x128x128xf32, #tpu.memory_space<vmem>> -> memref<1x128x128xf32, #tpu.memory_space<vmem>>
    %dma_start3A_48 = tpu.memref_squeeze %dma_start3A_47 : memref<1x128x128xf32, #tpu.memory_space<vmem>> -> memref<128x128xf32, #tpu.memory_space<vmem>>
    tpu.enqueue_dma source(%dma_start3A_48 : memref<128x128xf32, #tpu.memory_space<vmem>>) target(%dma_start3A_44 : memref<128x128xf32, #tpu.memory_space<hbm>>) target_semaphore(%arg11 : memref<!tpu.dma_semaphore, #tpu.memory_space<semaphore_mem>>)
    %dma_start3A_49 = arith.constant 2 : i32
    %dma_start3A_50 = arith.constant 0 : i32
    %dma_start3A_51 = arith.constant 0 : i32
    %dma_start3A_52 = tpu.memref_slice %arg6[%dma_start3A_49, %dma_start3A_50, %dma_start3A_51] : memref<4x128x128xf32, #tpu.memory_space<vmem>> -> memref<1x128x128xf32, #tpu.memory_space<vmem>>
    %dma_start3A_53 = tpu.memref_squeeze %dma_start3A_52 : memref<1x128x128xf32, #tpu.memory_space<vmem>> -> memref<128x128xf32, #tpu.memory_space<vmem>>
    %dma_start3A_54 = arith.constant 200 : i32
    %dma_start3A_55 = tpu.memref_slice %arg5[%dma_start3A_54] : memref<6400xi32, #tpu.memory_space<vmem>> -> memref<128xi32, #tpu.memory_space<vmem>>
    %dma_start3A_56 = arith.constant 0 : i32
    %dma_start3A_57 = arith.constant 0 : i32
    %dma_start3A_58 = tpu.memref_slice %arg2[%dma_start3A_56, %dma_start3A_57] : memref<100000x128xf32, #tpu.memory_space<hbm>> -> memref<100000x128xf32, #tpu.memory_space<hbm>>
    tpu.enqueue_indirect_dma source(%dma_start3A_58 : memref<100000x128xf32, #tpu.memory_space<hbm>>) target(%dma_start3A_53 : memref<128x128xf32, #tpu.memory_space<vmem>>) offsets(%dma_start3A_55 : memref<128xi32, #tpu.memory_space<vmem>>) semaphore(%arg9 : memref<!tpu.dma_semaphore, #tpu.memory_space<semaphore_mem>>)
    %dma_wait3A_59 = arith.constant 1 : i32
    %dma_wait3A_60 = arith.constant 0 : i32
    %dma_wait3A_61 = arith.constant 0 : i32
    %dma_wait3A_62 = tpu.memref_slice %arg6[%dma_wait3A_59, %dma_wait3A_60, %dma_wait3A_61] : memref<4x128x128xf32, #tpu.memory_space<vmem>> -> memref<1x72x128xf32, #tpu.memory_space<vmem>>
    %dma_wait3A_63 = tpu.memref_squeeze %dma_wait3A_62 : memref<1x72x128xf32, #tpu.memory_space<vmem>> -> memref<72x128xf32, #tpu.memory_space<vmem>>
    %dma_wait3A_64 = arith.constant 128 : i32
    %dma_wait3A_65 = tpu.memref_slice %arg5[%dma_wait3A_64] : memref<6400xi32, #tpu.memory_space<vmem>> -> memref<72xi32, #tpu.memory_space<vmem>>
    %dma_wait3A_66 = arith.constant 0 : i32
    %dma_wait3A_67 = arith.constant 0 : i32
    %dma_wait3A_68 = tpu.memref_slice %arg2[%dma_wait3A_66, %dma_wait3A_67] : memref<100000x128xf32, #tpu.memory_space<hbm>> -> memref<100000x128xf32, #tpu.memory_space<hbm>>
    tpu.wait_indirect_dma semaphore(%arg8 : memref<!tpu.dma_semaphore, #tpu.memory_space<semaphore_mem>>) src(%dma_wait3A_68 : memref<100000x128xf32, #tpu.memory_space<hbm>>) dst(%dma_wait3A_63 : memref<72x128xf32, #tpu.memory_space<vmem>>)
    %add3A_69 = arith.constant 0 : i32
    %add3A_70 = arith.addi %multiple_of3A, %add3A_69 : i32
    %add3A_71 = arith.constant 128 : i32
    %add3A_72 = arith.addi %add3A_70, %add3A_71 : i32
    %multiple_of3A_73 = tpu.assume_multiple %add3A_72, 8 : i32
    %dma_start3A_74 = arith.constant 1 : i32
    %dma_start3A_75 = arith.constant 0 : i32
    %dma_start3A_76 = arith.constant 0 : i32
    %dma_start3A_77 = tpu.memref_slice %arg6[%dma_start3A_74, %dma_start3A_75, %dma_start3A_76] : memref<4x128x128xf32, #tpu.memory_space<vmem>> -> memref<1x72x128xf32, #tpu.memory_space<vmem>>
    %dma_start3A_78 = tpu.memref_squeeze %dma_start3A_77 : memref<1x72x128xf32, #tpu.memory_space<vmem>> -> memref<72x128xf32, #tpu.memory_space<vmem>>
    %dma_start3A_79 = arith.constant 0 : i32
    %dma_start3A_80 = tpu.memref_slice %arg4[%multiple_of3A_73, %dma_start3A_79] : memref<204800x128xf32, #tpu.memory_space<hbm>> -> memref<72x128xf32, #tpu.memory_space<hbm>>
    %dma_start3A_81 = arith.constant 0 : i32
    %dma_start3A_82 = tpu.memref_slice %arg4[%multiple_of3A_73, %dma_start3A_81] : memref<204800x128xf32, #tpu.memory_space<hbm>> -> memref<72x128xf32, #tpu.memory_space<hbm>>
    %dma_start3A_83 = arith.constant 0 : i32
    %dma_start3A_84 = arith.constant 0 : i32
    %dma_start3A_85 = tpu.memref_slice %arg6[%dma_start3A_74, %dma_start3A_83, %dma_start3A_84] : memref<4x128x128xf32, #tpu.memory_space<vmem>> -> memref<1x72x128xf32, #tpu.memory_space<vmem>>
    %dma_start3A_86 = tpu.memref_squeeze %dma_start3A_85 : memref<1x72x128xf32, #tpu.memory_space<vmem>> -> memref<72x128xf32, #tpu.memory_space<vmem>>
    tpu.enqueue_dma source(%dma_start3A_86 : memref<72x128xf32, #tpu.memory_space<vmem>>) target(%dma_start3A_82 : memref<72x128xf32, #tpu.memory_space<hbm>>) target_semaphore(%arg12 : memref<!tpu.dma_semaphore, #tpu.memory_space<semaphore_mem>>)
    %dma_start3A_87 = arith.constant 3 : i32
    %dma_start3A_88 = arith.constant 0 : i32
    %dma_start3A_89 = arith.constant 0 : i32
    %dma_start3A_90 = tpu.memref_slice %arg6[%dma_start3A_87, %dma_start3A_88, %dma_start3A_89] : memref<4x128x128xf32, #tpu.memory_space<vmem>> -> memref<1x72x128xf32, #tpu.memory_space<vmem>>
    %dma_start3A_91 = tpu.memref_squeeze %dma_start3A_90 : memref<1x72x128xf32, #tpu.memory_space<vmem>> -> memref<72x128xf32, #tpu.memory_space<vmem>>
    %dma_start3A_92 = arith.constant 328 : i32
    %dma_start3A_93 = tpu.memref_slice %arg5[%dma_start3A_92] : memref<6400xi32, #tpu.memory_space<vmem>> -> memref<72xi32, #tpu.memory_space<vmem>>
    %dma_start3A_94 = arith.constant 0 : i32
    %dma_start3A_95 = arith.constant 0 : i32
    %dma_start3A_96 = tpu.memref_slice %arg2[%dma_start3A_94, %dma_start3A_95] : memref<100000x128xf32, #tpu.memory_space<hbm>> -> memref<100000x128xf32, #tpu.memory_space<hbm>>
    tpu.enqueue_indirect_dma source(%dma_start3A_96 : memref<100000x128xf32, #tpu.memory_space<hbm>>) target(%dma_start3A_91 : memref<72x128xf32, #tpu.memory_space<vmem>>) offsets(%dma_start3A_93 : memref<72xi32, #tpu.memory_space<vmem>>) semaphore(%arg10 : memref<!tpu.dma_semaphore, #tpu.memory_space<semaphore_mem>>)
    %scan3A = arith.constant 0 : i32
    %scan3A_97 = arith.constant 15 : i32
    %scan3A_98 = arith.addi %scan3A, %scan3A_97 : i32
    %scan3A_99 = arith.constant 1 : i32
    scf.for %scan3A_229 = %scan3A to %scan3A_98 step %scan3A_99  : i32 {
      %mul3A_230 = arith.constant 1 : i32
      %mul3A_231 = arith.muli %scan3A_229, %mul3A_230 : i32
      %add3A_232 = arith.constant 0 : i32
      %add3A_233 = arith.addi %add3A_232, %mul3A_231 : i32
      %mul3A_234 = arith.constant 2 : i32
      %mul3A_235 = arith.muli %mul3A_234, %add3A_233 : i32
      %add3A_236 = arith.constant 1 : i32
      %add3A_237 = arith.addi %add3A_236, %mul3A_235 : i32
      %add3A_238 = arith.constant 0 : i32
      %add3A_239 = arith.addi %add3A_237, %add3A_238 : i32
      %mul3A_240 = arith.constant 200 : i32
      %mul3A_241 = arith.muli %add3A_239, %mul3A_240 : i32
      %add3A_242 = arith.constant 0 : i32
      %add3A_243 = arith.addi %mul3A_241, %add3A_242 : i32
      %dma_wait3A_244 = arith.constant 2 : i32
      %dma_wait3A_245 = arith.constant 0 : i32
      %dma_wait3A_246 = arith.constant 0 : i32
      %dma_wait3A_247 = tpu.memref_slice %arg6[%dma_wait3A_244, %dma_wait3A_245, %dma_wait3A_246] : memref<4x128x128xf32, #tpu.memory_space<vmem>> -> memref<1x128x128xf32, #tpu.memory_space<vmem>>
      %dma_wait3A_248 = tpu.memref_squeeze %dma_wait3A_247 : memref<1x128x128xf32, #tpu.memory_space<vmem>> -> memref<128x128xf32, #tpu.memory_space<vmem>>
      %dma_wait3A_249 = tpu.memref_slice %arg5[%add3A_243] : memref<6400xi32, #tpu.memory_space<vmem>> -> memref<128xi32, #tpu.memory_space<vmem>>
      %dma_wait3A_250 = arith.constant 0 : i32
      %dma_wait3A_251 = arith.constant 0 : i32
      %dma_wait3A_252 = tpu.memref_slice %arg2[%dma_wait3A_250, %dma_wait3A_251] : memref<100000x128xf32, #tpu.memory_space<hbm>> -> memref<100000x128xf32, #tpu.memory_space<hbm>>
      tpu.wait_indirect_dma semaphore(%arg9 : memref<!tpu.dma_semaphore, #tpu.memory_space<semaphore_mem>>) src(%dma_wait3A_252 : memref<100000x128xf32, #tpu.memory_space<hbm>>) dst(%dma_wait3A_248 : memref<128x128xf32, #tpu.memory_space<vmem>>)
      %mul3A_253 = arith.constant 200 : i32
      %mul3A_254 = arith.muli %add3A_239, %mul3A_253 : i32
      %add3A_255 = arith.addi %multiple_of3A, %mul3A_254 : i32
      %add3A_256 = arith.constant 0 : i32
      %add3A_257 = arith.addi %add3A_255, %add3A_256 : i32
      %multiple_of3A_258 = tpu.assume_multiple %add3A_257, 8 : i32
      %dma_start3A_259 = arith.constant 2 : i32
      %dma_start3A_260 = arith.constant 0 : i32
      %dma_start3A_261 = arith.constant 0 : i32
      %dma_start3A_262 = tpu.memref_slice %arg6[%dma_start3A_259, %dma_start3A_260, %dma_start3A_261] : memref<4x128x128xf32, #tpu.memory_space<vmem>> -> memref<1x128x128xf32, #tpu.memory_space<vmem>>
      %dma_start3A_263 = tpu.memref_squeeze %dma_start3A_262 : memref<1x128x128xf32, #tpu.memory_space<vmem>> -> memref<128x128xf32, #tpu.memory_space<vmem>>
      %dma_start3A_264 = arith.constant 0 : i32
      %dma_start3A_265 = tpu.memref_slice %arg4[%multiple_of3A_258, %dma_start3A_264] : memref<204800x128xf32, #tpu.memory_space<hbm>> -> memref<128x128xf32, #tpu.memory_space<hbm>>
      %dma_start3A_266 = arith.constant 0 : i32
      %dma_start3A_267 = tpu.memref_slice %arg4[%multiple_of3A_258, %dma_start3A_266] : memref<204800x128xf32, #tpu.memory_space<hbm>> -> memref<128x128xf32, #tpu.memory_space<hbm>>
      %dma_start3A_268 = arith.constant 0 : i32
      %dma_start3A_269 = arith.constant 0 : i32
      %dma_start3A_270 = tpu.memref_slice %arg6[%dma_start3A_259, %dma_start3A_268, %dma_start3A_269] : memref<4x128x128xf32, #tpu.memory_space<vmem>> -> memref<1x128x128xf32, #tpu.memory_space<vmem>>
      %dma_start3A_271 = tpu.memref_squeeze %dma_start3A_270 : memref<1x128x128xf32, #tpu.memory_space<vmem>> -> memref<128x128xf32, #tpu.memory_space<vmem>>
      tpu.enqueue_dma source(%dma_start3A_271 : memref<128x128xf32, #tpu.memory_space<vmem>>) target(%dma_start3A_267 : memref<128x128xf32, #tpu.memory_space<hbm>>) target_semaphore(%arg13 : memref<!tpu.dma_semaphore, #tpu.memory_space<semaphore_mem>>)
      %sub3A = arith.constant 1 : i32
      %sub3A_272 = arith.subi %add3A_239, %sub3A : i32
      %mul3A_273 = arith.constant 200 : i32
      %mul3A_274 = arith.muli %sub3A_272, %mul3A_273 : i32
      %add3A_275 = arith.addi %multiple_of3A, %mul3A_274 : i32
      %add3A_276 = arith.constant 0 : i32
      %add3A_277 = arith.addi %add3A_275, %add3A_276 : i32
      %multiple_of3A_278 = tpu.assume_multiple %add3A_277, 8 : i32
      %dma_wait3A_279 = arith.constant 0 : i32
      %dma_wait3A_280 = arith.constant 0 : i32
      %dma_wait3A_281 = arith.constant 0 : i32
      %dma_wait3A_282 = tpu.memref_slice %arg6[%dma_wait3A_279, %dma_wait3A_280, %dma_wait3A_281] : memref<4x128x128xf32, #tpu.memory_space<vmem>> -> memref<1x128x128xf32, #tpu.memory_space<vmem>>
      %dma_wait3A_283 = tpu.memref_squeeze %dma_wait3A_282 : memref<1x128x128xf32, #tpu.memory_space<vmem>> -> memref<128x128xf32, #tpu.memory_space<vmem>>
      %dma_wait3A_284 = arith.constant 0 : i32
      %dma_wait3A_285 = tpu.memref_slice %arg4[%multiple_of3A_278, %dma_wait3A_284] : memref<204800x128xf32, #tpu.memory_space<hbm>> -> memref<128x128xf32, #tpu.memory_space<hbm>>
      %dma_wait3A_286 = arith.constant 0 : i32
      %dma_wait3A_287 = tpu.memref_slice %arg4[%multiple_of3A_278, %dma_wait3A_286] : memref<204800x128xf32, #tpu.memory_space<hbm>> -> memref<128x128xf32, #tpu.memory_space<hbm>>
      %dma_wait3A_288 = arith.constant 0 : i32
      %dma_wait3A_289 = arith.constant 0 : i32
      %dma_wait3A_290 = tpu.memref_slice %arg6[%dma_wait3A_279, %dma_wait3A_288, %dma_wait3A_289] : memref<4x128x128xf32, #tpu.memory_space<vmem>> -> memref<1x128x128xf32, #tpu.memory_space<vmem>>
      %dma_wait3A_291 = tpu.memref_squeeze %dma_wait3A_290 : memref<1x128x128xf32, #tpu.memory_space<vmem>> -> memref<128x128xf32, #tpu.memory_space<vmem>>
      tpu.wait_dma2 semaphore(%arg11 : memref<!tpu.dma_semaphore, #tpu.memory_space<semaphore_mem>>) src(%dma_wait3A_291 : memref<128x128xf32, #tpu.memory_space<vmem>>) dst(%dma_wait3A_287 : memref<128x128xf32, #tpu.memory_space<hbm>>)
      %add3A_292 = arith.constant 1 : i32
      %add3A_293 = arith.addi %add3A_239, %add3A_292 : i32
      %mul3A_294 = arith.constant 200 : i32
      %mul3A_295 = arith.muli %add3A_293, %mul3A_294 : i32
      %add3A_296 = arith.constant 0 : i32
      %add3A_297 = arith.addi %mul3A_295, %add3A_296 : i32
      %dma_start3A_298 = arith.constant 0 : i32
      %dma_start3A_299 = arith.constant 0 : i32
      %dma_start3A_300 = arith.constant 0 : i32
      %dma_start3A_301 = tpu.memref_slice %arg6[%dma_start3A_298, %dma_start3A_299, %dma_start3A_300] : memref<4x128x128xf32, #tpu.memory_space<vmem>> -> memref<1x128x128xf32, #tpu.memory_space<vmem>>
      %dma_start3A_302 = tpu.memref_squeeze %dma_start3A_301 : memref<1x128x128xf32, #tpu.memory_space<vmem>> -> memref<128x128xf32, #tpu.memory_space<vmem>>
      %dma_start3A_303 = tpu.memref_slice %arg5[%add3A_297] : memref<6400xi32, #tpu.memory_space<vmem>> -> memref<128xi32, #tpu.memory_space<vmem>>
      %dma_start3A_304 = arith.constant 0 : i32
      %dma_start3A_305 = arith.constant 0 : i32
      %dma_start3A_306 = tpu.memref_slice %arg2[%dma_start3A_304, %dma_start3A_305] : memref<100000x128xf32, #tpu.memory_space<hbm>> -> memref<100000x128xf32, #tpu.memory_space<hbm>>
      tpu.enqueue_indirect_dma source(%dma_start3A_306 : memref<100000x128xf32, #tpu.memory_space<hbm>>) target(%dma_start3A_302 : memref<128x128xf32, #tpu.memory_space<vmem>>) offsets(%dma_start3A_303 : memref<128xi32, #tpu.memory_space<vmem>>) semaphore(%arg7 : memref<!tpu.dma_semaphore, #tpu.memory_space<semaphore_mem>>)
      %mul3A_307 = arith.constant 2 : i32
      %mul3A_308 = arith.muli %mul3A_307, %add3A_233 : i32
      %add3A_309 = arith.constant 1 : i32
      %add3A_310 = arith.addi %add3A_309, %mul3A_308 : i32
      %add3A_311 = arith.constant 0 : i32
      %add3A_312 = arith.addi %add3A_310, %add3A_311 : i32
      %mul3A_313 = arith.constant 200 : i32
      %mul3A_314 = arith.muli %add3A_312, %mul3A_313 : i32
      %add3A_315 = arith.constant 128 : i32
      %add3A_316 = arith.addi %mul3A_314, %add3A_315 : i32
      %dma_wait3A_317 = arith.constant 3 : i32
      %dma_wait3A_318 = arith.constant 0 : i32
      %dma_wait3A_319 = arith.constant 0 : i32
      %dma_wait3A_320 = tpu.memref_slice %arg6[%dma_wait3A_317, %dma_wait3A_318, %dma_wait3A_319] : memref<4x128x128xf32, #tpu.memory_space<vmem>> -> memref<1x72x128xf32, #tpu.memory_space<vmem>>
      %dma_wait3A_321 = tpu.memref_squeeze %dma_wait3A_320 : memref<1x72x128xf32, #tpu.memory_space<vmem>> -> memref<72x128xf32, #tpu.memory_space<vmem>>
      %dma_wait3A_322 = tpu.memref_slice %arg5[%add3A_316] : memref<6400xi32, #tpu.memory_space<vmem>> -> memref<72xi32, #tpu.memory_space<vmem>>
      %dma_wait3A_323 = arith.constant 0 : i32
      %dma_wait3A_324 = arith.constant 0 : i32
      %dma_wait3A_325 = tpu.memref_slice %arg2[%dma_wait3A_323, %dma_wait3A_324] : memref<100000x128xf32, #tpu.memory_space<hbm>> -> memref<100000x128xf32, #tpu.memory_space<hbm>>
      tpu.wait_indirect_dma semaphore(%arg10 : memref<!tpu.dma_semaphore, #tpu.memory_space<semaphore_mem>>) src(%dma_wait3A_325 : memref<100000x128xf32, #tpu.memory_space<hbm>>) dst(%dma_wait3A_321 : memref<72x128xf32, #tpu.memory_space<vmem>>)
      %mul3A_326 = arith.constant 200 : i32
      %mul3A_327 = arith.muli %add3A_312, %mul3A_326 : i32
      %add3A_328 = arith.addi %multiple_of3A, %mul3A_327 : i32
      %add3A_329 = arith.constant 128 : i32
      %add3A_330 = arith.addi %add3A_328, %add3A_329 : i32
      %multiple_of3A_331 = tpu.assume_multiple %add3A_330, 8 : i32
      %dma_start3A_332 = arith.constant 3 : i32
      %dma_start3A_333 = arith.constant 0 : i32
      %dma_start3A_334 = arith.constant 0 : i32
      %dma_start3A_335 = tpu.memref_slice %arg6[%dma_start3A_332, %dma_start3A_333, %dma_start3A_334] : memref<4x128x128xf32, #tpu.memory_space<vmem>> -> memref<1x72x128xf32, #tpu.memory_space<vmem>>
      %dma_start3A_336 = tpu.memref_squeeze %dma_start3A_335 : memref<1x72x128xf32, #tpu.memory_space<vmem>> -> memref<72x128xf32, #tpu.memory_space<vmem>>
      %dma_start3A_337 = arith.constant 0 : i32
      %dma_start3A_338 = tpu.memref_slice %arg4[%multiple_of3A_331, %dma_start3A_337] : memref<204800x128xf32, #tpu.memory_space<hbm>> -> memref<72x128xf32, #tpu.memory_space<hbm>>
      %dma_start3A_339 = arith.constant 0 : i32
      %dma_start3A_340 = tpu.memref_slice %arg4[%multiple_of3A_331, %dma_start3A_339] : memref<204800x128xf32, #tpu.memory_space<hbm>> -> memref<72x128xf32, #tpu.memory_space<hbm>>
      %dma_start3A_341 = arith.constant 0 : i32
      %dma_start3A_342 = arith.constant 0 : i32
      %dma_start3A_343 = tpu.memref_slice %arg6[%dma_start3A_332, %dma_start3A_341, %dma_start3A_342] : memref<4x128x128xf32, #tpu.memory_space<vmem>> -> memref<1x72x128xf32, #tpu.memory_space<vmem>>
      %dma_start3A_344 = tpu.memref_squeeze %dma_start3A_343 : memref<1x72x128xf32, #tpu.memory_space<vmem>> -> memref<72x128xf32, #tpu.memory_space<vmem>>
      tpu.enqueue_dma source(%dma_start3A_344 : memref<72x128xf32, #tpu.memory_space<vmem>>) target(%dma_start3A_340 : memref<72x128xf32, #tpu.memory_space<hbm>>) target_semaphore(%arg14 : memref<!tpu.dma_semaphore, #tpu.memory_space<semaphore_mem>>)
      %sub3A_345 = arith.constant 1 : i32
      %sub3A_346 = arith.subi %add3A_312, %sub3A_345 : i32
      %mul3A_347 = arith.constant 200 : i32
      %mul3A_348 = arith.muli %sub3A_346, %mul3A_347 : i32
      %add3A_349 = arith.addi %multiple_of3A, %mul3A_348 : i32
      %add3A_350 = arith.constant 128 : i32
      %add3A_351 = arith.addi %add3A_349, %add3A_350 : i32
      %multiple_of3A_352 = tpu.assume_multiple %add3A_351, 8 : i32
      %dma_wait3A_353 = arith.constant 1 : i32
      %dma_wait3A_354 = arith.constant 0 : i32
      %dma_wait3A_355 = arith.constant 0 : i32
      %dma_wait3A_356 = tpu.memref_slice %arg6[%dma_wait3A_353, %dma_wait3A_354, %dma_wait3A_355] : memref<4x128x128xf32, #tpu.memory_space<vmem>> -> memref<1x72x128xf32, #tpu.memory_space<vmem>>
      %dma_wait3A_357 = tpu.memref_squeeze %dma_wait3A_356 : memref<1x72x128xf32, #tpu.memory_space<vmem>> -> memref<72x128xf32, #tpu.memory_space<vmem>>
      %dma_wait3A_358 = arith.constant 0 : i32
      %dma_wait3A_359 = tpu.memref_slice %arg4[%multiple_of3A_352, %dma_wait3A_358] : memref<204800x128xf32, #tpu.memory_space<hbm>> -> memref<72x128xf32, #tpu.memory_space<hbm>>
      %dma_wait3A_360 = arith.constant 0 : i32
      %dma_wait3A_361 = tpu.memref_slice %arg4[%multiple_of3A_352, %dma_wait3A_360] : memref<204800x128xf32, #tpu.memory_space<hbm>> -> memref<72x128xf32, #tpu.memory_space<hbm>>
      %dma_wait3A_362 = arith.constant 0 : i32
      %dma_wait3A_363 = arith.constant 0 : i32
      %dma_wait3A_364 = tpu.memref_slice %arg6[%dma_wait3A_353, %dma_wait3A_362, %dma_wait3A_363] : memref<4x128x128xf32, #tpu.memory_space<vmem>> -> memref<1x72x128xf32, #tpu.memory_space<vmem>>
      %dma_wait3A_365 = tpu.memref_squeeze %dma_wait3A_364 : memref<1x72x128xf32, #tpu.memory_space<vmem>> -> memref<72x128xf32, #tpu.memory_space<vmem>>
      tpu.wait_dma2 semaphore(%arg12 : memref<!tpu.dma_semaphore, #tpu.memory_space<semaphore_mem>>) src(%dma_wait3A_365 : memref<72x128xf32, #tpu.memory_space<vmem>>) dst(%dma_wait3A_361 : memref<72x128xf32, #tpu.memory_space<hbm>>)
      %add3A_366 = arith.constant 1 : i32
      %add3A_367 = arith.addi %add3A_312, %add3A_366 : i32
      %mul3A_368 = arith.constant 200 : i32
      %mul3A_369 = arith.muli %add3A_367, %mul3A_368 : i32
      %add3A_370 = arith.constant 128 : i32
      %add3A_371 = arith.addi %mul3A_369, %add3A_370 : i32
      %dma_start3A_372 = arith.constant 1 : i32
      %dma_start3A_373 = arith.constant 0 : i32
      %dma_start3A_374 = arith.constant 0 : i32
      %dma_start3A_375 = tpu.memref_slice %arg6[%dma_start3A_372, %dma_start3A_373, %dma_start3A_374] : memref<4x128x128xf32, #tpu.memory_space<vmem>> -> memref<1x72x128xf32, #tpu.memory_space<vmem>>
      %dma_start3A_376 = tpu.memref_squeeze %dma_start3A_375 : memref<1x72x128xf32, #tpu.memory_space<vmem>> -> memref<72x128xf32, #tpu.memory_space<vmem>>
      %dma_start3A_377 = tpu.memref_slice %arg5[%add3A_371] : memref<6400xi32, #tpu.memory_space<vmem>> -> memref<72xi32, #tpu.memory_space<vmem>>
      %dma_start3A_378 = arith.constant 0 : i32
      %dma_start3A_379 = arith.constant 0 : i32
      %dma_start3A_380 = tpu.memref_slice %arg2[%dma_start3A_378, %dma_start3A_379] : memref<100000x128xf32, #tpu.memory_space<hbm>> -> memref<100000x128xf32, #tpu.memory_space<hbm>>
      tpu.enqueue_indirect_dma source(%dma_start3A_380 : memref<100000x128xf32, #tpu.memory_space<hbm>>) target(%dma_start3A_376 : memref<72x128xf32, #tpu.memory_space<vmem>>) offsets(%dma_start3A_377 : memref<72xi32, #tpu.memory_space<vmem>>) semaphore(%arg8 : memref<!tpu.dma_semaphore, #tpu.memory_space<semaphore_mem>>)
      %mul3A_381 = arith.constant 2 : i32
      %mul3A_382 = arith.muli %mul3A_381, %add3A_233 : i32
      %add3A_383 = arith.constant 1 : i32
      %add3A_384 = arith.addi %add3A_383, %mul3A_382 : i32
      %add3A_385 = arith.constant 1 : i32
      %add3A_386 = arith.addi %add3A_384, %add3A_385 : i32
      %mul3A_387 = arith.constant 200 : i32
      %mul3A_388 = arith.muli %add3A_386, %mul3A_387 : i32
      %add3A_389 = arith.constant 0 : i32
      %add3A_390 = arith.addi %mul3A_388, %add3A_389 : i32
      %dma_wait3A_391 = arith.constant 0 : i32
      %dma_wait3A_392 = arith.constant 0 : i32
      %dma_wait3A_393 = arith.constant 0 : i32
      %dma_wait3A_394 = tpu.memref_slice %arg6[%dma_wait3A_391, %dma_wait3A_392, %dma_wait3A_393] : memref<4x128x128xf32, #tpu.memory_space<vmem>> -> memref<1x128x128xf32, #tpu.memory_space<vmem>>
      %dma_wait3A_395 = tpu.memref_squeeze %dma_wait3A_394 : memref<1x128x128xf32, #tpu.memory_space<vmem>> -> memref<128x128xf32, #tpu.memory_space<vmem>>
      %dma_wait3A_396 = tpu.memref_slice %arg5[%add3A_390] : memref<6400xi32, #tpu.memory_space<vmem>> -> memref<128xi32, #tpu.memory_space<vmem>>
      %dma_wait3A_397 = arith.constant 0 : i32
      %dma_wait3A_398 = arith.constant 0 : i32
      %dma_wait3A_399 = tpu.memref_slice %arg2[%dma_wait3A_397, %dma_wait3A_398] : memref<100000x128xf32, #tpu.memory_space<hbm>> -> memref<100000x128xf32, #tpu.memory_space<hbm>>
      tpu.wait_indirect_dma semaphore(%arg7 : memref<!tpu.dma_semaphore, #tpu.memory_space<semaphore_mem>>) src(%dma_wait3A_399 : memref<100000x128xf32, #tpu.memory_space<hbm>>) dst(%dma_wait3A_395 : memref<128x128xf32, #tpu.memory_space<vmem>>)
      %mul3A_400 = arith.constant 200 : i32
      %mul3A_401 = arith.muli %add3A_386, %mul3A_400 : i32
      %add3A_402 = arith.addi %multiple_of3A, %mul3A_401 : i32
      %add3A_403 = arith.constant 0 : i32
      %add3A_404 = arith.addi %add3A_402, %add3A_403 : i32
      %multiple_of3A_405 = tpu.assume_multiple %add3A_404, 8 : i32
      %dma_start3A_406 = arith.constant 0 : i32
      %dma_start3A_407 = arith.constant 0 : i32
      %dma_start3A_408 = arith.constant 0 : i32
      %dma_start3A_409 = tpu.memref_slice %arg6[%dma_start3A_406, %dma_start3A_407, %dma_start3A_408] : memref<4x128x128xf32, #tpu.memory_space<vmem>> -> memref<1x128x128xf32, #tpu.memory_space<vmem>>
      %dma_start3A_410 = tpu.memref_squeeze %dma_start3A_409 : memref<1x128x128xf32, #tpu.memory_space<vmem>> -> memref<128x128xf32, #tpu.memory_space<vmem>>
      %dma_start3A_411 = arith.constant 0 : i32
      %dma_start3A_412 = tpu.memref_slice %arg4[%multiple_of3A_405, %dma_start3A_411] : memref<204800x128xf32, #tpu.memory_space<hbm>> -> memref<128x128xf32, #tpu.memory_space<hbm>>
      %dma_start3A_413 = arith.constant 0 : i32
      %dma_start3A_414 = tpu.memref_slice %arg4[%multiple_of3A_405, %dma_start3A_413] : memref<204800x128xf32, #tpu.memory_space<hbm>> -> memref<128x128xf32, #tpu.memory_space<hbm>>
      %dma_start3A_415 = arith.constant 0 : i32
      %dma_start3A_416 = arith.constant 0 : i32
      %dma_start3A_417 = tpu.memref_slice %arg6[%dma_start3A_406, %dma_start3A_415, %dma_start3A_416] : memref<4x128x128xf32, #tpu.memory_space<vmem>> -> memref<1x128x128xf32, #tpu.memory_space<vmem>>
      %dma_start3A_418 = tpu.memref_squeeze %dma_start3A_417 : memref<1x128x128xf32, #tpu.memory_space<vmem>> -> memref<128x128xf32, #tpu.memory_space<vmem>>
      tpu.enqueue_dma source(%dma_start3A_418 : memref<128x128xf32, #tpu.memory_space<vmem>>) target(%dma_start3A_414 : memref<128x128xf32, #tpu.memory_space<hbm>>) target_semaphore(%arg11 : memref<!tpu.dma_semaphore, #tpu.memory_space<semaphore_mem>>)
      %sub3A_419 = arith.constant 1 : i32
      %sub3A_420 = arith.subi %add3A_386, %sub3A_419 : i32
      %mul3A_421 = arith.constant 200 : i32
      %mul3A_422 = arith.muli %sub3A_420, %mul3A_421 : i32
      %add3A_423 = arith.addi %multiple_of3A, %mul3A_422 : i32
      %add3A_424 = arith.constant 0 : i32
      %add3A_425 = arith.addi %add3A_423, %add3A_424 : i32
      %multiple_of3A_426 = tpu.assume_multiple %add3A_425, 8 : i32
      %dma_wait3A_427 = arith.constant 2 : i32
      %dma_wait3A_428 = arith.constant 0 : i32
      %dma_wait3A_429 = arith.constant 0 : i32
      %dma_wait3A_430 = tpu.memref_slice %arg6[%dma_wait3A_427, %dma_wait3A_428, %dma_wait3A_429] : memref<4x128x128xf32, #tpu.memory_space<vmem>> -> memref<1x128x128xf32, #tpu.memory_space<vmem>>
      %dma_wait3A_431 = tpu.memref_squeeze %dma_wait3A_430 : memref<1x128x128xf32, #tpu.memory_space<vmem>> -> memref<128x128xf32, #tpu.memory_space<vmem>>
      %dma_wait3A_432 = arith.constant 0 : i32
      %dma_wait3A_433 = tpu.memref_slice %arg4[%multiple_of3A_426, %dma_wait3A_432] : memref<204800x128xf32, #tpu.memory_space<hbm>> -> memref<128x128xf32, #tpu.memory_space<hbm>>
      %dma_wait3A_434 = arith.constant 0 : i32
      %dma_wait3A_435 = tpu.memref_slice %arg4[%multiple_of3A_426, %dma_wait3A_434] : memref<204800x128xf32, #tpu.memory_space<hbm>> -> memref<128x128xf32, #tpu.memory_space<hbm>>
      %dma_wait3A_436 = arith.constant 0 : i32
      %dma_wait3A_437 = arith.constant 0 : i32
      %dma_wait3A_438 = tpu.memref_slice %arg6[%dma_wait3A_427, %dma_wait3A_436, %dma_wait3A_437] : memref<4x128x128xf32, #tpu.memory_space<vmem>> -> memref<1x128x128xf32, #tpu.memory_space<vmem>>
      %dma_wait3A_439 = tpu.memref_squeeze %dma_wait3A_438 : memref<1x128x128xf32, #tpu.memory_space<vmem>> -> memref<128x128xf32, #tpu.memory_space<vmem>>
      tpu.wait_dma2 semaphore(%arg13 : memref<!tpu.dma_semaphore, #tpu.memory_space<semaphore_mem>>) src(%dma_wait3A_439 : memref<128x128xf32, #tpu.memory_space<vmem>>) dst(%dma_wait3A_435 : memref<128x128xf32, #tpu.memory_space<hbm>>)
      %add3A_440 = arith.constant 1 : i32
      %add3A_441 = arith.addi %add3A_386, %add3A_440 : i32
      %mul3A_442 = arith.constant 200 : i32
      %mul3A_443 = arith.muli %add3A_441, %mul3A_442 : i32
      %add3A_444 = arith.constant 0 : i32
      %add3A_445 = arith.addi %mul3A_443, %add3A_444 : i32
      %dma_start3A_446 = arith.constant 2 : i32
      %dma_start3A_447 = arith.constant 0 : i32
      %dma_start3A_448 = arith.constant 0 : i32
      %dma_start3A_449 = tpu.memref_slice %arg6[%dma_start3A_446, %dma_start3A_447, %dma_start3A_448] : memref<4x128x128xf32, #tpu.memory_space<vmem>> -> memref<1x128x128xf32, #tpu.memory_space<vmem>>
      %dma_start3A_450 = tpu.memref_squeeze %dma_start3A_449 : memref<1x128x128xf32, #tpu.memory_space<vmem>> -> memref<128x128xf32, #tpu.memory_space<vmem>>
      %dma_start3A_451 = tpu.memref_slice %arg5[%add3A_445] : memref<6400xi32, #tpu.memory_space<vmem>> -> memref<128xi32, #tpu.memory_space<vmem>>
      %dma_start3A_452 = arith.constant 0 : i32
      %dma_start3A_453 = arith.constant 0 : i32
      %dma_start3A_454 = tpu.memref_slice %arg2[%dma_start3A_452, %dma_start3A_453] : memref<100000x128xf32, #tpu.memory_space<hbm>> -> memref<100000x128xf32, #tpu.memory_space<hbm>>
      tpu.enqueue_indirect_dma source(%dma_start3A_454 : memref<100000x128xf32, #tpu.memory_space<hbm>>) target(%dma_start3A_450 : memref<128x128xf32, #tpu.memory_space<vmem>>) offsets(%dma_start3A_451 : memref<128xi32, #tpu.memory_space<vmem>>) semaphore(%arg9 : memref<!tpu.dma_semaphore, #tpu.memory_space<semaphore_mem>>)
      %mul3A_455 = arith.constant 2 : i32
      %mul3A_456 = arith.muli %mul3A_455, %add3A_233 : i32
      %add3A_457 = arith.constant 1 : i32
      %add3A_458 = arith.addi %add3A_457, %mul3A_456 : i32
      %add3A_459 = arith.constant 1 : i32
      %add3A_460 = arith.addi %add3A_458, %add3A_459 : i32
      %mul3A_461 = arith.constant 200 : i32
      %mul3A_462 = arith.muli %add3A_460, %mul3A_461 : i32
      %add3A_463 = arith.constant 128 : i32
      %add3A_464 = arith.addi %mul3A_462, %add3A_463 : i32
      %dma_wait3A_465 = arith.constant 1 : i32
      %dma_wait3A_466 = arith.constant 0 : i32
      %dma_wait3A_467 = arith.constant 0 : i32
      %dma_wait3A_468 = tpu.memref_slice %arg6[%dma_wait3A_465, %dma_wait3A_466, %dma_wait3A_467] : memref<4x128x128xf32, #tpu.memory_space<vmem>> -> memref<1x72x128xf32, #tpu.memory_space<vmem>>
      %dma_wait3A_469 = tpu.memref_squeeze %dma_wait3A_468 : memref<1x72x128xf32, #tpu.memory_space<vmem>> -> memref<72x128xf32, #tpu.memory_space<vmem>>
      %dma_wait3A_470 = tpu.memref_slice %arg5[%add3A_464] : memref<6400xi32, #tpu.memory_space<vmem>> -> memref<72xi32, #tpu.memory_space<vmem>>
      %dma_wait3A_471 = arith.constant 0 : i32
      %dma_wait3A_472 = arith.constant 0 : i32
      %dma_wait3A_473 = tpu.memref_slice %arg2[%dma_wait3A_471, %dma_wait3A_472] : memref<100000x128xf32, #tpu.memory_space<hbm>> -> memref<100000x128xf32, #tpu.memory_space<hbm>>
      tpu.wait_indirect_dma semaphore(%arg8 : memref<!tpu.dma_semaphore, #tpu.memory_space<semaphore_mem>>) src(%dma_wait3A_473 : memref<100000x128xf32, #tpu.memory_space<hbm>>) dst(%dma_wait3A_469 : memref<72x128xf32, #tpu.memory_space<vmem>>)
      %mul3A_474 = arith.constant 200 : i32
      %mul3A_475 = arith.muli %add3A_460, %mul3A_474 : i32
      %add3A_476 = arith.addi %multiple_of3A, %mul3A_475 : i32
      %add3A_477 = arith.constant 128 : i32
      %add3A_478 = arith.addi %add3A_476, %add3A_477 : i32
      %multiple_of3A_479 = tpu.assume_multiple %add3A_478, 8 : i32
      %dma_start3A_480 = arith.constant 1 : i32
      %dma_start3A_481 = arith.constant 0 : i32
      %dma_start3A_482 = arith.constant 0 : i32
      %dma_start3A_483 = tpu.memref_slice %arg6[%dma_start3A_480, %dma_start3A_481, %dma_start3A_482] : memref<4x128x128xf32, #tpu.memory_space<vmem>> -> memref<1x72x128xf32, #tpu.memory_space<vmem>>
      %dma_start3A_484 = tpu.memref_squeeze %dma_start3A_483 : memref<1x72x128xf32, #tpu.memory_space<vmem>> -> memref<72x128xf32, #tpu.memory_space<vmem>>
      %dma_start3A_485 = arith.constant 0 : i32
      %dma_start3A_486 = tpu.memref_slice %arg4[%multiple_of3A_479, %dma_start3A_485] : memref<204800x128xf32, #tpu.memory_space<hbm>> -> memref<72x128xf32, #tpu.memory_space<hbm>>
      %dma_start3A_487 = arith.constant 0 : i32
      %dma_start3A_488 = tpu.memref_slice %arg4[%multiple_of3A_479, %dma_start3A_487] : memref<204800x128xf32, #tpu.memory_space<hbm>> -> memref<72x128xf32, #tpu.memory_space<hbm>>
      %dma_start3A_489 = arith.constant 0 : i32
      %dma_start3A_490 = arith.constant 0 : i32
      %dma_start3A_491 = tpu.memref_slice %arg6[%dma_start3A_480, %dma_start3A_489, %dma_start3A_490] : memref<4x128x128xf32, #tpu.memory_space<vmem>> -> memref<1x72x128xf32, #tpu.memory_space<vmem>>
      %dma_start3A_492 = tpu.memref_squeeze %dma_start3A_491 : memref<1x72x128xf32, #tpu.memory_space<vmem>> -> memref<72x128xf32, #tpu.memory_space<vmem>>
      tpu.enqueue_dma source(%dma_start3A_492 : memref<72x128xf32, #tpu.memory_space<vmem>>) target(%dma_start3A_488 : memref<72x128xf32, #tpu.memory_space<hbm>>) target_semaphore(%arg12 : memref<!tpu.dma_semaphore, #tpu.memory_space<semaphore_mem>>)
      %sub3A_493 = arith.constant 1 : i32
      %sub3A_494 = arith.subi %add3A_460, %sub3A_493 : i32
      %mul3A_495 = arith.constant 200 : i32
      %mul3A_496 = arith.muli %sub3A_494, %mul3A_495 : i32
      %add3A_497 = arith.addi %multiple_of3A, %mul3A_496 : i32
      %add3A_498 = arith.constant 128 : i32
      %add3A_499 = arith.addi %add3A_497, %add3A_498 : i32
      %multiple_of3A_500 = tpu.assume_multiple %add3A_499, 8 : i32
      %dma_wait3A_501 = arith.constant 3 : i32
      %dma_wait3A_502 = arith.constant 0 : i32
      %dma_wait3A_503 = arith.constant 0 : i32
      %dma_wait3A_504 = tpu.memref_slice %arg6[%dma_wait3A_501, %dma_wait3A_502, %dma_wait3A_503] : memref<4x128x128xf32, #tpu.memory_space<vmem>> -> memref<1x72x128xf32, #tpu.memory_space<vmem>>
      %dma_wait3A_505 = tpu.memref_squeeze %dma_wait3A_504 : memref<1x72x128xf32, #tpu.memory_space<vmem>> -> memref<72x128xf32, #tpu.memory_space<vmem>>
      %dma_wait3A_506 = arith.constant 0 : i32
      %dma_wait3A_507 = tpu.memref_slice %arg4[%multiple_of3A_500, %dma_wait3A_506] : memref<204800x128xf32, #tpu.memory_space<hbm>> -> memref<72x128xf32, #tpu.memory_space<hbm>>
      %dma_wait3A_508 = arith.constant 0 : i32
      %dma_wait3A_509 = tpu.memref_slice %arg4[%multiple_of3A_500, %dma_wait3A_508] : memref<204800x128xf32, #tpu.memory_space<hbm>> -> memref<72x128xf32, #tpu.memory_space<hbm>>
      %dma_wait3A_510 = arith.constant 0 : i32
      %dma_wait3A_511 = arith.constant 0 : i32
      %dma_wait3A_512 = tpu.memref_slice %arg6[%dma_wait3A_501, %dma_wait3A_510, %dma_wait3A_511] : memref<4x128x128xf32, #tpu.memory_space<vmem>> -> memref<1x72x128xf32, #tpu.memory_space<vmem>>
      %dma_wait3A_513 = tpu.memref_squeeze %dma_wait3A_512 : memref<1x72x128xf32, #tpu.memory_space<vmem>> -> memref<72x128xf32, #tpu.memory_space<vmem>>
      tpu.wait_dma2 semaphore(%arg14 : memref<!tpu.dma_semaphore, #tpu.memory_space<semaphore_mem>>) src(%dma_wait3A_513 : memref<72x128xf32, #tpu.memory_space<vmem>>) dst(%dma_wait3A_509 : memref<72x128xf32, #tpu.memory_space<hbm>>)
      %add3A_514 = arith.constant 1 : i32
      %add3A_515 = arith.addi %add3A_460, %add3A_514 : i32
      %mul3A_516 = arith.constant 200 : i32
      %mul3A_517 = arith.muli %add3A_515, %mul3A_516 : i32
      %add3A_518 = arith.constant 128 : i32
      %add3A_519 = arith.addi %mul3A_517, %add3A_518 : i32
      %dma_start3A_520 = arith.constant 3 : i32
      %dma_start3A_521 = arith.constant 0 : i32
      %dma_start3A_522 = arith.constant 0 : i32
      %dma_start3A_523 = tpu.memref_slice %arg6[%dma_start3A_520, %dma_start3A_521, %dma_start3A_522] : memref<4x128x128xf32, #tpu.memory_space<vmem>> -> memref<1x72x128xf32, #tpu.memory_space<vmem>>
      %dma_start3A_524 = tpu.memref_squeeze %dma_start3A_523 : memref<1x72x128xf32, #tpu.memory_space<vmem>> -> memref<72x128xf32, #tpu.memory_space<vmem>>
      %dma_start3A_525 = tpu.memref_slice %arg5[%add3A_519] : memref<6400xi32, #tpu.memory_space<vmem>> -> memref<72xi32, #tpu.memory_space<vmem>>
      %dma_start3A_526 = arith.constant 0 : i32
      %dma_start3A_527 = arith.constant 0 : i32
      %dma_start3A_528 = tpu.memref_slice %arg2[%dma_start3A_526, %dma_start3A_527] : memref<100000x128xf32, #tpu.memory_space<hbm>> -> memref<100000x128xf32, #tpu.memory_space<hbm>>
      tpu.enqueue_indirect_dma source(%dma_start3A_528 : memref<100000x128xf32, #tpu.memory_space<hbm>>) target(%dma_start3A_524 : memref<72x128xf32, #tpu.memory_space<vmem>>) offsets(%dma_start3A_525 : memref<72xi32, #tpu.memory_space<vmem>>) semaphore(%arg10 : memref<!tpu.dma_semaphore, #tpu.memory_space<semaphore_mem>>)
    }
    %scan3A_100 = arith.constant 15 : i32
    %dma_wait3A_101 = arith.constant 2 : i32
    %dma_wait3A_102 = arith.constant 0 : i32
    %dma_wait3A_103 = arith.constant 0 : i32
    %dma_wait3A_104 = tpu.memref_slice %arg6[%dma_wait3A_101, %dma_wait3A_102, %dma_wait3A_103] : memref<4x128x128xf32, #tpu.memory_space<vmem>> -> memref<1x128x128xf32, #tpu.memory_space<vmem>>
    %dma_wait3A_105 = tpu.memref_squeeze %dma_wait3A_104 : memref<1x128x128xf32, #tpu.memory_space<vmem>> -> memref<128x128xf32, #tpu.memory_space<vmem>>
    %dma_wait3A_106 = arith.constant 6200 : i32
    %dma_wait3A_107 = tpu.memref_slice %arg5[%dma_wait3A_106] : memref<6400xi32, #tpu.memory_space<vmem>> -> memref<128xi32, #tpu.memory_space<vmem>>
    %dma_wait3A_108 = arith.constant 0 : i32
    %dma_wait3A_109 = arith.constant 0 : i32
    %dma_wait3A_110 = tpu.memref_slice %arg2[%dma_wait3A_108, %dma_wait3A_109] : memref<100000x128xf32, #tpu.memory_space<hbm>> -> memref<100000x128xf32, #tpu.memory_space<hbm>>
    tpu.wait_indirect_dma semaphore(%arg9 : memref<!tpu.dma_semaphore, #tpu.memory_space<semaphore_mem>>) src(%dma_wait3A_110 : memref<100000x128xf32, #tpu.memory_space<hbm>>) dst(%dma_wait3A_105 : memref<128x128xf32, #tpu.memory_space<vmem>>)
    %add3A_111 = arith.constant 6200 : i32
    %add3A_112 = arith.addi %multiple_of3A, %add3A_111 : i32
    %add3A_113 = arith.constant 0 : i32
    %add3A_114 = arith.addi %add3A_112, %add3A_113 : i32
    %multiple_of3A_115 = tpu.assume_multiple %add3A_114, 8 : i32
    %dma_start3A_116 = arith.constant 2 : i32
    %dma_start3A_117 = arith.constant 0 : i32
    %dma_start3A_118 = arith.constant 0 : i32
    %dma_start3A_119 = tpu.memref_slice %arg6[%dma_start3A_116, %dma_start3A_117, %dma_start3A_118] : memref<4x128x128xf32, #tpu.memory_space<vmem>> -> memref<1x128x128xf32, #tpu.memory_space<vmem>>
    %dma_start3A_120 = tpu.memref_squeeze %dma_start3A_119 : memref<1x128x128xf32, #tpu.memory_space<vmem>> -> memref<128x128xf32, #tpu.memory_space<vmem>>
    %dma_start3A_121 = arith.constant 0 : i32
    %dma_start3A_122 = tpu.memref_slice %arg4[%multiple_of3A_115, %dma_start3A_121] : memref<204800x128xf32, #tpu.memory_space<hbm>> -> memref<128x128xf32, #tpu.memory_space<hbm>>
    %dma_start3A_123 = arith.constant 0 : i32
    %dma_start3A_124 = tpu.memref_slice %arg4[%multiple_of3A_115, %dma_start3A_123] : memref<204800x128xf32, #tpu.memory_space<hbm>> -> memref<128x128xf32, #tpu.memory_space<hbm>>
    %dma_start3A_125 = arith.constant 0 : i32
    %dma_start3A_126 = arith.constant 0 : i32
    %dma_start3A_127 = tpu.memref_slice %arg6[%dma_start3A_116, %dma_start3A_125, %dma_start3A_126] : memref<4x128x128xf32, #tpu.memory_space<vmem>> -> memref<1x128x128xf32, #tpu.memory_space<vmem>>
    %dma_start3A_128 = tpu.memref_squeeze %dma_start3A_127 : memref<1x128x128xf32, #tpu.memory_space<vmem>> -> memref<128x128xf32, #tpu.memory_space<vmem>>
    tpu.enqueue_dma source(%dma_start3A_128 : memref<128x128xf32, #tpu.memory_space<vmem>>) target(%dma_start3A_124 : memref<128x128xf32, #tpu.memory_space<hbm>>) target_semaphore(%arg13 : memref<!tpu.dma_semaphore, #tpu.memory_space<semaphore_mem>>)
    %add3A_129 = arith.constant 6000 : i32
    %add3A_130 = arith.addi %multiple_of3A, %add3A_129 : i32
    %add3A_131 = arith.constant 0 : i32
    %add3A_132 = arith.addi %add3A_130, %add3A_131 : i32
    %multiple_of3A_133 = tpu.assume_multiple %add3A_132, 8 : i32
    %dma_wait3A_134 = arith.constant 0 : i32
    %dma_wait3A_135 = arith.constant 0 : i32
    %dma_wait3A_136 = arith.constant 0 : i32
    %dma_wait3A_137 = tpu.memref_slice %arg6[%dma_wait3A_134, %dma_wait3A_135, %dma_wait3A_136] : memref<4x128x128xf32, #tpu.memory_space<vmem>> -> memref<1x128x128xf32, #tpu.memory_space<vmem>>
    %dma_wait3A_138 = tpu.memref_squeeze %dma_wait3A_137 : memref<1x128x128xf32, #tpu.memory_space<vmem>> -> memref<128x128xf32, #tpu.memory_space<vmem>>
    %dma_wait3A_139 = arith.constant 0 : i32
    %dma_wait3A_140 = tpu.memref_slice %arg4[%multiple_of3A_133, %dma_wait3A_139] : memref<204800x128xf32, #tpu.memory_space<hbm>> -> memref<128x128xf32, #tpu.memory_space<hbm>>
    %dma_wait3A_141 = arith.constant 0 : i32
    %dma_wait3A_142 = tpu.memref_slice %arg4[%multiple_of3A_133, %dma_wait3A_141] : memref<204800x128xf32, #tpu.memory_space<hbm>> -> memref<128x128xf32, #tpu.memory_space<hbm>>
    %dma_wait3A_143 = arith.constant 0 : i32
    %dma_wait3A_144 = arith.constant 0 : i32
    %dma_wait3A_145 = tpu.memref_slice %arg6[%dma_wait3A_134, %dma_wait3A_143, %dma_wait3A_144] : memref<4x128x128xf32, #tpu.memory_space<vmem>> -> memref<1x128x128xf32, #tpu.memory_space<vmem>>
    %dma_wait3A_146 = tpu.memref_squeeze %dma_wait3A_145 : memref<1x128x128xf32, #tpu.memory_space<vmem>> -> memref<128x128xf32, #tpu.memory_space<vmem>>
    tpu.wait_dma2 semaphore(%arg11 : memref<!tpu.dma_semaphore, #tpu.memory_space<semaphore_mem>>) src(%dma_wait3A_146 : memref<128x128xf32, #tpu.memory_space<vmem>>) dst(%dma_wait3A_142 : memref<128x128xf32, #tpu.memory_space<hbm>>)
    %dma_wait3A_147 = arith.constant 3 : i32
    %dma_wait3A_148 = arith.constant 0 : i32
    %dma_wait3A_149 = arith.constant 0 : i32
    %dma_wait3A_150 = tpu.memref_slice %arg6[%dma_wait3A_147, %dma_wait3A_148, %dma_wait3A_149] : memref<4x128x128xf32, #tpu.memory_space<vmem>> -> memref<1x72x128xf32, #tpu.memory_space<vmem>>
    %dma_wait3A_151 = tpu.memref_squeeze %dma_wait3A_150 : memref<1x72x128xf32, #tpu.memory_space<vmem>> -> memref<72x128xf32, #tpu.memory_space<vmem>>
    %dma_wait3A_152 = arith.constant 6328 : i32
    %dma_wait3A_153 = tpu.memref_slice %arg5[%dma_wait3A_152] : memref<6400xi32, #tpu.memory_space<vmem>> -> memref<72xi32, #tpu.memory_space<vmem>>
    %dma_wait3A_154 = arith.constant 0 : i32
    %dma_wait3A_155 = arith.constant 0 : i32
    %dma_wait3A_156 = tpu.memref_slice %arg2[%dma_wait3A_154, %dma_wait3A_155] : memref<100000x128xf32, #tpu.memory_space<hbm>> -> memref<100000x128xf32, #tpu.memory_space<hbm>>
    tpu.wait_indirect_dma semaphore(%arg10 : memref<!tpu.dma_semaphore, #tpu.memory_space<semaphore_mem>>) src(%dma_wait3A_156 : memref<100000x128xf32, #tpu.memory_space<hbm>>) dst(%dma_wait3A_151 : memref<72x128xf32, #tpu.memory_space<vmem>>)
    %add3A_157 = arith.constant 6200 : i32
    %add3A_158 = arith.addi %multiple_of3A, %add3A_157 : i32
    %add3A_159 = arith.constant 128 : i32
    %add3A_160 = arith.addi %add3A_158, %add3A_159 : i32
    %multiple_of3A_161 = tpu.assume_multiple %add3A_160, 8 : i32
    %dma_start3A_162 = arith.constant 3 : i32
    %dma_start3A_163 = arith.constant 0 : i32
    %dma_start3A_164 = arith.constant 0 : i32
    %dma_start3A_165 = tpu.memref_slice %arg6[%dma_start3A_162, %dma_start3A_163, %dma_start3A_164] : memref<4x128x128xf32, #tpu.memory_space<vmem>> -> memref<1x72x128xf32, #tpu.memory_space<vmem>>
    %dma_start3A_166 = tpu.memref_squeeze %dma_start3A_165 : memref<1x72x128xf32, #tpu.memory_space<vmem>> -> memref<72x128xf32, #tpu.memory_space<vmem>>
    %dma_start3A_167 = arith.constant 0 : i32
    %dma_start3A_168 = tpu.memref_slice %arg4[%multiple_of3A_161, %dma_start3A_167] : memref<204800x128xf32, #tpu.memory_space<hbm>> -> memref<72x128xf32, #tpu.memory_space<hbm>>
    %dma_start3A_169 = arith.constant 0 : i32
    %dma_start3A_170 = tpu.memref_slice %arg4[%multiple_of3A_161, %dma_start3A_169] : memref<204800x128xf32, #tpu.memory_space<hbm>> -> memref<72x128xf32, #tpu.memory_space<hbm>>
    %dma_start3A_171 = arith.constant 0 : i32
    %dma_start3A_172 = arith.constant 0 : i32
    %dma_start3A_173 = tpu.memref_slice %arg6[%dma_start3A_162, %dma_start3A_171, %dma_start3A_172] : memref<4x128x128xf32, #tpu.memory_space<vmem>> -> memref<1x72x128xf32, #tpu.memory_space<vmem>>
    %dma_start3A_174 = tpu.memref_squeeze %dma_start3A_173 : memref<1x72x128xf32, #tpu.memory_space<vmem>> -> memref<72x128xf32, #tpu.memory_space<vmem>>
    tpu.enqueue_dma source(%dma_start3A_174 : memref<72x128xf32, #tpu.memory_space<vmem>>) target(%dma_start3A_170 : memref<72x128xf32, #tpu.memory_space<hbm>>) target_semaphore(%arg14 : memref<!tpu.dma_semaphore, #tpu.memory_space<semaphore_mem>>)
    %add3A_175 = arith.constant 6000 : i32
    %add3A_176 = arith.addi %multiple_of3A, %add3A_175 : i32
    %add3A_177 = arith.constant 128 : i32
    %add3A_178 = arith.addi %add3A_176, %add3A_177 : i32
    %multiple_of3A_179 = tpu.assume_multiple %add3A_178, 8 : i32
    %dma_wait3A_180 = arith.constant 1 : i32
    %dma_wait3A_181 = arith.constant 0 : i32
    %dma_wait3A_182 = arith.constant 0 : i32
    %dma_wait3A_183 = tpu.memref_slice %arg6[%dma_wait3A_180, %dma_wait3A_181, %dma_wait3A_182] : memref<4x128x128xf32, #tpu.memory_space<vmem>> -> memref<1x72x128xf32, #tpu.memory_space<vmem>>
    %dma_wait3A_184 = tpu.memref_squeeze %dma_wait3A_183 : memref<1x72x128xf32, #tpu.memory_space<vmem>> -> memref<72x128xf32, #tpu.memory_space<vmem>>
    %dma_wait3A_185 = arith.constant 0 : i32
    %dma_wait3A_186 = tpu.memref_slice %arg4[%multiple_of3A_179, %dma_wait3A_185] : memref<204800x128xf32, #tpu.memory_space<hbm>> -> memref<72x128xf32, #tpu.memory_space<hbm>>
    %dma_wait3A_187 = arith.constant 0 : i32
    %dma_wait3A_188 = tpu.memref_slice %arg4[%multiple_of3A_179, %dma_wait3A_187] : memref<204800x128xf32, #tpu.memory_space<hbm>> -> memref<72x128xf32, #tpu.memory_space<hbm>>
    %dma_wait3A_189 = arith.constant 0 : i32
    %dma_wait3A_190 = arith.constant 0 : i32
    %dma_wait3A_191 = tpu.memref_slice %arg6[%dma_wait3A_180, %dma_wait3A_189, %dma_wait3A_190] : memref<4x128x128xf32, #tpu.memory_space<vmem>> -> memref<1x72x128xf32, #tpu.memory_space<vmem>>
    %dma_wait3A_192 = tpu.memref_squeeze %dma_wait3A_191 : memref<1x72x128xf32, #tpu.memory_space<vmem>> -> memref<72x128xf32, #tpu.memory_space<vmem>>
    tpu.wait_dma2 semaphore(%arg12 : memref<!tpu.dma_semaphore, #tpu.memory_space<semaphore_mem>>) src(%dma_wait3A_192 : memref<72x128xf32, #tpu.memory_space<vmem>>) dst(%dma_wait3A_188 : memref<72x128xf32, #tpu.memory_space<hbm>>)
    %add3A_193 = arith.constant 6200 : i32
    %add3A_194 = arith.addi %multiple_of3A, %add3A_193 : i32
    %add3A_195 = arith.constant 0 : i32
    %add3A_196 = arith.addi %add3A_194, %add3A_195 : i32
    %multiple_of3A_197 = tpu.assume_multiple %add3A_196, 8 : i32
    %dma_wait3A_198 = arith.constant 2 : i32
    %dma_wait3A_199 = arith.constant 0 : i32
    %dma_wait3A_200 = arith.constant 0 : i32
    %dma_wait3A_201 = tpu.memref_slice %arg6[%dma_wait3A_198, %dma_wait3A_199, %dma_wait3A_200] : memref<4x128x128xf32, #tpu.memory_space<vmem>> -> memref<1x128x128xf32, #tpu.memory_space<vmem>>
    %dma_wait3A_202 = tpu.memref_squeeze %dma_wait3A_201 : memref<1x128x128xf32, #tpu.memory_space<vmem>> -> memref<128x128xf32, #tpu.memory_space<vmem>>
    %dma_wait3A_203 = arith.constant 0 : i32
    %dma_wait3A_204 = tpu.memref_slice %arg4[%multiple_of3A_197, %dma_wait3A_203] : memref<204800x128xf32, #tpu.memory_space<hbm>> -> memref<128x128xf32, #tpu.memory_space<hbm>>
    %dma_wait3A_205 = arith.constant 0 : i32
    %dma_wait3A_206 = tpu.memref_slice %arg4[%multiple_of3A_197, %dma_wait3A_205] : memref<204800x128xf32, #tpu.memory_space<hbm>> -> memref<128x128xf32, #tpu.memory_space<hbm>>
    %dma_wait3A_207 = arith.constant 0 : i32
    %dma_wait3A_208 = arith.constant 0 : i32
    %dma_wait3A_209 = tpu.memref_slice %arg6[%dma_wait3A_198, %dma_wait3A_207, %dma_wait3A_208] : memref<4x128x128xf32, #tpu.memory_space<vmem>> -> memref<1x128x128xf32, #tpu.memory_space<vmem>>
    %dma_wait3A_210 = tpu.memref_squeeze %dma_wait3A_209 : memref<1x128x128xf32, #tpu.memory_space<vmem>> -> memref<128x128xf32, #tpu.memory_space<vmem>>
    tpu.wait_dma2 semaphore(%arg13 : memref<!tpu.dma_semaphore, #tpu.memory_space<semaphore_mem>>) src(%dma_wait3A_210 : memref<128x128xf32, #tpu.memory_space<vmem>>) dst(%dma_wait3A_206 : memref<128x128xf32, #tpu.memory_space<hbm>>)
    %add3A_211 = arith.constant 6200 : i32
    %add3A_212 = arith.addi %multiple_of3A, %add3A_211 : i32
    %add3A_213 = arith.constant 128 : i32
    %add3A_214 = arith.addi %add3A_212, %add3A_213 : i32
    %multiple_of3A_215 = tpu.assume_multiple %add3A_214, 8 : i32
    %dma_wait3A_216 = arith.constant 3 : i32
    %dma_wait3A_217 = arith.constant 0 : i32
    %dma_wait3A_218 = arith.constant 0 : i32
    %dma_wait3A_219 = tpu.memref_slice %arg6[%dma_wait3A_216, %dma_wait3A_217, %dma_wait3A_218] : memref<4x128x128xf32, #tpu.memory_space<vmem>> -> memref<1x72x128xf32, #tpu.memory_space<vmem>>
    %dma_wait3A_220 = tpu.memref_squeeze %dma_wait3A_219 : memref<1x72x128xf32, #tpu.memory_space<vmem>> -> memref<72x128xf32, #tpu.memory_space<vmem>>
    %dma_wait3A_221 = arith.constant 0 : i32
    %dma_wait3A_222 = tpu.memref_slice %arg4[%multiple_of3A_215, %dma_wait3A_221] : memref<204800x128xf32, #tpu.memory_space<hbm>> -> memref<72x128xf32, #tpu.memory_space<hbm>>
    %dma_wait3A_223 = arith.constant 0 : i32
    %dma_wait3A_224 = tpu.memref_slice %arg4[%multiple_of3A_215, %dma_wait3A_223] : memref<204800x128xf32, #tpu.memory_space<hbm>> -> memref<72x128xf32, #tpu.memory_space<hbm>>
    %dma_wait3A_225 = arith.constant 0 : i32
    %dma_wait3A_226 = arith.constant 0 : i32
    %dma_wait3A_227 = tpu.memref_slice %arg6[%dma_wait3A_216, %dma_wait3A_225, %dma_wait3A_226] : memref<4x128x128xf32, #tpu.memory_space<vmem>> -> memref<1x72x128xf32, #tpu.memory_space<vmem>>
    %dma_wait3A_228 = tpu.memref_squeeze %dma_wait3A_227 : memref<1x72x128xf32, #tpu.memory_space<vmem>> -> memref<72x128xf32, #tpu.memory_space<vmem>>
    tpu.wait_dma2 semaphore(%arg14 : memref<!tpu.dma_semaphore, #tpu.memory_space<semaphore_mem>>) src(%dma_wait3A_228 : memref<72x128xf32, #tpu.memory_space<vmem>>) dst(%dma_wait3A_224 : memref<72x128xf32, #tpu.memory_space<hbm>>)
    return
  }
}

#map = affine_map<(d0, d1) -> (0, 0)>
#map1 = affine_map<(d0, d1) -> (0)>
module attributes {stable_mosaic.version = 14 : i64} {
  func.func @sc_kernel(%arg0: i32, %arg1: i32, %arg2: memref<100000x128xf32, #tpu.memory_space<hbm>>, %arg3: memref<204800xi32, #tpu.memory_space<hbm>>, %arg4: memref<204800x128xf32, #tpu.memory_space<hbm>>, %arg5: memref<6400xi32, #tpu.memory_space<vmem>>, %arg6: memref<4x128x128xf32, #tpu.memory_space<vmem>>, %arg7: memref<!tpu.dma_semaphore, #tpu.memory_space<semaphore_mem>>, %arg8: memref<!tpu.dma_semaphore, #tpu.memory_space<semaphore_mem>>, %arg9: memref<!tpu.dma_semaphore, #tpu.memory_space<semaphore_mem>>, %arg10: memref<!tpu.dma_semaphore, #tpu.memory_space<semaphore_mem>>, %arg11: memref<!tpu.dma_semaphore, #tpu.memory_space<semaphore_mem>>, %arg12: memref<!tpu.dma_semaphore, #tpu.memory_space<semaphore_mem>>, %arg13: memref<!tpu.dma_semaphore, #tpu.memory_space<semaphore_mem>>, %arg14: memref<!tpu.dma_semaphore, #tpu.memory_space<semaphore_mem>>) attributes {dimension_semantics = [#tpu.dimension_semantics<core_parallel>, #tpu.dimension_semantics<subcore_parallel>], iteration_bounds = array<i64: 2, 16>, scalar_prefetch = 0 : i64, scratch_operands = 10 : i64, tpu.core_type = #tpu.core_type<sc_vector_subcore>, window_params = [{transform_indices = #map}, {transform_indices = #map1}, {transform_indices = #map}]} {
    %mul3A = arith.constant 2 : i32
    %mul3A_0 = arith.muli %arg1, %mul3A : i32
    %add3A = arith.addi %mul3A_0, %arg0 : i32
    %mul3A_1 = arith.constant 6400 : i32
    %mul3A_2 = arith.muli %add3A, %mul3A_1 : i32
    %multiple_of3A = tpu.assume_multiple %mul3A_2, 6400 : i32
    "tpu.region"() ({
      %run_scoped3A = tpu.sem_alloc : memref<!tpu.dma_semaphore, #tpu.memory_space<semaphore_mem>>
      %dma_start3A_229 = tpu.memref_slice %arg3[%multiple_of3A] : memref<204800xi32, #tpu.memory_space<hbm>> -> memref<6400xi32, #tpu.memory_space<hbm>>
      %dma_start3A_230 = tpu.memref_slice %arg3[%multiple_of3A] : memref<204800xi32, #tpu.memory_space<hbm>> -> memref<6400xi32, #tpu.memory_space<hbm>>
      tpu.enqueue_dma source(%dma_start3A_230 : memref<6400xi32, #tpu.memory_space<hbm>>) target(%arg5 : memref<6400xi32, #tpu.memory_space<vmem>>) target_semaphore(%run_scoped3A : memref<!tpu.dma_semaphore, #tpu.memory_space<semaphore_mem>>)
      %dma_wait3A_231 = tpu.memref_slice %arg3[%multiple_of3A] : memref<204800xi32, #tpu.memory_space<hbm>> -> memref<6400xi32, #tpu.memory_space<hbm>>
      %dma_wait3A_232 = tpu.memref_slice %arg3[%multiple_of3A] : memref<204800xi32, #tpu.memory_space<hbm>> -> memref<6400xi32, #tpu.memory_space<hbm>>
      tpu.wait_dma2 semaphore(%run_scoped3A : memref<!tpu.dma_semaphore, #tpu.memory_space<semaphore_mem>>) src(%dma_wait3A_232 : memref<6400xi32, #tpu.memory_space<hbm>>) dst(%arg5 : memref<6400xi32, #tpu.memory_space<vmem>>)
      tpu.yield
    }) : () -> ()
    %dma_start3A = arith.constant 0 : i32
    %dma_start3A_3 = arith.constant 0 : i32
    %dma_start3A_4 = arith.constant 0 : i32
    %dma_start3A_5 = tpu.memref_slice %arg6[%dma_start3A, %dma_start3A_3, %dma_start3A_4] : memref<4x128x128xf32, #tpu.memory_space<vmem>> -> memref<1x128x128xf32, #tpu.memory_space<vmem>>
    %dma_start3A_6 = tpu.memref_squeeze %dma_start3A_5 : memref<1x128x128xf32, #tpu.memory_space<vmem>> -> memref<128x128xf32, #tpu.memory_space<vmem>>
    %dma_start3A_7 = arith.constant 0 : i32
    %dma_start3A_8 = tpu.memref_slice %arg5[%dma_start3A_7] : memref<6400xi32, #tpu.memory_space<vmem>> -> memref<128xi32, #tpu.memory_space<vmem>>
    %dma_start3A_9 = arith.constant 0 : i32
    %dma_start3A_10 = arith.constant 0 : i32
    %dma_start3A_11 = tpu.memref_slice %arg2[%dma_start3A_9, %dma_start3A_10] : memref<100000x128xf32, #tpu.memory_space<hbm>> -> memref<100000x128xf32, #tpu.memory_space<hbm>>
    tpu.enqueue_indirect_dma source(%dma_start3A_11 : memref<100000x128xf32, #tpu.memory_space<hbm>>) target(%dma_start3A_6 : memref<128x128xf32, #tpu.memory_space<vmem>>) offsets(%dma_start3A_8 : memref<128xi32, #tpu.memory_space<vmem>>) semaphore(%arg7 : memref<!tpu.dma_semaphore, #tpu.memory_space<semaphore_mem>>)
    %dma_start3A_12 = arith.constant 1 : i32
    %dma_start3A_13 = arith.constant 0 : i32
    %dma_start3A_14 = arith.constant 0 : i32
    %dma_start3A_15 = tpu.memref_slice %arg6[%dma_start3A_12, %dma_start3A_13, %dma_start3A_14] : memref<4x128x128xf32, #tpu.memory_space<vmem>> -> memref<1x72x128xf32, #tpu.memory_space<vmem>>
    %dma_start3A_16 = tpu.memref_squeeze %dma_start3A_15 : memref<1x72x128xf32, #tpu.memory_space<vmem>> -> memref<72x128xf32, #tpu.memory_space<vmem>>
    %dma_start3A_17 = arith.constant 128 : i32
    %dma_start3A_18 = tpu.memref_slice %arg5[%dma_start3A_17] : memref<6400xi32, #tpu.memory_space<vmem>> -> memref<72xi32, #tpu.memory_space<vmem>>
    %dma_start3A_19 = arith.constant 0 : i32
    %dma_start3A_20 = arith.constant 0 : i32
    %dma_start3A_21 = tpu.memref_slice %arg2[%dma_start3A_19, %dma_start3A_20] : memref<100000x128xf32, #tpu.memory_space<hbm>> -> memref<100000x128xf32, #tpu.memory_space<hbm>>
    tpu.enqueue_indirect_dma source(%dma_start3A_21 : memref<100000x128xf32, #tpu.memory_space<hbm>>) target(%dma_start3A_16 : memref<72x128xf32, #tpu.memory_space<vmem>>) offsets(%dma_start3A_18 : memref<72xi32, #tpu.memory_space<vmem>>) semaphore(%arg8 : memref<!tpu.dma_semaphore, #tpu.memory_space<semaphore_mem>>)
    %dma_wait3A = arith.constant 0 : i32
    %dma_wait3A_22 = arith.constant 0 : i32
    %dma_wait3A_23 = arith.constant 0 : i32
    %dma_wait3A_24 = tpu.memref_slice %arg6[%dma_wait3A, %dma_wait3A_22, %dma_wait3A_23] : memref<4x128x128xf32, #tpu.memory_space<vmem>> -> memref<1x128x128xf32, #tpu.memory_space<vmem>>
    %dma_wait3A_25 = tpu.memref_squeeze %dma_wait3A_24 : memref<1x128x128xf32, #tpu.memory_space<vmem>> -> memref<128x128xf32, #tpu.memory_space<vmem>>
    %dma_wait3A_26 = arith.constant 0 : i32
    %dma_wait3A_27 = tpu.memref_slice %arg5[%dma_wait3A_26] : memref<6400xi32, #tpu.memory_space<vmem>> -> memref<128xi32, #tpu.memory_space<vmem>>
    %dma_wait3A_28 = arith.constant 0 : i32
    %dma_wait3A_29 = arith.constant 0 : i32
    %dma_wait3A_30 = tpu.memref_slice %arg2[%dma_wait3A_28, %dma_wait3A_29] : memref<100000x128xf32, #tpu.memory_space<hbm>> -> memref<100000x128xf32, #tpu.memory_space<hbm>>
    tpu.wait_indirect_dma semaphore(%arg7 : memref<!tpu.dma_semaphore, #tpu.memory_space<semaphore_mem>>) src(%dma_wait3A_30 : memref<100000x128xf32, #tpu.memory_space<hbm>>) dst(%dma_wait3A_25 : memref<128x128xf32, #tpu.memory_space<vmem>>)
    %add3A_31 = arith.constant 0 : i32
    %add3A_32 = arith.addi %multiple_of3A, %add3A_31 : i32
    %add3A_33 = arith.constant 0 : i32
    %add3A_34 = arith.addi %add3A_32, %add3A_33 : i32
    %multiple_of3A_35 = tpu.assume_multiple %add3A_34, 8 : i32
    %dma_start3A_36 = arith.constant 0 : i32
    %dma_start3A_37 = arith.constant 0 : i32
    %dma_start3A_38 = arith.constant 0 : i32
    %dma_start3A_39 = tpu.memref_slice %arg6[%dma_start3A_36, %dma_start3A_37, %dma_start3A_38] : memref<4x128x128xf32, #tpu.memory_space<vmem>> -> memref<1x128x128xf32, #tpu.memory_space<vmem>>
    %dma_start3A_40 = tpu.memref_squeeze %dma_start3A_39 : memref<1x128x128xf32, #tpu.memory_space<vmem>> -> memref<128x128xf32, #tpu.memory_space<vmem>>
    %dma_start3A_41 = arith.constant 0 : i32
    %dma_start3A_42 = tpu.memref_slice %arg4[%multiple_of3A_35, %dma_start3A_41] : memref<204800x128xf32, #tpu.memory_space<hbm>> -> memref<128x128xf32, #tpu.memory_space<hbm>>
    %dma_start3A_43 = arith.constant 0 : i32
    %dma_start3A_44 = tpu.memref_slice %arg4[%multiple_of3A_35, %dma_start3A_43] : memref<204800x128xf32, #tpu.memory_space<hbm>> -> memref<128x128xf32, #tpu.memory_space<hbm>>
    %dma_start3A_45 = arith.constant 0 : i32
    %dma_start3A_46 = arith.constant 0 : i32
    %dma_start3A_47 = tpu.memref_slice %arg6[%dma_start3A_36, %dma_start3A_45, %dma_start3A_46] : memref<4x128x128xf32, #tpu.memory_space<vmem>> -> memref<1x128x128xf32, #tpu.memory_space<vmem>>
    %dma_start3A_48 = tpu.memref_squeeze %dma_start3A_47 : memref<1x128x128xf32, #tpu.memory_space<vmem>> -> memref<128x128xf32, #tpu.memory_space<vmem>>
    tpu.enqueue_dma source(%dma_start3A_48 : memref<128x128xf32, #tpu.memory_space<vmem>>) target(%dma_start3A_44 : memref<128x128xf32, #tpu.memory_space<hbm>>) target_semaphore(%arg11 : memref<!tpu.dma_semaphore, #tpu.memory_space<semaphore_mem>>)
    %dma_start3A_49 = arith.constant 2 : i32
    %dma_start3A_50 = arith.constant 0 : i32
    %dma_start3A_51 = arith.constant 0 : i32
    %dma_start3A_52 = tpu.memref_slice %arg6[%dma_start3A_49, %dma_start3A_50, %dma_start3A_51] : memref<4x128x128xf32, #tpu.memory_space<vmem>> -> memref<1x128x128xf32, #tpu.memory_space<vmem>>
    %dma_start3A_53 = tpu.memref_squeeze %dma_start3A_52 : memref<1x128x128xf32, #tpu.memory_space<vmem>> -> memref<128x128xf32, #tpu.memory_space<vmem>>
    %dma_start3A_54 = arith.constant 200 : i32
    %dma_start3A_55 = tpu.memref_slice %arg5[%dma_start3A_54] : memref<6400xi32, #tpu.memory_space<vmem>> -> memref<128xi32, #tpu.memory_space<vmem>>
    %dma_start3A_56 = arith.constant 0 : i32
    %dma_start3A_57 = arith.constant 0 : i32
    %dma_start3A_58 = tpu.memref_slice %arg2[%dma_start3A_56, %dma_start3A_57] : memref<100000x128xf32, #tpu.memory_space<hbm>> -> memref<100000x128xf32, #tpu.memory_space<hbm>>
    tpu.enqueue_indirect_dma source(%dma_start3A_58 : memref<100000x128xf32, #tpu.memory_space<hbm>>) target(%dma_start3A_53 : memref<128x128xf32, #tpu.memory_space<vmem>>) offsets(%dma_start3A_55 : memref<128xi32, #tpu.memory_space<vmem>>) semaphore(%arg9 : memref<!tpu.dma_semaphore, #tpu.memory_space<semaphore_mem>>)
    %dma_wait3A_59 = arith.constant 1 : i32
    %dma_wait3A_60 = arith.constant 0 : i32
    %dma_wait3A_61 = arith.constant 0 : i32
    %dma_wait3A_62 = tpu.memref_slice %arg6[%dma_wait3A_59, %dma_wait3A_60, %dma_wait3A_61] : memref<4x128x128xf32, #tpu.memory_space<vmem>> -> memref<1x72x128xf32, #tpu.memory_space<vmem>>
    %dma_wait3A_63 = tpu.memref_squeeze %dma_wait3A_62 : memref<1x72x128xf32, #tpu.memory_space<vmem>> -> memref<72x128xf32, #tpu.memory_space<vmem>>
    %dma_wait3A_64 = arith.constant 128 : i32
    %dma_wait3A_65 = tpu.memref_slice %arg5[%dma_wait3A_64] : memref<6400xi32, #tpu.memory_space<vmem>> -> memref<72xi32, #tpu.memory_space<vmem>>
    %dma_wait3A_66 = arith.constant 0 : i32
    %dma_wait3A_67 = arith.constant 0 : i32
    %dma_wait3A_68 = tpu.memref_slice %arg2[%dma_wait3A_66, %dma_wait3A_67] : memref<100000x128xf32, #tpu.memory_space<hbm>> -> memref<100000x128xf32, #tpu.memory_space<hbm>>
    tpu.wait_indirect_dma semaphore(%arg8 : memref<!tpu.dma_semaphore, #tpu.memory_space<semaphore_mem>>) src(%dma_wait3A_68 : memref<100000x128xf32, #tpu.memory_space<hbm>>) dst(%dma_wait3A_63 : memref<72x128xf32, #tpu.memory_space<vmem>>)
    %add3A_69 = arith.constant 0 : i32
    %add3A_70 = arith.addi %multiple_of3A, %add3A_69 : i32
    %add3A_71 = arith.constant 128 : i32
    %add3A_72 = arith.addi %add3A_70, %add3A_71 : i32
    %multiple_of3A_73 = tpu.assume_multiple %add3A_72, 8 : i32
    %dma_start3A_74 = arith.constant 1 : i32
    %dma_start3A_75 = arith.constant 0 : i32
    %dma_start3A_76 = arith.constant 0 : i32
    %dma_start3A_77 = tpu.memref_slice %arg6[%dma_start3A_74, %dma_start3A_75, %dma_start3A_76] : memref<4x128x128xf32, #tpu.memory_space<vmem>> -> memref<1x72x128xf32, #tpu.memory_space<vmem>>
    %dma_start3A_78 = tpu.memref_squeeze %dma_start3A_77 : memref<1x72x128xf32, #tpu.memory_space<vmem>> -> memref<72x128xf32, #tpu.memory_space<vmem>>
    %dma_start3A_79 = arith.constant 0 : i32
    %dma_start3A_80 = tpu.memref_slice %arg4[%multiple_of3A_73, %dma_start3A_79] : memref<204800x128xf32, #tpu.memory_space<hbm>> -> memref<72x128xf32, #tpu.memory_space<hbm>>
    %dma_start3A_81 = arith.constant 0 : i32
    %dma_start3A_82 = tpu.memref_slice %arg4[%multiple_of3A_73, %dma_start3A_81] : memref<204800x128xf32, #tpu.memory_space<hbm>> -> memref<72x128xf32, #tpu.memory_space<hbm>>
    %dma_start3A_83 = arith.constant 0 : i32
    %dma_start3A_84 = arith.constant 0 : i32
    %dma_start3A_85 = tpu.memref_slice %arg6[%dma_start3A_74, %dma_start3A_83, %dma_start3A_84] : memref<4x128x128xf32, #tpu.memory_space<vmem>> -> memref<1x72x128xf32, #tpu.memory_space<vmem>>
    %dma_start3A_86 = tpu.memref_squeeze %dma_start3A_85 : memref<1x72x128xf32, #tpu.memory_space<vmem>> -> memref<72x128xf32, #tpu.memory_space<vmem>>
    tpu.enqueue_dma source(%dma_start3A_86 : memref<72x128xf32, #tpu.memory_space<vmem>>) target(%dma_start3A_82 : memref<72x128xf32, #tpu.memory_space<hbm>>) target_semaphore(%arg12 : memref<!tpu.dma_semaphore, #tpu.memory_space<semaphore_mem>>)
    %dma_start3A_87 = arith.constant 3 : i32
    %dma_start3A_88 = arith.constant 0 : i32
    %dma_start3A_89 = arith.constant 0 : i32
    %dma_start3A_90 = tpu.memref_slice %arg6[%dma_start3A_87, %dma_start3A_88, %dma_start3A_89] : memref<4x128x128xf32, #tpu.memory_space<vmem>> -> memref<1x72x128xf32, #tpu.memory_space<vmem>>
    %dma_start3A_91 = tpu.memref_squeeze %dma_start3A_90 : memref<1x72x128xf32, #tpu.memory_space<vmem>> -> memref<72x128xf32, #tpu.memory_space<vmem>>
    %dma_start3A_92 = arith.constant 328 : i32
    %dma_start3A_93 = tpu.memref_slice %arg5[%dma_start3A_92] : memref<6400xi32, #tpu.memory_space<vmem>> -> memref<72xi32, #tpu.memory_space<vmem>>
    %dma_start3A_94 = arith.constant 0 : i32
    %dma_start3A_95 = arith.constant 0 : i32
    %dma_start3A_96 = tpu.memref_slice %arg2[%dma_start3A_94, %dma_start3A_95] : memref<100000x128xf32, #tpu.memory_space<hbm>> -> memref<100000x128xf32, #tpu.memory_space<hbm>>
    tpu.enqueue_indirect_dma source(%dma_start3A_96 : memref<100000x128xf32, #tpu.memory_space<hbm>>) target(%dma_start3A_91 : memref<72x128xf32, #tpu.memory_space<vmem>>) offsets(%dma_start3A_93 : memref<72xi32, #tpu.memory_space<vmem>>) semaphore(%arg10 : memref<!tpu.dma_semaphore, #tpu.memory_space<semaphore_mem>>)
    %scan3A = arith.constant 0 : i32
    %scan3A_97 = arith.constant 15 : i32
    %scan3A_98 = arith.addi %scan3A, %scan3A_97 : i32
    %scan3A_99 = arith.constant 1 : i32
    scf.for %scan3A_229 = %scan3A to %scan3A_98 step %scan3A_99  : i32 {
      %mul3A_230 = arith.constant 1 : i32
      %mul3A_231 = arith.muli %scan3A_229, %mul3A_230 : i32
      %add3A_232 = arith.constant 0 : i32
      %add3A_233 = arith.addi %add3A_232, %mul3A_231 : i32
      %mul3A_234 = arith.constant 2 : i32
      %mul3A_235 = arith.muli %mul3A_234, %add3A_233 : i32
      %add3A_236 = arith.constant 1 : i32
      %add3A_237 = arith.addi %add3A_236, %mul3A_235 : i32
      %add3A_238 = arith.constant 0 : i32
      %add3A_239 = arith.addi %add3A_237, %add3A_238 : i32
      %mul3A_240 = arith.constant 200 : i32
      %mul3A_241 = arith.muli %add3A_239, %mul3A_240 : i32
      %add3A_242 = arith.constant 0 : i32
      %add3A_243 = arith.addi %mul3A_241, %add3A_242 : i32
      %dma_wait3A_244 = arith.constant 2 : i32
      %dma_wait3A_245 = arith.constant 0 : i32
      %dma_wait3A_246 = arith.constant 0 : i32
      %dma_wait3A_247 = tpu.memref_slice %arg6[%dma_wait3A_244, %dma_wait3A_245, %dma_wait3A_246] : memref<4x128x128xf32, #tpu.memory_space<vmem>> -> memref<1x128x128xf32, #tpu.memory_space<vmem>>
      %dma_wait3A_248 = tpu.memref_squeeze %dma_wait3A_247 : memref<1x128x128xf32, #tpu.memory_space<vmem>> -> memref<128x128xf32, #tpu.memory_space<vmem>>
      %dma_wait3A_249 = tpu.memref_slice %arg5[%add3A_243] : memref<6400xi32, #tpu.memory_space<vmem>> -> memref<128xi32, #tpu.memory_space<vmem>>
      %dma_wait3A_250 = arith.constant 0 : i32
      %dma_wait3A_251 = arith.constant 0 : i32
      %dma_wait3A_252 = tpu.memref_slice %arg2[%dma_wait3A_250, %dma_wait3A_251] : memref<100000x128xf32, #tpu.memory_space<hbm>> -> memref<100000x128xf32, #tpu.memory_space<hbm>>
      tpu.wait_indirect_dma semaphore(%arg9 : memref<!tpu.dma_semaphore, #tpu.memory_space<semaphore_mem>>) src(%dma_wait3A_252 : memref<100000x128xf32, #tpu.memory_space<hbm>>) dst(%dma_wait3A_248 : memref<128x128xf32, #tpu.memory_space<vmem>>)
      %mul3A_253 = arith.constant 200 : i32
      %mul3A_254 = arith.muli %add3A_239, %mul3A_253 : i32
      %add3A_255 = arith.addi %multiple_of3A, %mul3A_254 : i32
      %add3A_256 = arith.constant 0 : i32
      %add3A_257 = arith.addi %add3A_255, %add3A_256 : i32
      %multiple_of3A_258 = tpu.assume_multiple %add3A_257, 8 : i32
      %dma_start3A_259 = arith.constant 2 : i32
      %dma_start3A_260 = arith.constant 0 : i32
      %dma_start3A_261 = arith.constant 0 : i32
      %dma_start3A_262 = tpu.memref_slice %arg6[%dma_start3A_259, %dma_start3A_260, %dma_start3A_261] : memref<4x128x128xf32, #tpu.memory_space<vmem>> -> memref<1x128x128xf32, #tpu.memory_space<vmem>>
      %dma_start3A_263 = tpu.memref_squeeze %dma_start3A_262 : memref<1x128x128xf32, #tpu.memory_space<vmem>> -> memref<128x128xf32, #tpu.memory_space<vmem>>
      %dma_start3A_264 = arith.constant 0 : i32
      %dma_start3A_265 = tpu.memref_slice %arg4[%multiple_of3A_258, %dma_start3A_264] : memref<204800x128xf32, #tpu.memory_space<hbm>> -> memref<128x128xf32, #tpu.memory_space<hbm>>
      %dma_start3A_266 = arith.constant 0 : i32
      %dma_start3A_267 = tpu.memref_slice %arg4[%multiple_of3A_258, %dma_start3A_266] : memref<204800x128xf32, #tpu.memory_space<hbm>> -> memref<128x128xf32, #tpu.memory_space<hbm>>
      %dma_start3A_268 = arith.constant 0 : i32
      %dma_start3A_269 = arith.constant 0 : i32
      %dma_start3A_270 = tpu.memref_slice %arg6[%dma_start3A_259, %dma_start3A_268, %dma_start3A_269] : memref<4x128x128xf32, #tpu.memory_space<vmem>> -> memref<1x128x128xf32, #tpu.memory_space<vmem>>
      %dma_start3A_271 = tpu.memref_squeeze %dma_start3A_270 : memref<1x128x128xf32, #tpu.memory_space<vmem>> -> memref<128x128xf32, #tpu.memory_space<vmem>>
      tpu.enqueue_dma source(%dma_start3A_271 : memref<128x128xf32, #tpu.memory_space<vmem>>) target(%dma_start3A_267 : memref<128x128xf32, #tpu.memory_space<hbm>>) target_semaphore(%arg13 : memref<!tpu.dma_semaphore, #tpu.memory_space<semaphore_mem>>)
      %sub3A = arith.constant 1 : i32
      %sub3A_272 = arith.subi %add3A_239, %sub3A : i32
      %mul3A_273 = arith.constant 200 : i32
      %mul3A_274 = arith.muli %sub3A_272, %mul3A_273 : i32
      %add3A_275 = arith.addi %multiple_of3A, %mul3A_274 : i32
      %add3A_276 = arith.constant 0 : i32
      %add3A_277 = arith.addi %add3A_275, %add3A_276 : i32
      %multiple_of3A_278 = tpu.assume_multiple %add3A_277, 8 : i32
      %dma_wait3A_279 = arith.constant 0 : i32
      %dma_wait3A_280 = arith.constant 0 : i32
      %dma_wait3A_281 = arith.constant 0 : i32
      %dma_wait3A_282 = tpu.memref_slice %arg6[%dma_wait3A_279, %dma_wait3A_280, %dma_wait3A_281] : memref<4x128x128xf32, #tpu.memory_space<vmem>> -> memref<1x128x128xf32, #tpu.memory_space<vmem>>
      %dma_wait3A_283 = tpu.memref_squeeze %dma_wait3A_282 : memref<1x128x128xf32, #tpu.memory_space<vmem>> -> memref<128x128xf32, #tpu.memory_space<vmem>>
      %dma_wait3A_284 = arith.constant 0 : i32
      %dma_wait3A_285 = tpu.memref_slice %arg4[%multiple_of3A_278, %dma_wait3A_284] : memref<204800x128xf32, #tpu.memory_space<hbm>> -> memref<128x128xf32, #tpu.memory_space<hbm>>
      %dma_wait3A_286 = arith.constant 0 : i32
      %dma_wait3A_287 = tpu.memref_slice %arg4[%multiple_of3A_278, %dma_wait3A_286] : memref<204800x128xf32, #tpu.memory_space<hbm>> -> memref<128x128xf32, #tpu.memory_space<hbm>>
      %dma_wait3A_288 = arith.constant 0 : i32
      %dma_wait3A_289 = arith.constant 0 : i32
      %dma_wait3A_290 = tpu.memref_slice %arg6[%dma_wait3A_279, %dma_wait3A_288, %dma_wait3A_289] : memref<4x128x128xf32, #tpu.memory_space<vmem>> -> memref<1x128x128xf32, #tpu.memory_space<vmem>>
      %dma_wait3A_291 = tpu.memref_squeeze %dma_wait3A_290 : memref<1x128x128xf32, #tpu.memory_space<vmem>> -> memref<128x128xf32, #tpu.memory_space<vmem>>
      tpu.wait_dma2 semaphore(%arg11 : memref<!tpu.dma_semaphore, #tpu.memory_space<semaphore_mem>>) src(%dma_wait3A_291 : memref<128x128xf32, #tpu.memory_space<vmem>>) dst(%dma_wait3A_287 : memref<128x128xf32, #tpu.memory_space<hbm>>)
      %add3A_292 = arith.constant 1 : i32
      %add3A_293 = arith.addi %add3A_239, %add3A_292 : i32
      %mul3A_294 = arith.constant 200 : i32
      %mul3A_295 = arith.muli %add3A_293, %mul3A_294 : i32
      %add3A_296 = arith.constant 0 : i32
      %add3A_297 = arith.addi %mul3A_295, %add3A_296 : i32
      %dma_start3A_298 = arith.constant 0 : i32
      %dma_start3A_299 = arith.constant 0 : i32
      %dma_start3A_300 = arith.constant 0 : i32
      %dma_start3A_301 = tpu.memref_slice %arg6[%dma_start3A_298, %dma_start3A_299, %dma_start3A_300] : memref<4x128x128xf32, #tpu.memory_space<vmem>> -> memref<1x128x128xf32, #tpu.memory_space<vmem>>
      %dma_start3A_302 = tpu.memref_squeeze %dma_start3A_301 : memref<1x128x128xf32, #tpu.memory_space<vmem>> -> memref<128x128xf32, #tpu.memory_space<vmem>>
      %dma_start3A_303 = tpu.memref_slice %arg5[%add3A_297] : memref<6400xi32, #tpu.memory_space<vmem>> -> memref<128xi32, #tpu.memory_space<vmem>>
      %dma_start3A_304 = arith.constant 0 : i32
      %dma_start3A_305 = arith.constant 0 : i32
      %dma_start3A_306 = tpu.memref_slice %arg2[%dma_start3A_304, %dma_start3A_305] : memref<100000x128xf32, #tpu.memory_space<hbm>> -> memref<100000x128xf32, #tpu.memory_space<hbm>>
      tpu.enqueue_indirect_dma source(%dma_start3A_306 : memref<100000x128xf32, #tpu.memory_space<hbm>>) target(%dma_start3A_302 : memref<128x128xf32, #tpu.memory_space<vmem>>) offsets(%dma_start3A_303 : memref<128xi32, #tpu.memory_space<vmem>>) semaphore(%arg7 : memref<!tpu.dma_semaphore, #tpu.memory_space<semaphore_mem>>)
      %mul3A_307 = arith.constant 2 : i32
      %mul3A_308 = arith.muli %mul3A_307, %add3A_233 : i32
      %add3A_309 = arith.constant 1 : i32
      %add3A_310 = arith.addi %add3A_309, %mul3A_308 : i32
      %add3A_311 = arith.constant 0 : i32
      %add3A_312 = arith.addi %add3A_310, %add3A_311 : i32
      %mul3A_313 = arith.constant 200 : i32
      %mul3A_314 = arith.muli %add3A_312, %mul3A_313 : i32
      %add3A_315 = arith.constant 128 : i32
      %add3A_316 = arith.addi %mul3A_314, %add3A_315 : i32
      %dma_wait3A_317 = arith.constant 3 : i32
      %dma_wait3A_318 = arith.constant 0 : i32
      %dma_wait3A_319 = arith.constant 0 : i32
      %dma_wait3A_320 = tpu.memref_slice %arg6[%dma_wait3A_317, %dma_wait3A_318, %dma_wait3A_319] : memref<4x128x128xf32, #tpu.memory_space<vmem>> -> memref<1x72x128xf32, #tpu.memory_space<vmem>>
      %dma_wait3A_321 = tpu.memref_squeeze %dma_wait3A_320 : memref<1x72x128xf32, #tpu.memory_space<vmem>> -> memref<72x128xf32, #tpu.memory_space<vmem>>
      %dma_wait3A_322 = tpu.memref_slice %arg5[%add3A_316] : memref<6400xi32, #tpu.memory_space<vmem>> -> memref<72xi32, #tpu.memory_space<vmem>>
      %dma_wait3A_323 = arith.constant 0 : i32
      %dma_wait3A_324 = arith.constant 0 : i32
      %dma_wait3A_325 = tpu.memref_slice %arg2[%dma_wait3A_323, %dma_wait3A_324] : memref<100000x128xf32, #tpu.memory_space<hbm>> -> memref<100000x128xf32, #tpu.memory_space<hbm>>
      tpu.wait_indirect_dma semaphore(%arg10 : memref<!tpu.dma_semaphore, #tpu.memory_space<semaphore_mem>>) src(%dma_wait3A_325 : memref<100000x128xf32, #tpu.memory_space<hbm>>) dst(%dma_wait3A_321 : memref<72x128xf32, #tpu.memory_space<vmem>>)
      %mul3A_326 = arith.constant 200 : i32
      %mul3A_327 = arith.muli %add3A_312, %mul3A_326 : i32
      %add3A_328 = arith.addi %multiple_of3A, %mul3A_327 : i32
      %add3A_329 = arith.constant 128 : i32
      %add3A_330 = arith.addi %add3A_328, %add3A_329 : i32
      %multiple_of3A_331 = tpu.assume_multiple %add3A_330, 8 : i32
      %dma_start3A_332 = arith.constant 3 : i32
      %dma_start3A_333 = arith.constant 0 : i32
      %dma_start3A_334 = arith.constant 0 : i32
      %dma_start3A_335 = tpu.memref_slice %arg6[%dma_start3A_332, %dma_start3A_333, %dma_start3A_334] : memref<4x128x128xf32, #tpu.memory_space<vmem>> -> memref<1x72x128xf32, #tpu.memory_space<vmem>>
      %dma_start3A_336 = tpu.memref_squeeze %dma_start3A_335 : memref<1x72x128xf32, #tpu.memory_space<vmem>> -> memref<72x128xf32, #tpu.memory_space<vmem>>
      %dma_start3A_337 = arith.constant 0 : i32
      %dma_start3A_338 = tpu.memref_slice %arg4[%multiple_of3A_331, %dma_start3A_337] : memref<204800x128xf32, #tpu.memory_space<hbm>> -> memref<72x128xf32, #tpu.memory_space<hbm>>
      %dma_start3A_339 = arith.constant 0 : i32
      %dma_start3A_340 = tpu.memref_slice %arg4[%multiple_of3A_331, %dma_start3A_339] : memref<204800x128xf32, #tpu.memory_space<hbm>> -> memref<72x128xf32, #tpu.memory_space<hbm>>
      %dma_start3A_341 = arith.constant 0 : i32
      %dma_start3A_342 = arith.constant 0 : i32
      %dma_start3A_343 = tpu.memref_slice %arg6[%dma_start3A_332, %dma_start3A_341, %dma_start3A_342] : memref<4x128x128xf32, #tpu.memory_space<vmem>> -> memref<1x72x128xf32, #tpu.memory_space<vmem>>
      %dma_start3A_344 = tpu.memref_squeeze %dma_start3A_343 : memref<1x72x128xf32, #tpu.memory_space<vmem>> -> memref<72x128xf32, #tpu.memory_space<vmem>>
      tpu.enqueue_dma source(%dma_start3A_344 : memref<72x128xf32, #tpu.memory_space<vmem>>) target(%dma_start3A_340 : memref<72x128xf32, #tpu.memory_space<hbm>>) target_semaphore(%arg14 : memref<!tpu.dma_semaphore, #tpu.memory_space<semaphore_mem>>)
      %sub3A_345 = arith.constant 1 : i32
      %sub3A_346 = arith.subi %add3A_312, %sub3A_345 : i32
      %mul3A_347 = arith.constant 200 : i32
      %mul3A_348 = arith.muli %sub3A_346, %mul3A_347 : i32
      %add3A_349 = arith.addi %multiple_of3A, %mul3A_348 : i32
      %add3A_350 = arith.constant 128 : i32
      %add3A_351 = arith.addi %add3A_349, %add3A_350 : i32
      %multiple_of3A_352 = tpu.assume_multiple %add3A_351, 8 : i32
      %dma_wait3A_353 = arith.constant 1 : i32
      %dma_wait3A_354 = arith.constant 0 : i32
      %dma_wait3A_355 = arith.constant 0 : i32
      %dma_wait3A_356 = tpu.memref_slice %arg6[%dma_wait3A_353, %dma_wait3A_354, %dma_wait3A_355] : memref<4x128x128xf32, #tpu.memory_space<vmem>> -> memref<1x72x128xf32, #tpu.memory_space<vmem>>
      %dma_wait3A_357 = tpu.memref_squeeze %dma_wait3A_356 : memref<1x72x128xf32, #tpu.memory_space<vmem>> -> memref<72x128xf32, #tpu.memory_space<vmem>>
      %dma_wait3A_358 = arith.constant 0 : i32
      %dma_wait3A_359 = tpu.memref_slice %arg4[%multiple_of3A_352, %dma_wait3A_358] : memref<204800x128xf32, #tpu.memory_space<hbm>> -> memref<72x128xf32, #tpu.memory_space<hbm>>
      %dma_wait3A_360 = arith.constant 0 : i32
      %dma_wait3A_361 = tpu.memref_slice %arg4[%multiple_of3A_352, %dma_wait3A_360] : memref<204800x128xf32, #tpu.memory_space<hbm>> -> memref<72x128xf32, #tpu.memory_space<hbm>>
      %dma_wait3A_362 = arith.constant 0 : i32
      %dma_wait3A_363 = arith.constant 0 : i32
      %dma_wait3A_364 = tpu.memref_slice %arg6[%dma_wait3A_353, %dma_wait3A_362, %dma_wait3A_363] : memref<4x128x128xf32, #tpu.memory_space<vmem>> -> memref<1x72x128xf32, #tpu.memory_space<vmem>>
      %dma_wait3A_365 = tpu.memref_squeeze %dma_wait3A_364 : memref<1x72x128xf32, #tpu.memory_space<vmem>> -> memref<72x128xf32, #tpu.memory_space<vmem>>
      tpu.wait_dma2 semaphore(%arg12 : memref<!tpu.dma_semaphore, #tpu.memory_space<semaphore_mem>>) src(%dma_wait3A_365 : memref<72x128xf32, #tpu.memory_space<vmem>>) dst(%dma_wait3A_361 : memref<72x128xf32, #tpu.memory_space<hbm>>)
      %add3A_366 = arith.constant 1 : i32
      %add3A_367 = arith.addi %add3A_312, %add3A_366 : i32
      %mul3A_368 = arith.constant 200 : i32
      %mul3A_369 = arith.muli %add3A_367, %mul3A_368 : i32
      %add3A_370 = arith.constant 128 : i32
      %add3A_371 = arith.addi %mul3A_369, %add3A_370 : i32
      %dma_start3A_372 = arith.constant 1 : i32
      %dma_start3A_373 = arith.constant 0 : i32
      %dma_start3A_374 = arith.constant 0 : i32
      %dma_start3A_375 = tpu.memref_slice %arg6[%dma_start3A_372, %dma_start3A_373, %dma_start3A_374] : memref<4x128x128xf32, #tpu.memory_space<vmem>> -> memref<1x72x128xf32, #tpu.memory_space<vmem>>
      %dma_start3A_376 = tpu.memref_squeeze %dma_start3A_375 : memref<1x72x128xf32, #tpu.memory_space<vmem>> -> memref<72x128xf32, #tpu.memory_space<vmem>>
      %dma_start3A_377 = tpu.memref_slice %arg5[%add3A_371] : memref<6400xi32, #tpu.memory_space<vmem>> -> memref<72xi32, #tpu.memory_space<vmem>>
      %dma_start3A_378 = arith.constant 0 : i32
      %dma_start3A_379 = arith.constant 0 : i32
      %dma_start3A_380 = tpu.memref_slice %arg2[%dma_start3A_378, %dma_start3A_379] : memref<100000x128xf32, #tpu.memory_space<hbm>> -> memref<100000x128xf32, #tpu.memory_space<hbm>>
      tpu.enqueue_indirect_dma source(%dma_start3A_380 : memref<100000x128xf32, #tpu.memory_space<hbm>>) target(%dma_start3A_376 : memref<72x128xf32, #tpu.memory_space<vmem>>) offsets(%dma_start3A_377 : memref<72xi32, #tpu.memory_space<vmem>>) semaphore(%arg8 : memref<!tpu.dma_semaphore, #tpu.memory_space<semaphore_mem>>)
      %mul3A_381 = arith.constant 2 : i32
      %mul3A_382 = arith.muli %mul3A_381, %add3A_233 : i32
      %add3A_383 = arith.constant 1 : i32
      %add3A_384 = arith.addi %add3A_383, %mul3A_382 : i32
      %add3A_385 = arith.constant 1 : i32
      %add3A_386 = arith.addi %add3A_384, %add3A_385 : i32
      %mul3A_387 = arith.constant 200 : i32
      %mul3A_388 = arith.muli %add3A_386, %mul3A_387 : i32
      %add3A_389 = arith.constant 0 : i32
      %add3A_390 = arith.addi %mul3A_388, %add3A_389 : i32
      %dma_wait3A_391 = arith.constant 0 : i32
      %dma_wait3A_392 = arith.constant 0 : i32
      %dma_wait3A_393 = arith.constant 0 : i32
      %dma_wait3A_394 = tpu.memref_slice %arg6[%dma_wait3A_391, %dma_wait3A_392, %dma_wait3A_393] : memref<4x128x128xf32, #tpu.memory_space<vmem>> -> memref<1x128x128xf32, #tpu.memory_space<vmem>>
      %dma_wait3A_395 = tpu.memref_squeeze %dma_wait3A_394 : memref<1x128x128xf32, #tpu.memory_space<vmem>> -> memref<128x128xf32, #tpu.memory_space<vmem>>
      %dma_wait3A_396 = tpu.memref_slice %arg5[%add3A_390] : memref<6400xi32, #tpu.memory_space<vmem>> -> memref<128xi32, #tpu.memory_space<vmem>>
      %dma_wait3A_397 = arith.constant 0 : i32
      %dma_wait3A_398 = arith.constant 0 : i32
      %dma_wait3A_399 = tpu.memref_slice %arg2[%dma_wait3A_397, %dma_wait3A_398] : memref<100000x128xf32, #tpu.memory_space<hbm>> -> memref<100000x128xf32, #tpu.memory_space<hbm>>
      tpu.wait_indirect_dma semaphore(%arg7 : memref<!tpu.dma_semaphore, #tpu.memory_space<semaphore_mem>>) src(%dma_wait3A_399 : memref<100000x128xf32, #tpu.memory_space<hbm>>) dst(%dma_wait3A_395 : memref<128x128xf32, #tpu.memory_space<vmem>>)
      %mul3A_400 = arith.constant 200 : i32
      %mul3A_401 = arith.muli %add3A_386, %mul3A_400 : i32
      %add3A_402 = arith.addi %multiple_of3A, %mul3A_401 : i32
      %add3A_403 = arith.constant 0 : i32
      %add3A_404 = arith.addi %add3A_402, %add3A_403 : i32
      %multiple_of3A_405 = tpu.assume_multiple %add3A_404, 8 : i32
      %dma_start3A_406 = arith.constant 0 : i32
      %dma_start3A_407 = arith.constant 0 : i32
      %dma_start3A_408 = arith.constant 0 : i32
      %dma_start3A_409 = tpu.memref_slice %arg6[%dma_start3A_406, %dma_start3A_407, %dma_start3A_408] : memref<4x128x128xf32, #tpu.memory_space<vmem>> -> memref<1x128x128xf32, #tpu.memory_space<vmem>>
      %dma_start3A_410 = tpu.memref_squeeze %dma_start3A_409 : memref<1x128x128xf32, #tpu.memory_space<vmem>> -> memref<128x128xf32, #tpu.memory_space<vmem>>
      %dma_start3A_411 = arith.constant 0 : i32
      %dma_start3A_412 = tpu.memref_slice %arg4[%multiple_of3A_405, %dma_start3A_411] : memref<204800x128xf32, #tpu.memory_space<hbm>> -> memref<128x128xf32, #tpu.memory_space<hbm>>
      %dma_start3A_413 = arith.constant 0 : i32
      %dma_start3A_414 = tpu.memref_slice %arg4[%multiple_of3A_405, %dma_start3A_413] : memref<204800x128xf32, #tpu.memory_space<hbm>> -> memref<128x128xf32, #tpu.memory_space<hbm>>
      %dma_start3A_415 = arith.constant 0 : i32
      %dma_start3A_416 = arith.constant 0 : i32
      %dma_start3A_417 = tpu.memref_slice %arg6[%dma_start3A_406, %dma_start3A_415, %dma_start3A_416] : memref<4x128x128xf32, #tpu.memory_space<vmem>> -> memref<1x128x128xf32, #tpu.memory_space<vmem>>
      %dma_start3A_418 = tpu.memref_squeeze %dma_start3A_417 : memref<1x128x128xf32, #tpu.memory_space<vmem>> -> memref<128x128xf32, #tpu.memory_space<vmem>>
      tpu.enqueue_dma source(%dma_start3A_418 : memref<128x128xf32, #tpu.memory_space<vmem>>) target(%dma_start3A_414 : memref<128x128xf32, #tpu.memory_space<hbm>>) target_semaphore(%arg11 : memref<!tpu.dma_semaphore, #tpu.memory_space<semaphore_mem>>)
      %sub3A_419 = arith.constant 1 : i32
      %sub3A_420 = arith.subi %add3A_386, %sub3A_419 : i32
      %mul3A_421 = arith.constant 200 : i32
      %mul3A_422 = arith.muli %sub3A_420, %mul3A_421 : i32
      %add3A_423 = arith.addi %multiple_of3A, %mul3A_422 : i32
      %add3A_424 = arith.constant 0 : i32
      %add3A_425 = arith.addi %add3A_423, %add3A_424 : i32
      %multiple_of3A_426 = tpu.assume_multiple %add3A_425, 8 : i32
      %dma_wait3A_427 = arith.constant 2 : i32
      %dma_wait3A_428 = arith.constant 0 : i32
      %dma_wait3A_429 = arith.constant 0 : i32
      %dma_wait3A_430 = tpu.memref_slice %arg6[%dma_wait3A_427, %dma_wait3A_428, %dma_wait3A_429] : memref<4x128x128xf32, #tpu.memory_space<vmem>> -> memref<1x128x128xf32, #tpu.memory_space<vmem>>
      %dma_wait3A_431 = tpu.memref_squeeze %dma_wait3A_430 : memref<1x128x128xf32, #tpu.memory_space<vmem>> -> memref<128x128xf32, #tpu.memory_space<vmem>>
      %dma_wait3A_432 = arith.constant 0 : i32
      %dma_wait3A_433 = tpu.memref_slice %arg4[%multiple_of3A_426, %dma_wait3A_432] : memref<204800x128xf32, #tpu.memory_space<hbm>> -> memref<128x128xf32, #tpu.memory_space<hbm>>
      %dma_wait3A_434 = arith.constant 0 : i32
      %dma_wait3A_435 = tpu.memref_slice %arg4[%multiple_of3A_426, %dma_wait3A_434] : memref<204800x128xf32, #tpu.memory_space<hbm>> -> memref<128x128xf32, #tpu.memory_space<hbm>>
      %dma_wait3A_436 = arith.constant 0 : i32
      %dma_wait3A_437 = arith.constant 0 : i32
      %dma_wait3A_438 = tpu.memref_slice %arg6[%dma_wait3A_427, %dma_wait3A_436, %dma_wait3A_437] : memref<4x128x128xf32, #tpu.memory_space<vmem>> -> memref<1x128x128xf32, #tpu.memory_space<vmem>>
      %dma_wait3A_439 = tpu.memref_squeeze %dma_wait3A_438 : memref<1x128x128xf32, #tpu.memory_space<vmem>> -> memref<128x128xf32, #tpu.memory_space<vmem>>
      tpu.wait_dma2 semaphore(%arg13 : memref<!tpu.dma_semaphore, #tpu.memory_space<semaphore_mem>>) src(%dma_wait3A_439 : memref<128x128xf32, #tpu.memory_space<vmem>>) dst(%dma_wait3A_435 : memref<128x128xf32, #tpu.memory_space<hbm>>)
      %add3A_440 = arith.constant 1 : i32
      %add3A_441 = arith.addi %add3A_386, %add3A_440 : i32
      %mul3A_442 = arith.constant 200 : i32
      %mul3A_443 = arith.muli %add3A_441, %mul3A_442 : i32
      %add3A_444 = arith.constant 0 : i32
      %add3A_445 = arith.addi %mul3A_443, %add3A_444 : i32
      %dma_start3A_446 = arith.constant 2 : i32
      %dma_start3A_447 = arith.constant 0 : i32
      %dma_start3A_448 = arith.constant 0 : i32
      %dma_start3A_449 = tpu.memref_slice %arg6[%dma_start3A_446, %dma_start3A_447, %dma_start3A_448] : memref<4x128x128xf32, #tpu.memory_space<vmem>> -> memref<1x128x128xf32, #tpu.memory_space<vmem>>
      %dma_start3A_450 = tpu.memref_squeeze %dma_start3A_449 : memref<1x128x128xf32, #tpu.memory_space<vmem>> -> memref<128x128xf32, #tpu.memory_space<vmem>>
      %dma_start3A_451 = tpu.memref_slice %arg5[%add3A_445] : memref<6400xi32, #tpu.memory_space<vmem>> -> memref<128xi32, #tpu.memory_space<vmem>>
      %dma_start3A_452 = arith.constant 0 : i32
      %dma_start3A_453 = arith.constant 0 : i32
      %dma_start3A_454 = tpu.memref_slice %arg2[%dma_start3A_452, %dma_start3A_453] : memref<100000x128xf32, #tpu.memory_space<hbm>> -> memref<100000x128xf32, #tpu.memory_space<hbm>>
      tpu.enqueue_indirect_dma source(%dma_start3A_454 : memref<100000x128xf32, #tpu.memory_space<hbm>>) target(%dma_start3A_450 : memref<128x128xf32, #tpu.memory_space<vmem>>) offsets(%dma_start3A_451 : memref<128xi32, #tpu.memory_space<vmem>>) semaphore(%arg9 : memref<!tpu.dma_semaphore, #tpu.memory_space<semaphore_mem>>)
      %mul3A_455 = arith.constant 2 : i32
      %mul3A_456 = arith.muli %mul3A_455, %add3A_233 : i32
      %add3A_457 = arith.constant 1 : i32
      %add3A_458 = arith.addi %add3A_457, %mul3A_456 : i32
      %add3A_459 = arith.constant 1 : i32
      %add3A_460 = arith.addi %add3A_458, %add3A_459 : i32
      %mul3A_461 = arith.constant 200 : i32
      %mul3A_462 = arith.muli %add3A_460, %mul3A_461 : i32
      %add3A_463 = arith.constant 128 : i32
      %add3A_464 = arith.addi %mul3A_462, %add3A_463 : i32
      %dma_wait3A_465 = arith.constant 1 : i32
      %dma_wait3A_466 = arith.constant 0 : i32
      %dma_wait3A_467 = arith.constant 0 : i32
      %dma_wait3A_468 = tpu.memref_slice %arg6[%dma_wait3A_465, %dma_wait3A_466, %dma_wait3A_467] : memref<4x128x128xf32, #tpu.memory_space<vmem>> -> memref<1x72x128xf32, #tpu.memory_space<vmem>>
      %dma_wait3A_469 = tpu.memref_squeeze %dma_wait3A_468 : memref<1x72x128xf32, #tpu.memory_space<vmem>> -> memref<72x128xf32, #tpu.memory_space<vmem>>
      %dma_wait3A_470 = tpu.memref_slice %arg5[%add3A_464] : memref<6400xi32, #tpu.memory_space<vmem>> -> memref<72xi32, #tpu.memory_space<vmem>>
      %dma_wait3A_471 = arith.constant 0 : i32
      %dma_wait3A_472 = arith.constant 0 : i32
      %dma_wait3A_473 = tpu.memref_slice %arg2[%dma_wait3A_471, %dma_wait3A_472] : memref<100000x128xf32, #tpu.memory_space<hbm>> -> memref<100000x128xf32, #tpu.memory_space<hbm>>
      tpu.wait_indirect_dma semaphore(%arg8 : memref<!tpu.dma_semaphore, #tpu.memory_space<semaphore_mem>>) src(%dma_wait3A_473 : memref<100000x128xf32, #tpu.memory_space<hbm>>) dst(%dma_wait3A_469 : memref<72x128xf32, #tpu.memory_space<vmem>>)
      %mul3A_474 = arith.constant 200 : i32
      %mul3A_475 = arith.muli %add3A_460, %mul3A_474 : i32
      %add3A_476 = arith.addi %multiple_of3A, %mul3A_475 : i32
      %add3A_477 = arith.constant 128 : i32
      %add3A_478 = arith.addi %add3A_476, %add3A_477 : i32
      %multiple_of3A_479 = tpu.assume_multiple %add3A_478, 8 : i32
      %dma_start3A_480 = arith.constant 1 : i32
      %dma_start3A_481 = arith.constant 0 : i32
      %dma_start3A_482 = arith.constant 0 : i32
      %dma_start3A_483 = tpu.memref_slice %arg6[%dma_start3A_480, %dma_start3A_481, %dma_start3A_482] : memref<4x128x128xf32, #tpu.memory_space<vmem>> -> memref<1x72x128xf32, #tpu.memory_space<vmem>>
      %dma_start3A_484 = tpu.memref_squeeze %dma_start3A_483 : memref<1x72x128xf32, #tpu.memory_space<vmem>> -> memref<72x128xf32, #tpu.memory_space<vmem>>
      %dma_start3A_485 = arith.constant 0 : i32
      %dma_start3A_486 = tpu.memref_slice %arg4[%multiple_of3A_479, %dma_start3A_485] : memref<204800x128xf32, #tpu.memory_space<hbm>> -> memref<72x128xf32, #tpu.memory_space<hbm>>
      %dma_start3A_487 = arith.constant 0 : i32
      %dma_start3A_488 = tpu.memref_slice %arg4[%multiple_of3A_479, %dma_start3A_487] : memref<204800x128xf32, #tpu.memory_space<hbm>> -> memref<72x128xf32, #tpu.memory_space<hbm>>
      %dma_start3A_489 = arith.constant 0 : i32
      %dma_start3A_490 = arith.constant 0 : i32
      %dma_start3A_491 = tpu.memref_slice %arg6[%dma_start3A_480, %dma_start3A_489, %dma_start3A_490] : memref<4x128x128xf32, #tpu.memory_space<vmem>> -> memref<1x72x128xf32, #tpu.memory_space<vmem>>
      %dma_start3A_492 = tpu.memref_squeeze %dma_start3A_491 : memref<1x72x128xf32, #tpu.memory_space<vmem>> -> memref<72x128xf32, #tpu.memory_space<vmem>>
      tpu.enqueue_dma source(%dma_start3A_492 : memref<72x128xf32, #tpu.memory_space<vmem>>) target(%dma_start3A_488 : memref<72x128xf32, #tpu.memory_space<hbm>>) target_semaphore(%arg12 : memref<!tpu.dma_semaphore, #tpu.memory_space<semaphore_mem>>)
      %sub3A_493 = arith.constant 1 : i32
      %sub3A_494 = arith.subi %add3A_460, %sub3A_493 : i32
      %mul3A_495 = arith.constant 200 : i32
      %mul3A_496 = arith.muli %sub3A_494, %mul3A_495 : i32
      %add3A_497 = arith.addi %multiple_of3A, %mul3A_496 : i32
      %add3A_498 = arith.constant 128 : i32
      %add3A_499 = arith.addi %add3A_497, %add3A_498 : i32
      %multiple_of3A_500 = tpu.assume_multiple %add3A_499, 8 : i32
      %dma_wait3A_501 = arith.constant 3 : i32
      %dma_wait3A_502 = arith.constant 0 : i32
      %dma_wait3A_503 = arith.constant 0 : i32
      %dma_wait3A_504 = tpu.memref_slice %arg6[%dma_wait3A_501, %dma_wait3A_502, %dma_wait3A_503] : memref<4x128x128xf32, #tpu.memory_space<vmem>> -> memref<1x72x128xf32, #tpu.memory_space<vmem>>
      %dma_wait3A_505 = tpu.memref_squeeze %dma_wait3A_504 : memref<1x72x128xf32, #tpu.memory_space<vmem>> -> memref<72x128xf32, #tpu.memory_space<vmem>>
      %dma_wait3A_506 = arith.constant 0 : i32
      %dma_wait3A_507 = tpu.memref_slice %arg4[%multiple_of3A_500, %dma_wait3A_506] : memref<204800x128xf32, #tpu.memory_space<hbm>> -> memref<72x128xf32, #tpu.memory_space<hbm>>
      %dma_wait3A_508 = arith.constant 0 : i32
      %dma_wait3A_509 = tpu.memref_slice %arg4[%multiple_of3A_500, %dma_wait3A_508] : memref<204800x128xf32, #tpu.memory_space<hbm>> -> memref<72x128xf32, #tpu.memory_space<hbm>>
      %dma_wait3A_510 = arith.constant 0 : i32
      %dma_wait3A_511 = arith.constant 0 : i32
      %dma_wait3A_512 = tpu.memref_slice %arg6[%dma_wait3A_501, %dma_wait3A_510, %dma_wait3A_511] : memref<4x128x128xf32, #tpu.memory_space<vmem>> -> memref<1x72x128xf32, #tpu.memory_space<vmem>>
      %dma_wait3A_513 = tpu.memref_squeeze %dma_wait3A_512 : memref<1x72x128xf32, #tpu.memory_space<vmem>> -> memref<72x128xf32, #tpu.memory_space<vmem>>
      tpu.wait_dma2 semaphore(%arg14 : memref<!tpu.dma_semaphore, #tpu.memory_space<semaphore_mem>>) src(%dma_wait3A_513 : memref<72x128xf32, #tpu.memory_space<vmem>>) dst(%dma_wait3A_509 : memref<72x128xf32, #tpu.memory_space<hbm>>)
      %add3A_514 = arith.constant 1 : i32
      %add3A_515 = arith.addi %add3A_460, %add3A_514 : i32
      %mul3A_516 = arith.constant 200 : i32
      %mul3A_517 = arith.muli %add3A_515, %mul3A_516 : i32
      %add3A_518 = arith.constant 128 : i32
      %add3A_519 = arith.addi %mul3A_517, %add3A_518 : i32
      %dma_start3A_520 = arith.constant 3 : i32
      %dma_start3A_521 = arith.constant 0 : i32
      %dma_start3A_522 = arith.constant 0 : i32
      %dma_start3A_523 = tpu.memref_slice %arg6[%dma_start3A_520, %dma_start3A_521, %dma_start3A_522] : memref<4x128x128xf32, #tpu.memory_space<vmem>> -> memref<1x72x128xf32, #tpu.memory_space<vmem>>
      %dma_start3A_524 = tpu.memref_squeeze %dma_start3A_523 : memref<1x72x128xf32, #tpu.memory_space<vmem>> -> memref<72x128xf32, #tpu.memory_space<vmem>>
      %dma_start3A_525 = tpu.memref_slice %arg5[%add3A_519] : memref<6400xi32, #tpu.memory_space<vmem>> -> memref<72xi32, #tpu.memory_space<vmem>>
      %dma_start3A_526 = arith.constant 0 : i32
      %dma_start3A_527 = arith.constant 0 : i32
      %dma_start3A_528 = tpu.memref_slice %arg2[%dma_start3A_526, %dma_start3A_527] : memref<100000x128xf32, #tpu.memory_space<hbm>> -> memref<100000x128xf32, #tpu.memory_space<hbm>>
      tpu.enqueue_indirect_dma source(%dma_start3A_528 : memref<100000x128xf32, #tpu.memory_space<hbm>>) target(%dma_start3A_524 : memref<72x128xf32, #tpu.memory_space<vmem>>) offsets(%dma_start3A_525 : memref<72xi32, #tpu.memory_space<vmem>>) semaphore(%arg10 : memref<!tpu.dma_semaphore, #tpu.memory_space<semaphore_mem>>)
    }
    %scan3A_100 = arith.constant 15 : i32
    %dma_wait3A_101 = arith.constant 2 : i32
    %dma_wait3A_102 = arith.constant 0 : i32
    %dma_wait3A_103 = arith.constant 0 : i32
    %dma_wait3A_104 = tpu.memref_slice %arg6[%dma_wait3A_101, %dma_wait3A_102, %dma_wait3A_103] : memref<4x128x128xf32, #tpu.memory_space<vmem>> -> memref<1x128x128xf32, #tpu.memory_space<vmem>>
    %dma_wait3A_105 = tpu.memref_squeeze %dma_wait3A_104 : memref<1x128x128xf32, #tpu.memory_space<vmem>> -> memref<128x128xf32, #tpu.memory_space<vmem>>
    %dma_wait3A_106 = arith.constant 6200 : i32
    %dma_wait3A_107 = tpu.memref_slice %arg5[%dma_wait3A_106] : memref<6400xi32, #tpu.memory_space<vmem>> -> memref<128xi32, #tpu.memory_space<vmem>>
    %dma_wait3A_108 = arith.constant 0 : i32
    %dma_wait3A_109 = arith.constant 0 : i32
    %dma_wait3A_110 = tpu.memref_slice %arg2[%dma_wait3A_108, %dma_wait3A_109] : memref<100000x128xf32, #tpu.memory_space<hbm>> -> memref<100000x128xf32, #tpu.memory_space<hbm>>
    tpu.wait_indirect_dma semaphore(%arg9 : memref<!tpu.dma_semaphore, #tpu.memory_space<semaphore_mem>>) src(%dma_wait3A_110 : memref<100000x128xf32, #tpu.memory_space<hbm>>) dst(%dma_wait3A_105 : memref<128x128xf32, #tpu.memory_space<vmem>>)
    %add3A_111 = arith.constant 6200 : i32
    %add3A_112 = arith.addi %multiple_of3A, %add3A_111 : i32
    %add3A_113 = arith.constant 0 : i32
    %add3A_114 = arith.addi %add3A_112, %add3A_113 : i32
    %multiple_of3A_115 = tpu.assume_multiple %add3A_114, 8 : i32
    %dma_start3A_116 = arith.constant 2 : i32
    %dma_start3A_117 = arith.constant 0 : i32
    %dma_start3A_118 = arith.constant 0 : i32
    %dma_start3A_119 = tpu.memref_slice %arg6[%dma_start3A_116, %dma_start3A_117, %dma_start3A_118] : memref<4x128x128xf32, #tpu.memory_space<vmem>> -> memref<1x128x128xf32, #tpu.memory_space<vmem>>
    %dma_start3A_120 = tpu.memref_squeeze %dma_start3A_119 : memref<1x128x128xf32, #tpu.memory_space<vmem>> -> memref<128x128xf32, #tpu.memory_space<vmem>>
    %dma_start3A_121 = arith.constant 0 : i32
    %dma_start3A_122 = tpu.memref_slice %arg4[%multiple_of3A_115, %dma_start3A_121] : memref<204800x128xf32, #tpu.memory_space<hbm>> -> memref<128x128xf32, #tpu.memory_space<hbm>>
    %dma_start3A_123 = arith.constant 0 : i32
    %dma_start3A_124 = tpu.memref_slice %arg4[%multiple_of3A_115, %dma_start3A_123] : memref<204800x128xf32, #tpu.memory_space<hbm>> -> memref<128x128xf32, #tpu.memory_space<hbm>>
    %dma_start3A_125 = arith.constant 0 : i32
    %dma_start3A_126 = arith.constant 0 : i32
    %dma_start3A_127 = tpu.memref_slice %arg6[%dma_start3A_116, %dma_start3A_125, %dma_start3A_126] : memref<4x128x128xf32, #tpu.memory_space<vmem>> -> memref<1x128x128xf32, #tpu.memory_space<vmem>>
    %dma_start3A_128 = tpu.memref_squeeze %dma_start3A_127 : memref<1x128x128xf32, #tpu.memory_space<vmem>> -> memref<128x128xf32, #tpu.memory_space<vmem>>
    tpu.enqueue_dma source(%dma_start3A_128 : memref<128x128xf32, #tpu.memory_space<vmem>>) target(%dma_start3A_124 : memref<128x128xf32, #tpu.memory_space<hbm>>) target_semaphore(%arg13 : memref<!tpu.dma_semaphore, #tpu.memory_space<semaphore_mem>>)
    %add3A_129 = arith.constant 6000 : i32
    %add3A_130 = arith.addi %multiple_of3A, %add3A_129 : i32
    %add3A_131 = arith.constant 0 : i32
    %add3A_132 = arith.addi %add3A_130, %add3A_131 : i32
    %multiple_of3A_133 = tpu.assume_multiple %add3A_132, 8 : i32
    %dma_wait3A_134 = arith.constant 0 : i32
    %dma_wait3A_135 = arith.constant 0 : i32
    %dma_wait3A_136 = arith.constant 0 : i32
    %dma_wait3A_137 = tpu.memref_slice %arg6[%dma_wait3A_134, %dma_wait3A_135, %dma_wait3A_136] : memref<4x128x128xf32, #tpu.memory_space<vmem>> -> memref<1x128x128xf32, #tpu.memory_space<vmem>>
    %dma_wait3A_138 = tpu.memref_squeeze %dma_wait3A_137 : memref<1x128x128xf32, #tpu.memory_space<vmem>> -> memref<128x128xf32, #tpu.memory_space<vmem>>
    %dma_wait3A_139 = arith.constant 0 : i32
    %dma_wait3A_140 = tpu.memref_slice %arg4[%multiple_of3A_133, %dma_wait3A_139] : memref<204800x128xf32, #tpu.memory_space<hbm>> -> memref<128x128xf32, #tpu.memory_space<hbm>>
    %dma_wait3A_141 = arith.constant 0 : i32
    %dma_wait3A_142 = tpu.memref_slice %arg4[%multiple_of3A_133, %dma_wait3A_141] : memref<204800x128xf32, #tpu.memory_space<hbm>> -> memref<128x128xf32, #tpu.memory_space<hbm>>
    %dma_wait3A_143 = arith.constant 0 : i32
    %dma_wait3A_144 = arith.constant 0 : i32
    %dma_wait3A_145 = tpu.memref_slice %arg6[%dma_wait3A_134, %dma_wait3A_143, %dma_wait3A_144] : memref<4x128x128xf32, #tpu.memory_space<vmem>> -> memref<1x128x128xf32, #tpu.memory_space<vmem>>
    %dma_wait3A_146 = tpu.memref_squeeze %dma_wait3A_145 : memref<1x128x128xf32, #tpu.memory_space<vmem>> -> memref<128x128xf32, #tpu.memory_space<vmem>>
    tpu.wait_dma2 semaphore(%arg11 : memref<!tpu.dma_semaphore, #tpu.memory_space<semaphore_mem>>) src(%dma_wait3A_146 : memref<128x128xf32, #tpu.memory_space<vmem>>) dst(%dma_wait3A_142 : memref<128x128xf32, #tpu.memory_space<hbm>>)
    %dma_wait3A_147 = arith.constant 3 : i32
    %dma_wait3A_148 = arith.constant 0 : i32
    %dma_wait3A_149 = arith.constant 0 : i32
    %dma_wait3A_150 = tpu.memref_slice %arg6[%dma_wait3A_147, %dma_wait3A_148, %dma_wait3A_149] : memref<4x128x128xf32, #tpu.memory_space<vmem>> -> memref<1x72x128xf32, #tpu.memory_space<vmem>>
    %dma_wait3A_151 = tpu.memref_squeeze %dma_wait3A_150 : memref<1x72x128xf32, #tpu.memory_space<vmem>> -> memref<72x128xf32, #tpu.memory_space<vmem>>
    %dma_wait3A_152 = arith.constant 6328 : i32
    %dma_wait3A_153 = tpu.memref_slice %arg5[%dma_wait3A_152] : memref<6400xi32, #tpu.memory_space<vmem>> -> memref<72xi32, #tpu.memory_space<vmem>>
    %dma_wait3A_154 = arith.constant 0 : i32
    %dma_wait3A_155 = arith.constant 0 : i32
    %dma_wait3A_156 = tpu.memref_slice %arg2[%dma_wait3A_154, %dma_wait3A_155] : memref<100000x128xf32, #tpu.memory_space<hbm>> -> memref<100000x128xf32, #tpu.memory_space<hbm>>
    tpu.wait_indirect_dma semaphore(%arg10 : memref<!tpu.dma_semaphore, #tpu.memory_space<semaphore_mem>>) src(%dma_wait3A_156 : memref<100000x128xf32, #tpu.memory_space<hbm>>) dst(%dma_wait3A_151 : memref<72x128xf32, #tpu.memory_space<vmem>>)
    %add3A_157 = arith.constant 6200 : i32
    %add3A_158 = arith.addi %multiple_of3A, %add3A_157 : i32
    %add3A_159 = arith.constant 128 : i32
    %add3A_160 = arith.addi %add3A_158, %add3A_159 : i32
    %multiple_of3A_161 = tpu.assume_multiple %add3A_160, 8 : i32
    %dma_start3A_162 = arith.constant 3 : i32
    %dma_start3A_163 = arith.constant 0 : i32
    %dma_start3A_164 = arith.constant 0 : i32
    %dma_start3A_165 = tpu.memref_slice %arg6[%dma_start3A_162, %dma_start3A_163, %dma_start3A_164] : memref<4x128x128xf32, #tpu.memory_space<vmem>> -> memref<1x72x128xf32, #tpu.memory_space<vmem>>
    %dma_start3A_166 = tpu.memref_squeeze %dma_start3A_165 : memref<1x72x128xf32, #tpu.memory_space<vmem>> -> memref<72x128xf32, #tpu.memory_space<vmem>>
    %dma_start3A_167 = arith.constant 0 : i32
    %dma_start3A_168 = tpu.memref_slice %arg4[%multiple_of3A_161, %dma_start3A_167] : memref<204800x128xf32, #tpu.memory_space<hbm>> -> memref<72x128xf32, #tpu.memory_space<hbm>>
    %dma_start3A_169 = arith.constant 0 : i32
    %dma_start3A_170 = tpu.memref_slice %arg4[%multiple_of3A_161, %dma_start3A_169] : memref<204800x128xf32, #tpu.memory_space<hbm>> -> memref<72x128xf32, #tpu.memory_space<hbm>>
    %dma_start3A_171 = arith.constant 0 : i32
    %dma_start3A_172 = arith.constant 0 : i32
    %dma_start3A_173 = tpu.memref_slice %arg6[%dma_start3A_162, %dma_start3A_171, %dma_start3A_172] : memref<4x128x128xf32, #tpu.memory_space<vmem>> -> memref<1x72x128xf32, #tpu.memory_space<vmem>>
    %dma_start3A_174 = tpu.memref_squeeze %dma_start3A_173 : memref<1x72x128xf32, #tpu.memory_space<vmem>> -> memref<72x128xf32, #tpu.memory_space<vmem>>
    tpu.enqueue_dma source(%dma_start3A_174 : memref<72x128xf32, #tpu.memory_space<vmem>>) target(%dma_start3A_170 : memref<72x128xf32, #tpu.memory_space<hbm>>) target_semaphore(%arg14 : memref<!tpu.dma_semaphore, #tpu.memory_space<semaphore_mem>>)
    %add3A_175 = arith.constant 6000 : i32
    %add3A_176 = arith.addi %multiple_of3A, %add3A_175 : i32
    %add3A_177 = arith.constant 128 : i32
    %add3A_178 = arith.addi %add3A_176, %add3A_177 : i32
    %multiple_of3A_179 = tpu.assume_multiple %add3A_178, 8 : i32
    %dma_wait3A_180 = arith.constant 1 : i32
    %dma_wait3A_181 = arith.constant 0 : i32
    %dma_wait3A_182 = arith.constant 0 : i32
    %dma_wait3A_183 = tpu.memref_slice %arg6[%dma_wait3A_180, %dma_wait3A_181, %dma_wait3A_182] : memref<4x128x128xf32, #tpu.memory_space<vmem>> -> memref<1x72x128xf32, #tpu.memory_space<vmem>>
    %dma_wait3A_184 = tpu.memref_squeeze %dma_wait3A_183 : memref<1x72x128xf32, #tpu.memory_space<vmem>> -> memref<72x128xf32, #tpu.memory_space<vmem>>
    %dma_wait3A_185 = arith.constant 0 : i32
    %dma_wait3A_186 = tpu.memref_slice %arg4[%multiple_of3A_179, %dma_wait3A_185] : memref<204800x128xf32, #tpu.memory_space<hbm>> -> memref<72x128xf32, #tpu.memory_space<hbm>>
    %dma_wait3A_187 = arith.constant 0 : i32
    %dma_wait3A_188 = tpu.memref_slice %arg4[%multiple_of3A_179, %dma_wait3A_187] : memref<204800x128xf32, #tpu.memory_space<hbm>> -> memref<72x128xf32, #tpu.memory_space<hbm>>
    %dma_wait3A_189 = arith.constant 0 : i32
    %dma_wait3A_190 = arith.constant 0 : i32
    %dma_wait3A_191 = tpu.memref_slice %arg6[%dma_wait3A_180, %dma_wait3A_189, %dma_wait3A_190] : memref<4x128x128xf32, #tpu.memory_space<vmem>> -> memref<1x72x128xf32, #tpu.memory_space<vmem>>
    %dma_wait3A_192 = tpu.memref_squeeze %dma_wait3A_191 : memref<1x72x128xf32, #tpu.memory_space<vmem>> -> memref<72x128xf32, #tpu.memory_space<vmem>>
    tpu.wait_dma2 semaphore(%arg12 : memref<!tpu.dma_semaphore, #tpu.memory_space<semaphore_mem>>) src(%dma_wait3A_192 : memref<72x128xf32, #tpu.memory_space<vmem>>) dst(%dma_wait3A_188 : memref<72x128xf32, #tpu.memory_space<hbm>>)
    %add3A_193 = arith.constant 6200 : i32
    %add3A_194 = arith.addi %multiple_of3A, %add3A_193 : i32
    %add3A_195 = arith.constant 0 : i32
    %add3A_196 = arith.addi %add3A_194, %add3A_195 : i32
    %multiple_of3A_197 = tpu.assume_multiple %add3A_196, 8 : i32
    %dma_wait3A_198 = arith.constant 2 : i32
    %dma_wait3A_199 = arith.constant 0 : i32
    %dma_wait3A_200 = arith.constant 0 : i32
    %dma_wait3A_201 = tpu.memref_slice %arg6[%dma_wait3A_198, %dma_wait3A_199, %dma_wait3A_200] : memref<4x128x128xf32, #tpu.memory_space<vmem>> -> memref<1x128x128xf32, #tpu.memory_space<vmem>>
    %dma_wait3A_202 = tpu.memref_squeeze %dma_wait3A_201 : memref<1x128x128xf32, #tpu.memory_space<vmem>> -> memref<128x128xf32, #tpu.memory_space<vmem>>
    %dma_wait3A_203 = arith.constant 0 : i32
    %dma_wait3A_204 = tpu.memref_slice %arg4[%multiple_of3A_197, %dma_wait3A_203] : memref<204800x128xf32, #tpu.memory_space<hbm>> -> memref<128x128xf32, #tpu.memory_space<hbm>>
    %dma_wait3A_205 = arith.constant 0 : i32
    %dma_wait3A_206 = tpu.memref_slice %arg4[%multiple_of3A_197, %dma_wait3A_205] : memref<204800x128xf32, #tpu.memory_space<hbm>> -> memref<128x128xf32, #tpu.memory_space<hbm>>
    %dma_wait3A_207 = arith.constant 0 : i32
    %dma_wait3A_208 = arith.constant 0 : i32
    %dma_wait3A_209 = tpu.memref_slice %arg6[%dma_wait3A_198, %dma_wait3A_207, %dma_wait3A_208] : memref<4x128x128xf32, #tpu.memory_space<vmem>> -> memref<1x128x128xf32, #tpu.memory_space<vmem>>
    %dma_wait3A_210 = tpu.memref_squeeze %dma_wait3A_209 : memref<1x128x128xf32, #tpu.memory_space<vmem>> -> memref<128x128xf32, #tpu.memory_space<vmem>>
    tpu.wait_dma2 semaphore(%arg13 : memref<!tpu.dma_semaphore, #tpu.memory_space<semaphore_mem>>) src(%dma_wait3A_210 : memref<128x128xf32, #tpu.memory_space<vmem>>) dst(%dma_wait3A_206 : memref<128x128xf32, #tpu.memory_space<hbm>>)
    %add3A_211 = arith.constant 6200 : i32
    %add3A_212 = arith.addi %multiple_of3A, %add3A_211 : i32
    %add3A_213 = arith.constant 128 : i32
    %add3A_214 = arith.addi %add3A_212, %add3A_213 : i32
    %multiple_of3A_215 = tpu.assume_multiple %add3A_214, 8 : i32
    %dma_wait3A_216 = arith.constant 3 : i32
    %dma_wait3A_217 = arith.constant 0 : i32
    %dma_wait3A_218 = arith.constant 0 : i32
    %dma_wait3A_219 = tpu.memref_slice %arg6[%dma_wait3A_216, %dma_wait3A_217, %dma_wait3A_218] : memref<4x128x128xf32, #tpu.memory_space<vmem>> -> memref<1x72x128xf32, #tpu.memory_space<vmem>>
    %dma_wait3A_220 = tpu.memref_squeeze %dma_wait3A_219 : memref<1x72x128xf32, #tpu.memory_space<vmem>> -> memref<72x128xf32, #tpu.memory_space<vmem>>
    %dma_wait3A_221 = arith.constant 0 : i32
    %dma_wait3A_222 = tpu.memref_slice %arg4[%multiple_of3A_215, %dma_wait3A_221] : memref<204800x128xf32, #tpu.memory_space<hbm>> -> memref<72x128xf32, #tpu.memory_space<hbm>>
    %dma_wait3A_223 = arith.constant 0 : i32
    %dma_wait3A_224 = tpu.memref_slice %arg4[%multiple_of3A_215, %dma_wait3A_223] : memref<204800x128xf32, #tpu.memory_space<hbm>> -> memref<72x128xf32, #tpu.memory_space<hbm>>
    %dma_wait3A_225 = arith.constant 0 : i32
    %dma_wait3A_226 = arith.constant 0 : i32
    %dma_wait3A_227 = tpu.memref_slice %arg6[%dma_wait3A_216, %dma_wait3A_225, %dma_wait3A_226] : memref<4x128x128xf32, #tpu.memory_space<vmem>> -> memref<1x72x128xf32, #tpu.memory_space<vmem>>
    %dma_wait3A_228 = tpu.memref_squeeze %dma_wait3A_227 : memref<1x72x128xf32, #tpu.memory_space<vmem>> -> memref<72x128xf32, #tpu.memory_space<vmem>>
    tpu.wait_dma2 semaphore(%arg14 : memref<!tpu.dma_semaphore, #tpu.memory_space<semaphore_mem>>) src(%dma_wait3A_228 : memref<72x128xf32, #tpu.memory_space<vmem>>) dst(%dma_wait3A_224 : memref<72x128xf32, #tpu.memory_space<hbm>>)
    return
  }
}

#map = affine_map<(d0, d1) -> (0, 0)>
#map1 = affine_map<(d0, d1) -> (0)>
module attributes {stable_mosaic.version = 14 : i64} {
  func.func @sc_kernel(%arg0: i32, %arg1: i32, %arg2: memref<100000x128xf32, #tpu.memory_space<hbm>>, %arg3: memref<204800xi32, #tpu.memory_space<hbm>>, %arg4: memref<204800x128xf32, #tpu.memory_space<hbm>>, %arg5: memref<6400xi32, #tpu.memory_space<vmem>>, %arg6: memref<4x128x128xf32, #tpu.memory_space<vmem>>, %arg7: memref<!tpu.dma_semaphore, #tpu.memory_space<semaphore_mem>>, %arg8: memref<!tpu.dma_semaphore, #tpu.memory_space<semaphore_mem>>, %arg9: memref<!tpu.dma_semaphore, #tpu.memory_space<semaphore_mem>>, %arg10: memref<!tpu.dma_semaphore, #tpu.memory_space<semaphore_mem>>, %arg11: memref<!tpu.dma_semaphore, #tpu.memory_space<semaphore_mem>>, %arg12: memref<!tpu.dma_semaphore, #tpu.memory_space<semaphore_mem>>, %arg13: memref<!tpu.dma_semaphore, #tpu.memory_space<semaphore_mem>>, %arg14: memref<!tpu.dma_semaphore, #tpu.memory_space<semaphore_mem>>) attributes {dimension_semantics = [#tpu.dimension_semantics<core_parallel>, #tpu.dimension_semantics<subcore_parallel>], iteration_bounds = array<i64: 2, 16>, scalar_prefetch = 0 : i64, scratch_operands = 10 : i64, tpu.core_type = #tpu.core_type<sc_vector_subcore>, window_params = [{transform_indices = #map}, {transform_indices = #map1}, {transform_indices = #map}]} {
    %mul3A = arith.constant 2 : i32
    %mul3A_0 = arith.muli %arg1, %mul3A : i32
    %add3A = arith.addi %mul3A_0, %arg0 : i32
    %mul3A_1 = arith.constant 6400 : i32
    %mul3A_2 = arith.muli %add3A, %mul3A_1 : i32
    %multiple_of3A = tpu.assume_multiple %mul3A_2, 6400 : i32
    "tpu.region"() ({
      %run_scoped3A = tpu.sem_alloc : memref<!tpu.dma_semaphore, #tpu.memory_space<semaphore_mem>>
      %dma_start3A_229 = tpu.memref_slice %arg3[%multiple_of3A] : memref<204800xi32, #tpu.memory_space<hbm>> -> memref<6400xi32, #tpu.memory_space<hbm>>
      %dma_start3A_230 = tpu.memref_slice %arg3[%multiple_of3A] : memref<204800xi32, #tpu.memory_space<hbm>> -> memref<6400xi32, #tpu.memory_space<hbm>>
      tpu.enqueue_dma source(%dma_start3A_230 : memref<6400xi32, #tpu.memory_space<hbm>>) target(%arg5 : memref<6400xi32, #tpu.memory_space<vmem>>) target_semaphore(%run_scoped3A : memref<!tpu.dma_semaphore, #tpu.memory_space<semaphore_mem>>)
      %dma_wait3A_231 = tpu.memref_slice %arg3[%multiple_of3A] : memref<204800xi32, #tpu.memory_space<hbm>> -> memref<6400xi32, #tpu.memory_space<hbm>>
      %dma_wait3A_232 = tpu.memref_slice %arg3[%multiple_of3A] : memref<204800xi32, #tpu.memory_space<hbm>> -> memref<6400xi32, #tpu.memory_space<hbm>>
      tpu.wait_dma2 semaphore(%run_scoped3A : memref<!tpu.dma_semaphore, #tpu.memory_space<semaphore_mem>>) src(%dma_wait3A_232 : memref<6400xi32, #tpu.memory_space<hbm>>) dst(%arg5 : memref<6400xi32, #tpu.memory_space<vmem>>)
      tpu.yield
    }) : () -> ()
    %dma_start3A = arith.constant 0 : i32
    %dma_start3A_3 = arith.constant 0 : i32
    %dma_start3A_4 = arith.constant 0 : i32
    %dma_start3A_5 = tpu.memref_slice %arg6[%dma_start3A, %dma_start3A_3, %dma_start3A_4] : memref<4x128x128xf32, #tpu.memory_space<vmem>> -> memref<1x128x128xf32, #tpu.memory_space<vmem>>
    %dma_start3A_6 = tpu.memref_squeeze %dma_start3A_5 : memref<1x128x128xf32, #tpu.memory_space<vmem>> -> memref<128x128xf32, #tpu.memory_space<vmem>>
    %dma_start3A_7 = arith.constant 0 : i32
    %dma_start3A_8 = tpu.memref_slice %arg5[%dma_start3A_7] : memref<6400xi32, #tpu.memory_space<vmem>> -> memref<128xi32, #tpu.memory_space<vmem>>
    %dma_start3A_9 = arith.constant 0 : i32
    %dma_start3A_10 = arith.constant 0 : i32
    %dma_start3A_11 = tpu.memref_slice %arg2[%dma_start3A_9, %dma_start3A_10] : memref<100000x128xf32, #tpu.memory_space<hbm>> -> memref<100000x128xf32, #tpu.memory_space<hbm>>
    tpu.enqueue_indirect_dma source(%dma_start3A_11 : memref<100000x128xf32, #tpu.memory_space<hbm>>) target(%dma_start3A_6 : memref<128x128xf32, #tpu.memory_space<vmem>>) offsets(%dma_start3A_8 : memref<128xi32, #tpu.memory_space<vmem>>) semaphore(%arg7 : memref<!tpu.dma_semaphore, #tpu.memory_space<semaphore_mem>>)
    %dma_start3A_12 = arith.constant 1 : i32
    %dma_start3A_13 = arith.constant 0 : i32
    %dma_start3A_14 = arith.constant 0 : i32
    %dma_start3A_15 = tpu.memref_slice %arg6[%dma_start3A_12, %dma_start3A_13, %dma_start3A_14] : memref<4x128x128xf32, #tpu.memory_space<vmem>> -> memref<1x72x128xf32, #tpu.memory_space<vmem>>
    %dma_start3A_16 = tpu.memref_squeeze %dma_start3A_15 : memref<1x72x128xf32, #tpu.memory_space<vmem>> -> memref<72x128xf32, #tpu.memory_space<vmem>>
    %dma_start3A_17 = arith.constant 128 : i32
    %dma_start3A_18 = tpu.memref_slice %arg5[%dma_start3A_17] : memref<6400xi32, #tpu.memory_space<vmem>> -> memref<72xi32, #tpu.memory_space<vmem>>
    %dma_start3A_19 = arith.constant 0 : i32
    %dma_start3A_20 = arith.constant 0 : i32
    %dma_start3A_21 = tpu.memref_slice %arg2[%dma_start3A_19, %dma_start3A_20] : memref<100000x128xf32, #tpu.memory_space<hbm>> -> memref<100000x128xf32, #tpu.memory_space<hbm>>
    tpu.enqueue_indirect_dma source(%dma_start3A_21 : memref<100000x128xf32, #tpu.memory_space<hbm>>) target(%dma_start3A_16 : memref<72x128xf32, #tpu.memory_space<vmem>>) offsets(%dma_start3A_18 : memref<72xi32, #tpu.memory_space<vmem>>) semaphore(%arg8 : memref<!tpu.dma_semaphore, #tpu.memory_space<semaphore_mem>>)
    %dma_wait3A = arith.constant 0 : i32
    %dma_wait3A_22 = arith.constant 0 : i32
    %dma_wait3A_23 = arith.constant 0 : i32
    %dma_wait3A_24 = tpu.memref_slice %arg6[%dma_wait3A, %dma_wait3A_22, %dma_wait3A_23] : memref<4x128x128xf32, #tpu.memory_space<vmem>> -> memref<1x128x128xf32, #tpu.memory_space<vmem>>
    %dma_wait3A_25 = tpu.memref_squeeze %dma_wait3A_24 : memref<1x128x128xf32, #tpu.memory_space<vmem>> -> memref<128x128xf32, #tpu.memory_space<vmem>>
    %dma_wait3A_26 = arith.constant 0 : i32
    %dma_wait3A_27 = tpu.memref_slice %arg5[%dma_wait3A_26] : memref<6400xi32, #tpu.memory_space<vmem>> -> memref<128xi32, #tpu.memory_space<vmem>>
    %dma_wait3A_28 = arith.constant 0 : i32
    %dma_wait3A_29 = arith.constant 0 : i32
    %dma_wait3A_30 = tpu.memref_slice %arg2[%dma_wait3A_28, %dma_wait3A_29] : memref<100000x128xf32, #tpu.memory_space<hbm>> -> memref<100000x128xf32, #tpu.memory_space<hbm>>
    tpu.wait_indirect_dma semaphore(%arg7 : memref<!tpu.dma_semaphore, #tpu.memory_space<semaphore_mem>>) src(%dma_wait3A_30 : memref<100000x128xf32, #tpu.memory_space<hbm>>) dst(%dma_wait3A_25 : memref<128x128xf32, #tpu.memory_space<vmem>>)
    %add3A_31 = arith.constant 0 : i32
    %add3A_32 = arith.addi %multiple_of3A, %add3A_31 : i32
    %add3A_33 = arith.constant 0 : i32
    %add3A_34 = arith.addi %add3A_32, %add3A_33 : i32
    %multiple_of3A_35 = tpu.assume_multiple %add3A_34, 8 : i32
    %dma_start3A_36 = arith.constant 0 : i32
    %dma_start3A_37 = arith.constant 0 : i32
    %dma_start3A_38 = arith.constant 0 : i32
    %dma_start3A_39 = tpu.memref_slice %arg6[%dma_start3A_36, %dma_start3A_37, %dma_start3A_38] : memref<4x128x128xf32, #tpu.memory_space<vmem>> -> memref<1x128x128xf32, #tpu.memory_space<vmem>>
    %dma_start3A_40 = tpu.memref_squeeze %dma_start3A_39 : memref<1x128x128xf32, #tpu.memory_space<vmem>> -> memref<128x128xf32, #tpu.memory_space<vmem>>
    %dma_start3A_41 = arith.constant 0 : i32
    %dma_start3A_42 = tpu.memref_slice %arg4[%multiple_of3A_35, %dma_start3A_41] : memref<204800x128xf32, #tpu.memory_space<hbm>> -> memref<128x128xf32, #tpu.memory_space<hbm>>
    %dma_start3A_43 = arith.constant 0 : i32
    %dma_start3A_44 = tpu.memref_slice %arg4[%multiple_of3A_35, %dma_start3A_43] : memref<204800x128xf32, #tpu.memory_space<hbm>> -> memref<128x128xf32, #tpu.memory_space<hbm>>
    %dma_start3A_45 = arith.constant 0 : i32
    %dma_start3A_46 = arith.constant 0 : i32
    %dma_start3A_47 = tpu.memref_slice %arg6[%dma_start3A_36, %dma_start3A_45, %dma_start3A_46] : memref<4x128x128xf32, #tpu.memory_space<vmem>> -> memref<1x128x128xf32, #tpu.memory_space<vmem>>
    %dma_start3A_48 = tpu.memref_squeeze %dma_start3A_47 : memref<1x128x128xf32, #tpu.memory_space<vmem>> -> memref<128x128xf32, #tpu.memory_space<vmem>>
    tpu.enqueue_dma source(%dma_start3A_48 : memref<128x128xf32, #tpu.memory_space<vmem>>) target(%dma_start3A_44 : memref<128x128xf32, #tpu.memory_space<hbm>>) target_semaphore(%arg11 : memref<!tpu.dma_semaphore, #tpu.memory_space<semaphore_mem>>)
    %dma_start3A_49 = arith.constant 2 : i32
    %dma_start3A_50 = arith.constant 0 : i32
    %dma_start3A_51 = arith.constant 0 : i32
    %dma_start3A_52 = tpu.memref_slice %arg6[%dma_start3A_49, %dma_start3A_50, %dma_start3A_51] : memref<4x128x128xf32, #tpu.memory_space<vmem>> -> memref<1x128x128xf32, #tpu.memory_space<vmem>>
    %dma_start3A_53 = tpu.memref_squeeze %dma_start3A_52 : memref<1x128x128xf32, #tpu.memory_space<vmem>> -> memref<128x128xf32, #tpu.memory_space<vmem>>
    %dma_start3A_54 = arith.constant 200 : i32
    %dma_start3A_55 = tpu.memref_slice %arg5[%dma_start3A_54] : memref<6400xi32, #tpu.memory_space<vmem>> -> memref<128xi32, #tpu.memory_space<vmem>>
    %dma_start3A_56 = arith.constant 0 : i32
    %dma_start3A_57 = arith.constant 0 : i32
    %dma_start3A_58 = tpu.memref_slice %arg2[%dma_start3A_56, %dma_start3A_57] : memref<100000x128xf32, #tpu.memory_space<hbm>> -> memref<100000x128xf32, #tpu.memory_space<hbm>>
    tpu.enqueue_indirect_dma source(%dma_start3A_58 : memref<100000x128xf32, #tpu.memory_space<hbm>>) target(%dma_start3A_53 : memref<128x128xf32, #tpu.memory_space<vmem>>) offsets(%dma_start3A_55 : memref<128xi32, #tpu.memory_space<vmem>>) semaphore(%arg9 : memref<!tpu.dma_semaphore, #tpu.memory_space<semaphore_mem>>)
    %dma_wait3A_59 = arith.constant 1 : i32
    %dma_wait3A_60 = arith.constant 0 : i32
    %dma_wait3A_61 = arith.constant 0 : i32
    %dma_wait3A_62 = tpu.memref_slice %arg6[%dma_wait3A_59, %dma_wait3A_60, %dma_wait3A_61] : memref<4x128x128xf32, #tpu.memory_space<vmem>> -> memref<1x72x128xf32, #tpu.memory_space<vmem>>
    %dma_wait3A_63 = tpu.memref_squeeze %dma_wait3A_62 : memref<1x72x128xf32, #tpu.memory_space<vmem>> -> memref<72x128xf32, #tpu.memory_space<vmem>>
    %dma_wait3A_64 = arith.constant 128 : i32
    %dma_wait3A_65 = tpu.memref_slice %arg5[%dma_wait3A_64] : memref<6400xi32, #tpu.memory_space<vmem>> -> memref<72xi32, #tpu.memory_space<vmem>>
    %dma_wait3A_66 = arith.constant 0 : i32
    %dma_wait3A_67 = arith.constant 0 : i32
    %dma_wait3A_68 = tpu.memref_slice %arg2[%dma_wait3A_66, %dma_wait3A_67] : memref<100000x128xf32, #tpu.memory_space<hbm>> -> memref<100000x128xf32, #tpu.memory_space<hbm>>
    tpu.wait_indirect_dma semaphore(%arg8 : memref<!tpu.dma_semaphore, #tpu.memory_space<semaphore_mem>>) src(%dma_wait3A_68 : memref<100000x128xf32, #tpu.memory_space<hbm>>) dst(%dma_wait3A_63 : memref<72x128xf32, #tpu.memory_space<vmem>>)
    %add3A_69 = arith.constant 0 : i32
    %add3A_70 = arith.addi %multiple_of3A, %add3A_69 : i32
    %add3A_71 = arith.constant 128 : i32
    %add3A_72 = arith.addi %add3A_70, %add3A_71 : i32
    %multiple_of3A_73 = tpu.assume_multiple %add3A_72, 8 : i32
    %dma_start3A_74 = arith.constant 1 : i32
    %dma_start3A_75 = arith.constant 0 : i32
    %dma_start3A_76 = arith.constant 0 : i32
    %dma_start3A_77 = tpu.memref_slice %arg6[%dma_start3A_74, %dma_start3A_75, %dma_start3A_76] : memref<4x128x128xf32, #tpu.memory_space<vmem>> -> memref<1x72x128xf32, #tpu.memory_space<vmem>>
    %dma_start3A_78 = tpu.memref_squeeze %dma_start3A_77 : memref<1x72x128xf32, #tpu.memory_space<vmem>> -> memref<72x128xf32, #tpu.memory_space<vmem>>
    %dma_start3A_79 = arith.constant 0 : i32
    %dma_start3A_80 = tpu.memref_slice %arg4[%multiple_of3A_73, %dma_start3A_79] : memref<204800x128xf32, #tpu.memory_space<hbm>> -> memref<72x128xf32, #tpu.memory_space<hbm>>
    %dma_start3A_81 = arith.constant 0 : i32
    %dma_start3A_82 = tpu.memref_slice %arg4[%multiple_of3A_73, %dma_start3A_81] : memref<204800x128xf32, #tpu.memory_space<hbm>> -> memref<72x128xf32, #tpu.memory_space<hbm>>
    %dma_start3A_83 = arith.constant 0 : i32
    %dma_start3A_84 = arith.constant 0 : i32
    %dma_start3A_85 = tpu.memref_slice %arg6[%dma_start3A_74, %dma_start3A_83, %dma_start3A_84] : memref<4x128x128xf32, #tpu.memory_space<vmem>> -> memref<1x72x128xf32, #tpu.memory_space<vmem>>
    %dma_start3A_86 = tpu.memref_squeeze %dma_start3A_85 : memref<1x72x128xf32, #tpu.memory_space<vmem>> -> memref<72x128xf32, #tpu.memory_space<vmem>>
    tpu.enqueue_dma source(%dma_start3A_86 : memref<72x128xf32, #tpu.memory_space<vmem>>) target(%dma_start3A_82 : memref<72x128xf32, #tpu.memory_space<hbm>>) target_semaphore(%arg12 : memref<!tpu.dma_semaphore, #tpu.memory_space<semaphore_mem>>)
    %dma_start3A_87 = arith.constant 3 : i32
    %dma_start3A_88 = arith.constant 0 : i32
    %dma_start3A_89 = arith.constant 0 : i32
    %dma_start3A_90 = tpu.memref_slice %arg6[%dma_start3A_87, %dma_start3A_88, %dma_start3A_89] : memref<4x128x128xf32, #tpu.memory_space<vmem>> -> memref<1x72x128xf32, #tpu.memory_space<vmem>>
    %dma_start3A_91 = tpu.memref_squeeze %dma_start3A_90 : memref<1x72x128xf32, #tpu.memory_space<vmem>> -> memref<72x128xf32, #tpu.memory_space<vmem>>
    %dma_start3A_92 = arith.constant 328 : i32
    %dma_start3A_93 = tpu.memref_slice %arg5[%dma_start3A_92] : memref<6400xi32, #tpu.memory_space<vmem>> -> memref<72xi32, #tpu.memory_space<vmem>>
    %dma_start3A_94 = arith.constant 0 : i32
    %dma_start3A_95 = arith.constant 0 : i32
    %dma_start3A_96 = tpu.memref_slice %arg2[%dma_start3A_94, %dma_start3A_95] : memref<100000x128xf32, #tpu.memory_space<hbm>> -> memref<100000x128xf32, #tpu.memory_space<hbm>>
    tpu.enqueue_indirect_dma source(%dma_start3A_96 : memref<100000x128xf32, #tpu.memory_space<hbm>>) target(%dma_start3A_91 : memref<72x128xf32, #tpu.memory_space<vmem>>) offsets(%dma_start3A_93 : memref<72xi32, #tpu.memory_space<vmem>>) semaphore(%arg10 : memref<!tpu.dma_semaphore, #tpu.memory_space<semaphore_mem>>)
    %scan3A = arith.constant 0 : i32
    %scan3A_97 = arith.constant 15 : i32
    %scan3A_98 = arith.addi %scan3A, %scan3A_97 : i32
    %scan3A_99 = arith.constant 1 : i32
    scf.for %scan3A_229 = %scan3A to %scan3A_98 step %scan3A_99  : i32 {
      %mul3A_230 = arith.constant 1 : i32
      %mul3A_231 = arith.muli %scan3A_229, %mul3A_230 : i32
      %add3A_232 = arith.constant 0 : i32
      %add3A_233 = arith.addi %add3A_232, %mul3A_231 : i32
      %mul3A_234 = arith.constant 2 : i32
      %mul3A_235 = arith.muli %mul3A_234, %add3A_233 : i32
      %add3A_236 = arith.constant 1 : i32
      %add3A_237 = arith.addi %add3A_236, %mul3A_235 : i32
      %add3A_238 = arith.constant 0 : i32
      %add3A_239 = arith.addi %add3A_237, %add3A_238 : i32
      %mul3A_240 = arith.constant 200 : i32
      %mul3A_241 = arith.muli %add3A_239, %mul3A_240 : i32
      %add3A_242 = arith.constant 0 : i32
      %add3A_243 = arith.addi %mul3A_241, %add3A_242 : i32
      %dma_wait3A_244 = arith.constant 2 : i32
      %dma_wait3A_245 = arith.constant 0 : i32
      %dma_wait3A_246 = arith.constant 0 : i32
      %dma_wait3A_247 = tpu.memref_slice %arg6[%dma_wait3A_244, %dma_wait3A_245, %dma_wait3A_246] : memref<4x128x128xf32, #tpu.memory_space<vmem>> -> memref<1x128x128xf32, #tpu.memory_space<vmem>>
      %dma_wait3A_248 = tpu.memref_squeeze %dma_wait3A_247 : memref<1x128x128xf32, #tpu.memory_space<vmem>> -> memref<128x128xf32, #tpu.memory_space<vmem>>
      %dma_wait3A_249 = tpu.memref_slice %arg5[%add3A_243] : memref<6400xi32, #tpu.memory_space<vmem>> -> memref<128xi32, #tpu.memory_space<vmem>>
      %dma_wait3A_250 = arith.constant 0 : i32
      %dma_wait3A_251 = arith.constant 0 : i32
      %dma_wait3A_252 = tpu.memref_slice %arg2[%dma_wait3A_250, %dma_wait3A_251] : memref<100000x128xf32, #tpu.memory_space<hbm>> -> memref<100000x128xf32, #tpu.memory_space<hbm>>
      tpu.wait_indirect_dma semaphore(%arg9 : memref<!tpu.dma_semaphore, #tpu.memory_space<semaphore_mem>>) src(%dma_wait3A_252 : memref<100000x128xf32, #tpu.memory_space<hbm>>) dst(%dma_wait3A_248 : memref<128x128xf32, #tpu.memory_space<vmem>>)
      %mul3A_253 = arith.constant 200 : i32
      %mul3A_254 = arith.muli %add3A_239, %mul3A_253 : i32
      %add3A_255 = arith.addi %multiple_of3A, %mul3A_254 : i32
      %add3A_256 = arith.constant 0 : i32
      %add3A_257 = arith.addi %add3A_255, %add3A_256 : i32
      %multiple_of3A_258 = tpu.assume_multiple %add3A_257, 8 : i32
      %dma_start3A_259 = arith.constant 2 : i32
      %dma_start3A_260 = arith.constant 0 : i32
      %dma_start3A_261 = arith.constant 0 : i32
      %dma_start3A_262 = tpu.memref_slice %arg6[%dma_start3A_259, %dma_start3A_260, %dma_start3A_261] : memref<4x128x128xf32, #tpu.memory_space<vmem>> -> memref<1x128x128xf32, #tpu.memory_space<vmem>>
      %dma_start3A_263 = tpu.memref_squeeze %dma_start3A_262 : memref<1x128x128xf32, #tpu.memory_space<vmem>> -> memref<128x128xf32, #tpu.memory_space<vmem>>
      %dma_start3A_264 = arith.constant 0 : i32
      %dma_start3A_265 = tpu.memref_slice %arg4[%multiple_of3A_258, %dma_start3A_264] : memref<204800x128xf32, #tpu.memory_space<hbm>> -> memref<128x128xf32, #tpu.memory_space<hbm>>
      %dma_start3A_266 = arith.constant 0 : i32
      %dma_start3A_267 = tpu.memref_slice %arg4[%multiple_of3A_258, %dma_start3A_266] : memref<204800x128xf32, #tpu.memory_space<hbm>> -> memref<128x128xf32, #tpu.memory_space<hbm>>
      %dma_start3A_268 = arith.constant 0 : i32
      %dma_start3A_269 = arith.constant 0 : i32
      %dma_start3A_270 = tpu.memref_slice %arg6[%dma_start3A_259, %dma_start3A_268, %dma_start3A_269] : memref<4x128x128xf32, #tpu.memory_space<vmem>> -> memref<1x128x128xf32, #tpu.memory_space<vmem>>
      %dma_start3A_271 = tpu.memref_squeeze %dma_start3A_270 : memref<1x128x128xf32, #tpu.memory_space<vmem>> -> memref<128x128xf32, #tpu.memory_space<vmem>>
      tpu.enqueue_dma source(%dma_start3A_271 : memref<128x128xf32, #tpu.memory_space<vmem>>) target(%dma_start3A_267 : memref<128x128xf32, #tpu.memory_space<hbm>>) target_semaphore(%arg13 : memref<!tpu.dma_semaphore, #tpu.memory_space<semaphore_mem>>)
      %sub3A = arith.constant 1 : i32
      %sub3A_272 = arith.subi %add3A_239, %sub3A : i32
      %mul3A_273 = arith.constant 200 : i32
      %mul3A_274 = arith.muli %sub3A_272, %mul3A_273 : i32
      %add3A_275 = arith.addi %multiple_of3A, %mul3A_274 : i32
      %add3A_276 = arith.constant 0 : i32
      %add3A_277 = arith.addi %add3A_275, %add3A_276 : i32
      %multiple_of3A_278 = tpu.assume_multiple %add3A_277, 8 : i32
      %dma_wait3A_279 = arith.constant 0 : i32
      %dma_wait3A_280 = arith.constant 0 : i32
      %dma_wait3A_281 = arith.constant 0 : i32
      %dma_wait3A_282 = tpu.memref_slice %arg6[%dma_wait3A_279, %dma_wait3A_280, %dma_wait3A_281] : memref<4x128x128xf32, #tpu.memory_space<vmem>> -> memref<1x128x128xf32, #tpu.memory_space<vmem>>
      %dma_wait3A_283 = tpu.memref_squeeze %dma_wait3A_282 : memref<1x128x128xf32, #tpu.memory_space<vmem>> -> memref<128x128xf32, #tpu.memory_space<vmem>>
      %dma_wait3A_284 = arith.constant 0 : i32
      %dma_wait3A_285 = tpu.memref_slice %arg4[%multiple_of3A_278, %dma_wait3A_284] : memref<204800x128xf32, #tpu.memory_space<hbm>> -> memref<128x128xf32, #tpu.memory_space<hbm>>
      %dma_wait3A_286 = arith.constant 0 : i32
      %dma_wait3A_287 = tpu.memref_slice %arg4[%multiple_of3A_278, %dma_wait3A_286] : memref<204800x128xf32, #tpu.memory_space<hbm>> -> memref<128x128xf32, #tpu.memory_space<hbm>>
      %dma_wait3A_288 = arith.constant 0 : i32
      %dma_wait3A_289 = arith.constant 0 : i32
      %dma_wait3A_290 = tpu.memref_slice %arg6[%dma_wait3A_279, %dma_wait3A_288, %dma_wait3A_289] : memref<4x128x128xf32, #tpu.memory_space<vmem>> -> memref<1x128x128xf32, #tpu.memory_space<vmem>>
      %dma_wait3A_291 = tpu.memref_squeeze %dma_wait3A_290 : memref<1x128x128xf32, #tpu.memory_space<vmem>> -> memref<128x128xf32, #tpu.memory_space<vmem>>
      tpu.wait_dma2 semaphore(%arg11 : memref<!tpu.dma_semaphore, #tpu.memory_space<semaphore_mem>>) src(%dma_wait3A_291 : memref<128x128xf32, #tpu.memory_space<vmem>>) dst(%dma_wait3A_287 : memref<128x128xf32, #tpu.memory_space<hbm>>)
      %add3A_292 = arith.constant 1 : i32
      %add3A_293 = arith.addi %add3A_239, %add3A_292 : i32
      %mul3A_294 = arith.constant 200 : i32
      %mul3A_295 = arith.muli %add3A_293, %mul3A_294 : i32
      %add3A_296 = arith.constant 0 : i32
      %add3A_297 = arith.addi %mul3A_295, %add3A_296 : i32
      %dma_start3A_298 = arith.constant 0 : i32
      %dma_start3A_299 = arith.constant 0 : i32
      %dma_start3A_300 = arith.constant 0 : i32
      %dma_start3A_301 = tpu.memref_slice %arg6[%dma_start3A_298, %dma_start3A_299, %dma_start3A_300] : memref<4x128x128xf32, #tpu.memory_space<vmem>> -> memref<1x128x128xf32, #tpu.memory_space<vmem>>
      %dma_start3A_302 = tpu.memref_squeeze %dma_start3A_301 : memref<1x128x128xf32, #tpu.memory_space<vmem>> -> memref<128x128xf32, #tpu.memory_space<vmem>>
      %dma_start3A_303 = tpu.memref_slice %arg5[%add3A_297] : memref<6400xi32, #tpu.memory_space<vmem>> -> memref<128xi32, #tpu.memory_space<vmem>>
      %dma_start3A_304 = arith.constant 0 : i32
      %dma_start3A_305 = arith.constant 0 : i32
      %dma_start3A_306 = tpu.memref_slice %arg2[%dma_start3A_304, %dma_start3A_305] : memref<100000x128xf32, #tpu.memory_space<hbm>> -> memref<100000x128xf32, #tpu.memory_space<hbm>>
      tpu.enqueue_indirect_dma source(%dma_start3A_306 : memref<100000x128xf32, #tpu.memory_space<hbm>>) target(%dma_start3A_302 : memref<128x128xf32, #tpu.memory_space<vmem>>) offsets(%dma_start3A_303 : memref<128xi32, #tpu.memory_space<vmem>>) semaphore(%arg7 : memref<!tpu.dma_semaphore, #tpu.memory_space<semaphore_mem>>)
      %mul3A_307 = arith.constant 2 : i32
      %mul3A_308 = arith.muli %mul3A_307, %add3A_233 : i32
      %add3A_309 = arith.constant 1 : i32
      %add3A_310 = arith.addi %add3A_309, %mul3A_308 : i32
      %add3A_311 = arith.constant 0 : i32
      %add3A_312 = arith.addi %add3A_310, %add3A_311 : i32
      %mul3A_313 = arith.constant 200 : i32
      %mul3A_314 = arith.muli %add3A_312, %mul3A_313 : i32
      %add3A_315 = arith.constant 128 : i32
      %add3A_316 = arith.addi %mul3A_314, %add3A_315 : i32
      %dma_wait3A_317 = arith.constant 3 : i32
      %dma_wait3A_318 = arith.constant 0 : i32
      %dma_wait3A_319 = arith.constant 0 : i32
      %dma_wait3A_320 = tpu.memref_slice %arg6[%dma_wait3A_317, %dma_wait3A_318, %dma_wait3A_319] : memref<4x128x128xf32, #tpu.memory_space<vmem>> -> memref<1x72x128xf32, #tpu.memory_space<vmem>>
      %dma_wait3A_321 = tpu.memref_squeeze %dma_wait3A_320 : memref<1x72x128xf32, #tpu.memory_space<vmem>> -> memref<72x128xf32, #tpu.memory_space<vmem>>
      %dma_wait3A_322 = tpu.memref_slice %arg5[%add3A_316] : memref<6400xi32, #tpu.memory_space<vmem>> -> memref<72xi32, #tpu.memory_space<vmem>>
      %dma_wait3A_323 = arith.constant 0 : i32
      %dma_wait3A_324 = arith.constant 0 : i32
      %dma_wait3A_325 = tpu.memref_slice %arg2[%dma_wait3A_323, %dma_wait3A_324] : memref<100000x128xf32, #tpu.memory_space<hbm>> -> memref<100000x128xf32, #tpu.memory_space<hbm>>
      tpu.wait_indirect_dma semaphore(%arg10 : memref<!tpu.dma_semaphore, #tpu.memory_space<semaphore_mem>>) src(%dma_wait3A_325 : memref<100000x128xf32, #tpu.memory_space<hbm>>) dst(%dma_wait3A_321 : memref<72x128xf32, #tpu.memory_space<vmem>>)
      %mul3A_326 = arith.constant 200 : i32
      %mul3A_327 = arith.muli %add3A_312, %mul3A_326 : i32
      %add3A_328 = arith.addi %multiple_of3A, %mul3A_327 : i32
      %add3A_329 = arith.constant 128 : i32
      %add3A_330 = arith.addi %add3A_328, %add3A_329 : i32
      %multiple_of3A_331 = tpu.assume_multiple %add3A_330, 8 : i32
      %dma_start3A_332 = arith.constant 3 : i32
      %dma_start3A_333 = arith.constant 0 : i32
      %dma_start3A_334 = arith.constant 0 : i32
      %dma_start3A_335 = tpu.memref_slice %arg6[%dma_start3A_332, %dma_start3A_333, %dma_start3A_334] : memref<4x128x128xf32, #tpu.memory_space<vmem>> -> memref<1x72x128xf32, #tpu.memory_space<vmem>>
      %dma_start3A_336 = tpu.memref_squeeze %dma_start3A_335 : memref<1x72x128xf32, #tpu.memory_space<vmem>> -> memref<72x128xf32, #tpu.memory_space<vmem>>
      %dma_start3A_337 = arith.constant 0 : i32
      %dma_start3A_338 = tpu.memref_slice %arg4[%multiple_of3A_331, %dma_start3A_337] : memref<204800x128xf32, #tpu.memory_space<hbm>> -> memref<72x128xf32, #tpu.memory_space<hbm>>
      %dma_start3A_339 = arith.constant 0 : i32
      %dma_start3A_340 = tpu.memref_slice %arg4[%multiple_of3A_331, %dma_start3A_339] : memref<204800x128xf32, #tpu.memory_space<hbm>> -> memref<72x128xf32, #tpu.memory_space<hbm>>
      %dma_start3A_341 = arith.constant 0 : i32
      %dma_start3A_342 = arith.constant 0 : i32
      %dma_start3A_343 = tpu.memref_slice %arg6[%dma_start3A_332, %dma_start3A_341, %dma_start3A_342] : memref<4x128x128xf32, #tpu.memory_space<vmem>> -> memref<1x72x128xf32, #tpu.memory_space<vmem>>
      %dma_start3A_344 = tpu.memref_squeeze %dma_start3A_343 : memref<1x72x128xf32, #tpu.memory_space<vmem>> -> memref<72x128xf32, #tpu.memory_space<vmem>>
      tpu.enqueue_dma source(%dma_start3A_344 : memref<72x128xf32, #tpu.memory_space<vmem>>) target(%dma_start3A_340 : memref<72x128xf32, #tpu.memory_space<hbm>>) target_semaphore(%arg14 : memref<!tpu.dma_semaphore, #tpu.memory_space<semaphore_mem>>)
      %sub3A_345 = arith.constant 1 : i32
      %sub3A_346 = arith.subi %add3A_312, %sub3A_345 : i32
      %mul3A_347 = arith.constant 200 : i32
      %mul3A_348 = arith.muli %sub3A_346, %mul3A_347 : i32
      %add3A_349 = arith.addi %multiple_of3A, %mul3A_348 : i32
      %add3A_350 = arith.constant 128 : i32
      %add3A_351 = arith.addi %add3A_349, %add3A_350 : i32
      %multiple_of3A_352 = tpu.assume_multiple %add3A_351, 8 : i32
      %dma_wait3A_353 = arith.constant 1 : i32
      %dma_wait3A_354 = arith.constant 0 : i32
      %dma_wait3A_355 = arith.constant 0 : i32
      %dma_wait3A_356 = tpu.memref_slice %arg6[%dma_wait3A_353, %dma_wait3A_354, %dma_wait3A_355] : memref<4x128x128xf32, #tpu.memory_space<vmem>> -> memref<1x72x128xf32, #tpu.memory_space<vmem>>
      %dma_wait3A_357 = tpu.memref_squeeze %dma_wait3A_356 : memref<1x72x128xf32, #tpu.memory_space<vmem>> -> memref<72x128xf32, #tpu.memory_space<vmem>>
      %dma_wait3A_358 = arith.constant 0 : i32
      %dma_wait3A_359 = tpu.memref_slice %arg4[%multiple_of3A_352, %dma_wait3A_358] : memref<204800x128xf32, #tpu.memory_space<hbm>> -> memref<72x128xf32, #tpu.memory_space<hbm>>
      %dma_wait3A_360 = arith.constant 0 : i32
      %dma_wait3A_361 = tpu.memref_slice %arg4[%multiple_of3A_352, %dma_wait3A_360] : memref<204800x128xf32, #tpu.memory_space<hbm>> -> memref<72x128xf32, #tpu.memory_space<hbm>>
      %dma_wait3A_362 = arith.constant 0 : i32
      %dma_wait3A_363 = arith.constant 0 : i32
      %dma_wait3A_364 = tpu.memref_slice %arg6[%dma_wait3A_353, %dma_wait3A_362, %dma_wait3A_363] : memref<4x128x128xf32, #tpu.memory_space<vmem>> -> memref<1x72x128xf32, #tpu.memory_space<vmem>>
      %dma_wait3A_365 = tpu.memref_squeeze %dma_wait3A_364 : memref<1x72x128xf32, #tpu.memory_space<vmem>> -> memref<72x128xf32, #tpu.memory_space<vmem>>
      tpu.wait_dma2 semaphore(%arg12 : memref<!tpu.dma_semaphore, #tpu.memory_space<semaphore_mem>>) src(%dma_wait3A_365 : memref<72x128xf32, #tpu.memory_space<vmem>>) dst(%dma_wait3A_361 : memref<72x128xf32, #tpu.memory_space<hbm>>)
      %add3A_366 = arith.constant 1 : i32
      %add3A_367 = arith.addi %add3A_312, %add3A_366 : i32
      %mul3A_368 = arith.constant 200 : i32
      %mul3A_369 = arith.muli %add3A_367, %mul3A_368 : i32
      %add3A_370 = arith.constant 128 : i32
      %add3A_371 = arith.addi %mul3A_369, %add3A_370 : i32
      %dma_start3A_372 = arith.constant 1 : i32
      %dma_start3A_373 = arith.constant 0 : i32
      %dma_start3A_374 = arith.constant 0 : i32
      %dma_start3A_375 = tpu.memref_slice %arg6[%dma_start3A_372, %dma_start3A_373, %dma_start3A_374] : memref<4x128x128xf32, #tpu.memory_space<vmem>> -> memref<1x72x128xf32, #tpu.memory_space<vmem>>
      %dma_start3A_376 = tpu.memref_squeeze %dma_start3A_375 : memref<1x72x128xf32, #tpu.memory_space<vmem>> -> memref<72x128xf32, #tpu.memory_space<vmem>>
      %dma_start3A_377 = tpu.memref_slice %arg5[%add3A_371] : memref<6400xi32, #tpu.memory_space<vmem>> -> memref<72xi32, #tpu.memory_space<vmem>>
      %dma_start3A_378 = arith.constant 0 : i32
      %dma_start3A_379 = arith.constant 0 : i32
      %dma_start3A_380 = tpu.memref_slice %arg2[%dma_start3A_378, %dma_start3A_379] : memref<100000x128xf32, #tpu.memory_space<hbm>> -> memref<100000x128xf32, #tpu.memory_space<hbm>>
      tpu.enqueue_indirect_dma source(%dma_start3A_380 : memref<100000x128xf32, #tpu.memory_space<hbm>>) target(%dma_start3A_376 : memref<72x128xf32, #tpu.memory_space<vmem>>) offsets(%dma_start3A_377 : memref<72xi32, #tpu.memory_space<vmem>>) semaphore(%arg8 : memref<!tpu.dma_semaphore, #tpu.memory_space<semaphore_mem>>)
      %mul3A_381 = arith.constant 2 : i32
      %mul3A_382 = arith.muli %mul3A_381, %add3A_233 : i32
      %add3A_383 = arith.constant 1 : i32
      %add3A_384 = arith.addi %add3A_383, %mul3A_382 : i32
      %add3A_385 = arith.constant 1 : i32
      %add3A_386 = arith.addi %add3A_384, %add3A_385 : i32
      %mul3A_387 = arith.constant 200 : i32
      %mul3A_388 = arith.muli %add3A_386, %mul3A_387 : i32
      %add3A_389 = arith.constant 0 : i32
      %add3A_390 = arith.addi %mul3A_388, %add3A_389 : i32
      %dma_wait3A_391 = arith.constant 0 : i32
      %dma_wait3A_392 = arith.constant 0 : i32
      %dma_wait3A_393 = arith.constant 0 : i32
      %dma_wait3A_394 = tpu.memref_slice %arg6[%dma_wait3A_391, %dma_wait3A_392, %dma_wait3A_393] : memref<4x128x128xf32, #tpu.memory_space<vmem>> -> memref<1x128x128xf32, #tpu.memory_space<vmem>>
      %dma_wait3A_395 = tpu.memref_squeeze %dma_wait3A_394 : memref<1x128x128xf32, #tpu.memory_space<vmem>> -> memref<128x128xf32, #tpu.memory_space<vmem>>
      %dma_wait3A_396 = tpu.memref_slice %arg5[%add3A_390] : memref<6400xi32, #tpu.memory_space<vmem>> -> memref<128xi32, #tpu.memory_space<vmem>>
      %dma_wait3A_397 = arith.constant 0 : i32
      %dma_wait3A_398 = arith.constant 0 : i32
      %dma_wait3A_399 = tpu.memref_slice %arg2[%dma_wait3A_397, %dma_wait3A_398] : memref<100000x128xf32, #tpu.memory_space<hbm>> -> memref<100000x128xf32, #tpu.memory_space<hbm>>
      tpu.wait_indirect_dma semaphore(%arg7 : memref<!tpu.dma_semaphore, #tpu.memory_space<semaphore_mem>>) src(%dma_wait3A_399 : memref<100000x128xf32, #tpu.memory_space<hbm>>) dst(%dma_wait3A_395 : memref<128x128xf32, #tpu.memory_space<vmem>>)
      %mul3A_400 = arith.constant 200 : i32
      %mul3A_401 = arith.muli %add3A_386, %mul3A_400 : i32
      %add3A_402 = arith.addi %multiple_of3A, %mul3A_401 : i32
      %add3A_403 = arith.constant 0 : i32
      %add3A_404 = arith.addi %add3A_402, %add3A_403 : i32
      %multiple_of3A_405 = tpu.assume_multiple %add3A_404, 8 : i32
      %dma_start3A_406 = arith.constant 0 : i32
      %dma_start3A_407 = arith.constant 0 : i32
      %dma_start3A_408 = arith.constant 0 : i32
      %dma_start3A_409 = tpu.memref_slice %arg6[%dma_start3A_406, %dma_start3A_407, %dma_start3A_408] : memref<4x128x128xf32, #tpu.memory_space<vmem>> -> memref<1x128x128xf32, #tpu.memory_space<vmem>>
      %dma_start3A_410 = tpu.memref_squeeze %dma_start3A_409 : memref<1x128x128xf32, #tpu.memory_space<vmem>> -> memref<128x128xf32, #tpu.memory_space<vmem>>
      %dma_start3A_411 = arith.constant 0 : i32
      %dma_start3A_412 = tpu.memref_slice %arg4[%multiple_of3A_405, %dma_start3A_411] : memref<204800x128xf32, #tpu.memory_space<hbm>> -> memref<128x128xf32, #tpu.memory_space<hbm>>
      %dma_start3A_413 = arith.constant 0 : i32
      %dma_start3A_414 = tpu.memref_slice %arg4[%multiple_of3A_405, %dma_start3A_413] : memref<204800x128xf32, #tpu.memory_space<hbm>> -> memref<128x128xf32, #tpu.memory_space<hbm>>
      %dma_start3A_415 = arith.constant 0 : i32
      %dma_start3A_416 = arith.constant 0 : i32
      %dma_start3A_417 = tpu.memref_slice %arg6[%dma_start3A_406, %dma_start3A_415, %dma_start3A_416] : memref<4x128x128xf32, #tpu.memory_space<vmem>> -> memref<1x128x128xf32, #tpu.memory_space<vmem>>
      %dma_start3A_418 = tpu.memref_squeeze %dma_start3A_417 : memref<1x128x128xf32, #tpu.memory_space<vmem>> -> memref<128x128xf32, #tpu.memory_space<vmem>>
      tpu.enqueue_dma source(%dma_start3A_418 : memref<128x128xf32, #tpu.memory_space<vmem>>) target(%dma_start3A_414 : memref<128x128xf32, #tpu.memory_space<hbm>>) target_semaphore(%arg11 : memref<!tpu.dma_semaphore, #tpu.memory_space<semaphore_mem>>)
      %sub3A_419 = arith.constant 1 : i32
      %sub3A_420 = arith.subi %add3A_386, %sub3A_419 : i32
      %mul3A_421 = arith.constant 200 : i32
      %mul3A_422 = arith.muli %sub3A_420, %mul3A_421 : i32
      %add3A_423 = arith.addi %multiple_of3A, %mul3A_422 : i32
      %add3A_424 = arith.constant 0 : i32
      %add3A_425 = arith.addi %add3A_423, %add3A_424 : i32
      %multiple_of3A_426 = tpu.assume_multiple %add3A_425, 8 : i32
      %dma_wait3A_427 = arith.constant 2 : i32
      %dma_wait3A_428 = arith.constant 0 : i32
      %dma_wait3A_429 = arith.constant 0 : i32
      %dma_wait3A_430 = tpu.memref_slice %arg6[%dma_wait3A_427, %dma_wait3A_428, %dma_wait3A_429] : memref<4x128x128xf32, #tpu.memory_space<vmem>> -> memref<1x128x128xf32, #tpu.memory_space<vmem>>
      %dma_wait3A_431 = tpu.memref_squeeze %dma_wait3A_430 : memref<1x128x128xf32, #tpu.memory_space<vmem>> -> memref<128x128xf32, #tpu.memory_space<vmem>>
      %dma_wait3A_432 = arith.constant 0 : i32
      %dma_wait3A_433 = tpu.memref_slice %arg4[%multiple_of3A_426, %dma_wait3A_432] : memref<204800x128xf32, #tpu.memory_space<hbm>> -> memref<128x128xf32, #tpu.memory_space<hbm>>
      %dma_wait3A_434 = arith.constant 0 : i32
      %dma_wait3A_435 = tpu.memref_slice %arg4[%multiple_of3A_426, %dma_wait3A_434] : memref<204800x128xf32, #tpu.memory_space<hbm>> -> memref<128x128xf32, #tpu.memory_space<hbm>>
      %dma_wait3A_436 = arith.constant 0 : i32
      %dma_wait3A_437 = arith.constant 0 : i32
      %dma_wait3A_438 = tpu.memref_slice %arg6[%dma_wait3A_427, %dma_wait3A_436, %dma_wait3A_437] : memref<4x128x128xf32, #tpu.memory_space<vmem>> -> memref<1x128x128xf32, #tpu.memory_space<vmem>>
      %dma_wait3A_439 = tpu.memref_squeeze %dma_wait3A_438 : memref<1x128x128xf32, #tpu.memory_space<vmem>> -> memref<128x128xf32, #tpu.memory_space<vmem>>
      tpu.wait_dma2 semaphore(%arg13 : memref<!tpu.dma_semaphore, #tpu.memory_space<semaphore_mem>>) src(%dma_wait3A_439 : memref<128x128xf32, #tpu.memory_space<vmem>>) dst(%dma_wait3A_435 : memref<128x128xf32, #tpu.memory_space<hbm>>)
      %add3A_440 = arith.constant 1 : i32
      %add3A_441 = arith.addi %add3A_386, %add3A_440 : i32
      %mul3A_442 = arith.constant 200 : i32
      %mul3A_443 = arith.muli %add3A_441, %mul3A_442 : i32
      %add3A_444 = arith.constant 0 : i32
      %add3A_445 = arith.addi %mul3A_443, %add3A_444 : i32
      %dma_start3A_446 = arith.constant 2 : i32
      %dma_start3A_447 = arith.constant 0 : i32
      %dma_start3A_448 = arith.constant 0 : i32
      %dma_start3A_449 = tpu.memref_slice %arg6[%dma_start3A_446, %dma_start3A_447, %dma_start3A_448] : memref<4x128x128xf32, #tpu.memory_space<vmem>> -> memref<1x128x128xf32, #tpu.memory_space<vmem>>
      %dma_start3A_450 = tpu.memref_squeeze %dma_start3A_449 : memref<1x128x128xf32, #tpu.memory_space<vmem>> -> memref<128x128xf32, #tpu.memory_space<vmem>>
      %dma_start3A_451 = tpu.memref_slice %arg5[%add3A_445] : memref<6400xi32, #tpu.memory_space<vmem>> -> memref<128xi32, #tpu.memory_space<vmem>>
      %dma_start3A_452 = arith.constant 0 : i32
      %dma_start3A_453 = arith.constant 0 : i32
      %dma_start3A_454 = tpu.memref_slice %arg2[%dma_start3A_452, %dma_start3A_453] : memref<100000x128xf32, #tpu.memory_space<hbm>> -> memref<100000x128xf32, #tpu.memory_space<hbm>>
      tpu.enqueue_indirect_dma source(%dma_start3A_454 : memref<100000x128xf32, #tpu.memory_space<hbm>>) target(%dma_start3A_450 : memref<128x128xf32, #tpu.memory_space<vmem>>) offsets(%dma_start3A_451 : memref<128xi32, #tpu.memory_space<vmem>>) semaphore(%arg9 : memref<!tpu.dma_semaphore, #tpu.memory_space<semaphore_mem>>)
      %mul3A_455 = arith.constant 2 : i32
      %mul3A_456 = arith.muli %mul3A_455, %add3A_233 : i32
      %add3A_457 = arith.constant 1 : i32
      %add3A_458 = arith.addi %add3A_457, %mul3A_456 : i32
      %add3A_459 = arith.constant 1 : i32
      %add3A_460 = arith.addi %add3A_458, %add3A_459 : i32
      %mul3A_461 = arith.constant 200 : i32
      %mul3A_462 = arith.muli %add3A_460, %mul3A_461 : i32
      %add3A_463 = arith.constant 128 : i32
      %add3A_464 = arith.addi %mul3A_462, %add3A_463 : i32
      %dma_wait3A_465 = arith.constant 1 : i32
      %dma_wait3A_466 = arith.constant 0 : i32
      %dma_wait3A_467 = arith.constant 0 : i32
      %dma_wait3A_468 = tpu.memref_slice %arg6[%dma_wait3A_465, %dma_wait3A_466, %dma_wait3A_467] : memref<4x128x128xf32, #tpu.memory_space<vmem>> -> memref<1x72x128xf32, #tpu.memory_space<vmem>>
      %dma_wait3A_469 = tpu.memref_squeeze %dma_wait3A_468 : memref<1x72x128xf32, #tpu.memory_space<vmem>> -> memref<72x128xf32, #tpu.memory_space<vmem>>
      %dma_wait3A_470 = tpu.memref_slice %arg5[%add3A_464] : memref<6400xi32, #tpu.memory_space<vmem>> -> memref<72xi32, #tpu.memory_space<vmem>>
      %dma_wait3A_471 = arith.constant 0 : i32
      %dma_wait3A_472 = arith.constant 0 : i32
      %dma_wait3A_473 = tpu.memref_slice %arg2[%dma_wait3A_471, %dma_wait3A_472] : memref<100000x128xf32, #tpu.memory_space<hbm>> -> memref<100000x128xf32, #tpu.memory_space<hbm>>
      tpu.wait_indirect_dma semaphore(%arg8 : memref<!tpu.dma_semaphore, #tpu.memory_space<semaphore_mem>>) src(%dma_wait3A_473 : memref<100000x128xf32, #tpu.memory_space<hbm>>) dst(%dma_wait3A_469 : memref<72x128xf32, #tpu.memory_space<vmem>>)
      %mul3A_474 = arith.constant 200 : i32
      %mul3A_475 = arith.muli %add3A_460, %mul3A_474 : i32
      %add3A_476 = arith.addi %multiple_of3A, %mul3A_475 : i32
      %add3A_477 = arith.constant 128 : i32
      %add3A_478 = arith.addi %add3A_476, %add3A_477 : i32
      %multiple_of3A_479 = tpu.assume_multiple %add3A_478, 8 : i32
      %dma_start3A_480 = arith.constant 1 : i32
      %dma_start3A_481 = arith.constant 0 : i32
      %dma_start3A_482 = arith.constant 0 : i32
      %dma_start3A_483 = tpu.memref_slice %arg6[%dma_start3A_480, %dma_start3A_481, %dma_start3A_482] : memref<4x128x128xf32, #tpu.memory_space<vmem>> -> memref<1x72x128xf32, #tpu.memory_space<vmem>>
      %dma_start3A_484 = tpu.memref_squeeze %dma_start3A_483 : memref<1x72x128xf32, #tpu.memory_space<vmem>> -> memref<72x128xf32, #tpu.memory_space<vmem>>
      %dma_start3A_485 = arith.constant 0 : i32
      %dma_start3A_486 = tpu.memref_slice %arg4[%multiple_of3A_479, %dma_start3A_485] : memref<204800x128xf32, #tpu.memory_space<hbm>> -> memref<72x128xf32, #tpu.memory_space<hbm>>
      %dma_start3A_487 = arith.constant 0 : i32
      %dma_start3A_488 = tpu.memref_slice %arg4[%multiple_of3A_479, %dma_start3A_487] : memref<204800x128xf32, #tpu.memory_space<hbm>> -> memref<72x128xf32, #tpu.memory_space<hbm>>
      %dma_start3A_489 = arith.constant 0 : i32
      %dma_start3A_490 = arith.constant 0 : i32
      %dma_start3A_491 = tpu.memref_slice %arg6[%dma_start3A_480, %dma_start3A_489, %dma_start3A_490] : memref<4x128x128xf32, #tpu.memory_space<vmem>> -> memref<1x72x128xf32, #tpu.memory_space<vmem>>
      %dma_start3A_492 = tpu.memref_squeeze %dma_start3A_491 : memref<1x72x128xf32, #tpu.memory_space<vmem>> -> memref<72x128xf32, #tpu.memory_space<vmem>>
      tpu.enqueue_dma source(%dma_start3A_492 : memref<72x128xf32, #tpu.memory_space<vmem>>) target(%dma_start3A_488 : memref<72x128xf32, #tpu.memory_space<hbm>>) target_semaphore(%arg12 : memref<!tpu.dma_semaphore, #tpu.memory_space<semaphore_mem>>)
      %sub3A_493 = arith.constant 1 : i32
      %sub3A_494 = arith.subi %add3A_460, %sub3A_493 : i32
      %mul3A_495 = arith.constant 200 : i32
      %mul3A_496 = arith.muli %sub3A_494, %mul3A_495 : i32
      %add3A_497 = arith.addi %multiple_of3A, %mul3A_496 : i32
      %add3A_498 = arith.constant 128 : i32
      %add3A_499 = arith.addi %add3A_497, %add3A_498 : i32
      %multiple_of3A_500 = tpu.assume_multiple %add3A_499, 8 : i32
      %dma_wait3A_501 = arith.constant 3 : i32
      %dma_wait3A_502 = arith.constant 0 : i32
      %dma_wait3A_503 = arith.constant 0 : i32
      %dma_wait3A_504 = tpu.memref_slice %arg6[%dma_wait3A_501, %dma_wait3A_502, %dma_wait3A_503] : memref<4x128x128xf32, #tpu.memory_space<vmem>> -> memref<1x72x128xf32, #tpu.memory_space<vmem>>
      %dma_wait3A_505 = tpu.memref_squeeze %dma_wait3A_504 : memref<1x72x128xf32, #tpu.memory_space<vmem>> -> memref<72x128xf32, #tpu.memory_space<vmem>>
      %dma_wait3A_506 = arith.constant 0 : i32
      %dma_wait3A_507 = tpu.memref_slice %arg4[%multiple_of3A_500, %dma_wait3A_506] : memref<204800x128xf32, #tpu.memory_space<hbm>> -> memref<72x128xf32, #tpu.memory_space<hbm>>
      %dma_wait3A_508 = arith.constant 0 : i32
      %dma_wait3A_509 = tpu.memref_slice %arg4[%multiple_of3A_500, %dma_wait3A_508] : memref<204800x128xf32, #tpu.memory_space<hbm>> -> memref<72x128xf32, #tpu.memory_space<hbm>>
      %dma_wait3A_510 = arith.constant 0 : i32
      %dma_wait3A_511 = arith.constant 0 : i32
      %dma_wait3A_512 = tpu.memref_slice %arg6[%dma_wait3A_501, %dma_wait3A_510, %dma_wait3A_511] : memref<4x128x128xf32, #tpu.memory_space<vmem>> -> memref<1x72x128xf32, #tpu.memory_space<vmem>>
      %dma_wait3A_513 = tpu.memref_squeeze %dma_wait3A_512 : memref<1x72x128xf32, #tpu.memory_space<vmem>> -> memref<72x128xf32, #tpu.memory_space<vmem>>
      tpu.wait_dma2 semaphore(%arg14 : memref<!tpu.dma_semaphore, #tpu.memory_space<semaphore_mem>>) src(%dma_wait3A_513 : memref<72x128xf32, #tpu.memory_space<vmem>>) dst(%dma_wait3A_509 : memref<72x128xf32, #tpu.memory_space<hbm>>)
      %add3A_514 = arith.constant 1 : i32
      %add3A_515 = arith.addi %add3A_460, %add3A_514 : i32
      %mul3A_516 = arith.constant 200 : i32
      %mul3A_517 = arith.muli %add3A_515, %mul3A_516 : i32
      %add3A_518 = arith.constant 128 : i32
      %add3A_519 = arith.addi %mul3A_517, %add3A_518 : i32
      %dma_start3A_520 = arith.constant 3 : i32
      %dma_start3A_521 = arith.constant 0 : i32
      %dma_start3A_522 = arith.constant 0 : i32
      %dma_start3A_523 = tpu.memref_slice %arg6[%dma_start3A_520, %dma_start3A_521, %dma_start3A_522] : memref<4x128x128xf32, #tpu.memory_space<vmem>> -> memref<1x72x128xf32, #tpu.memory_space<vmem>>
      %dma_start3A_524 = tpu.memref_squeeze %dma_start3A_523 : memref<1x72x128xf32, #tpu.memory_space<vmem>> -> memref<72x128xf32, #tpu.memory_space<vmem>>
      %dma_start3A_525 = tpu.memref_slice %arg5[%add3A_519] : memref<6400xi32, #tpu.memory_space<vmem>> -> memref<72xi32, #tpu.memory_space<vmem>>
      %dma_start3A_526 = arith.constant 0 : i32
      %dma_start3A_527 = arith.constant 0 : i32
      %dma_start3A_528 = tpu.memref_slice %arg2[%dma_start3A_526, %dma_start3A_527] : memref<100000x128xf32, #tpu.memory_space<hbm>> -> memref<100000x128xf32, #tpu.memory_space<hbm>>
      tpu.enqueue_indirect_dma source(%dma_start3A_528 : memref<100000x128xf32, #tpu.memory_space<hbm>>) target(%dma_start3A_524 : memref<72x128xf32, #tpu.memory_space<vmem>>) offsets(%dma_start3A_525 : memref<72xi32, #tpu.memory_space<vmem>>) semaphore(%arg10 : memref<!tpu.dma_semaphore, #tpu.memory_space<semaphore_mem>>)
    }
    %scan3A_100 = arith.constant 15 : i32
    %dma_wait3A_101 = arith.constant 2 : i32
    %dma_wait3A_102 = arith.constant 0 : i32
    %dma_wait3A_103 = arith.constant 0 : i32
    %dma_wait3A_104 = tpu.memref_slice %arg6[%dma_wait3A_101, %dma_wait3A_102, %dma_wait3A_103] : memref<4x128x128xf32, #tpu.memory_space<vmem>> -> memref<1x128x128xf32, #tpu.memory_space<vmem>>
    %dma_wait3A_105 = tpu.memref_squeeze %dma_wait3A_104 : memref<1x128x128xf32, #tpu.memory_space<vmem>> -> memref<128x128xf32, #tpu.memory_space<vmem>>
    %dma_wait3A_106 = arith.constant 6200 : i32
    %dma_wait3A_107 = tpu.memref_slice %arg5[%dma_wait3A_106] : memref<6400xi32, #tpu.memory_space<vmem>> -> memref<128xi32, #tpu.memory_space<vmem>>
    %dma_wait3A_108 = arith.constant 0 : i32
    %dma_wait3A_109 = arith.constant 0 : i32
    %dma_wait3A_110 = tpu.memref_slice %arg2[%dma_wait3A_108, %dma_wait3A_109] : memref<100000x128xf32, #tpu.memory_space<hbm>> -> memref<100000x128xf32, #tpu.memory_space<hbm>>
    tpu.wait_indirect_dma semaphore(%arg9 : memref<!tpu.dma_semaphore, #tpu.memory_space<semaphore_mem>>) src(%dma_wait3A_110 : memref<100000x128xf32, #tpu.memory_space<hbm>>) dst(%dma_wait3A_105 : memref<128x128xf32, #tpu.memory_space<vmem>>)
    %add3A_111 = arith.constant 6200 : i32
    %add3A_112 = arith.addi %multiple_of3A, %add3A_111 : i32
    %add3A_113 = arith.constant 0 : i32
    %add3A_114 = arith.addi %add3A_112, %add3A_113 : i32
    %multiple_of3A_115 = tpu.assume_multiple %add3A_114, 8 : i32
    %dma_start3A_116 = arith.constant 2 : i32
    %dma_start3A_117 = arith.constant 0 : i32
    %dma_start3A_118 = arith.constant 0 : i32
    %dma_start3A_119 = tpu.memref_slice %arg6[%dma_start3A_116, %dma_start3A_117, %dma_start3A_118] : memref<4x128x128xf32, #tpu.memory_space<vmem>> -> memref<1x128x128xf32, #tpu.memory_space<vmem>>
    %dma_start3A_120 = tpu.memref_squeeze %dma_start3A_119 : memref<1x128x128xf32, #tpu.memory_space<vmem>> -> memref<128x128xf32, #tpu.memory_space<vmem>>
    %dma_start3A_121 = arith.constant 0 : i32
    %dma_start3A_122 = tpu.memref_slice %arg4[%multiple_of3A_115, %dma_start3A_121] : memref<204800x128xf32, #tpu.memory_space<hbm>> -> memref<128x128xf32, #tpu.memory_space<hbm>>
    %dma_start3A_123 = arith.constant 0 : i32
    %dma_start3A_124 = tpu.memref_slice %arg4[%multiple_of3A_115, %dma_start3A_123] : memref<204800x128xf32, #tpu.memory_space<hbm>> -> memref<128x128xf32, #tpu.memory_space<hbm>>
    %dma_start3A_125 = arith.constant 0 : i32
    %dma_start3A_126 = arith.constant 0 : i32
    %dma_start3A_127 = tpu.memref_slice %arg6[%dma_start3A_116, %dma_start3A_125, %dma_start3A_126] : memref<4x128x128xf32, #tpu.memory_space<vmem>> -> memref<1x128x128xf32, #tpu.memory_space<vmem>>
    %dma_start3A_128 = tpu.memref_squeeze %dma_start3A_127 : memref<1x128x128xf32, #tpu.memory_space<vmem>> -> memref<128x128xf32, #tpu.memory_space<vmem>>
    tpu.enqueue_dma source(%dma_start3A_128 : memref<128x128xf32, #tpu.memory_space<vmem>>) target(%dma_start3A_124 : memref<128x128xf32, #tpu.memory_space<hbm>>) target_semaphore(%arg13 : memref<!tpu.dma_semaphore, #tpu.memory_space<semaphore_mem>>)
    %add3A_129 = arith.constant 6000 : i32
    %add3A_130 = arith.addi %multiple_of3A, %add3A_129 : i32
    %add3A_131 = arith.constant 0 : i32
    %add3A_132 = arith.addi %add3A_130, %add3A_131 : i32
    %multiple_of3A_133 = tpu.assume_multiple %add3A_132, 8 : i32
    %dma_wait3A_134 = arith.constant 0 : i32
    %dma_wait3A_135 = arith.constant 0 : i32
    %dma_wait3A_136 = arith.constant 0 : i32
    %dma_wait3A_137 = tpu.memref_slice %arg6[%dma_wait3A_134, %dma_wait3A_135, %dma_wait3A_136] : memref<4x128x128xf32, #tpu.memory_space<vmem>> -> memref<1x128x128xf32, #tpu.memory_space<vmem>>
    %dma_wait3A_138 = tpu.memref_squeeze %dma_wait3A_137 : memref<1x128x128xf32, #tpu.memory_space<vmem>> -> memref<128x128xf32, #tpu.memory_space<vmem>>
    %dma_wait3A_139 = arith.constant 0 : i32
    %dma_wait3A_140 = tpu.memref_slice %arg4[%multiple_of3A_133, %dma_wait3A_139] : memref<204800x128xf32, #tpu.memory_space<hbm>> -> memref<128x128xf32, #tpu.memory_space<hbm>>
    %dma_wait3A_141 = arith.constant 0 : i32
    %dma_wait3A_142 = tpu.memref_slice %arg4[%multiple_of3A_133, %dma_wait3A_141] : memref<204800x128xf32, #tpu.memory_space<hbm>> -> memref<128x128xf32, #tpu.memory_space<hbm>>
    %dma_wait3A_143 = arith.constant 0 : i32
    %dma_wait3A_144 = arith.constant 0 : i32
    %dma_wait3A_145 = tpu.memref_slice %arg6[%dma_wait3A_134, %dma_wait3A_143, %dma_wait3A_144] : memref<4x128x128xf32, #tpu.memory_space<vmem>> -> memref<1x128x128xf32, #tpu.memory_space<vmem>>
    %dma_wait3A_146 = tpu.memref_squeeze %dma_wait3A_145 : memref<1x128x128xf32, #tpu.memory_space<vmem>> -> memref<128x128xf32, #tpu.memory_space<vmem>>
    tpu.wait_dma2 semaphore(%arg11 : memref<!tpu.dma_semaphore, #tpu.memory_space<semaphore_mem>>) src(%dma_wait3A_146 : memref<128x128xf32, #tpu.memory_space<vmem>>) dst(%dma_wait3A_142 : memref<128x128xf32, #tpu.memory_space<hbm>>)
    %dma_wait3A_147 = arith.constant 3 : i32
    %dma_wait3A_148 = arith.constant 0 : i32
    %dma_wait3A_149 = arith.constant 0 : i32
    %dma_wait3A_150 = tpu.memref_slice %arg6[%dma_wait3A_147, %dma_wait3A_148, %dma_wait3A_149] : memref<4x128x128xf32, #tpu.memory_space<vmem>> -> memref<1x72x128xf32, #tpu.memory_space<vmem>>
    %dma_wait3A_151 = tpu.memref_squeeze %dma_wait3A_150 : memref<1x72x128xf32, #tpu.memory_space<vmem>> -> memref<72x128xf32, #tpu.memory_space<vmem>>
    %dma_wait3A_152 = arith.constant 6328 : i32
    %dma_wait3A_153 = tpu.memref_slice %arg5[%dma_wait3A_152] : memref<6400xi32, #tpu.memory_space<vmem>> -> memref<72xi32, #tpu.memory_space<vmem>>
    %dma_wait3A_154 = arith.constant 0 : i32
    %dma_wait3A_155 = arith.constant 0 : i32
    %dma_wait3A_156 = tpu.memref_slice %arg2[%dma_wait3A_154, %dma_wait3A_155] : memref<100000x128xf32, #tpu.memory_space<hbm>> -> memref<100000x128xf32, #tpu.memory_space<hbm>>
    tpu.wait_indirect_dma semaphore(%arg10 : memref<!tpu.dma_semaphore, #tpu.memory_space<semaphore_mem>>) src(%dma_wait3A_156 : memref<100000x128xf32, #tpu.memory_space<hbm>>) dst(%dma_wait3A_151 : memref<72x128xf32, #tpu.memory_space<vmem>>)
    %add3A_157 = arith.constant 6200 : i32
    %add3A_158 = arith.addi %multiple_of3A, %add3A_157 : i32
    %add3A_159 = arith.constant 128 : i32
    %add3A_160 = arith.addi %add3A_158, %add3A_159 : i32
    %multiple_of3A_161 = tpu.assume_multiple %add3A_160, 8 : i32
    %dma_start3A_162 = arith.constant 3 : i32
    %dma_start3A_163 = arith.constant 0 : i32
    %dma_start3A_164 = arith.constant 0 : i32
    %dma_start3A_165 = tpu.memref_slice %arg6[%dma_start3A_162, %dma_start3A_163, %dma_start3A_164] : memref<4x128x128xf32, #tpu.memory_space<vmem>> -> memref<1x72x128xf32, #tpu.memory_space<vmem>>
    %dma_start3A_166 = tpu.memref_squeeze %dma_start3A_165 : memref<1x72x128xf32, #tpu.memory_space<vmem>> -> memref<72x128xf32, #tpu.memory_space<vmem>>
    %dma_start3A_167 = arith.constant 0 : i32
    %dma_start3A_168 = tpu.memref_slice %arg4[%multiple_of3A_161, %dma_start3A_167] : memref<204800x128xf32, #tpu.memory_space<hbm>> -> memref<72x128xf32, #tpu.memory_space<hbm>>
    %dma_start3A_169 = arith.constant 0 : i32
    %dma_start3A_170 = tpu.memref_slice %arg4[%multiple_of3A_161, %dma_start3A_169] : memref<204800x128xf32, #tpu.memory_space<hbm>> -> memref<72x128xf32, #tpu.memory_space<hbm>>
    %dma_start3A_171 = arith.constant 0 : i32
    %dma_start3A_172 = arith.constant 0 : i32
    %dma_start3A_173 = tpu.memref_slice %arg6[%dma_start3A_162, %dma_start3A_171, %dma_start3A_172] : memref<4x128x128xf32, #tpu.memory_space<vmem>> -> memref<1x72x128xf32, #tpu.memory_space<vmem>>
    %dma_start3A_174 = tpu.memref_squeeze %dma_start3A_173 : memref<1x72x128xf32, #tpu.memory_space<vmem>> -> memref<72x128xf32, #tpu.memory_space<vmem>>
    tpu.enqueue_dma source(%dma_start3A_174 : memref<72x128xf32, #tpu.memory_space<vmem>>) target(%dma_start3A_170 : memref<72x128xf32, #tpu.memory_space<hbm>>) target_semaphore(%arg14 : memref<!tpu.dma_semaphore, #tpu.memory_space<semaphore_mem>>)
    %add3A_175 = arith.constant 6000 : i32
    %add3A_176 = arith.addi %multiple_of3A, %add3A_175 : i32
    %add3A_177 = arith.constant 128 : i32
    %add3A_178 = arith.addi %add3A_176, %add3A_177 : i32
    %multiple_of3A_179 = tpu.assume_multiple %add3A_178, 8 : i32
    %dma_wait3A_180 = arith.constant 1 : i32
    %dma_wait3A_181 = arith.constant 0 : i32
    %dma_wait3A_182 = arith.constant 0 : i32
    %dma_wait3A_183 = tpu.memref_slice %arg6[%dma_wait3A_180, %dma_wait3A_181, %dma_wait3A_182] : memref<4x128x128xf32, #tpu.memory_space<vmem>> -> memref<1x72x128xf32, #tpu.memory_space<vmem>>
    %dma_wait3A_184 = tpu.memref_squeeze %dma_wait3A_183 : memref<1x72x128xf32, #tpu.memory_space<vmem>> -> memref<72x128xf32, #tpu.memory_space<vmem>>
    %dma_wait3A_185 = arith.constant 0 : i32
    %dma_wait3A_186 = tpu.memref_slice %arg4[%multiple_of3A_179, %dma_wait3A_185] : memref<204800x128xf32, #tpu.memory_space<hbm>> -> memref<72x128xf32, #tpu.memory_space<hbm>>
    %dma_wait3A_187 = arith.constant 0 : i32
    %dma_wait3A_188 = tpu.memref_slice %arg4[%multiple_of3A_179, %dma_wait3A_187] : memref<204800x128xf32, #tpu.memory_space<hbm>> -> memref<72x128xf32, #tpu.memory_space<hbm>>
    %dma_wait3A_189 = arith.constant 0 : i32
    %dma_wait3A_190 = arith.constant 0 : i32
    %dma_wait3A_191 = tpu.memref_slice %arg6[%dma_wait3A_180, %dma_wait3A_189, %dma_wait3A_190] : memref<4x128x128xf32, #tpu.memory_space<vmem>> -> memref<1x72x128xf32, #tpu.memory_space<vmem>>
    %dma_wait3A_192 = tpu.memref_squeeze %dma_wait3A_191 : memref<1x72x128xf32, #tpu.memory_space<vmem>> -> memref<72x128xf32, #tpu.memory_space<vmem>>
    tpu.wait_dma2 semaphore(%arg12 : memref<!tpu.dma_semaphore, #tpu.memory_space<semaphore_mem>>) src(%dma_wait3A_192 : memref<72x128xf32, #tpu.memory_space<vmem>>) dst(%dma_wait3A_188 : memref<72x128xf32, #tpu.memory_space<hbm>>)
    %add3A_193 = arith.constant 6200 : i32
    %add3A_194 = arith.addi %multiple_of3A, %add3A_193 : i32
    %add3A_195 = arith.constant 0 : i32
    %add3A_196 = arith.addi %add3A_194, %add3A_195 : i32
    %multiple_of3A_197 = tpu.assume_multiple %add3A_196, 8 : i32
    %dma_wait3A_198 = arith.constant 2 : i32
    %dma_wait3A_199 = arith.constant 0 : i32
    %dma_wait3A_200 = arith.constant 0 : i32
    %dma_wait3A_201 = tpu.memref_slice %arg6[%dma_wait3A_198, %dma_wait3A_199, %dma_wait3A_200] : memref<4x128x128xf32, #tpu.memory_space<vmem>> -> memref<1x128x128xf32, #tpu.memory_space<vmem>>
    %dma_wait3A_202 = tpu.memref_squeeze %dma_wait3A_201 : memref<1x128x128xf32, #tpu.memory_space<vmem>> -> memref<128x128xf32, #tpu.memory_space<vmem>>
    %dma_wait3A_203 = arith.constant 0 : i32
    %dma_wait3A_204 = tpu.memref_slice %arg4[%multiple_of3A_197, %dma_wait3A_203] : memref<204800x128xf32, #tpu.memory_space<hbm>> -> memref<128x128xf32, #tpu.memory_space<hbm>>
    %dma_wait3A_205 = arith.constant 0 : i32
    %dma_wait3A_206 = tpu.memref_slice %arg4[%multiple_of3A_197, %dma_wait3A_205] : memref<204800x128xf32, #tpu.memory_space<hbm>> -> memref<128x128xf32, #tpu.memory_space<hbm>>
    %dma_wait3A_207 = arith.constant 0 : i32
    %dma_wait3A_208 = arith.constant 0 : i32
    %dma_wait3A_209 = tpu.memref_slice %arg6[%dma_wait3A_198, %dma_wait3A_207, %dma_wait3A_208] : memref<4x128x128xf32, #tpu.memory_space<vmem>> -> memref<1x128x128xf32, #tpu.memory_space<vmem>>
    %dma_wait3A_210 = tpu.memref_squeeze %dma_wait3A_209 : memref<1x128x128xf32, #tpu.memory_space<vmem>> -> memref<128x128xf32, #tpu.memory_space<vmem>>
    tpu.wait_dma2 semaphore(%arg13 : memref<!tpu.dma_semaphore, #tpu.memory_space<semaphore_mem>>) src(%dma_wait3A_210 : memref<128x128xf32, #tpu.memory_space<vmem>>) dst(%dma_wait3A_206 : memref<128x128xf32, #tpu.memory_space<hbm>>)
    %add3A_211 = arith.constant 6200 : i32
    %add3A_212 = arith.addi %multiple_of3A, %add3A_211 : i32
    %add3A_213 = arith.constant 128 : i32
    %add3A_214 = arith.addi %add3A_212, %add3A_213 : i32
    %multiple_of3A_215 = tpu.assume_multiple %add3A_214, 8 : i32
    %dma_wait3A_216 = arith.constant 3 : i32
    %dma_wait3A_217 = arith.constant 0 : i32
    %dma_wait3A_218 = arith.constant 0 : i32
    %dma_wait3A_219 = tpu.memref_slice %arg6[%dma_wait3A_216, %dma_wait3A_217, %dma_wait3A_218] : memref<4x128x128xf32, #tpu.memory_space<vmem>> -> memref<1x72x128xf32, #tpu.memory_space<vmem>>
    %dma_wait3A_220 = tpu.memref_squeeze %dma_wait3A_219 : memref<1x72x128xf32, #tpu.memory_space<vmem>> -> memref<72x128xf32, #tpu.memory_space<vmem>>
    %dma_wait3A_221 = arith.constant 0 : i32
    %dma_wait3A_222 = tpu.memref_slice %arg4[%multiple_of3A_215, %dma_wait3A_221] : memref<204800x128xf32, #tpu.memory_space<hbm>> -> memref<72x128xf32, #tpu.memory_space<hbm>>
    %dma_wait3A_223 = arith.constant 0 : i32
    %dma_wait3A_224 = tpu.memref_slice %arg4[%multiple_of3A_215, %dma_wait3A_223] : memref<204800x128xf32, #tpu.memory_space<hbm>> -> memref<72x128xf32, #tpu.memory_space<hbm>>
    %dma_wait3A_225 = arith.constant 0 : i32
    %dma_wait3A_226 = arith.constant 0 : i32
    %dma_wait3A_227 = tpu.memref_slice %arg6[%dma_wait3A_216, %dma_wait3A_225, %dma_wait3A_226] : memref<4x128x128xf32, #tpu.memory_space<vmem>> -> memref<1x72x128xf32, #tpu.memory_space<vmem>>
    %dma_wait3A_228 = tpu.memref_squeeze %dma_wait3A_227 : memref<1x72x128xf32, #tpu.memory_space<vmem>> -> memref<72x128xf32, #tpu.memory_space<vmem>>
    tpu.wait_dma2 semaphore(%arg14 : memref<!tpu.dma_semaphore, #tpu.memory_space<semaphore_mem>>) src(%dma_wait3A_228 : memref<72x128xf32, #tpu.memory_space<vmem>>) dst(%dma_wait3A_224 : memref<72x128xf32, #tpu.memory_space<hbm>>)
    return
  }
}

module attributes {stable_mosaic.version = 14 : i64} {
  func.func @_tc_unpack_body(%arg0: i32, %arg1: memref<1600x128xf32, #tpu.memory_space<vmem>>, %arg2: memref<200x64xf32, #tpu.memory_space<vmem>>, %arg3: memref<8x200x64xf32, #tpu.memory_space<vmem>>) attributes {dimension_semantics = [#tpu.dimension_semantics<arbitrary>], iteration_bounds = array<i64: 128>, scalar_prefetch = 0 : i64, scratch_operands = 0 : i64, tpu.core_type = #tpu.core_type<tc>, window_params = [{transform_indices = @transform_0, window_bounds = array<i64: 1600, 128>}, {pipeline_mode = #tpu.pipeline_mode<synchronous>, transform_indices = @transform_1, window_bounds = array<i64: 200, 64>}, {transform_indices = @transform_2, window_bounds = array<i64: 8, 200, 64>}]} {
    %get3A = arith.constant 0 : index
    %get3A_0 = arith.constant 0 : index
    %get3A_1 = vector.load %arg1[%get3A, %get3A_0] : memref<1600x128xf32, #tpu.memory_space<vmem>>, vector<1600x128xf32>
    %slice3A = vector.extract_strided_slice %get3A_1 {offsets = [0, 0], sizes = [1600, 64], strides = [1, 1]} : vector<1600x128xf32> to vector<1600x64xf32>
    %reshape3A = vector.shape_cast %slice3A : vector<1600x64xf32> to vector<8x200x64xf32>
    %get3A_2 = arith.constant 0 : index
    %get3A_3 = arith.constant 0 : index
    %get3A_4 = vector.load %arg2[%get3A_2, %get3A_3] : memref<200x64xf32, #tpu.memory_space<vmem>>, vector<200x64xf32>
    %broadcast_in_dim3A = vector.shape_cast %get3A_4 : vector<200x64xf32> to vector<1x200x64xf32>
    %add3A = vector.broadcast %broadcast_in_dim3A : vector<1x200x64xf32> to vector<8x200x64xf32>
    %add3A_5 = arith.addf %reshape3A, %add3A : vector<8x200x64xf32>
    %swap3A = arith.constant 0 : index
    %swap3A_6 = arith.constant 0 : index
    %swap3A_7 = arith.constant 0 : index
    %swap3A_8 = vector.load %arg3[%swap3A, %swap3A_6, %swap3A_7] : memref<8x200x64xf32, #tpu.memory_space<vmem>>, vector<8x200x64xf32>
    tpu.vector_store %arg3[%swap3A, %swap3A_6, %swap3A_7], %add3A_5 {strides = array<i32>} : memref<8x200x64xf32, #tpu.memory_space<vmem>>, vector<8x200x64xf32>,
    return
  }
  func.func @transform_0(%arg0: i32) -> (i32, i32) {
    %c0_i32 = arith.constant 0 : i32
    %c0_i32_0 = arith.constant 0 : i32
    return %arg0, %c0_i32 : i32, i32
  }
  func.func @transform_1(%arg0: i32) -> (i32, i32) {
    %c0_i32 = arith.constant 0 : i32
    %c0_i32_0 = arith.constant 0 : i32
    %c0_i32_1 = arith.constant 0 : i32
    return %c0_i32, %c0_i32_0 : i32, i32
  }
  func.func @transform_2(%arg0: i32) -> (i32, i32, i32) {
    %add3A = arith.constant 0 : i32
    %add3A_0 = arith.addi %add3A, %arg0 : i32
    %c0_i32 = arith.constant 0 : i32
    %c0_i32_1 = arith.constant 0 : i32
    %c0_i32_2 = arith.constant 0 : i32
    return %add3A_0, %c0_i32, %c0_i32_1 : i32, i32, i32
  }
}

module attributes {stable_mosaic.version = 14 : i64} {
  func.func @_tc_unpack_acc_body(%arg0: i32, %arg1: memref<4096x200x64xf32, #tpu.memory_space<hbm>>, %arg2: memref<1600x128xf32, #tpu.memory_space<vmem>>, %arg3: memref<200x64xf32, #tpu.memory_space<vmem>>, %arg4: memref<8x200x64xf32, #tpu.memory_space<vmem>>) attributes {dimension_semantics = [#tpu.dimension_semantics<arbitrary>], iteration_bounds = array<i64: 128>, scalar_prefetch = 0 : i64, scratch_operands = 0 : i64, tpu.core_type = #tpu.core_type<tc>, window_params = [{}, {transform_indices = @transform_1, window_bounds = array<i64: 1600, 128>}, {pipeline_mode = #tpu.pipeline_mode<synchronous>, transform_indices = @transform_2, window_bounds = array<i64: 200, 64>}, {transform_indices = @transform_3, window_bounds = array<i64: 8, 200, 64>}]} {
    %get3A = arith.constant 0 : index
    %get3A_0 = arith.constant 0 : index
    %get3A_1 = vector.load %arg2[%get3A, %get3A_0] : memref<1600x128xf32, #tpu.memory_space<vmem>>, vector<1600x128xf32>
    %slice3A = vector.extract_strided_slice %get3A_1 {offsets = [0, 0], sizes = [1600, 64], strides = [1, 1]} : vector<1600x128xf32> to vector<1600x64xf32>
    %reshape3A = vector.shape_cast %slice3A : vector<1600x64xf32> to vector<8x200x64xf32>
    %get3A_2 = arith.constant 0 : index
    %get3A_3 = arith.constant 0 : index
    %get3A_4 = vector.load %arg3[%get3A_2, %get3A_3] : memref<200x64xf32, #tpu.memory_space<vmem>>, vector<200x64xf32>
    %broadcast_in_dim3A = vector.shape_cast %get3A_4 : vector<200x64xf32> to vector<1x200x64xf32>
    %add3A = vector.broadcast %broadcast_in_dim3A : vector<1x200x64xf32> to vector<8x200x64xf32>
    %add3A_5 = arith.addf %reshape3A, %add3A : vector<8x200x64xf32>
    %swap3A = arith.constant 0 : index
    %swap3A_6 = arith.constant 0 : index
    %swap3A_7 = arith.constant 0 : index
    %swap3A_8 = vector.load %arg4[%swap3A, %swap3A_6, %swap3A_7] : memref<8x200x64xf32, #tpu.memory_space<vmem>>, vector<8x200x64xf32>
    tpu.vector_store %arg4[%swap3A, %swap3A_6, %swap3A_7], %add3A_5 {strides = array<i32>} : memref<8x200x64xf32, #tpu.memory_space<vmem>>, vector<8x200x64xf32>,
    return
  }
  func.func @transform_1(%arg0: i32) -> (i32, i32) {
    %c0_i32 = arith.constant 0 : i32
    %c0_i32_0 = arith.constant 0 : i32
    return %arg0, %c0_i32 : i32, i32
  }
  func.func @transform_2(%arg0: i32) -> (i32, i32) {
    %c0_i32 = arith.constant 0 : i32
    %c0_i32_0 = arith.constant 0 : i32
    %c0_i32_1 = arith.constant 0 : i32
    return %c0_i32, %c0_i32_0 : i32, i32
  }
  func.func @transform_3(%arg0: i32) -> (i32, i32, i32) {
    %add3A = arith.constant 128 : i32
    %add3A_0 = arith.addi %add3A, %arg0 : i32
    %c0_i32 = arith.constant 0 : i32
    %c0_i32_1 = arith.constant 0 : i32
    %c0_i32_2 = arith.constant 0 : i32
    return %add3A_0, %c0_i32, %c0_i32_1 : i32, i32, i32
  }
}

module attributes {stable_mosaic.version = 14 : i64} {
  func.func @_tc_unpack_acc_body(%arg0: i32, %arg1: memref<4096x200x64xf32, #tpu.memory_space<hbm>>, %arg2: memref<1600x128xf32, #tpu.memory_space<vmem>>, %arg3: memref<200x64xf32, #tpu.memory_space<vmem>>, %arg4: memref<8x200x64xf32, #tpu.memory_space<vmem>>) attributes {dimension_semantics = [#tpu.dimension_semantics<arbitrary>], iteration_bounds = array<i64: 128>, scalar_prefetch = 0 : i64, scratch_operands = 0 : i64, tpu.core_type = #tpu.core_type<tc>, window_params = [{}, {transform_indices = @transform_1, window_bounds = array<i64: 1600, 128>}, {pipeline_mode = #tpu.pipeline_mode<synchronous>, transform_indices = @transform_2, window_bounds = array<i64: 200, 64>}, {transform_indices = @transform_3, window_bounds = array<i64: 8, 200, 64>}]} {
    %get3A = arith.constant 0 : index
    %get3A_0 = arith.constant 0 : index
    %get3A_1 = vector.load %arg2[%get3A, %get3A_0] : memref<1600x128xf32, #tpu.memory_space<vmem>>, vector<1600x128xf32>
    %slice3A = vector.extract_strided_slice %get3A_1 {offsets = [0, 0], sizes = [1600, 64], strides = [1, 1]} : vector<1600x128xf32> to vector<1600x64xf32>
    %reshape3A = vector.shape_cast %slice3A : vector<1600x64xf32> to vector<8x200x64xf32>
    %get3A_2 = arith.constant 0 : index
    %get3A_3 = arith.constant 0 : index
    %get3A_4 = vector.load %arg3[%get3A_2, %get3A_3] : memref<200x64xf32, #tpu.memory_space<vmem>>, vector<200x64xf32>
    %broadcast_in_dim3A = vector.shape_cast %get3A_4 : vector<200x64xf32> to vector<1x200x64xf32>
    %add3A = vector.broadcast %broadcast_in_dim3A : vector<1x200x64xf32> to vector<8x200x64xf32>
    %add3A_5 = arith.addf %reshape3A, %add3A : vector<8x200x64xf32>
    %swap3A = arith.constant 0 : index
    %swap3A_6 = arith.constant 0 : index
    %swap3A_7 = arith.constant 0 : index
    %swap3A_8 = vector.load %arg4[%swap3A, %swap3A_6, %swap3A_7] : memref<8x200x64xf32, #tpu.memory_space<vmem>>, vector<8x200x64xf32>
    tpu.vector_store %arg4[%swap3A, %swap3A_6, %swap3A_7], %add3A_5 {strides = array<i32>} : memref<8x200x64xf32, #tpu.memory_space<vmem>>, vector<8x200x64xf32>,
    return
  }
  func.func @transform_1(%arg0: i32) -> (i32, i32) {
    %c0_i32 = arith.constant 0 : i32
    %c0_i32_0 = arith.constant 0 : i32
    return %arg0, %c0_i32 : i32, i32
  }
  func.func @transform_2(%arg0: i32) -> (i32, i32) {
    %c0_i32 = arith.constant 0 : i32
    %c0_i32_0 = arith.constant 0 : i32
    %c0_i32_1 = arith.constant 0 : i32
    return %c0_i32, %c0_i32_0 : i32, i32
  }
  func.func @transform_3(%arg0: i32) -> (i32, i32, i32) {
    %add3A = arith.constant 256 : i32
    %add3A_0 = arith.addi %add3A, %arg0 : i32
    %c0_i32 = arith.constant 0 : i32
    %c0_i32_1 = arith.constant 0 : i32
    %c0_i32_2 = arith.constant 0 : i32
    return %add3A_0, %c0_i32, %c0_i32_1 : i32, i32, i32
  }
}

module attributes {stable_mosaic.version = 14 : i64} {
  func.func @_tc_unpack_acc_body(%arg0: i32, %arg1: memref<4096x200x64xf32, #tpu.memory_space<hbm>>, %arg2: memref<1600x128xf32, #tpu.memory_space<vmem>>, %arg3: memref<200x64xf32, #tpu.memory_space<vmem>>, %arg4: memref<8x200x64xf32, #tpu.memory_space<vmem>>) attributes {dimension_semantics = [#tpu.dimension_semantics<arbitrary>], iteration_bounds = array<i64: 128>, scalar_prefetch = 0 : i64, scratch_operands = 0 : i64, tpu.core_type = #tpu.core_type<tc>, window_params = [{}, {transform_indices = @transform_1, window_bounds = array<i64: 1600, 128>}, {pipeline_mode = #tpu.pipeline_mode<synchronous>, transform_indices = @transform_2, window_bounds = array<i64: 200, 64>}, {transform_indices = @transform_3, window_bounds = array<i64: 8, 200, 64>}]} {
    %get3A = arith.constant 0 : index
    %get3A_0 = arith.constant 0 : index
    %get3A_1 = vector.load %arg2[%get3A, %get3A_0] : memref<1600x128xf32, #tpu.memory_space<vmem>>, vector<1600x128xf32>
    %slice3A = vector.extract_strided_slice %get3A_1 {offsets = [0, 0], sizes = [1600, 64], strides = [1, 1]} : vector<1600x128xf32> to vector<1600x64xf32>
    %reshape3A = vector.shape_cast %slice3A : vector<1600x64xf32> to vector<8x200x64xf32>
    %get3A_2 = arith.constant 0 : index
    %get3A_3 = arith.constant 0 : index
    %get3A_4 = vector.load %arg3[%get3A_2, %get3A_3] : memref<200x64xf32, #tpu.memory_space<vmem>>, vector<200x64xf32>
    %broadcast_in_dim3A = vector.shape_cast %get3A_4 : vector<200x64xf32> to vector<1x200x64xf32>
    %add3A = vector.broadcast %broadcast_in_dim3A : vector<1x200x64xf32> to vector<8x200x64xf32>
    %add3A_5 = arith.addf %reshape3A, %add3A : vector<8x200x64xf32>
    %swap3A = arith.constant 0 : index
    %swap3A_6 = arith.constant 0 : index
    %swap3A_7 = arith.constant 0 : index
    %swap3A_8 = vector.load %arg4[%swap3A, %swap3A_6, %swap3A_7] : memref<8x200x64xf32, #tpu.memory_space<vmem>>, vector<8x200x64xf32>
    tpu.vector_store %arg4[%swap3A, %swap3A_6, %swap3A_7], %add3A_5 {strides = array<i32>} : memref<8x200x64xf32, #tpu.memory_space<vmem>>, vector<8x200x64xf32>,
    return
  }
  func.func @transform_1(%arg0: i32) -> (i32, i32) {
    %c0_i32 = arith.constant 0 : i32
    %c0_i32_0 = arith.constant 0 : i32
    return %arg0, %c0_i32 : i32, i32
  }
  func.func @transform_2(%arg0: i32) -> (i32, i32) {
    %c0_i32 = arith.constant 0 : i32
    %c0_i32_0 = arith.constant 0 : i32
    %c0_i32_1 = arith.constant 0 : i32
    return %c0_i32, %c0_i32_0 : i32, i32
  }
  func.func @transform_3(%arg0: i32) -> (i32, i32, i32) {
    %add3A = arith.constant 384 : i32
    %add3A_0 = arith.addi %add3A, %arg0 : i32
    %c0_i32 = arith.constant 0 : i32
    %c0_i32_1 = arith.constant 0 : i32
    %c0_i32_2 = arith.constant 0 : i32
    return %add3A_0, %c0_i32, %c0_i32_1 : i32, i32, i32
  }
}

</mosaic_0001>

<sc_bundles>
// kernel: kernel.10.cloned.1.call-start
scs
__scs_entry_jumppad:
0x0: {  	(pc) =	sbr.rel $0x88, $3  }
0x1: {  	(tag) =	ssettag $0x0;
	lr =	simm.s32 $0x1  }
0x2: {  	[smem:$0x3F9E] =	sst lr;
	_ =	strace $0xD0000000  }
0x3: {  	_ = 	snop  }
0x4: {  	_ = 	snop  }
0x5: {  	_ = 	snop  }
0x6: {  	_ = 	snop  }
0x7: {  	_ = 	snop  }
__scs_overlays_trampoline_lowered:
0x8: {  	[smem:$0x3FAD] =	sst s0  }
0x9: {  	[smem:$0x3FAE] =	sst s1  }
0xa: {  	[smem:$0x3FAF] =	sst s2  }
0xb: {  	[smem:$0x3FB0] =	sst s3  }
0xc: {  	[smem:$0x3FB1] =	sst s4  }
0xd: {  	[smem:$0x3FB2] =	sst s5  }
0xe: {  	[smem:$0x3FB3] =	sst s6  }
0xf: {  	[smem:$0x3FB4] =	sst s7  }
0x10: {  	[smem:$0x3FB5] =	sst s8  }
0x11: {  	[smem:$0x3FB6] =	sst s9;
	s0 =	simm.s32 @!p0 $0x0  }
0x12: {  	s1 =	sld [smem:$0x3F9C];
	s0 =	simm.s32 @p0 $0x1  }
0x13: {  	[smem:$0x3FB7] =	sst s0;
	s0 =	simm.s32 @!p1 $0x0  }
0x14: {  	s2 =	sld [smem:$0x3F9B];
	s0 =	simm.s32 @p1 $0x1  }
0x15: {  	[smem:$0x3FB8] =	sst s0;
	s0 =	simm.s32 @!p2 $0x0  }
0x16: {  	s3 =	sld [smem:$0x3FDB];
	s0 =	simm.s32 @p2 $0x1  }
0x17: {  	s4 =	simm.s32 $0x1BF5;
	[smem:$0x3FBA] =	sst s0  }
0x18: {  	s0 =	sld [smem:$0x3F9D];
	_ =	swait.ge [sflag:s4], $0x0  }
0x19: {  	s7 =	sld [smem:$0x3F9E]  }
0x1a: {  	s8 =	sadd.s32 $0xFFFFE003, lr  }
0x1b: {  	s9 =	sadd.s32 $0xFFFFFEF7, lr;
	s5 =	simm.s32 $0xFFFFFFFF;
	p2 =	slt.u32 s8, $0xFFFFF086  }
0x1c: {  	p1 =	slt.u32 s9, $0xF7A;
	s5 =	simm.s32 @!p2 $0x0  }
0x1d: {  	s5 =	simm.s32 @p1 $0x1;
	p0 =	seq.s32 s7, s2  }
0x1e: {  	s7 =	smul.u32 @!p0 $0xF7A, s2;
	p2 =	seq.s32 @!p0 s5, $0x0  }
0x1f: {  	s9 =	smul.u32 $0xF7A, s1;
	s8 =	simm.s32 @!p0 $0x1BF5;
	p2 =	por !p2, p0  }
0x20: {  	[sflag:s8] =	ssyncset.s32 @!p0 $0xFFFFF086;
	s6 =	sadd.s32 @!p0 s3, s7;
	s7 =	simm.s32 @!p0 $0x108  }
0x21: {  	s3 =	sadd.s32 s3, s9;
	s6 =	sadd.s32 @!p0 $0x88, s6;
	s7 =	simm.s32 @p2 $0x1082  }
0x22: {  	[simem:s7], [sflag:s8] =	dma.local @!p0 [hbm:s6], $0xF7A  }
0x23: {  	s9 =	sor.u32 $0xD0000000, s2;
	s6 =	simm.s32 $0x108;
	_ =	swait.ge @!p0 [sflag:s8], $0x0  }
0x24: {  	s3 =	sadd.s32 $0x88, s3;
	s6 =	simm.s32 @!p1 $0x1082;
	[sflag:s4] =	ssyncset.s32 $0xFFFFF086  }
0x25: {  	[simem:s6], [sflag:s4] =	dma.local [hbm:s3], $0xF7A  }
0x26: {  	[smem:$0x3F9E] =	sst s1;
	(tag) =	ssettag s2;
	_ =	strace s9  }
0x27: {  	s1 =	sld [smem:$0x3FAE]  }
0x28: {  	s2 =	sld [smem:$0x3FAF]  }
0x29: {  	s4 =	sld [smem:$0x3FB1]  }
0x2a: {  	p0 =	seq.s32 s5, $0x0;
	s5 =	sld [smem:$0x3FB2]  }
0x2b: {  	s6 =	sld [smem:$0x3FB3]  }
0x2c: {  	s7 =	sld [smem:$0x3FB4]  }
0x2d: {  	s3 =	simm.s32 $0x108;
	s8 =	sld [smem:$0x3FB5]  }
0x2e: {  	s3 =	simm.s32 @!p0 $0x1082;
	s9 =	sld [smem:$0x3FB6]  }
0x2f: {  	lr =	sadd.s32 s0, s3;
	s0 =	sld [smem:$0x3FAD]  }
0x30: {  	s3 =	sld [smem:$0x3FB0]  }
0x31: {  	[smem:$0x3FB9] =	sst s10  }
0x32: {  	s10 =	sld [smem:$0x3FB7];
	_ =	sdelay $0x3  }
0x33: {  	p0 =	seq.s32 s10, $0x1;
	s10 =	sld [smem:$0x3FB9];
	_ =	sdelay $0x3  }
0x34: {  	[smem:$0x3FB9] =	sst s10  }
0x35: {  	s10 =	sld [smem:$0x3FB8];
	_ =	sdelay $0x3  }
0x36: {  	p1 =	seq.s32 s10, $0x1;
	s10 =	sld [smem:$0x3FB9];
	_ =	sdelay $0x3  }
0x37: {  	[smem:$0x3FB9] =	sst s10  }
0x38: {  	s10 =	sld [smem:$0x3FBA]  }
0x39: {  	_ = 	snop;
	(pc) =	sbr.ind lr, $3  }
0x3a: {  	_ = 	snop  }
0x3b: {  	_ = 	snop  }
0x3c: {  	p2 =	seq.s32 s10, $0x1;
	s10 =	sld [smem:$0x3FB9]  }
0x3d: {  	_ =	shalt  }
0x3e: {  	_ =	shalt  }
0x3f: {  	_ =	shalt  }
0x40: {  	_ =	shalt  }
0x41: {  	_ =	shalt  }
0x42: {  	_ =	shalt  }
0x43: {  	_ =	shalt  }
0x44: {  	_ =	shalt  }
0x45: {  	_ =	shalt  }
0x46: {  	_ =	shalt  }
0x47: {  	_ =	shalt  }
0x48: {  	_ =	shalt  }
0x49: {  	_ =	shalt  }
0x4a: {  	_ =	shalt  }
0x4b: {  	_ =	shalt  }
0x4c: {  	_ =	shalt  }
0x4d: {  	_ =	shalt  }
0x4e: {  	_ =	shalt  }
0x4f: {  	_ =	shalt  }
0x50: {  	_ =	shalt  }
0x51: {  	_ =	shalt  }
0x52: {  	_ =	shalt  }
0x53: {  	_ =	shalt  }
0x54: {  	_ =	shalt  }
0x55: {  	_ =	shalt  }
0x56: {  	_ =	shalt  }
0x57: {  	_ =	shalt  }
0x58: {  	_ =	shalt  }
0x59: {  	_ =	shalt  }
0x5a: {  	_ =	shalt  }
0x5b: {  	_ =	shalt  }
0x5c: {  	_ =	shalt  }
0x5d: {  	_ =	shalt  }
0x5e: {  	_ =	shalt  }
0x5f: {  	_ =	shalt  }
0x60: {  	_ =	shalt  }
0x61: {  	_ =	shalt  }
0x62: {  	_ =	shalt  }
0x63: {  	_ =	shalt  }
0x64: {  	_ =	shalt  }
0x65: {  	_ =	shalt  }
0x66: {  	_ =	shalt  }
0x67: {  	_ =	shalt  }
0x68: {  	_ =	shalt  }
0x69: {  	_ =	shalt  }
0x6a: {  	_ =	shalt  }
0x6b: {  	_ =	shalt  }
0x6c: {  	_ =	shalt  }
0x6d: {  	_ =	shalt  }
0x6e: {  	_ =	shalt  }
0x6f: {  	_ =	shalt  }
0x70: {  	_ =	shalt  }
0x71: {  	_ =	shalt  }
0x72: {  	_ =	shalt  }
0x73: {  	_ =	shalt  }
0x74: {  	_ =	shalt  }
0x75: {  	_ =	shalt  }
0x76: {  	_ =	shalt  }
0x77: {  	_ =	shalt  }
0x78: {  	_ =	shalt  }
0x79: {  	_ =	shalt  }
0x7a: {  	_ =	shalt  }
0x7b: {  	_ =	shalt  }
0x7c: {  	_ =	shalt  }
0x7d: {  	_ =	shalt  }
0x7e: {  	_ =	shalt  }
0x7f: {  	_ =	shalt  }
0x80: {  	_ =	shalt  }
0x81: {  	_ =	shalt  }
0x82: {  	_ =	shalt  }
0x83: {  	_ =	shalt  }
0x84: {  	_ =	shalt  }
0x85: {  	_ =	shalt  }
0x86: {  	_ =	shalt  }
0x87: {  	_ =	shalt  }
.Lfunc_end0:
.L_simem_size_0:
called_computation_lowered:
.L_overlay_start_0:
0x88: {  	s2 =	sld [smem:$0x3FD9]  }
0x89: {  	s3 =	sld [smem:$0x3FFE];
	_ =	sdelay $0x1  }
0x8a: {  	s1 =	srdreg.scid  }
0x8b: {  	s0 =	sand.u32 $0x1, s1  }
0x8c: {  	s16 =	sshll.u32 s0, $0xA;
	s2 =	sadd.s32 s3, s2  }
0x8d: {  	s2 =	sadd.s32 s2, s16  }
0x8e: {  	[smem:$0x3FC5] =	sst s2  }
0x8f: {  	_ = 	snop  }
0x90: {  	(tm) =	ssettm $0x1  }
0x91: {  	s17 =	sld [smem:$0x3FFB];
	_ =	sdelay $0x3  }
0x92: {  	_ =	strace s17  }
0x93: {  	s2 =	sld [smem:$0x3FFC];
	_ =	sdelay $0x3  }
0x94: {  	_ =	strace s2  }
0x95: {  	s2 =	sld [smem:$0x3FFD];
	_ =	sdelay $0x3  }
0x96: {  	_ =	strace s2  }
0x97: {  	_ =	strace $0x8FFFFFFF  }
0x98: {  	s18 =	sld [smem:$0x3FDB];
	_ =	sdelay $0x1  }
0x99: {  	s19 =	simm.s32 $_scs_section_size  }
0x9a: {  	s4 =	simm.s32 $_size__tile_overlayer_lowered;
	s5 =	simm.s32 $_tile_overlayer_lowered  }
0x9b: {  	s22 =	simm.s32 $0x1BFF;
	s21 =	sshll.u32 s5, $0x1;
	s2 =	sadd.s32 s19, s18  }
0x9c: {  	s6 =	simm.s32 $0x0;
	s20 =	sshll.u32 s4, $0x1;
	s4 =	sadd.s32 s21, s2  }
0x9d: {  	[timem:s6], [sflag:s22] =	dma.local [hbm:s4], s20  }
0x9e: {  	_ =	swait.ge [sflag:s22], s20  }
0x9f: {  	s3 =	ssub.s32 $0x0, s20;
	[sflag:s22] =	ssyncset.done $0x0  }
0xa0: {  	[sflag:s22] =	ssyncadd.s32 s3;
	_ =	sdelay $0x1  }
0xa1: {  	s23 =	simm.s32 $0x1B8B  }
0xa2: {  	_ =	swait.ge [sflag:s23], $0x1  }
0xa3: {  	[sflag:s23] =	ssyncset.done $0x0  }
0xa4: {  	s25 =	simm.s32 $0x1B8E;
	s24 =	sld [smem:$0x3FFE];
	[sflag:s23] =	ssyncadd.s32 $0xFFFFFFFF  }
0xa5: {  	s26 =	simm.s32 $execute0_lowered;
	[smem:$0x3FD2] =	sst s25  }
0xa6: {  	s4 =	sshll.u32 s26, $0x1;
	_ =	strace $0x80000046;
	[dreg:$0x1] =	wrdreg $0xFFFFFFFF  }
0xa7: {  	s28 =	simm.s32 $_size_execute0_lowered;
	s2 =	sadd.s32 s2, s4;
	[dreg:$0x0] =	wrdreg $0x0  }
0xa8: {  	s4 =	sshll.u32 s28, $0x1;
	[dreg:$0x2] =	wrdreg s2  }
0xa9: {  	[dreg:$0x3] =	wrdreg s4  }
0xaa: {  	[dreg:$0x4] =	wrdreg $0xC0  }
0xab: {  	_ =	task [dreg:s6], $0x5FFFF  }
0xac: {  	[dreg:$0x1] =	wrdreg $0xFFFFFFFF  }
0xad: {  	[dreg:$0x0] =	wrdreg $0x60  }
0xae: {  	[dreg:$0x2] =	wrdreg s24  }
0xaf: {  	[dreg:$0x3] =	wrdreg $0x9  }
0xb0: {  	_ =	task.clear_ibuf [dreg:s6], $0x4FFFF;
	_ =	strace $0x90000046  }
0xb1: {  	s29 =	simm.s32 $0x9;
	_ =	strace $0x80000048  }
0xb2: {  	_ =	swait.ge [sflag:s29], $0x1  }
0xb3: {  	[sflag:s29] =	ssyncadd.s32 $0xFFFFFFFF  }
0xb4: {  	_ =	strace $0x90000048  }
0xb5: {  	_ =	sfence  }
0xb6: {  	s30 =	sld [smem:$0x0];
	_ =	sdelay $0x2  }
0xb7: {  	s31 =	sshll.u32 s1, $0xD;
	s1 =	sshrl.u32 s1, $0x2  }
0xb8: {  	s3 =	sand.u32 $0x4000, s31;
	s1 =	sadd.s32 s1, s30  }
0xb9: {  	s0 =	sor.u32 s3, s0;
	s1 =	sshll.u32 s1, $0x11  }
0xba: {  	s0 =	sor.u32 s1, s0  }
0xbb: {  	s0 =	sadd.s32 $0x8F2B, s0  }
0xbc: {  	[sflag:s0] =	ssyncadd.remote.s32 $0x1  }
0xbd: {  	_ =	sfence.sel $0xFFFF  }
0xbe: {  	[dreg:$0x0] =	wrdreg $0xFFFFFFFF;
	(pc) =	sbr.abs _section_cstart, $3  }
0xbf: {  	[dreg:$0x1] =	wrdreg $0xFFFFFFFF  }
0xc0: {  	_ =	task.clear_ibuf [dreg:s6], $0x2FFFF;
	_ =	strace $0x9FFFFFFF  }
0xc1: {  	(tm) =	ssettm $0x7FFFFFFF  }
tec
execute0_lowered:
.L_overlay_start_1:
0x0: {  	(tag) =	ssettag $0x1  }
0x1: {  	s1 =	srdreg.scid  }
0x2: {  	s0 =	stileid.u32;
	s4 =	rddreg [dreg:$0x0];
	s2 =	simm.s32 $0x0  }
0x3: {  	s12 =	simm.s32 $0x80;
	s13 =	simm.s32 $0x1900;
	s14 =	simm.s32 $0x48  }
0x4: {  	s15 =	simm.s32 $0x5900;
	s16 =	simm.s32 $0x1;
	s17 =	simm.s32 $0xC8  }
0x5: {  	s18 =	simm.s32 $0x9900;
	s19 =	simm.s32 $0x2;
	s20 =	simm.s32 $0x148  }
0x6: {  	s21 =	simm.s32 $0xD900;
	s22 =	simm.s32 $0x3;
	s23 =	simm.s32 $0x5  }
0x7: {  	s24 =	simm.s32 $0x4;
	s25 =	simm.s32 $0x6;
	s26 =	simm.s32 $0x7  }
0x8: {  	s28 =	simm.s32 $0x8;
	s1 =	sand.u32 $0x1, s1;
	s3 =	sshll.u32 s0, $0x1  }
0x9: {  	s29 =	simm.s32 $0x0;
	s31 =	smul.u32 $0x32000, s0;
	s5 =	sor.u32 s1, s3  }
0xa: {  	[smem:$0x7FF] =	sst s2;
	s10 =	sadd.s32 $0x18E400, s4;
	s6 =	smul.u32 $0x1900, s5  }
0xb: {  	_ =	strace $0x80000047;
	s7 =	ssub.s32 $0x2, s1;
	s9 =	smul.u32 $0xC8000, s5  }
0xc: {  	s3 =	sadd.s32 $0x7A00, s4;
	s8 =	sshrl.u32 s7, $0x1;
	s5 =	smul.u32 $0x19000, s5  }
0xd: {  	s1 =	smul.u32 $0x19000, s1;
	s11 =	ssub.s32 s7, s8;
	s6 =	sshrl.u32 s6, $0x3  }
0xe: {  	s30 =	sshrl.u32 s9, $0x3;
	s5 =	sadd.s32 s10, s5;
	s6 =	sadd.s32 s6, s4  }
0xf: {  	s9 =	sadd.s32 s10, s30;
	s10 =	sadd.s32 s31, s10;
	s4 =	sadd.s32 $0x1600, s6  }
0x10: {  	s6 =	sadd.s32 $0x800, s5;
	s7 =	sadd.s32 $0x18380, s9;
	s8 =	sadd.s32 $0x18B80, s9  }
0x11: {  	s9 =	smax.u32 s11, $0x1;
	s10 =	sadd.s32 s1, s10;
	s11 =	simm.s32 $0x9  }
.LBB2_1:
0x12: {  	[tilespmem:s2], [sflag:$0x9] =	stream.linear.gather [hbm4b:s4+s2], $0x1900, $0x38;
	[tilespmem:$0x11900] =	vst v63  }
0x13: {  	_ =	swait.ge [sflag:s11], $0x1900  }
0x14: {  	[sflag:s11] =	ssyncset.done $0x0  }
0x15: {  	[sflag:s11] =	ssyncadd.s32 $0xFFFFE700  }
0x16: {  	[tilespmem:s13], [sflag:$0x1] =	stream.indirect.gather [hbm4b:s3+s12], $0x80, s2, s12, $0xb8;
	[tilespmem:$0x11900] =	vst v63  }
0x17: {  	_ = 	snop  }
0x18: {  	[tilespmem:s15], [sflag:$0x2] =	stream.indirect.gather [hbm4b:s3+s14], $0x80, s12, s14, $0xb8;
	[tilespmem:$0x11900] =	vst v63  }
0x19: {  	_ =	swait.ge [sflag:s16], $0x4000  }
0x1a: {  	[sflag:s16] =	ssyncset.done $0x0  }
0x1b: {  	[sflag:s16] =	ssyncadd.s32 $0xFFFFC000  }
0x1c: {  	[hbm4b:s5+s2] =	stream.linear.scatter [tilespmem:s13], [sflag:$0x5], $0x4000, $0x38;
	[tilespmem:$0x11900] =	vst v63  }
0x1d: {  	_ = 	snop  }
0x1e: {  	[tilespmem:s18], [sflag:$0x3] =	stream.indirect.gather [hbm4b:s3+s12], $0x80, s17, s12, $0xb8;
	[tilespmem:$0x11900] =	vst v63  }
0x1f: {  	_ =	swait.ge [sflag:s19], $0x2400  }
0x20: {  	[sflag:s19] =	ssyncset.done $0x0  }
0x21: {  	[sflag:s19] =	ssyncadd.s32 $0xFFFFDC00  }
0x22: {  	[hbm4b:s6+s2] =	stream.linear.scatter [tilespmem:s15], [sflag:$0x6], $0x2400, $0x38;
	[tilespmem:$0x11900] =	vst v63  }
0x23: {  	_ = 	snop  }
0x24: {  	[tilespmem:s21], [sflag:$0x4] =	stream.indirect.gather [hbm4b:s3+s14], $0x80, s20, s14, $0xb8;
	[tilespmem:$0x11900] =	vst v63  }
0x25: {  	_ =	swait.ge [sflag:s22], $0x4000  }
0x26: {  	s1 =	sadd.s32 $0x0, s10;
	[sflag:s22] =	ssyncset.done $0x0  }
0x27: {  	s30 =	sadd.s32 $0xC80, s1;
	[sflag:s22] =	ssyncadd.s32 $0xFFFFC000  }
0x28: {  	[hbm4b:s30+s2] =	stream.linear.scatter [tilespmem:s18], [sflag:$0x7], $0x4000, $0x38;
	[tilespmem:$0x11900] =	vst v63  }
0x29: {  	_ =	swait.ge [sflag:s23], $0x4000  }
0x2a: {  	[sflag:s23] =	ssyncset.done $0x0  }
0x2b: {  	s30 =	simm.s32 $0x190;
	[sflag:s23] =	ssyncadd.s32 $0xFFFFC000  }
0x2c: {  	[tilespmem:s13], [sflag:$0x1] =	stream.indirect.gather [hbm4b:s3+s12], $0x80, s30, s12, $0xb8;
	[tilespmem:$0x11900] =	vst v63  }
0x2d: {  	_ =	swait.ge [sflag:s24], $0x2400  }
0x2e: {  	[sflag:s24] =	ssyncset.done $0x0  }
0x2f: {  	s30 =	sadd.s32 $0x1480, s1;
	[sflag:s24] =	ssyncadd.s32 $0xFFFFDC00  }
0x30: {  	[hbm4b:s30+s2] =	stream.linear.scatter [tilespmem:s21], [sflag:$0x8], $0x2400, $0x38;
	[tilespmem:$0x11900] =	vst v63  }
0x31: {  	_ =	swait.ge [sflag:s25], $0x2400  }
0x32: {  	[sflag:s25] =	ssyncset.done $0x0  }
0x33: {  	s30 =	simm.s32 $0x210;
	[sflag:s25] =	ssyncadd.s32 $0xFFFFDC00  }
0x34: {  	[tilespmem:s15], [sflag:$0x2] =	stream.indirect.gather [hbm4b:s3+s14], $0x80, s30, s14, $0xb8;
	[tilespmem:$0x11900] =	vst v63  }
0x35: {  	_ =	swait.ge [sflag:s16], $0x4000  }
0x36: {  	[sflag:s16] =	ssyncset.done $0x0  }
0x37: {  	s30 =	sadd.s32 $0x1900, s1;
	[sflag:s16] =	ssyncadd.s32 $0xFFFFC000  }
0x38: {  	[hbm4b:s30+s2] =	stream.linear.scatter [tilespmem:s13], [sflag:$0x5], $0x4000, $0x38;
	[tilespmem:$0x11900] =	vst v63  }
0x39: {  	_ =	swait.ge [sflag:s26], $0x4000  }
0x3a: {  	[sflag:s26] =	ssyncset.done $0x0  }
0x3b: {  	s30 =	simm.s32 $0x258;
	[sflag:s26] =	ssyncadd.s32 $0xFFFFC000  }
0x3c: {  	[tilespmem:s18], [sflag:$0x3] =	stream.indirect.gather [hbm4b:s3+s12], $0x80, s30, s12, $0xb8;
	[tilespmem:$0x11900] =	vst v63  }
0x3d: {  	_ =	swait.ge [sflag:s19], $0x2400  }
0x3e: {  	[sflag:s19] =	ssyncset.done $0x0  }
0x3f: {  	s1 =	sadd.s32 $0x2100, s1;
	[sflag:s19] =	ssyncadd.s32 $0xFFFFDC00  }
0x40: {  	[hbm4b:s1+s2] =	stream.linear.scatter [tilespmem:s15], [sflag:$0x6], $0x2400, $0x38;
	[tilespmem:$0x11900] =	vst v63  }
0x41: {  	_ =	swait.ge [sflag:s28], $0x2400  }
0x42: {  	s31 =	simm.s32 $0x320;
	[sflag:s28] =	ssyncset.done $0x0  }
0x43: {  	s30 =	simm.s32 $0x1900;
	s1 =	simm.s32 $0x2D8;
	[sflag:s28] =	ssyncadd.s32 $0xFFFFDC00  }
.LBB2_2:
0x44: {  	[tilespmem:s21], [sflag:$0x4] =	stream.indirect.gather [hbm4b:s3+s14], $0x80, s1, s14, $0xb8;
	[tilespmem:$0x11900] =	vst v63  }
0x45: {  	s1 =	smov.u32 s30  }
0x46: {  	p0 =	sne.s32 s30, $0x15E00;
	s30 =	sadd.s32 $0x1900, s30;
	_ =	swait.ge [sflag:s22], $0x4000  }
0x47: {  	s1 =	sadd.s32 s1, s10;
	[sflag:s22] =	ssyncset.done $0x0  }
0x48: {  	s0 =	sadd.s32 $0xC80, s1;
	[sflag:s22] =	ssyncadd.s32 $0xFFFFC000  }
0x49: {  	[hbm4b:s0+s2] =	stream.linear.scatter [tilespmem:s18], [sflag:$0x7], $0x4000, $0x38;
	[tilespmem:$0x11900] =	vst v63  }
0x4a: {  	_ =	swait.ge [sflag:s23], $0x4000  }
0x4b: {  	[sflag:s23] =	ssyncset.done $0x0  }
0x4c: {  	[sflag:s23] =	ssyncadd.s32 $0xFFFFC000  }
0x4d: {  	[tilespmem:s13], [sflag:$0x1] =	stream.indirect.gather [hbm4b:s3+s12], $0x80, s31, s12, $0xb8;
	[tilespmem:$0x11900] =	vst v63  }
0x4e: {  	_ =	swait.ge [sflag:s24], $0x2400  }
0x4f: {  	[sflag:s24] =	ssyncset.done $0x0  }
0x50: {  	s0 =	sadd.s32 $0x1480, s1;
	[sflag:s24] =	ssyncadd.s32 $0xFFFFDC00  }
0x51: {  	[hbm4b:s0+s2] =	stream.linear.scatter [tilespmem:s21], [sflag:$0x8], $0x2400, $0x38;
	[tilespmem:$0x11900] =	vst v63  }
0x52: {  	_ =	swait.ge [sflag:s25], $0x2400  }
0x53: {  	[sflag:s25] =	ssyncset.done $0x0  }
0x54: {  	s0 =	sadd.s32 $0x80, s31;
	[sflag:s25] =	ssyncadd.s32 $0xFFFFDC00  }
0x55: {  	[tilespmem:s15], [sflag:$0x2] =	stream.indirect.gather [hbm4b:s3+s14], $0x80, s0, s14, $0xb8;
	[tilespmem:$0x11900] =	vst v63  }
0x56: {  	_ =	swait.ge [sflag:s16], $0x4000  }
0x57: {  	[sflag:s16] =	ssyncset.done $0x0  }
0x58: {  	s0 =	sadd.s32 $0x1900, s1;
	[sflag:s16] =	ssyncadd.s32 $0xFFFFC000  }
0x59: {  	[hbm4b:s0+s2] =	stream.linear.scatter [tilespmem:s13], [sflag:$0x5], $0x4000, $0x38;
	[tilespmem:$0x11900] =	vst v63  }
0x5a: {  	_ =	swait.ge [sflag:s26], $0x4000  }
0x5b: {  	[sflag:s26] =	ssyncset.done $0x0  }
0x5c: {  	s0 =	sadd.s32 $0xC8, s31;
	[sflag:s26] =	ssyncadd.s32 $0xFFFFC000  }
0x5d: {  	[tilespmem:s18], [sflag:$0x3] =	stream.indirect.gather [hbm4b:s3+s12], $0x80, s0, s12, $0xb8;
	[tilespmem:$0x11900] =	vst v63  }
0x5e: {  	_ =	swait.ge [sflag:s19], $0x2400  }
0x5f: {  	[sflag:s19] =	ssyncset.done $0x0  }
.Ltmp0:
0x60: {  	s0 =	sadd.s32 $0x2100, s1;
	[sflag:s19] =	ssyncadd.s32 $0xFFFFDC00;
	(pc) =	sbr.rel @p0 .LBB2_2-.Ltmp0, $4  }
0x61: {  	[hbm4b:s0+s2] =	stream.linear.scatter [tilespmem:s15], [sflag:$0x6], $0x2400, $0x38;
	[tilespmem:$0x11900] =	vst v63  }
0x62: {  	_ =	swait.ge [sflag:s28], $0x2400  }
0x63: {  	[sflag:s28] =	ssyncset.done $0x0  }
0x64: {  	s1 =	sadd.s32 $0x148, s31;
	s31 =	sadd.s32 $0x190, s31;
	[sflag:s28] =	ssyncadd.s32 $0xFFFFDC00  }
0x65: {  	[tilespmem:s21], [sflag:$0x4] =	stream.indirect.gather [hbm4b:s3+s14], $0x80, s1, s14, $0xb8;
	[tilespmem:$0x11900] =	vst v63  }
0x66: {  	_ =	swait.ge [sflag:s22], $0x4000  }
0x67: {  	[sflag:s22] =	ssyncset.done $0x0  }
0x68: {  	[sflag:s22] =	ssyncadd.s32 $0xFFFFC000  }
0x69: {  	[hbm4b:s7+s2] =	stream.linear.scatter [tilespmem:s18], [sflag:$0x7], $0x4000, $0x38;
	[tilespmem:$0x11900] =	vst v63  }
0x6a: {  	_ =	swait.ge [sflag:s23], $0x4000  }
0x6b: {  	[sflag:s23] =	ssyncset.done $0x0  }
0x6c: {  	[sflag:s23] =	ssyncadd.s32 $0xFFFFC000  }
0x6d: {  	_ =	swait.ge [sflag:s24], $0x2400  }
0x6e: {  	[sflag:s24] =	ssyncset.done $0x0  }
0x6f: {  	[sflag:s24] =	ssyncadd.s32 $0xFFFFDC00  }
0x70: {  	[hbm4b:s8+s2] =	stream.linear.scatter [tilespmem:s21], [sflag:$0x8], $0x2400, $0x38;
	[tilespmem:$0x11900] =	vst v63  }
0x71: {  	_ =	swait.ge [sflag:s25], $0x2400  }
0x72: {  	[sflag:s25] =	ssyncset.done $0x0  }
0x73: {  	s29 =	sadd.s32 $0x1, s29;
	[sflag:s25] =	ssyncadd.s32 $0xFFFFDC00  }
0x74: {  	p0 =	sne.s32 s29, s9;
	_ =	swait.ge [sflag:s26], $0x4000  }
.Ltmp1:
0x75: {  	[sflag:s26] =	ssyncset.done $0x0;
	(pc) =	sbr.rel @p0 .LBB2_1-.Ltmp1, $4  }
0x76: {  	[sflag:s26] =	ssyncadd.s32 $0xFFFFC000  }
0x77: {  	_ =	swait.ge [sflag:s28], $0x2400  }
0x78: {  	[sflag:s28] =	ssyncset.done $0x0  }
0x79: {  	[sflag:s28] =	ssyncadd.s32 $0xFFFFDC00  }
0x7a: {  	_ =	sfence.sel $0x180000  }
0x7b: {  	[bflag:$0x0] =	sbarrier.arrive $0xFFFF  }
0x7c: {  	_ =	strace $0x90000047  }
0x7d: {  	s0 =	stileid.u32;
	[bflag:$0x2] =	sbarrier.arrive $0xFFFF  }
0x7e: {  	p0 =	sne.s32 s0, $0x0;
	s0 =	rddreg [dreg:$0x1]  }
0x7f: {  	s0 =	sadd.s32 @!p0 $0x100000, s0  }
0x80: {  	[sflag:s0] =	ssyncadd.tile.s32 @!p0 $0x1;
	_ =	shalt  }
.Lfunc_end2:
_tile_overlayer_lowered:
.L_overlay_start_2:
0x81: {  	(tag) =	ssettag $0x2  }
0x82: {  	s0 =	rddreg [dreg:$0x0];
	s2 =	stileid.u32  }
0x83: {  	s1 =	rddreg [dreg:$0x1];
	p0 =	sne.s32 s2, $0x0  }
0x84: {  	s3 =	rddreg [dreg:$0x2];
	[bflag:$0x3] =	sbarrier.arrive $0xFFFF;
	s2 =	simm.s32 @!p0 $0x1C09  }
0x85: {  	[timem:s3], [sflag:s2] =	dma.local @!p0 [hbm:s0], s1  }
0x86: {  	s0 =	simm.s32 @!p0 $0x9  }
0x87: {  	_ =	swait.ge @!p0 [sflag:s0], s1  }
0x88: {  	s1 =	ssub.s32 @!p0 $0x0, s1;
	[sflag:s0] =	ssyncset.done @!p0 $0x0  }
0x89: {  	[sflag:s0] =	ssyncadd.s32 @!p0 s1  }
0x8a: {  	[bflag:$0x3] =	sbarrier.arrive $0xFFFF  }
0x8b: {  	_ =	shalt  }

// kernel: kernel.13.cloned.1.call-start
scs
__scs_entry_jumppad:
0x0: {  	(pc) =	sbr.rel $0x88, $3  }
0x1: {  	(tag) =	ssettag $0x0;
	lr =	simm.s32 $0x1  }
0x2: {  	[smem:$0x3F9E] =	sst lr;
	_ =	strace $0xD0000000  }
0x3: {  	_ = 	snop  }
0x4: {  	_ = 	snop  }
0x5: {  	_ = 	snop  }
0x6: {  	_ = 	snop  }
0x7: {  	_ = 	snop  }
__scs_overlays_trampoline_lowered:
0x8: {  	[smem:$0x3FAD] =	sst s0  }
0x9: {  	[smem:$0x3FAE] =	sst s1  }
0xa: {  	[smem:$0x3FAF] =	sst s2  }
0xb: {  	[smem:$0x3FB0] =	sst s3  }
0xc: {  	[smem:$0x3FB1] =	sst s4  }
0xd: {  	[smem:$0x3FB2] =	sst s5  }
0xe: {  	[smem:$0x3FB3] =	sst s6  }
0xf: {  	[smem:$0x3FB4] =	sst s7  }
0x10: {  	[smem:$0x3FB5] =	sst s8  }
0x11: {  	[smem:$0x3FB6] =	sst s9;
	s0 =	simm.s32 @!p0 $0x0  }
0x12: {  	s1 =	sld [smem:$0x3F9C];
	s0 =	simm.s32 @p0 $0x1  }
0x13: {  	[smem:$0x3FB7] =	sst s0;
	s0 =	simm.s32 @!p1 $0x0  }
0x14: {  	s2 =	sld [smem:$0x3F9B];
	s0 =	simm.s32 @p1 $0x1  }
0x15: {  	[smem:$0x3FB8] =	sst s0;
	s0 =	simm.s32 @!p2 $0x0  }
0x16: {  	s3 =	sld [smem:$0x3FDB];
	s0 =	simm.s32 @p2 $0x1  }
0x17: {  	s4 =	simm.s32 $0x1BF5;
	[smem:$0x3FBA] =	sst s0  }
0x18: {  	s0 =	sld [smem:$0x3F9D];
	_ =	swait.ge [sflag:s4], $0x0  }
0x19: {  	s7 =	sld [smem:$0x3F9E]  }
0x1a: {  	s8 =	sadd.s32 $0xFFFFE003, lr  }
0x1b: {  	s9 =	sadd.s32 $0xFFFFFEF7, lr;
	s5 =	simm.s32 $0xFFFFFFFF;
	p2 =	slt.u32 s8, $0xFFFFF086  }
0x1c: {  	p1 =	slt.u32 s9, $0xF7A;
	s5 =	simm.s32 @!p2 $0x0  }
0x1d: {  	s5 =	simm.s32 @p1 $0x1;
	p0 =	seq.s32 s7, s2  }
0x1e: {  	s7 =	smul.u32 @!p0 $0xF7A, s2;
	p2 =	seq.s32 @!p0 s5, $0x0  }
0x1f: {  	s9 =	smul.u32 $0xF7A, s1;
	s8 =	simm.s32 @!p0 $0x1BF5;
	p2 =	por !p2, p0  }
0x20: {  	[sflag:s8] =	ssyncset.s32 @!p0 $0xFFFFF086;
	s6 =	sadd.s32 @!p0 s3, s7;
	s7 =	simm.s32 @!p0 $0x108  }
0x21: {  	s3 =	sadd.s32 s3, s9;
	s6 =	sadd.s32 @!p0 $0x88, s6;
	s7 =	simm.s32 @p2 $0x1082  }
0x22: {  	[simem:s7], [sflag:s8] =	dma.local @!p0 [hbm:s6], $0xF7A  }
0x23: {  	s9 =	sor.u32 $0xD0000000, s2;
	s6 =	simm.s32 $0x108;
	_ =	swait.ge @!p0 [sflag:s8], $0x0  }
0x24: {  	s3 =	sadd.s32 $0x88, s3;
	s6 =	simm.s32 @!p1 $0x1082;
	[sflag:s4] =	ssyncset.s32 $0xFFFFF086  }
0x25: {  	[simem:s6], [sflag:s4] =	dma.local [hbm:s3], $0xF7A  }
0x26: {  	[smem:$0x3F9E] =	sst s1;
	(tag) =	ssettag s2;
	_ =	strace s9  }
0x27: {  	s1 =	sld [smem:$0x3FAE]  }
0x28: {  	s2 =	sld [smem:$0x3FAF]  }
0x29: {  	s4 =	sld [smem:$0x3FB1]  }
0x2a: {  	p0 =	seq.s32 s5, $0x0;
	s5 =	sld [smem:$0x3FB2]  }
0x2b: {  	s6 =	sld [smem:$0x3FB3]  }
0x2c: {  	s7 =	sld [smem:$0x3FB4]  }
0x2d: {  	s3 =	simm.s32 $0x108;
	s8 =	sld [smem:$0x3FB5]  }
0x2e: {  	s3 =	simm.s32 @!p0 $0x1082;
	s9 =	sld [smem:$0x3FB6]  }
0x2f: {  	lr =	sadd.s32 s0, s3;
	s0 =	sld [smem:$0x3FAD]  }
0x30: {  	s3 =	sld [smem:$0x3FB0]  }
0x31: {  	[smem:$0x3FB9] =	sst s10  }
0x32: {  	s10 =	sld [smem:$0x3FB7];
	_ =	sdelay $0x3  }
0x33: {  	p0 =	seq.s32 s10, $0x1;
	s10 =	sld [smem:$0x3FB9];
	_ =	sdelay $0x3  }
0x34: {  	[smem:$0x3FB9] =	sst s10  }
0x35: {  	s10 =	sld [smem:$0x3FB8];
	_ =	sdelay $0x3  }
0x36: {  	p1 =	seq.s32 s10, $0x1;
	s10 =	sld [smem:$0x3FB9];
	_ =	sdelay $0x3  }
0x37: {  	[smem:$0x3FB9] =	sst s10  }
0x38: {  	s10 =	sld [smem:$0x3FBA]  }
0x39: {  	_ = 	snop;
	(pc) =	sbr.ind lr, $3  }
0x3a: {  	_ = 	snop  }
0x3b: {  	_ = 	snop  }
0x3c: {  	p2 =	seq.s32 s10, $0x1;
	s10 =	sld [smem:$0x3FB9]  }
0x3d: {  	_ =	shalt  }
0x3e: {  	_ =	shalt  }
0x3f: {  	_ =	shalt  }
0x40: {  	_ =	shalt  }
0x41: {  	_ =	shalt  }
0x42: {  	_ =	shalt  }
0x43: {  	_ =	shalt  }
0x44: {  	_ =	shalt  }
0x45: {  	_ =	shalt  }
0x46: {  	_ =	shalt  }
0x47: {  	_ =	shalt  }
0x48: {  	_ =	shalt  }
0x49: {  	_ =	shalt  }
0x4a: {  	_ =	shalt  }
0x4b: {  	_ =	shalt  }
0x4c: {  	_ =	shalt  }
0x4d: {  	_ =	shalt  }
0x4e: {  	_ =	shalt  }
0x4f: {  	_ =	shalt  }
0x50: {  	_ =	shalt  }
0x51: {  	_ =	shalt  }
0x52: {  	_ =	shalt  }
0x53: {  	_ =	shalt  }
0x54: {  	_ =	shalt  }
0x55: {  	_ =	shalt  }
0x56: {  	_ =	shalt  }
0x57: {  	_ =	shalt  }
0x58: {  	_ =	shalt  }
0x59: {  	_ =	shalt  }
0x5a: {  	_ =	shalt  }
0x5b: {  	_ =	shalt  }
0x5c: {  	_ =	shalt  }
0x5d: {  	_ =	shalt  }
0x5e: {  	_ =	shalt  }
0x5f: {  	_ =	shalt  }
0x60: {  	_ =	shalt  }
0x61: {  	_ =	shalt  }
0x62: {  	_ =	shalt  }
0x63: {  	_ =	shalt  }
0x64: {  	_ =	shalt  }
0x65: {  	_ =	shalt  }
0x66: {  	_ =	shalt  }
0x67: {  	_ =	shalt  }
0x68: {  	_ =	shalt  }
0x69: {  	_ =	shalt  }
0x6a: {  	_ =	shalt  }
0x6b: {  	_ =	shalt  }
0x6c: {  	_ =	shalt  }
0x6d: {  	_ =	shalt  }
0x6e: {  	_ =	shalt  }
0x6f: {  	_ =	shalt  }
0x70: {  	_ =	shalt  }
0x71: {  	_ =	shalt  }
0x72: {  	_ =	shalt  }
0x73: {  	_ =	shalt  }
0x74: {  	_ =	shalt  }
0x75: {  	_ =	shalt  }
0x76: {  	_ =	shalt  }
0x77: {  	_ =	shalt  }
0x78: {  	_ =	shalt  }
0x79: {  	_ =	shalt  }
0x7a: {  	_ =	shalt  }
0x7b: {  	_ =	shalt  }
0x7c: {  	_ =	shalt  }
0x7d: {  	_ =	shalt  }
0x7e: {  	_ =	shalt  }
0x7f: {  	_ =	shalt  }
0x80: {  	_ =	shalt  }
0x81: {  	_ =	shalt  }
0x82: {  	_ =	shalt  }
0x83: {  	_ =	shalt  }
0x84: {  	_ =	shalt  }
0x85: {  	_ =	shalt  }
0x86: {  	_ =	shalt  }
0x87: {  	_ =	shalt  }
.Lfunc_end0:
.L_simem_size_0:
called_computation.1_lowered:
.L_overlay_start_0:
0x88: {  	s2 =	sld [smem:$0x3FD9]  }
0x89: {  	s3 =	sld [smem:$0x3FFE];
	_ =	sdelay $0x1  }
0x8a: {  	s1 =	srdreg.scid  }
0x8b: {  	s0 =	sand.u32 $0x1, s1  }
0x8c: {  	s17 =	sshll.u32 s0, $0xA;
	s2 =	sadd.s32 s3, s2  }
0x8d: {  	s2 =	sadd.s32 s2, s17  }
0x8e: {  	[smem:$0x3FC5] =	sst s2  }
0x8f: {  	_ = 	snop  }
0x90: {  	(tm) =	ssettm $0x1  }
0x91: {  	s18 =	sld [smem:$0x3FFB];
	_ =	sdelay $0x3  }
0x92: {  	_ =	strace s18  }
0x93: {  	s2 =	sld [smem:$0x3FFC];
	_ =	sdelay $0x3  }
0x94: {  	_ =	strace s2  }
0x95: {  	s2 =	sld [smem:$0x3FFD];
	_ =	sdelay $0x3  }
0x96: {  	_ =	strace s2  }
0x97: {  	_ =	strace $0x8FFFFFFF  }
0x98: {  	s19 =	sld [smem:$0x3FDB];
	_ =	sdelay $0x1  }
0x99: {  	s20 =	simm.s32 $_scs_section_size  }
0x9a: {  	s4 =	simm.s32 $_size__tile_overlayer_lowered;
	s5 =	simm.s32 $_tile_overlayer_lowered  }
0x9b: {  	s6 =	simm.s32 $0x1BFF;
	s21 =	sshll.u32 s5, $0x1;
	s3 =	sadd.s32 s20, s19  }
0x9c: {  	s22 =	simm.s32 $0x0;
	s4 =	sshll.u32 s4, $0x1;
	s5 =	sadd.s32 s21, s3  }
0x9d: {  	[timem:s22], [sflag:s6] =	dma.local [hbm:s5], s4  }
0x9e: {  	_ =	swait.ge [sflag:s6], s4  }
0x9f: {  	s4 =	ssub.s32 $0x0, s4;
	[sflag:s6] =	ssyncset.done $0x0  }
0xa0: {  	[sflag:s6] =	ssyncadd.s32 s4;
	_ =	sdelay $0x1  }
0xa1: {  	s23 =	simm.s32 $0x1B8B  }
0xa2: {  	_ =	swait.ge [sflag:s23], $0x1  }
0xa3: {  	[sflag:s23] =	ssyncset.done $0x0  }
0xa4: {  	[sflag:s23] =	ssyncadd.s32 $0xFFFFFFFF  }
0xa5: {  	s4 =	sld [smem:$0x0]  }
0xa6: {  	s5 =	sand.u32 $0xFFFFFFFE, s1  }
0xa7: {  	p0 =	sne.s32 s1, s5  }
0xa8: {  	s5 =	sshll.u32 @p0 s5, $0xE  }
0xa9: {  	s5 =	sadd.s32 @p0 $0x11B8D, s5;
	s6 =	sshll.u32 @p0 s4, $0x11  }
0xaa: {  	s5 =	sor.u32 @p0 s6, s5  }
0xab: {  	[sflag:s5] =	ssyncadd.remote.s32 @p0 $0x1;
	_ =	sdelay $0x1  }
0xac: {  	s5 =	simm.s32 @p0 $0x1B8D  }
0xad: {  	_ =	swait.eq @p0 [sflag:s5], $0x1  }
0xae: {  	[sflag:s5] =	ssyncadd.s32 @p0 $0xFFFFFFFF  }
0xaf: {  	s6 =	sshll.u32 @!p0 s1, $0xE  }
0xb0: {  	s6 =	sor.u32 @!p0 $0x4000, s6;
	s5 =	simm.s32 @!p0 $0x1B8D  }
0xb1: {  	s4 =	sshll.u32 @!p0 s4, $0x11;
	s6 =	sadd.s32 @!p0 $0x11B8D, s6;
	_ =	swait.eq @!p0 [sflag:s5], $0x1  }
0xb2: {  	s4 =	sor.u32 @!p0 s4, s6;
	[sflag:s5] =	ssyncadd.s32 @!p0 $0xFFFFFFFF  }
0xb3: {  	s25 =	simm.s32 $0x1B8E;
	s24 =	sld [smem:$0x3FFE];
	[sflag:s4] =	ssyncadd.remote.s32 @!p0 $0x1  }
0xb4: {  	s26 =	simm.s32 $execute0_lowered;
	[smem:$0x3FD2] =	sst s25  }
0xb5: {  	s5 =	sshll.u32 s26, $0x1;
	_ =	strace $0x80000049;
	[dreg:$0x1] =	wrdreg $0xFFFFFFFF  }
0xb6: {  	s28 =	simm.s32 $_size_execute0_lowered;
	s3 =	sadd.s32 s3, s5;
	[dreg:$0x0] =	wrdreg $0x0  }
0xb7: {  	s5 =	sshll.u32 s28, $0x1;
	[dreg:$0x2] =	wrdreg s3  }
0xb8: {  	[dreg:$0x3] =	wrdreg s5  }
0xb9: {  	[dreg:$0x4] =	wrdreg $0xC0  }
0xba: {  	_ =	task [dreg:s22], $0x5FFFF  }
0xbb: {  	[dreg:$0x1] =	wrdreg $0xFFFFFFFF  }
0xbc: {  	[dreg:$0x0] =	wrdreg $0x60  }
0xbd: {  	[dreg:$0x2] =	wrdreg s24  }
0xbe: {  	[dreg:$0x3] =	wrdreg $0xA  }
0xbf: {  	_ =	task.clear_ibuf [dreg:s22], $0x4FFFF;
	_ =	strace $0x90000049  }
0xc0: {  	s29 =	simm.s32 $0xA;
	_ =	strace $0x8000004B  }
0xc1: {  	_ =	swait.ge [sflag:s29], $0x1  }
0xc2: {  	[sflag:s29] =	ssyncadd.s32 $0xFFFFFFFF  }
0xc3: {  	_ =	strace $0x9000004B  }
0xc4: {  	_ =	sfence  }
0xc5: {  	s30 =	sld [smem:$0x0];
	_ =	sdelay $0x2  }
0xc6: {  	s31 =	sshll.u32 s1, $0xD;
	s1 =	sshrl.u32 s1, $0x2  }
0xc7: {  	s4 =	sand.u32 $0x4000, s31;
	s1 =	sadd.s32 s1, s30  }
0xc8: {  	s0 =	sor.u32 s4, s0;
	s1 =	sshll.u32 s1, $0x11  }
0xc9: {  	s0 =	sor.u32 s1, s0  }
0xca: {  	s0 =	sadd.s32 $0x8F2B, s0  }
0xcb: {  	[sflag:s0] =	ssyncadd.remote.s32 $0x1  }
0xcc: {  	_ =	sfence.sel $0xFFFF  }
0xcd: {  	[dreg:$0x0] =	wrdreg $0xFFFFFFFF;
	(pc) =	sbr.abs _section_cstart, $3  }
0xce: {  	[dreg:$0x1] =	wrdreg $0xFFFFFFFF  }
0xcf: {  	_ =	task.clear_ibuf [dreg:s22], $0x2FFFF;
	_ =	strace $0x9FFFFFFF  }
0xd0: {  	(tm) =	ssettm $0x7FFFFFFF  }
0xd1: {  	_ =	shalt  }
tec
execute0_lowered:
.L_overlay_start_1:
0x0: {  	(tag) =	ssettag $0x1  }
0x1: {  	s1 =	srdreg.scid  }
0x2: {  	s0 =	stileid.u32;
	s4 =	rddreg [dreg:$0x0];
	s2 =	simm.s32 $0x0  }
0x3: {  	s12 =	simm.s32 $0x80;
	s13 =	simm.s32 $0x1900;
	s14 =	simm.s32 $0x48  }
0x4: {  	s15 =	simm.s32 $0x5900;
	s16 =	simm.s32 $0x1;
	s17 =	simm.s32 $0xC8  }
0x5: {  	s18 =	simm.s32 $0x9900;
	s19 =	simm.s32 $0x2;
	s20 =	simm.s32 $0x148  }
0x6: {  	s21 =	simm.s32 $0xD900;
	s22 =	simm.s32 $0x3;
	s23 =	simm.s32 $0x5  }
0x7: {  	s24 =	simm.s32 $0x4;
	s25 =	simm.s32 $0x6;
	s26 =	simm.s32 $0x7  }
0x8: {  	s28 =	simm.s32 $0x8;
	s1 =	sand.u32 $0x1, s1;
	s3 =	sshll.u32 s0, $0x1  }
0x9: {  	s29 =	simm.s32 $0x0;
	s31 =	smul.u32 $0x32000, s0;
	s5 =	sor.u32 s1, s3  }
0xa: {  	[smem:$0x7FF] =	sst s2;
	s10 =	sadd.s32 $0x4C1000, s4;
	s6 =	smul.u32 $0x1900, s5  }
0xb: {  	_ =	strace $0x8000004A;
	s7 =	ssub.s32 $0x2, s1;
	s9 =	smul.u32 $0xC8000, s5  }
0xc: {  	s3 =	sadd.s32 $0x7A00, s4;
	s8 =	sshrl.u32 s7, $0x1;
	s5 =	smul.u32 $0x19000, s5  }
0xd: {  	s1 =	smul.u32 $0x19000, s1;
	s11 =	ssub.s32 s7, s8;
	s6 =	sshrl.u32 s6, $0x3  }
0xe: {  	s30 =	sshrl.u32 s9, $0x3;
	s5 =	sadd.s32 s10, s5;
	s6 =	sadd.s32 s6, s4  }
0xf: {  	s9 =	sadd.s32 s10, s30;
	s10 =	sadd.s32 s31, s10;
	s4 =	sadd.s32 $0x4AE400, s6  }
0x10: {  	s6 =	sadd.s32 $0x800, s5;
	s7 =	sadd.s32 $0x18380, s9;
	s8 =	sadd.s32 $0x18B80, s9  }
0x11: {  	s9 =	smax.u32 s11, $0x1;
	s10 =	sadd.s32 s1, s10;
	s11 =	simm.s32 $0x9  }
.LBB2_1:
0x12: {  	[tilespmem:s2], [sflag:$0x9] =	stream.linear.gather [hbm4b:s4+s2], $0x1900, $0x38;
	[tilespmem:$0x11900] =	vst v63  }
0x13: {  	_ =	swait.ge [sflag:s11], $0x1900  }
0x14: {  	[sflag:s11] =	ssyncset.done $0x0  }
0x15: {  	[sflag:s11] =	ssyncadd.s32 $0xFFFFE700  }
0x16: {  	[tilespmem:s13], [sflag:$0x1] =	stream.indirect.gather [hbm4b:s3+s12], $0x80, s2, s12, $0xb8;
	[tilespmem:$0x11900] =	vst v63  }
0x17: {  	_ = 	snop  }
0x18: {  	[tilespmem:s15], [sflag:$0x2] =	stream.indirect.gather [hbm4b:s3+s14], $0x80, s12, s14, $0xb8;
	[tilespmem:$0x11900] =	vst v63  }
0x19: {  	_ =	swait.ge [sflag:s16], $0x4000  }
0x1a: {  	[sflag:s16] =	ssyncset.done $0x0  }
0x1b: {  	[sflag:s16] =	ssyncadd.s32 $0xFFFFC000  }
0x1c: {  	[hbm4b:s5+s2] =	stream.linear.scatter [tilespmem:s13], [sflag:$0x5], $0x4000, $0x38;
	[tilespmem:$0x11900] =	vst v63  }
0x1d: {  	_ = 	snop  }
0x1e: {  	[tilespmem:s18], [sflag:$0x3] =	stream.indirect.gather [hbm4b:s3+s12], $0x80, s17, s12, $0xb8;
	[tilespmem:$0x11900] =	vst v63  }
0x1f: {  	_ =	swait.ge [sflag:s19], $0x2400  }
0x20: {  	[sflag:s19] =	ssyncset.done $0x0  }
0x21: {  	[sflag:s19] =	ssyncadd.s32 $0xFFFFDC00  }
0x22: {  	[hbm4b:s6+s2] =	stream.linear.scatter [tilespmem:s15], [sflag:$0x6], $0x2400, $0x38;
	[tilespmem:$0x11900] =	vst v63  }
0x23: {  	_ = 	snop  }
0x24: {  	[tilespmem:s21], [sflag:$0x4] =	stream.indirect.gather [hbm4b:s3+s14], $0x80, s20, s14, $0xb8;
	[tilespmem:$0x11900] =	vst v63  }
0x25: {  	_ =	swait.ge [sflag:s22], $0x4000  }
0x26: {  	s1 =	sadd.s32 $0x0, s10;
	[sflag:s22] =	ssyncset.done $0x0  }
0x27: {  	s30 =	sadd.s32 $0xC80, s1;
	[sflag:s22] =	ssyncadd.s32 $0xFFFFC000  }
0x28: {  	[hbm4b:s30+s2] =	stream.linear.scatter [tilespmem:s18], [sflag:$0x7], $0x4000, $0x38;
	[tilespmem:$0x11900] =	vst v63  }
0x29: {  	_ =	swait.ge [sflag:s23], $0x4000  }
0x2a: {  	[sflag:s23] =	ssyncset.done $0x0  }
0x2b: {  	s30 =	simm.s32 $0x190;
	[sflag:s23] =	ssyncadd.s32 $0xFFFFC000  }
0x2c: {  	[tilespmem:s13], [sflag:$0x1] =	stream.indirect.gather [hbm4b:s3+s12], $0x80, s30, s12, $0xb8;
	[tilespmem:$0x11900] =	vst v63  }
0x2d: {  	_ =	swait.ge [sflag:s24], $0x2400  }
0x2e: {  	[sflag:s24] =	ssyncset.done $0x0  }
0x2f: {  	s30 =	sadd.s32 $0x1480, s1;
	[sflag:s24] =	ssyncadd.s32 $0xFFFFDC00  }
0x30: {  	[hbm4b:s30+s2] =	stream.linear.scatter [tilespmem:s21], [sflag:$0x8], $0x2400, $0x38;
	[tilespmem:$0x11900] =	vst v63  }
0x31: {  	_ =	swait.ge [sflag:s25], $0x2400  }
0x32: {  	[sflag:s25] =	ssyncset.done $0x0  }
0x33: {  	s30 =	simm.s32 $0x210;
	[sflag:s25] =	ssyncadd.s32 $0xFFFFDC00  }
0x34: {  	[tilespmem:s15], [sflag:$0x2] =	stream.indirect.gather [hbm4b:s3+s14], $0x80, s30, s14, $0xb8;
	[tilespmem:$0x11900] =	vst v63  }
0x35: {  	_ =	swait.ge [sflag:s16], $0x4000  }
0x36: {  	[sflag:s16] =	ssyncset.done $0x0  }
0x37: {  	s30 =	sadd.s32 $0x1900, s1;
	[sflag:s16] =	ssyncadd.s32 $0xFFFFC000  }
0x38: {  	[hbm4b:s30+s2] =	stream.linear.scatter [tilespmem:s13], [sflag:$0x5], $0x4000, $0x38;
	[tilespmem:$0x11900] =	vst v63  }
0x39: {  	_ =	swait.ge [sflag:s26], $0x4000  }
0x3a: {  	[sflag:s26] =	ssyncset.done $0x0  }
0x3b: {  	s30 =	simm.s32 $0x258;
	[sflag:s26] =	ssyncadd.s32 $0xFFFFC000  }
0x3c: {  	[tilespmem:s18], [sflag:$0x3] =	stream.indirect.gather [hbm4b:s3+s12], $0x80, s30, s12, $0xb8;
	[tilespmem:$0x11900] =	vst v63  }
0x3d: {  	_ =	swait.ge [sflag:s19], $0x2400  }
0x3e: {  	[sflag:s19] =	ssyncset.done $0x0  }
0x3f: {  	s1 =	sadd.s32 $0x2100, s1;
	[sflag:s19] =	ssyncadd.s32 $0xFFFFDC00  }
0x40: {  	[hbm4b:s1+s2] =	stream.linear.scatter [tilespmem:s15], [sflag:$0x6], $0x2400, $0x38;
	[tilespmem:$0x11900] =	vst v63  }
0x41: {  	_ =	swait.ge [sflag:s28], $0x2400  }
0x42: {  	s31 =	simm.s32 $0x320;
	[sflag:s28] =	ssyncset.done $0x0  }
0x43: {  	s30 =	simm.s32 $0x1900;
	s1 =	simm.s32 $0x2D8;
	[sflag:s28] =	ssyncadd.s32 $0xFFFFDC00  }
.LBB2_2:
0x44: {  	[tilespmem:s21], [sflag:$0x4] =	stream.indirect.gather [hbm4b:s3+s14], $0x80, s1, s14, $0xb8;
	[tilespmem:$0x11900] =	vst v63  }
0x45: {  	s1 =	smov.u32 s30  }
0x46: {  	p0 =	sne.s32 s30, $0x15E00;
	s30 =	sadd.s32 $0x1900, s30;
	_ =	swait.ge [sflag:s22], $0x4000  }
0x47: {  	s1 =	sadd.s32 s1, s10;
	[sflag:s22] =	ssyncset.done $0x0  }
0x48: {  	s0 =	sadd.s32 $0xC80, s1;
	[sflag:s22] =	ssyncadd.s32 $0xFFFFC000  }
0x49: {  	[hbm4b:s0+s2] =	stream.linear.scatter [tilespmem:s18], [sflag:$0x7], $0x4000, $0x38;
	[tilespmem:$0x11900] =	vst v63  }
0x4a: {  	_ =	swait.ge [sflag:s23], $0x4000  }
0x4b: {  	[sflag:s23] =	ssyncset.done $0x0  }
0x4c: {  	[sflag:s23] =	ssyncadd.s32 $0xFFFFC000  }
0x4d: {  	[tilespmem:s13], [sflag:$0x1] =	stream.indirect.gather [hbm4b:s3+s12], $0x80, s31, s12, $0xb8;
	[tilespmem:$0x11900] =	vst v63  }
0x4e: {  	_ =	swait.ge [sflag:s24], $0x2400  }
0x4f: {  	[sflag:s24] =	ssyncset.done $0x0  }
0x50: {  	s0 =	sadd.s32 $0x1480, s1;
	[sflag:s24] =	ssyncadd.s32 $0xFFFFDC00  }
0x51: {  	[hbm4b:s0+s2] =	stream.linear.scatter [tilespmem:s21], [sflag:$0x8], $0x2400, $0x38;
	[tilespmem:$0x11900] =	vst v63  }
0x52: {  	_ =	swait.ge [sflag:s25], $0x2400  }
0x53: {  	[sflag:s25] =	ssyncset.done $0x0  }
0x54: {  	s0 =	sadd.s32 $0x80, s31;
	[sflag:s25] =	ssyncadd.s32 $0xFFFFDC00  }
0x55: {  	[tilespmem:s15], [sflag:$0x2] =	stream.indirect.gather [hbm4b:s3+s14], $0x80, s0, s14, $0xb8;
	[tilespmem:$0x11900] =	vst v63  }
0x56: {  	_ =	swait.ge [sflag:s16], $0x4000  }
0x57: {  	[sflag:s16] =	ssyncset.done $0x0  }
0x58: {  	s0 =	sadd.s32 $0x1900, s1;
	[sflag:s16] =	ssyncadd.s32 $0xFFFFC000  }
0x59: {  	[hbm4b:s0+s2] =	stream.linear.scatter [tilespmem:s13], [sflag:$0x5], $0x4000, $0x38;
	[tilespmem:$0x11900] =	vst v63  }
0x5a: {  	_ =	swait.ge [sflag:s26], $0x4000  }
0x5b: {  	[sflag:s26] =	ssyncset.done $0x0  }
0x5c: {  	s0 =	sadd.s32 $0xC8, s31;
	[sflag:s26] =	ssyncadd.s32 $0xFFFFC000  }
0x5d: {  	[tilespmem:s18], [sflag:$0x3] =	stream.indirect.gather [hbm4b:s3+s12], $0x80, s0, s12, $0xb8;
	[tilespmem:$0x11900] =	vst v63  }
0x5e: {  	_ =	swait.ge [sflag:s19], $0x2400  }
0x5f: {  	[sflag:s19] =	ssyncset.done $0x0  }
.Ltmp0:
0x60: {  	s0 =	sadd.s32 $0x2100, s1;
	[sflag:s19] =	ssyncadd.s32 $0xFFFFDC00;
	(pc) =	sbr.rel @p0 .LBB2_2-.Ltmp0, $4  }
0x61: {  	[hbm4b:s0+s2] =	stream.linear.scatter [tilespmem:s15], [sflag:$0x6], $0x2400, $0x38;
	[tilespmem:$0x11900] =	vst v63  }
0x62: {  	_ =	swait.ge [sflag:s28], $0x2400  }
0x63: {  	[sflag:s28] =	ssyncset.done $0x0  }
0x64: {  	s1 =	sadd.s32 $0x148, s31;
	s31 =	sadd.s32 $0x190, s31;
	[sflag:s28] =	ssyncadd.s32 $0xFFFFDC00  }
0x65: {  	[tilespmem:s21], [sflag:$0x4] =	stream.indirect.gather [hbm4b:s3+s14], $0x80, s1, s14, $0xb8;
	[tilespmem:$0x11900] =	vst v63  }
0x66: {  	_ =	swait.ge [sflag:s22], $0x4000  }
0x67: {  	[sflag:s22] =	ssyncset.done $0x0  }
0x68: {  	[sflag:s22] =	ssyncadd.s32 $0xFFFFC000  }
0x69: {  	[hbm4b:s7+s2] =	stream.linear.scatter [tilespmem:s18], [sflag:$0x7], $0x4000, $0x38;
	[tilespmem:$0x11900] =	vst v63  }
0x6a: {  	_ =	swait.ge [sflag:s23], $0x4000  }
0x6b: {  	[sflag:s23] =	ssyncset.done $0x0  }
0x6c: {  	[sflag:s23] =	ssyncadd.s32 $0xFFFFC000  }
0x6d: {  	_ =	swait.ge [sflag:s24], $0x2400  }
0x6e: {  	[sflag:s24] =	ssyncset.done $0x0  }
0x6f: {  	[sflag:s24] =	ssyncadd.s32 $0xFFFFDC00  }
0x70: {  	[hbm4b:s8+s2] =	stream.linear.scatter [tilespmem:s21], [sflag:$0x8], $0x2400, $0x38;
	[tilespmem:$0x11900] =	vst v63  }
0x71: {  	_ =	swait.ge [sflag:s25], $0x2400  }
0x72: {  	[sflag:s25] =	ssyncset.done $0x0  }
0x73: {  	s29 =	sadd.s32 $0x1, s29;
	[sflag:s25] =	ssyncadd.s32 $0xFFFFDC00  }
0x74: {  	p0 =	sne.s32 s29, s9;
	_ =	swait.ge [sflag:s26], $0x4000  }
.Ltmp1:
0x75: {  	[sflag:s26] =	ssyncset.done $0x0;
	(pc) =	sbr.rel @p0 .LBB2_1-.Ltmp1, $4  }
0x76: {  	[sflag:s26] =	ssyncadd.s32 $0xFFFFC000  }
0x77: {  	_ =	swait.ge [sflag:s28], $0x2400  }
0x78: {  	[sflag:s28] =	ssyncset.done $0x0  }
0x79: {  	[sflag:s28] =	ssyncadd.s32 $0xFFFFDC00  }
0x7a: {  	_ =	sfence.sel $0x180000  }
0x7b: {  	[bflag:$0x0] =	sbarrier.arrive $0xFFFF  }
0x7c: {  	_ =	strace $0x9000004A  }
0x7d: {  	s0 =	stileid.u32;
	[bflag:$0x2] =	sbarrier.arrive $0xFFFF  }
0x7e: {  	p0 =	sne.s32 s0, $0x0;
	s0 =	rddreg [dreg:$0x1]  }
0x7f: {  	s0 =	sadd.s32 @!p0 $0x100000, s0  }
0x80: {  	[sflag:s0] =	ssyncadd.tile.s32 @!p0 $0x1;
	_ =	shalt  }
.Lfunc_end2:
_tile_overlayer_lowered:
.L_overlay_start_2:
0x81: {  	(tag) =	ssettag $0x2  }
0x82: {  	s0 =	rddreg [dreg:$0x0];
	s2 =	stileid.u32  }
0x83: {  	s1 =	rddreg [dreg:$0x1];
	p0 =	sne.s32 s2, $0x0  }
0x84: {  	s3 =	rddreg [dreg:$0x2];
	[bflag:$0x3] =	sbarrier.arrive $0xFFFF;
	s2 =	simm.s32 @!p0 $0x1C09  }
0x85: {  	[timem:s3], [sflag:s2] =	dma.local @!p0 [hbm:s0], s1  }
0x86: {  	s0 =	simm.s32 @!p0 $0x9  }
0x87: {  	_ =	swait.ge @!p0 [sflag:s0], s1  }
0x88: {  	s1 =	ssub.s32 @!p0 $0x0, s1;
	[sflag:s0] =	ssyncset.done @!p0 $0x0  }
0x89: {  	[sflag:s0] =	ssyncadd.s32 @!p0 s1  }
0x8a: {  	[bflag:$0x3] =	sbarrier.arrive $0xFFFF  }
0x8b: {  	_ =	shalt  }

// kernel: kernel.16.cloned.1.call-start
scs
__scs_entry_jumppad:
0x0: {  	(pc) =	sbr.rel $0x88, $3  }
0x1: {  	(tag) =	ssettag $0x0;
	lr =	simm.s32 $0x1  }
0x2: {  	[smem:$0x3F9E] =	sst lr;
	_ =	strace $0xD0000000  }
0x3: {  	_ = 	snop  }
0x4: {  	_ = 	snop  }
0x5: {  	_ = 	snop  }
0x6: {  	_ = 	snop  }
0x7: {  	_ = 	snop  }
__scs_overlays_trampoline_lowered:
0x8: {  	[smem:$0x3FAD] =	sst s0  }
0x9: {  	[smem:$0x3FAE] =	sst s1  }
0xa: {  	[smem:$0x3FAF] =	sst s2  }
0xb: {  	[smem:$0x3FB0] =	sst s3  }
0xc: {  	[smem:$0x3FB1] =	sst s4  }
0xd: {  	[smem:$0x3FB2] =	sst s5  }
0xe: {  	[smem:$0x3FB3] =	sst s6  }
0xf: {  	[smem:$0x3FB4] =	sst s7  }
0x10: {  	[smem:$0x3FB5] =	sst s8  }
0x11: {  	[smem:$0x3FB6] =	sst s9;
	s0 =	simm.s32 @!p0 $0x0  }
0x12: {  	s1 =	sld [smem:$0x3F9C];
	s0 =	simm.s32 @p0 $0x1  }
0x13: {  	[smem:$0x3FB7] =	sst s0;
	s0 =	simm.s32 @!p1 $0x0  }
0x14: {  	s2 =	sld [smem:$0x3F9B];
	s0 =	simm.s32 @p1 $0x1  }
0x15: {  	[smem:$0x3FB8] =	sst s0;
	s0 =	simm.s32 @!p2 $0x0  }
0x16: {  	s3 =	sld [smem:$0x3FDB];
	s0 =	simm.s32 @p2 $0x1  }
0x17: {  	s4 =	simm.s32 $0x1BF5;
	[smem:$0x3FBA] =	sst s0  }
0x18: {  	s0 =	sld [smem:$0x3F9D];
	_ =	swait.ge [sflag:s4], $0x0  }
0x19: {  	s7 =	sld [smem:$0x3F9E]  }
0x1a: {  	s8 =	sadd.s32 $0xFFFFE003, lr  }
0x1b: {  	s9 =	sadd.s32 $0xFFFFFEF7, lr;
	s5 =	simm.s32 $0xFFFFFFFF;
	p2 =	slt.u32 s8, $0xFFFFF086  }
0x1c: {  	p1 =	slt.u32 s9, $0xF7A;
	s5 =	simm.s32 @!p2 $0x0  }
0x1d: {  	s5 =	simm.s32 @p1 $0x1;
	p0 =	seq.s32 s7, s2  }
0x1e: {  	s7 =	smul.u32 @!p0 $0xF7A, s2;
	p2 =	seq.s32 @!p0 s5, $0x0  }
0x1f: {  	s9 =	smul.u32 $0xF7A, s1;
	s8 =	simm.s32 @!p0 $0x1BF5;
	p2 =	por !p2, p0  }
0x20: {  	[sflag:s8] =	ssyncset.s32 @!p0 $0xFFFFF086;
	s6 =	sadd.s32 @!p0 s3, s7;
	s7 =	simm.s32 @!p0 $0x108  }
0x21: {  	s3 =	sadd.s32 s3, s9;
	s6 =	sadd.s32 @!p0 $0x88, s6;
	s7 =	simm.s32 @p2 $0x1082  }
0x22: {  	[simem:s7], [sflag:s8] =	dma.local @!p0 [hbm:s6], $0xF7A  }
0x23: {  	s9 =	sor.u32 $0xD0000000, s2;
	s6 =	simm.s32 $0x108;
	_ =	swait.ge @!p0 [sflag:s8], $0x0  }
0x24: {  	s3 =	sadd.s32 $0x88, s3;
	s6 =	simm.s32 @!p1 $0x1082;
	[sflag:s4] =	ssyncset.s32 $0xFFFFF086  }
0x25: {  	[simem:s6], [sflag:s4] =	dma.local [hbm:s3], $0xF7A  }
0x26: {  	[smem:$0x3F9E] =	sst s1;
	(tag) =	ssettag s2;
	_ =	strace s9  }
0x27: {  	s1 =	sld [smem:$0x3FAE]  }
0x28: {  	s2 =	sld [smem:$0x3FAF]  }
0x29: {  	s4 =	sld [smem:$0x3FB1]  }
0x2a: {  	p0 =	seq.s32 s5, $0x0;
	s5 =	sld [smem:$0x3FB2]  }
0x2b: {  	s6 =	sld [smem:$0x3FB3]  }
0x2c: {  	s7 =	sld [smem:$0x3FB4]  }
0x2d: {  	s3 =	simm.s32 $0x108;
	s8 =	sld [smem:$0x3FB5]  }
0x2e: {  	s3 =	simm.s32 @!p0 $0x1082;
	s9 =	sld [smem:$0x3FB6]  }
0x2f: {  	lr =	sadd.s32 s0, s3;
	s0 =	sld [smem:$0x3FAD]  }
0x30: {  	s3 =	sld [smem:$0x3FB0]  }
0x31: {  	[smem:$0x3FB9] =	sst s10  }
0x32: {  	s10 =	sld [smem:$0x3FB7];
	_ =	sdelay $0x3  }
0x33: {  	p0 =	seq.s32 s10, $0x1;
	s10 =	sld [smem:$0x3FB9];
	_ =	sdelay $0x3  }
0x34: {  	[smem:$0x3FB9] =	sst s10  }
0x35: {  	s10 =	sld [smem:$0x3FB8];
	_ =	sdelay $0x3  }
0x36: {  	p1 =	seq.s32 s10, $0x1;
	s10 =	sld [smem:$0x3FB9];
	_ =	sdelay $0x3  }
0x37: {  	[smem:$0x3FB9] =	sst s10  }
0x38: {  	s10 =	sld [smem:$0x3FBA]  }
0x39: {  	_ = 	snop;
	(pc) =	sbr.ind lr, $3  }
0x3a: {  	_ = 	snop  }
0x3b: {  	_ = 	snop  }
0x3c: {  	p2 =	seq.s32 s10, $0x1;
	s10 =	sld [smem:$0x3FB9]  }
0x3d: {  	_ =	shalt  }
0x3e: {  	_ =	shalt  }
0x3f: {  	_ =	shalt  }
0x40: {  	_ =	shalt  }
0x41: {  	_ =	shalt  }
0x42: {  	_ =	shalt  }
0x43: {  	_ =	shalt  }
0x44: {  	_ =	shalt  }
0x45: {  	_ =	shalt  }
0x46: {  	_ =	shalt  }
0x47: {  	_ =	shalt  }
0x48: {  	_ =	shalt  }
0x49: {  	_ =	shalt  }
0x4a: {  	_ =	shalt  }
0x4b: {  	_ =	shalt  }
0x4c: {  	_ =	shalt  }
0x4d: {  	_ =	shalt  }
0x4e: {  	_ =	shalt  }
0x4f: {  	_ =	shalt  }
0x50: {  	_ =	shalt  }
0x51: {  	_ =	shalt  }
0x52: {  	_ =	shalt  }
0x53: {  	_ =	shalt  }
0x54: {  	_ =	shalt  }
0x55: {  	_ =	shalt  }
0x56: {  	_ =	shalt  }
0x57: {  	_ =	shalt  }
0x58: {  	_ =	shalt  }
0x59: {  	_ =	shalt  }
0x5a: {  	_ =	shalt  }
0x5b: {  	_ =	shalt  }
0x5c: {  	_ =	shalt  }
0x5d: {  	_ =	shalt  }
0x5e: {  	_ =	shalt  }
0x5f: {  	_ =	shalt  }
0x60: {  	_ =	shalt  }
0x61: {  	_ =	shalt  }
0x62: {  	_ =	shalt  }
0x63: {  	_ =	shalt  }
0x64: {  	_ =	shalt  }
0x65: {  	_ =	shalt  }
0x66: {  	_ =	shalt  }
0x67: {  	_ =	shalt  }
0x68: {  	_ =	shalt  }
0x69: {  	_ =	shalt  }
0x6a: {  	_ =	shalt  }
0x6b: {  	_ =	shalt  }
0x6c: {  	_ =	shalt  }
0x6d: {  	_ =	shalt  }
0x6e: {  	_ =	shalt  }
0x6f: {  	_ =	shalt  }
0x70: {  	_ =	shalt  }
0x71: {  	_ =	shalt  }
0x72: {  	_ =	shalt  }
0x73: {  	_ =	shalt  }
0x74: {  	_ =	shalt  }
0x75: {  	_ =	shalt  }
0x76: {  	_ =	shalt  }
0x77: {  	_ =	shalt  }
0x78: {  	_ =	shalt  }
0x79: {  	_ =	shalt  }
0x7a: {  	_ =	shalt  }
0x7b: {  	_ =	shalt  }
0x7c: {  	_ =	shalt  }
0x7d: {  	_ =	shalt  }
0x7e: {  	_ =	shalt  }
0x7f: {  	_ =	shalt  }
0x80: {  	_ =	shalt  }
0x81: {  	_ =	shalt  }
0x82: {  	_ =	shalt  }
0x83: {  	_ =	shalt  }
0x84: {  	_ =	shalt  }
0x85: {  	_ =	shalt  }
0x86: {  	_ =	shalt  }
0x87: {  	_ =	shalt  }
.Lfunc_end0:
.L_simem_size_0:
called_computation.2_lowered:
.L_overlay_start_0:
0x88: {  	s2 =	sld [smem:$0x3FD9]  }
0x89: {  	s3 =	sld [smem:$0x3FFE];
	_ =	sdelay $0x1  }
0x8a: {  	s1 =	srdreg.scid  }
0x8b: {  	s0 =	sand.u32 $0x1, s1  }
0x8c: {  	s17 =	sshll.u32 s0, $0xA;
	s2 =	sadd.s32 s3, s2  }
0x8d: {  	s2 =	sadd.s32 s2, s17  }
0x8e: {  	[smem:$0x3FC5] =	sst s2  }
0x8f: {  	_ = 	snop  }
0x90: {  	(tm) =	ssettm $0x1  }
0x91: {  	s18 =	sld [smem:$0x3FFB];
	_ =	sdelay $0x3  }
0x92: {  	_ =	strace s18  }
0x93: {  	s2 =	sld [smem:$0x3FFC];
	_ =	sdelay $0x3  }
0x94: {  	_ =	strace s2  }
0x95: {  	s2 =	sld [smem:$0x3FFD];
	_ =	sdelay $0x3  }
0x96: {  	_ =	strace s2  }
0x97: {  	_ =	strace $0x8FFFFFFF  }
0x98: {  	s19 =	sld [smem:$0x3FDB];
	_ =	sdelay $0x1  }
0x99: {  	s20 =	simm.s32 $_scs_section_size  }
0x9a: {  	s4 =	simm.s32 $_size__tile_overlayer_lowered;
	s5 =	simm.s32 $_tile_overlayer_lowered  }
0x9b: {  	s6 =	simm.s32 $0x1BFF;
	s21 =	sshll.u32 s5, $0x1;
	s3 =	sadd.s32 s20, s19  }
0x9c: {  	s22 =	simm.s32 $0x0;
	s4 =	sshll.u32 s4, $0x1;
	s5 =	sadd.s32 s21, s3  }
0x9d: {  	[timem:s22], [sflag:s6] =	dma.local [hbm:s5], s4  }
0x9e: {  	_ =	swait.ge [sflag:s6], s4  }
0x9f: {  	s4 =	ssub.s32 $0x0, s4;
	[sflag:s6] =	ssyncset.done $0x0  }
0xa0: {  	[sflag:s6] =	ssyncadd.s32 s4;
	_ =	sdelay $0x1  }
0xa1: {  	s23 =	simm.s32 $0x1B8B  }
0xa2: {  	_ =	swait.ge [sflag:s23], $0x1  }
0xa3: {  	[sflag:s23] =	ssyncset.done $0x0  }
0xa4: {  	[sflag:s23] =	ssyncadd.s32 $0xFFFFFFFF  }
0xa5: {  	s4 =	sld [smem:$0x0]  }
0xa6: {  	s5 =	sand.u32 $0xFFFFFFFE, s1  }
0xa7: {  	p0 =	sne.s32 s1, s5  }
0xa8: {  	s5 =	sshll.u32 @p0 s5, $0xE  }
0xa9: {  	s5 =	sadd.s32 @p0 $0x11B8D, s5;
	s6 =	sshll.u32 @p0 s4, $0x11  }
0xaa: {  	s5 =	sor.u32 @p0 s6, s5  }
0xab: {  	[sflag:s5] =	ssyncadd.remote.s32 @p0 $0x1;
	_ =	sdelay $0x1  }
0xac: {  	s5 =	simm.s32 @p0 $0x1B8D  }
0xad: {  	_ =	swait.eq @p0 [sflag:s5], $0x1  }
0xae: {  	[sflag:s5] =	ssyncadd.s32 @p0 $0xFFFFFFFF  }
0xaf: {  	s6 =	sshll.u32 @!p0 s1, $0xE  }
0xb0: {  	s6 =	sor.u32 @!p0 $0x4000, s6;
	s5 =	simm.s32 @!p0 $0x1B8D  }
0xb1: {  	s4 =	sshll.u32 @!p0 s4, $0x11;
	s6 =	sadd.s32 @!p0 $0x11B8D, s6;
	_ =	swait.eq @!p0 [sflag:s5], $0x1  }
0xb2: {  	s4 =	sor.u32 @!p0 s4, s6;
	[sflag:s5] =	ssyncadd.s32 @!p0 $0xFFFFFFFF  }
0xb3: {  	s25 =	simm.s32 $0x1B8E;
	s24 =	sld [smem:$0x3FFE];
	[sflag:s4] =	ssyncadd.remote.s32 @!p0 $0x1  }
0xb4: {  	s26 =	simm.s32 $execute0_lowered;
	[smem:$0x3FD2] =	sst s25  }
0xb5: {  	s5 =	sshll.u32 s26, $0x1;
	_ =	strace $0x8000004C;
	[dreg:$0x1] =	wrdreg $0xFFFFFFFF  }
0xb6: {  	s28 =	simm.s32 $_size_execute0_lowered;
	s3 =	sadd.s32 s3, s5;
	[dreg:$0x0] =	wrdreg $0x0  }
0xb7: {  	s5 =	sshll.u32 s28, $0x1;
	[dreg:$0x2] =	wrdreg s3  }
0xb8: {  	[dreg:$0x3] =	wrdreg s5  }
0xb9: {  	[dreg:$0x4] =	wrdreg $0xC0  }
0xba: {  	_ =	task [dreg:s22], $0x5FFFF  }
0xbb: {  	[dreg:$0x1] =	wrdreg $0xFFFFFFFF  }
0xbc: {  	[dreg:$0x0] =	wrdreg $0x60  }
0xbd: {  	[dreg:$0x2] =	wrdreg s24  }
0xbe: {  	[dreg:$0x3] =	wrdreg $0xB  }
0xbf: {  	_ =	task.clear_ibuf [dreg:s22], $0x4FFFF;
	_ =	strace $0x9000004C  }
0xc0: {  	s29 =	simm.s32 $0xB;
	_ =	strace $0x8000004E  }
0xc1: {  	_ =	swait.ge [sflag:s29], $0x1  }
0xc2: {  	[sflag:s29] =	ssyncadd.s32 $0xFFFFFFFF  }
0xc3: {  	_ =	strace $0x9000004E  }
0xc4: {  	_ =	sfence  }
0xc5: {  	s30 =	sld [smem:$0x0];
	_ =	sdelay $0x2  }
0xc6: {  	s31 =	sshll.u32 s1, $0xD;
	s1 =	sshrl.u32 s1, $0x2  }
0xc7: {  	s4 =	sand.u32 $0x4000, s31;
	s1 =	sadd.s32 s1, s30  }
0xc8: {  	s0 =	sor.u32 s4, s0;
	s1 =	sshll.u32 s1, $0x11  }
0xc9: {  	s0 =	sor.u32 s1, s0  }
0xca: {  	s0 =	sadd.s32 $0x8F2B, s0  }
0xcb: {  	[sflag:s0] =	ssyncadd.remote.s32 $0x1  }
0xcc: {  	_ =	sfence.sel $0xFFFF  }
0xcd: {  	[dreg:$0x0] =	wrdreg $0xFFFFFFFF;
	(pc) =	sbr.abs _section_cstart, $3  }
0xce: {  	[dreg:$0x1] =	wrdreg $0xFFFFFFFF  }
0xcf: {  	_ =	task.clear_ibuf [dreg:s22], $0x2FFFF;
	_ =	strace $0x9FFFFFFF  }
0xd0: {  	(tm) =	ssettm $0x7FFFFFFF  }
0xd1: {  	_ =	shalt  }
tec
execute0_lowered:
.L_overlay_start_1:
0x0: {  	(tag) =	ssettag $0x1  }
0x1: {  	s1 =	srdreg.scid  }
0x2: {  	s0 =	stileid.u32;
	s4 =	rddreg [dreg:$0x0];
	s2 =	simm.s32 $0x0  }
0x3: {  	s12 =	simm.s32 $0x80;
	s13 =	simm.s32 $0x1900;
	s14 =	simm.s32 $0x48  }
0x4: {  	s15 =	simm.s32 $0x5900;
	s16 =	simm.s32 $0x1;
	s17 =	simm.s32 $0xC8  }
0x5: {  	s18 =	simm.s32 $0x9900;
	s19 =	simm.s32 $0x2;
	s20 =	simm.s32 $0x148  }
0x6: {  	s21 =	simm.s32 $0xD900;
	s22 =	simm.s32 $0x3;
	s23 =	simm.s32 $0x5  }
0x7: {  	s24 =	simm.s32 $0x4;
	s25 =	simm.s32 $0x6;
	s26 =	simm.s32 $0x7  }
0x8: {  	s28 =	simm.s32 $0x8;
	s1 =	sand.u32 $0x1, s1;
	s3 =	sshll.u32 s0, $0x1  }
0x9: {  	s29 =	simm.s32 $0x0;
	s31 =	smul.u32 $0x32000, s0;
	s5 =	sor.u32 s1, s3  }
0xa: {  	[smem:$0x7FF] =	sst s2;
	s10 =	sadd.s32 $0x7E1000, s4;
	s6 =	smul.u32 $0x1900, s5  }
0xb: {  	_ =	strace $0x8000004D;
	s7 =	ssub.s32 $0x2, s1;
	s9 =	smul.u32 $0xC8000, s5  }
0xc: {  	s3 =	sadd.s32 $0x7A00, s4;
	s8 =	sshrl.u32 s7, $0x1;
	s5 =	smul.u32 $0x19000, s5  }
0xd: {  	s1 =	smul.u32 $0x19000, s1;
	s11 =	ssub.s32 s7, s8;
	s6 =	sshrl.u32 s6, $0x3  }
0xe: {  	s30 =	sshrl.u32 s9, $0x3;
	s5 =	sadd.s32 s10, s5;
	s6 =	sadd.s32 s6, s4  }
0xf: {  	s9 =	sadd.s32 s10, s30;
	s10 =	sadd.s32 s31, s10;
	s4 =	sadd.s32 $0x4B4800, s6  }
0x10: {  	s6 =	sadd.s32 $0x800, s5;
	s7 =	sadd.s32 $0x18380, s9;
	s8 =	sadd.s32 $0x18B80, s9  }
0x11: {  	s9 =	smax.u32 s11, $0x1;
	s10 =	sadd.s32 s1, s10;
	s11 =	simm.s32 $0x9  }
.LBB2_1:
0x12: {  	[tilespmem:s2], [sflag:$0x9] =	stream.linear.gather [hbm4b:s4+s2], $0x1900, $0x38;
	[tilespmem:$0x11900] =	vst v63  }
0x13: {  	_ =	swait.ge [sflag:s11], $0x1900  }
0x14: {  	[sflag:s11] =	ssyncset.done $0x0  }
0x15: {  	[sflag:s11] =	ssyncadd.s32 $0xFFFFE700  }
0x16: {  	[tilespmem:s13], [sflag:$0x1] =	stream.indirect.gather [hbm4b:s3+s12], $0x80, s2, s12, $0xb8;
	[tilespmem:$0x11900] =	vst v63  }
0x17: {  	_ = 	snop  }
0x18: {  	[tilespmem:s15], [sflag:$0x2] =	stream.indirect.gather [hbm4b:s3+s14], $0x80, s12, s14, $0xb8;
	[tilespmem:$0x11900] =	vst v63  }
0x19: {  	_ =	swait.ge [sflag:s16], $0x4000  }
0x1a: {  	[sflag:s16] =	ssyncset.done $0x0  }
0x1b: {  	[sflag:s16] =	ssyncadd.s32 $0xFFFFC000  }
0x1c: {  	[hbm4b:s5+s2] =	stream.linear.scatter [tilespmem:s13], [sflag:$0x5], $0x4000, $0x38;
	[tilespmem:$0x11900] =	vst v63  }
0x1d: {  	_ = 	snop  }
0x1e: {  	[tilespmem:s18], [sflag:$0x3] =	stream.indirect.gather [hbm4b:s3+s12], $0x80, s17, s12, $0xb8;
	[tilespmem:$0x11900] =	vst v63  }
0x1f: {  	_ =	swait.ge [sflag:s19], $0x2400  }
0x20: {  	[sflag:s19] =	ssyncset.done $0x0  }
0x21: {  	[sflag:s19] =	ssyncadd.s32 $0xFFFFDC00  }
0x22: {  	[hbm4b:s6+s2] =	stream.linear.scatter [tilespmem:s15], [sflag:$0x6], $0x2400, $0x38;
	[tilespmem:$0x11900] =	vst v63  }
0x23: {  	_ = 	snop  }
0x24: {  	[tilespmem:s21], [sflag:$0x4] =	stream.indirect.gather [hbm4b:s3+s14], $0x80, s20, s14, $0xb8;
	[tilespmem:$0x11900] =	vst v63  }
0x25: {  	_ =	swait.ge [sflag:s22], $0x4000  }
0x26: {  	s1 =	sadd.s32 $0x0, s10;
	[sflag:s22] =	ssyncset.done $0x0  }
0x27: {  	s30 =	sadd.s32 $0xC80, s1;
	[sflag:s22] =	ssyncadd.s32 $0xFFFFC000  }
0x28: {  	[hbm4b:s30+s2] =	stream.linear.scatter [tilespmem:s18], [sflag:$0x7], $0x4000, $0x38;
	[tilespmem:$0x11900] =	vst v63  }
0x29: {  	_ =	swait.ge [sflag:s23], $0x4000  }
0x2a: {  	[sflag:s23] =	ssyncset.done $0x0  }
0x2b: {  	s30 =	simm.s32 $0x190;
	[sflag:s23] =	ssyncadd.s32 $0xFFFFC000  }
0x2c: {  	[tilespmem:s13], [sflag:$0x1] =	stream.indirect.gather [hbm4b:s3+s12], $0x80, s30, s12, $0xb8;
	[tilespmem:$0x11900] =	vst v63  }
0x2d: {  	_ =	swait.ge [sflag:s24], $0x2400  }
0x2e: {  	[sflag:s24] =	ssyncset.done $0x0  }
0x2f: {  	s30 =	sadd.s32 $0x1480, s1;
	[sflag:s24] =	ssyncadd.s32 $0xFFFFDC00  }
0x30: {  	[hbm4b:s30+s2] =	stream.linear.scatter [tilespmem:s21], [sflag:$0x8], $0x2400, $0x38;
	[tilespmem:$0x11900] =	vst v63  }
0x31: {  	_ =	swait.ge [sflag:s25], $0x2400  }
0x32: {  	[sflag:s25] =	ssyncset.done $0x0  }
0x33: {  	s30 =	simm.s32 $0x210;
	[sflag:s25] =	ssyncadd.s32 $0xFFFFDC00  }
0x34: {  	[tilespmem:s15], [sflag:$0x2] =	stream.indirect.gather [hbm4b:s3+s14], $0x80, s30, s14, $0xb8;
	[tilespmem:$0x11900] =	vst v63  }
0x35: {  	_ =	swait.ge [sflag:s16], $0x4000  }
0x36: {  	[sflag:s16] =	ssyncset.done $0x0  }
0x37: {  	s30 =	sadd.s32 $0x1900, s1;
	[sflag:s16] =	ssyncadd.s32 $0xFFFFC000  }
0x38: {  	[hbm4b:s30+s2] =	stream.linear.scatter [tilespmem:s13], [sflag:$0x5], $0x4000, $0x38;
	[tilespmem:$0x11900] =	vst v63  }
0x39: {  	_ =	swait.ge [sflag:s26], $0x4000  }
0x3a: {  	[sflag:s26] =	ssyncset.done $0x0  }
0x3b: {  	s30 =	simm.s32 $0x258;
	[sflag:s26] =	ssyncadd.s32 $0xFFFFC000  }
0x3c: {  	[tilespmem:s18], [sflag:$0x3] =	stream.indirect.gather [hbm4b:s3+s12], $0x80, s30, s12, $0xb8;
	[tilespmem:$0x11900] =	vst v63  }
0x3d: {  	_ =	swait.ge [sflag:s19], $0x2400  }
0x3e: {  	[sflag:s19] =	ssyncset.done $0x0  }
0x3f: {  	s1 =	sadd.s32 $0x2100, s1;
	[sflag:s19] =	ssyncadd.s32 $0xFFFFDC00  }
0x40: {  	[hbm4b:s1+s2] =	stream.linear.scatter [tilespmem:s15], [sflag:$0x6], $0x2400, $0x38;
	[tilespmem:$0x11900] =	vst v63  }
0x41: {  	_ =	swait.ge [sflag:s28], $0x2400  }
0x42: {  	s31 =	simm.s32 $0x320;
	[sflag:s28] =	ssyncset.done $0x0  }
0x43: {  	s30 =	simm.s32 $0x1900;
	s1 =	simm.s32 $0x2D8;
	[sflag:s28] =	ssyncadd.s32 $0xFFFFDC00  }
.LBB2_2:
0x44: {  	[tilespmem:s21], [sflag:$0x4] =	stream.indirect.gather [hbm4b:s3+s14], $0x80, s1, s14, $0xb8;
	[tilespmem:$0x11900] =	vst v63  }
0x45: {  	s1 =	smov.u32 s30  }
0x46: {  	p0 =	sne.s32 s30, $0x15E00;
	s30 =	sadd.s32 $0x1900, s30;
	_ =	swait.ge [sflag:s22], $0x4000  }
0x47: {  	s1 =	sadd.s32 s1, s10;
	[sflag:s22] =	ssyncset.done $0x0  }
0x48: {  	s0 =	sadd.s32 $0xC80, s1;
	[sflag:s22] =	ssyncadd.s32 $0xFFFFC000  }
0x49: {  	[hbm4b:s0+s2] =	stream.linear.scatter [tilespmem:s18], [sflag:$0x7], $0x4000, $0x38;
	[tilespmem:$0x11900] =	vst v63  }
0x4a: {  	_ =	swait.ge [sflag:s23], $0x4000  }
0x4b: {  	[sflag:s23] =	ssyncset.done $0x0  }
0x4c: {  	[sflag:s23] =	ssyncadd.s32 $0xFFFFC000  }
0x4d: {  	[tilespmem:s13], [sflag:$0x1] =	stream.indirect.gather [hbm4b:s3+s12], $0x80, s31, s12, $0xb8;
	[tilespmem:$0x11900] =	vst v63  }
0x4e: {  	_ =	swait.ge [sflag:s24], $0x2400  }
0x4f: {  	[sflag:s24] =	ssyncset.done $0x0  }
0x50: {  	s0 =	sadd.s32 $0x1480, s1;
	[sflag:s24] =	ssyncadd.s32 $0xFFFFDC00  }
0x51: {  	[hbm4b:s0+s2] =	stream.linear.scatter [tilespmem:s21], [sflag:$0x8], $0x2400, $0x38;
	[tilespmem:$0x11900] =	vst v63  }
0x52: {  	_ =	swait.ge [sflag:s25], $0x2400  }
0x53: {  	[sflag:s25] =	ssyncset.done $0x0  }
0x54: {  	s0 =	sadd.s32 $0x80, s31;
	[sflag:s25] =	ssyncadd.s32 $0xFFFFDC00  }
0x55: {  	[tilespmem:s15], [sflag:$0x2] =	stream.indirect.gather [hbm4b:s3+s14], $0x80, s0, s14, $0xb8;
	[tilespmem:$0x11900] =	vst v63  }
0x56: {  	_ =	swait.ge [sflag:s16], $0x4000  }
0x57: {  	[sflag:s16] =	ssyncset.done $0x0  }
0x58: {  	s0 =	sadd.s32 $0x1900, s1;
	[sflag:s16] =	ssyncadd.s32 $0xFFFFC000  }
0x59: {  	[hbm4b:s0+s2] =	stream.linear.scatter [tilespmem:s13], [sflag:$0x5], $0x4000, $0x38;
	[tilespmem:$0x11900] =	vst v63  }
0x5a: {  	_ =	swait.ge [sflag:s26], $0x4000  }
0x5b: {  	[sflag:s26] =	ssyncset.done $0x0  }
0x5c: {  	s0 =	sadd.s32 $0xC8, s31;
	[sflag:s26] =	ssyncadd.s32 $0xFFFFC000  }
0x5d: {  	[tilespmem:s18], [sflag:$0x3] =	stream.indirect.gather [hbm4b:s3+s12], $0x80, s0, s12, $0xb8;
	[tilespmem:$0x11900] =	vst v63  }
0x5e: {  	_ =	swait.ge [sflag:s19], $0x2400  }
0x5f: {  	[sflag:s19] =	ssyncset.done $0x0  }
.Ltmp0:
0x60: {  	s0 =	sadd.s32 $0x2100, s1;
	[sflag:s19] =	ssyncadd.s32 $0xFFFFDC00;
	(pc) =	sbr.rel @p0 .LBB2_2-.Ltmp0, $4  }
0x61: {  	[hbm4b:s0+s2] =	stream.linear.scatter [tilespmem:s15], [sflag:$0x6], $0x2400, $0x38;
	[tilespmem:$0x11900] =	vst v63  }
0x62: {  	_ =	swait.ge [sflag:s28], $0x2400  }
0x63: {  	[sflag:s28] =	ssyncset.done $0x0  }
0x64: {  	s1 =	sadd.s32 $0x148, s31;
	s31 =	sadd.s32 $0x190, s31;
	[sflag:s28] =	ssyncadd.s32 $0xFFFFDC00  }
0x65: {  	[tilespmem:s21], [sflag:$0x4] =	stream.indirect.gather [hbm4b:s3+s14], $0x80, s1, s14, $0xb8;
	[tilespmem:$0x11900] =	vst v63  }
0x66: {  	_ =	swait.ge [sflag:s22], $0x4000  }
0x67: {  	[sflag:s22] =	ssyncset.done $0x0  }
0x68: {  	[sflag:s22] =	ssyncadd.s32 $0xFFFFC000  }
0x69: {  	[hbm4b:s7+s2] =	stream.linear.scatter [tilespmem:s18], [sflag:$0x7], $0x4000, $0x38;
	[tilespmem:$0x11900] =	vst v63  }
0x6a: {  	_ =	swait.ge [sflag:s23], $0x4000  }
0x6b: {  	[sflag:s23] =	ssyncset.done $0x0  }
0x6c: {  	[sflag:s23] =	ssyncadd.s32 $0xFFFFC000  }
0x6d: {  	_ =	swait.ge [sflag:s24], $0x2400  }
0x6e: {  	[sflag:s24] =	ssyncset.done $0x0  }
0x6f: {  	[sflag:s24] =	ssyncadd.s32 $0xFFFFDC00  }
0x70: {  	[hbm4b:s8+s2] =	stream.linear.scatter [tilespmem:s21], [sflag:$0x8], $0x2400, $0x38;
	[tilespmem:$0x11900] =	vst v63  }
0x71: {  	_ =	swait.ge [sflag:s25], $0x2400  }
0x72: {  	[sflag:s25] =	ssyncset.done $0x0  }
0x73: {  	s29 =	sadd.s32 $0x1, s29;
	[sflag:s25] =	ssyncadd.s32 $0xFFFFDC00  }
0x74: {  	p0 =	sne.s32 s29, s9;
	_ =	swait.ge [sflag:s26], $0x4000  }
.Ltmp1:
0x75: {  	[sflag:s26] =	ssyncset.done $0x0;
	(pc) =	sbr.rel @p0 .LBB2_1-.Ltmp1, $4  }
0x76: {  	[sflag:s26] =	ssyncadd.s32 $0xFFFFC000  }
0x77: {  	_ =	swait.ge [sflag:s28], $0x2400  }
0x78: {  	[sflag:s28] =	ssyncset.done $0x0  }
0x79: {  	[sflag:s28] =	ssyncadd.s32 $0xFFFFDC00  }
0x7a: {  	_ =	sfence.sel $0x180000  }
0x7b: {  	[bflag:$0x0] =	sbarrier.arrive $0xFFFF  }
0x7c: {  	_ =	strace $0x9000004D  }
0x7d: {  	s0 =	stileid.u32;
	[bflag:$0x2] =	sbarrier.arrive $0xFFFF  }
0x7e: {  	p0 =	sne.s32 s0, $0x0;
	s0 =	rddreg [dreg:$0x1]  }
0x7f: {  	s0 =	sadd.s32 @!p0 $0x100000, s0  }
0x80: {  	[sflag:s0] =	ssyncadd.tile.s32 @!p0 $0x1;
	_ =	shalt  }
.Lfunc_end2:
_tile_overlayer_lowered:
.L_overlay_start_2:
0x81: {  	(tag) =	ssettag $0x2  }
0x82: {  	s0 =	rddreg [dreg:$0x0];
	s2 =	stileid.u32  }
0x83: {  	s1 =	rddreg [dreg:$0x1];
	p0 =	sne.s32 s2, $0x0  }
0x84: {  	s3 =	rddreg [dreg:$0x2];
	[bflag:$0x3] =	sbarrier.arrive $0xFFFF;
	s2 =	simm.s32 @!p0 $0x1C09  }
0x85: {  	[timem:s3], [sflag:s2] =	dma.local @!p0 [hbm:s0], s1  }
0x86: {  	s0 =	simm.s32 @!p0 $0x9  }
0x87: {  	_ =	swait.ge @!p0 [sflag:s0], s1  }
0x88: {  	s1 =	ssub.s32 @!p0 $0x0, s1;
	[sflag:s0] =	ssyncset.done @!p0 $0x0  }
0x89: {  	[sflag:s0] =	ssyncadd.s32 @!p0 s1  }
0x8a: {  	[bflag:$0x3] =	sbarrier.arrive $0xFFFF  }
0x8b: {  	_ =	shalt  }

// kernel: kernel.19.cloned.1.call-start
scs
__scs_entry_jumppad:
0x0: {  	(pc) =	sbr.rel $0x88, $3  }
0x1: {  	(tag) =	ssettag $0x0;
	lr =	simm.s32 $0x1  }
0x2: {  	[smem:$0x3F9E] =	sst lr;
	_ =	strace $0xD0000000  }
0x3: {  	_ = 	snop  }
0x4: {  	_ = 	snop  }
0x5: {  	_ = 	snop  }
0x6: {  	_ = 	snop  }
0x7: {  	_ = 	snop  }
__scs_overlays_trampoline_lowered:
0x8: {  	[smem:$0x3FAD] =	sst s0  }
0x9: {  	[smem:$0x3FAE] =	sst s1  }
0xa: {  	[smem:$0x3FAF] =	sst s2  }
0xb: {  	[smem:$0x3FB0] =	sst s3  }
0xc: {  	[smem:$0x3FB1] =	sst s4  }
0xd: {  	[smem:$0x3FB2] =	sst s5  }
0xe: {  	[smem:$0x3FB3] =	sst s6  }
0xf: {  	[smem:$0x3FB4] =	sst s7  }
0x10: {  	[smem:$0x3FB5] =	sst s8  }
0x11: {  	[smem:$0x3FB6] =	sst s9;
	s0 =	simm.s32 @!p0 $0x0  }
0x12: {  	s1 =	sld [smem:$0x3F9C];
	s0 =	simm.s32 @p0 $0x1  }
0x13: {  	[smem:$0x3FB7] =	sst s0;
	s0 =	simm.s32 @!p1 $0x0  }
0x14: {  	s2 =	sld [smem:$0x3F9B];
	s0 =	simm.s32 @p1 $0x1  }
0x15: {  	[smem:$0x3FB8] =	sst s0;
	s0 =	simm.s32 @!p2 $0x0  }
0x16: {  	s3 =	sld [smem:$0x3FDB];
	s0 =	simm.s32 @p2 $0x1  }
0x17: {  	s4 =	simm.s32 $0x1BF5;
	[smem:$0x3FBA] =	sst s0  }
0x18: {  	s0 =	sld [smem:$0x3F9D];
	_ =	swait.ge [sflag:s4], $0x0  }
0x19: {  	s7 =	sld [smem:$0x3F9E]  }
0x1a: {  	s8 =	sadd.s32 $0xFFFFE003, lr  }
0x1b: {  	s9 =	sadd.s32 $0xFFFFFEF7, lr;
	s5 =	simm.s32 $0xFFFFFFFF;
	p2 =	slt.u32 s8, $0xFFFFF086  }
0x1c: {  	p1 =	slt.u32 s9, $0xF7A;
	s5 =	simm.s32 @!p2 $0x0  }
0x1d: {  	s5 =	simm.s32 @p1 $0x1;
	p0 =	seq.s32 s7, s2  }
0x1e: {  	s7 =	smul.u32 @!p0 $0xF7A, s2;
	p2 =	seq.s32 @!p0 s5, $0x0  }
0x1f: {  	s9 =	smul.u32 $0xF7A, s1;
	s8 =	simm.s32 @!p0 $0x1BF5;
	p2 =	por !p2, p0  }
0x20: {  	[sflag:s8] =	ssyncset.s32 @!p0 $0xFFFFF086;
	s6 =	sadd.s32 @!p0 s3, s7;
	s7 =	simm.s32 @!p0 $0x108  }
0x21: {  	s3 =	sadd.s32 s3, s9;
	s6 =	sadd.s32 @!p0 $0x88, s6;
	s7 =	simm.s32 @p2 $0x1082  }
0x22: {  	[simem:s7], [sflag:s8] =	dma.local @!p0 [hbm:s6], $0xF7A  }
0x23: {  	s9 =	sor.u32 $0xD0000000, s2;
	s6 =	simm.s32 $0x108;
	_ =	swait.ge @!p0 [sflag:s8], $0x0  }
0x24: {  	s3 =	sadd.s32 $0x88, s3;
	s6 =	simm.s32 @!p1 $0x1082;
	[sflag:s4] =	ssyncset.s32 $0xFFFFF086  }
0x25: {  	[simem:s6], [sflag:s4] =	dma.local [hbm:s3], $0xF7A  }
0x26: {  	[smem:$0x3F9E] =	sst s1;
	(tag) =	ssettag s2;
	_ =	strace s9  }
0x27: {  	s1 =	sld [smem:$0x3FAE]  }
0x28: {  	s2 =	sld [smem:$0x3FAF]  }
0x29: {  	s4 =	sld [smem:$0x3FB1]  }
0x2a: {  	p0 =	seq.s32 s5, $0x0;
	s5 =	sld [smem:$0x3FB2]  }
0x2b: {  	s6 =	sld [smem:$0x3FB3]  }
0x2c: {  	s7 =	sld [smem:$0x3FB4]  }
0x2d: {  	s3 =	simm.s32 $0x108;
	s8 =	sld [smem:$0x3FB5]  }
0x2e: {  	s3 =	simm.s32 @!p0 $0x1082;
	s9 =	sld [smem:$0x3FB6]  }
0x2f: {  	lr =	sadd.s32 s0, s3;
	s0 =	sld [smem:$0x3FAD]  }
0x30: {  	s3 =	sld [smem:$0x3FB0]  }
0x31: {  	[smem:$0x3FB9] =	sst s10  }
0x32: {  	s10 =	sld [smem:$0x3FB7];
	_ =	sdelay $0x3  }
0x33: {  	p0 =	seq.s32 s10, $0x1;
	s10 =	sld [smem:$0x3FB9];
	_ =	sdelay $0x3  }
0x34: {  	[smem:$0x3FB9] =	sst s10  }
0x35: {  	s10 =	sld [smem:$0x3FB8];
	_ =	sdelay $0x3  }
0x36: {  	p1 =	seq.s32 s10, $0x1;
	s10 =	sld [smem:$0x3FB9];
	_ =	sdelay $0x3  }
0x37: {  	[smem:$0x3FB9] =	sst s10  }
0x38: {  	s10 =	sld [smem:$0x3FBA]  }
0x39: {  	_ = 	snop;
	(pc) =	sbr.ind lr, $3  }
0x3a: {  	_ = 	snop  }
0x3b: {  	_ = 	snop  }
0x3c: {  	p2 =	seq.s32 s10, $0x1;
	s10 =	sld [smem:$0x3FB9]  }
0x3d: {  	_ =	shalt  }
0x3e: {  	_ =	shalt  }
0x3f: {  	_ =	shalt  }
0x40: {  	_ =	shalt  }
0x41: {  	_ =	shalt  }
0x42: {  	_ =	shalt  }
0x43: {  	_ =	shalt  }
0x44: {  	_ =	shalt  }
0x45: {  	_ =	shalt  }
0x46: {  	_ =	shalt  }
0x47: {  	_ =	shalt  }
0x48: {  	_ =	shalt  }
0x49: {  	_ =	shalt  }
0x4a: {  	_ =	shalt  }
0x4b: {  	_ =	shalt  }
0x4c: {  	_ =	shalt  }
0x4d: {  	_ =	shalt  }
0x4e: {  	_ =	shalt  }
0x4f: {  	_ =	shalt  }
0x50: {  	_ =	shalt  }
0x51: {  	_ =	shalt  }
0x52: {  	_ =	shalt  }
0x53: {  	_ =	shalt  }
0x54: {  	_ =	shalt  }
0x55: {  	_ =	shalt  }
0x56: {  	_ =	shalt  }
0x57: {  	_ =	shalt  }
0x58: {  	_ =	shalt  }
0x59: {  	_ =	shalt  }
0x5a: {  	_ =	shalt  }
0x5b: {  	_ =	shalt  }
0x5c: {  	_ =	shalt  }
0x5d: {  	_ =	shalt  }
0x5e: {  	_ =	shalt  }
0x5f: {  	_ =	shalt  }
0x60: {  	_ =	shalt  }
0x61: {  	_ =	shalt  }
0x62: {  	_ =	shalt  }
0x63: {  	_ =	shalt  }
0x64: {  	_ =	shalt  }
0x65: {  	_ =	shalt  }
0x66: {  	_ =	shalt  }
0x67: {  	_ =	shalt  }
0x68: {  	_ =	shalt  }
0x69: {  	_ =	shalt  }
0x6a: {  	_ =	shalt  }
0x6b: {  	_ =	shalt  }
0x6c: {  	_ =	shalt  }
0x6d: {  	_ =	shalt  }
0x6e: {  	_ =	shalt  }
0x6f: {  	_ =	shalt  }
0x70: {  	_ =	shalt  }
0x71: {  	_ =	shalt  }
0x72: {  	_ =	shalt  }
0x73: {  	_ =	shalt  }
0x74: {  	_ =	shalt  }
0x75: {  	_ =	shalt  }
0x76: {  	_ =	shalt  }
0x77: {  	_ =	shalt  }
0x78: {  	_ =	shalt  }
0x79: {  	_ =	shalt  }
0x7a: {  	_ =	shalt  }
0x7b: {  	_ =	shalt  }
0x7c: {  	_ =	shalt  }
0x7d: {  	_ =	shalt  }
0x7e: {  	_ =	shalt  }
0x7f: {  	_ =	shalt  }
0x80: {  	_ =	shalt  }
0x81: {  	_ =	shalt  }
0x82: {  	_ =	shalt  }
0x83: {  	_ =	shalt  }
0x84: {  	_ =	shalt  }
0x85: {  	_ =	shalt  }
0x86: {  	_ =	shalt  }
0x87: {  	_ =	shalt  }
.Lfunc_end0:
.L_simem_size_0:
called_computation.3_lowered:
.L_overlay_start_0:
0x88: {  	s2 =	sld [smem:$0x3FD9]  }
0x89: {  	s3 =	sld [smem:$0x3FFE];
	_ =	sdelay $0x1  }
0x8a: {  	s1 =	srdreg.scid  }
0x8b: {  	s0 =	sand.u32 $0x1, s1  }
0x8c: {  	s17 =	sshll.u32 s0, $0xA;
	s2 =	sadd.s32 s3, s2  }
0x8d: {  	s2 =	sadd.s32 s2, s17  }
0x8e: {  	[smem:$0x3FC5] =	sst s2  }
0x8f: {  	_ = 	snop  }
0x90: {  	s18 =	sld [smem:$0x3FD0];
	(tm) =	ssettm $0x1  }
0x91: {  	s19 =	sld [smem:$0x3FFB];
	_ =	sdelay $0x3  }
0x92: {  	_ =	strace s19  }
0x93: {  	s2 =	sld [smem:$0x3FFC];
	_ =	sdelay $0x3  }
0x94: {  	_ =	strace s2  }
0x95: {  	s2 =	sld [smem:$0x3FFD];
	_ =	sdelay $0x3  }
0x96: {  	_ =	strace s2  }
0x97: {  	_ =	strace $0x8FFFFFFF  }
0x98: {  	s20 =	sld [smem:$0x3FDB];
	_ =	sdelay $0x1  }
0x99: {  	s4 =	simm.s32 $_scs_section_size  }
0x9a: {  	s5 =	simm.s32 $_size__tile_overlayer_lowered;
	s6 =	simm.s32 $_tile_overlayer_lowered  }
0x9b: {  	s7 =	simm.s32 $0x1BFF;
	s21 =	sshll.u32 s6, $0x1;
	s4 =	sadd.s32 s4, s20  }
0x9c: {  	s22 =	simm.s32 $0x0;
	s5 =	sshll.u32 s5, $0x1;
	s6 =	sadd.s32 s21, s4  }
0x9d: {  	[timem:s22], [sflag:s7] =	dma.local [hbm:s6], s5  }
0x9e: {  	_ =	swait.ge [sflag:s7], s5  }
0x9f: {  	s5 =	ssub.s32 $0x0, s5;
	[sflag:s7] =	ssyncset.done $0x0  }
0xa0: {  	[sflag:s7] =	ssyncadd.s32 s5;
	_ =	sdelay $0x1  }
0xa1: {  	s23 =	simm.s32 $0x1B8B  }
0xa2: {  	_ =	swait.ge [sflag:s23], $0x1  }
0xa3: {  	[sflag:s23] =	ssyncset.done $0x0  }
0xa4: {  	[sflag:s23] =	ssyncadd.s32 $0xFFFFFFFF  }
0xa5: {  	s5 =	sld [smem:$0x0]  }
0xa6: {  	s6 =	sand.u32 $0xFFFFFFFE, s1  }
0xa7: {  	p0 =	sne.s32 s1, s6  }
0xa8: {  	s6 =	sshll.u32 @p0 s6, $0xE  }
0xa9: {  	s6 =	sadd.s32 @p0 $0x11B8D, s6;
	s7 =	sshll.u32 @p0 s5, $0x11  }
0xaa: {  	s6 =	sor.u32 @p0 s7, s6  }
0xab: {  	[sflag:s6] =	ssyncadd.remote.s32 @p0 $0x1;
	_ =	sdelay $0x1  }
0xac: {  	s6 =	simm.s32 @p0 $0x1B8D  }
0xad: {  	_ =	swait.eq @p0 [sflag:s6], $0x1  }
0xae: {  	[sflag:s6] =	ssyncadd.s32 @p0 $0xFFFFFFFF  }
0xaf: {  	s7 =	sshll.u32 @!p0 s1, $0xE  }
0xb0: {  	s7 =	sor.u32 @!p0 $0x4000, s7;
	s6 =	simm.s32 @!p0 $0x1B8D  }
0xb1: {  	s5 =	sshll.u32 @!p0 s5, $0x11;
	s7 =	sadd.s32 @!p0 $0x11B8D, s7;
	_ =	swait.eq @!p0 [sflag:s6], $0x1  }
0xb2: {  	s5 =	sor.u32 @!p0 s5, s7;
	[sflag:s6] =	ssyncadd.s32 @!p0 $0xFFFFFFFF  }
0xb3: {  	s25 =	simm.s32 $0x1B8E;
	s24 =	sld [smem:$0x3FFE];
	[sflag:s5] =	ssyncadd.remote.s32 @!p0 $0x1  }
0xb4: {  	s26 =	simm.s32 $execute0_lowered;
	[smem:$0x3FD2] =	sst s25  }
0xb5: {  	s6 =	sshll.u32 s26, $0x1;
	_ =	strace $0x8000004F;
	[dreg:$0x1] =	wrdreg $0xFFFFFFFF  }
0xb6: {  	s28 =	simm.s32 $_size_execute0_lowered;
	s4 =	sadd.s32 s4, s6;
	[dreg:$0x0] =	wrdreg $0x0  }
0xb7: {  	s6 =	sshll.u32 s28, $0x1;
	[dreg:$0x2] =	wrdreg s4  }
0xb8: {  	[dreg:$0x3] =	wrdreg s6  }
0xb9: {  	[dreg:$0x4] =	wrdreg $0xC0  }
0xba: {  	_ =	task [dreg:s22], $0x5FFFF  }
0xbb: {  	[dreg:$0x1] =	wrdreg $0xFFFFFFFF  }
0xbc: {  	[dreg:$0x0] =	wrdreg $0x60  }
0xbd: {  	[dreg:$0x2] =	wrdreg s24  }
0xbe: {  	[dreg:$0x3] =	wrdreg s18  }
0xbf: {  	[dreg:$0x4] =	wrdreg $0xC  }
0xc0: {  	_ =	task.clear_ibuf [dreg:s22], $0x5FFFF;
	_ =	strace $0x9000004F  }
0xc1: {  	s29 =	simm.s32 $0xC;
	_ =	strace $0x80000051  }
0xc2: {  	_ =	swait.ge [sflag:s29], $0x1  }
0xc3: {  	[sflag:s29] =	ssyncadd.s32 $0xFFFFFFFF  }
0xc4: {  	_ =	strace $0x90000051  }
0xc5: {  	_ =	sfence  }
0xc6: {  	s30 =	sld [smem:$0x0];
	_ =	sdelay $0x2  }
0xc7: {  	s31 =	sshll.u32 s1, $0xD;
	s1 =	sshrl.u32 s1, $0x2  }
0xc8: {  	s4 =	sand.u32 $0x4000, s31;
	s1 =	sadd.s32 s1, s30  }
0xc9: {  	s0 =	sor.u32 s4, s0;
	s1 =	sshll.u32 s1, $0x11  }
0xca: {  	s0 =	sor.u32 s1, s0  }
0xcb: {  	s0 =	sadd.s32 $0x8F2B, s0  }
0xcc: {  	[sflag:s0] =	ssyncadd.remote.s32 $0x1  }
0xcd: {  	_ =	sfence.sel $0xFFFF  }
0xce: {  	[dreg:$0x0] =	wrdreg $0xFFFFFFFF;
	(pc) =	sbr.abs _section_cstart, $3  }
0xcf: {  	[dreg:$0x1] =	wrdreg $0xFFFFFFFF  }
0xd0: {  	_ =	task.clear_ibuf [dreg:s22], $0x2FFFF;
	_ =	strace $0x9FFFFFFF  }
0xd1: {  	(tm) =	ssettm $0x7FFFFFFF  }
tec
execute0_lowered:
.L_overlay_start_1:
0x0: {  	(tag) =	ssettag $0x1  }
0x1: {  	s1 =	rddreg [dreg:$0x0];
	s2 =	srdreg.scid  }
0x2: {  	s0 =	stileid.u32;
	s8 =	rddreg [dreg:$0x1]  }
0x3: {  	s12 =	simm.s32 $0x80;
	s13 =	simm.s32 $0x1900;
	s14 =	simm.s32 $0x48  }
0x4: {  	s15 =	simm.s32 $0x5900;
	s16 =	simm.s32 $0x1;
	s17 =	simm.s32 $0xC8  }
0x5: {  	s18 =	simm.s32 $0x9900;
	s19 =	simm.s32 $0x2;
	s20 =	simm.s32 $0x148  }
0x6: {  	s21 =	simm.s32 $0xD900;
	s22 =	simm.s32 $0x3;
	s23 =	simm.s32 $0x5  }
0x7: {  	s24 =	simm.s32 $0x4;
	s25 =	simm.s32 $0x6;
	s28 =	simm.s32 $0x8  }
0x8: {  	s6 =	sand.u32 $0x1, s2;
	s3 =	sshll.u32 s0, $0x1;
	s31 =	smul.u32 $0x32000, s0  }
0x9: {  	s2 =	simm.s32 $0x0;
	s4 =	sor.u32 s6, s3;
	s11 =	smul.u32 $0x19000, s6  }
0xa: {  	s29 =	simm.s32 $0x0;
	[smem:$0x7FF] =	sst s2;
	s5 =	smul.u32 $0x1900, s4  }
0xb: {  	s3 =	sadd.s32 $0x7A00, s1;
	s7 =	ssub.s32 $0x2, s6;
	s10 =	smul.u32 $0xC8000, s4  }
0xc: {  	_ =	strace $0x80000050;
	s9 =	sshrl.u32 s7, $0x1;
	s26 =	smul.u32 $0x19000, s4  }
0xd: {  	s9 =	ssub.s32 s7, s9;
	s5 =	sshrl.u32 s5, $0x3;
	s30 =	sshrl.u32 s10, $0x3  }
0xe: {  	s10 =	sadd.s32 s31, s8;
	s9 =	smax.u32 s9, $0x1;
	s1 =	sadd.s32 s5, s1  }
0xf: {  	s5 =	sadd.s32 s8, s26;
	s10 =	sadd.s32 s11, s10;
	s11 =	simm.s32 $0x9  }
0x10: {  	s26 =	simm.s32 $0x7;
	s4 =	sadd.s32 $0x4BAC00, s1;
	s1 =	sadd.s32 s8, s30  }
0x11: {  	s6 =	sadd.s32 $0x800, s5;
	s7 =	sadd.s32 $0x18380, s1;
	s8 =	sadd.s32 $0x18B80, s1  }
.LBB2_1:
0x12: {  	[tilespmem:s2], [sflag:$0x9] =	stream.linear.gather [hbm4b:s4+s2], $0x1900, $0x38;
	[tilespmem:$0x11900] =	vst v63  }
0x13: {  	_ =	swait.ge [sflag:s11], $0x1900  }
0x14: {  	[sflag:s11] =	ssyncset.done $0x0  }
0x15: {  	[sflag:s11] =	ssyncadd.s32 $0xFFFFE700  }
0x16: {  	[tilespmem:s13], [sflag:$0x1] =	stream.indirect.gather [hbm4b:s3+s12], $0x80, s2, s12, $0xb8;
	[tilespmem:$0x11900] =	vst v63  }
0x17: {  	_ = 	snop  }
0x18: {  	[tilespmem:s15], [sflag:$0x2] =	stream.indirect.gather [hbm4b:s3+s14], $0x80, s12, s14, $0xb8;
	[tilespmem:$0x11900] =	vst v63  }
0x19: {  	_ =	swait.ge [sflag:s16], $0x4000  }
0x1a: {  	[sflag:s16] =	ssyncset.done $0x0  }
0x1b: {  	[sflag:s16] =	ssyncadd.s32 $0xFFFFC000  }
0x1c: {  	[hbm4b:s5+s2] =	stream.linear.scatter [tilespmem:s13], [sflag:$0x5], $0x4000, $0x38;
	[tilespmem:$0x11900] =	vst v63  }
0x1d: {  	_ = 	snop  }
0x1e: {  	[tilespmem:s18], [sflag:$0x3] =	stream.indirect.gather [hbm4b:s3+s12], $0x80, s17, s12, $0xb8;
	[tilespmem:$0x11900] =	vst v63  }
0x1f: {  	_ =	swait.ge [sflag:s19], $0x2400  }
0x20: {  	[sflag:s19] =	ssyncset.done $0x0  }
0x21: {  	[sflag:s19] =	ssyncadd.s32 $0xFFFFDC00  }
0x22: {  	[hbm4b:s6+s2] =	stream.linear.scatter [tilespmem:s15], [sflag:$0x6], $0x2400, $0x38;
	[tilespmem:$0x11900] =	vst v63  }
0x23: {  	_ = 	snop  }
0x24: {  	[tilespmem:s21], [sflag:$0x4] =	stream.indirect.gather [hbm4b:s3+s14], $0x80, s20, s14, $0xb8;
	[tilespmem:$0x11900] =	vst v63  }
0x25: {  	_ =	swait.ge [sflag:s22], $0x4000  }
0x26: {  	s1 =	sadd.s32 $0x0, s10;
	[sflag:s22] =	ssyncset.done $0x0  }
0x27: {  	s30 =	sadd.s32 $0xC80, s1;
	[sflag:s22] =	ssyncadd.s32 $0xFFFFC000  }
0x28: {  	[hbm4b:s30+s2] =	stream.linear.scatter [tilespmem:s18], [sflag:$0x7], $0x4000, $0x38;
	[tilespmem:$0x11900] =	vst v63  }
0x29: {  	_ =	swait.ge [sflag:s23], $0x4000  }
0x2a: {  	[sflag:s23] =	ssyncset.done $0x0  }
0x2b: {  	s30 =	simm.s32 $0x190;
	[sflag:s23] =	ssyncadd.s32 $0xFFFFC000  }
0x2c: {  	[tilespmem:s13], [sflag:$0x1] =	stream.indirect.gather [hbm4b:s3+s12], $0x80, s30, s12, $0xb8;
	[tilespmem:$0x11900] =	vst v63  }
0x2d: {  	_ =	swait.ge [sflag:s24], $0x2400  }
0x2e: {  	[sflag:s24] =	ssyncset.done $0x0  }
0x2f: {  	s30 =	sadd.s32 $0x1480, s1;
	[sflag:s24] =	ssyncadd.s32 $0xFFFFDC00  }
0x30: {  	[hbm4b:s30+s2] =	stream.linear.scatter [tilespmem:s21], [sflag:$0x8], $0x2400, $0x38;
	[tilespmem:$0x11900] =	vst v63  }
0x31: {  	_ =	swait.ge [sflag:s25], $0x2400  }
0x32: {  	[sflag:s25] =	ssyncset.done $0x0  }
0x33: {  	s30 =	simm.s32 $0x210;
	[sflag:s25] =	ssyncadd.s32 $0xFFFFDC00  }
0x34: {  	[tilespmem:s15], [sflag:$0x2] =	stream.indirect.gather [hbm4b:s3+s14], $0x80, s30, s14, $0xb8;
	[tilespmem:$0x11900] =	vst v63  }
0x35: {  	_ =	swait.ge [sflag:s16], $0x4000  }
0x36: {  	[sflag:s16] =	ssyncset.done $0x0  }
0x37: {  	s30 =	sadd.s32 $0x1900, s1;
	[sflag:s16] =	ssyncadd.s32 $0xFFFFC000  }
0x38: {  	[hbm4b:s30+s2] =	stream.linear.scatter [tilespmem:s13], [sflag:$0x5], $0x4000, $0x38;
	[tilespmem:$0x11900] =	vst v63  }
0x39: {  	_ =	swait.ge [sflag:s26], $0x4000  }
0x3a: {  	[sflag:s26] =	ssyncset.done $0x0  }
0x3b: {  	s30 =	simm.s32 $0x258;
	[sflag:s26] =	ssyncadd.s32 $0xFFFFC000  }
0x3c: {  	[tilespmem:s18], [sflag:$0x3] =	stream.indirect.gather [hbm4b:s3+s12], $0x80, s30, s12, $0xb8;
	[tilespmem:$0x11900] =	vst v63  }
0x3d: {  	_ =	swait.ge [sflag:s19], $0x2400  }
0x3e: {  	[sflag:s19] =	ssyncset.done $0x0  }
0x3f: {  	s1 =	sadd.s32 $0x2100, s1;
	[sflag:s19] =	ssyncadd.s32 $0xFFFFDC00  }
0x40: {  	[hbm4b:s1+s2] =	stream.linear.scatter [tilespmem:s15], [sflag:$0x6], $0x2400, $0x38;
	[tilespmem:$0x11900] =	vst v63  }
0x41: {  	_ =	swait.ge [sflag:s28], $0x2400  }
0x42: {  	s31 =	simm.s32 $0x320;
	[sflag:s28] =	ssyncset.done $0x0  }
0x43: {  	s30 =	simm.s32 $0x1900;
	s1 =	simm.s32 $0x2D8;
	[sflag:s28] =	ssyncadd.s32 $0xFFFFDC00  }
.LBB2_2:
0x44: {  	[tilespmem:s21], [sflag:$0x4] =	stream.indirect.gather [hbm4b:s3+s14], $0x80, s1, s14, $0xb8;
	[tilespmem:$0x11900] =	vst v63  }
0x45: {  	s1 =	smov.u32 s30  }
0x46: {  	p0 =	sne.s32 s30, $0x15E00;
	s30 =	sadd.s32 $0x1900, s30;
	_ =	swait.ge [sflag:s22], $0x4000  }
0x47: {  	s1 =	sadd.s32 s1, s10;
	[sflag:s22] =	ssyncset.done $0x0  }
0x48: {  	s0 =	sadd.s32 $0xC80, s1;
	[sflag:s22] =	ssyncadd.s32 $0xFFFFC000  }
0x49: {  	[hbm4b:s0+s2] =	stream.linear.scatter [tilespmem:s18], [sflag:$0x7], $0x4000, $0x38;
	[tilespmem:$0x11900] =	vst v63  }
0x4a: {  	_ =	swait.ge [sflag:s23], $0x4000  }
0x4b: {  	[sflag:s23] =	ssyncset.done $0x0  }
0x4c: {  	[sflag:s23] =	ssyncadd.s32 $0xFFFFC000  }
0x4d: {  	[tilespmem:s13], [sflag:$0x1] =	stream.indirect.gather [hbm4b:s3+s12], $0x80, s31, s12, $0xb8;
	[tilespmem:$0x11900] =	vst v63  }
0x4e: {  	_ =	swait.ge [sflag:s24], $0x2400  }
0x4f: {  	[sflag:s24] =	ssyncset.done $0x0  }
0x50: {  	s0 =	sadd.s32 $0x1480, s1;
	[sflag:s24] =	ssyncadd.s32 $0xFFFFDC00  }
0x51: {  	[hbm4b:s0+s2] =	stream.linear.scatter [tilespmem:s21], [sflag:$0x8], $0x2400, $0x38;
	[tilespmem:$0x11900] =	vst v63  }
0x52: {  	_ =	swait.ge [sflag:s25], $0x2400  }
0x53: {  	[sflag:s25] =	ssyncset.done $0x0  }
0x54: {  	s0 =	sadd.s32 $0x80, s31;
	[sflag:s25] =	ssyncadd.s32 $0xFFFFDC00  }
0x55: {  	[tilespmem:s15], [sflag:$0x2] =	stream.indirect.gather [hbm4b:s3+s14], $0x80, s0, s14, $0xb8;
	[tilespmem:$0x11900] =	vst v63  }
0x56: {  	_ =	swait.ge [sflag:s16], $0x4000  }
0x57: {  	[sflag:s16] =	ssyncset.done $0x0  }
0x58: {  	s0 =	sadd.s32 $0x1900, s1;
	[sflag:s16] =	ssyncadd.s32 $0xFFFFC000  }
0x59: {  	[hbm4b:s0+s2] =	stream.linear.scatter [tilespmem:s13], [sflag:$0x5], $0x4000, $0x38;
	[tilespmem:$0x11900] =	vst v63  }
0x5a: {  	_ =	swait.ge [sflag:s26], $0x4000  }
0x5b: {  	[sflag:s26] =	ssyncset.done $0x0  }
0x5c: {  	s0 =	sadd.s32 $0xC8, s31;
	[sflag:s26] =	ssyncadd.s32 $0xFFFFC000  }
0x5d: {  	[tilespmem:s18], [sflag:$0x3] =	stream.indirect.gather [hbm4b:s3+s12], $0x80, s0, s12, $0xb8;
	[tilespmem:$0x11900] =	vst v63  }
0x5e: {  	_ =	swait.ge [sflag:s19], $0x2400  }
0x5f: {  	[sflag:s19] =	ssyncset.done $0x0  }
.Ltmp0:
0x60: {  	s0 =	sadd.s32 $0x2100, s1;
	[sflag:s19] =	ssyncadd.s32 $0xFFFFDC00;
	(pc) =	sbr.rel @p0 .LBB2_2-.Ltmp0, $4  }
0x61: {  	[hbm4b:s0+s2] =	stream.linear.scatter [tilespmem:s15], [sflag:$0x6], $0x2400, $0x38;
	[tilespmem:$0x11900] =	vst v63  }
0x62: {  	_ =	swait.ge [sflag:s28], $0x2400  }
0x63: {  	[sflag:s28] =	ssyncset.done $0x0  }
0x64: {  	s1 =	sadd.s32 $0x148, s31;
	s31 =	sadd.s32 $0x190, s31;
	[sflag:s28] =	ssyncadd.s32 $0xFFFFDC00  }
0x65: {  	[tilespmem:s21], [sflag:$0x4] =	stream.indirect.gather [hbm4b:s3+s14], $0x80, s1, s14, $0xb8;
	[tilespmem:$0x11900] =	vst v63  }
0x66: {  	_ =	swait.ge [sflag:s22], $0x4000  }
0x67: {  	[sflag:s22] =	ssyncset.done $0x0  }
0x68: {  	[sflag:s22] =	ssyncadd.s32 $0xFFFFC000  }
0x69: {  	[hbm4b:s7+s2] =	stream.linear.scatter [tilespmem:s18], [sflag:$0x7], $0x4000, $0x38;
	[tilespmem:$0x11900] =	vst v63  }
0x6a: {  	_ =	swait.ge [sflag:s23], $0x4000  }
0x6b: {  	[sflag:s23] =	ssyncset.done $0x0  }
0x6c: {  	[sflag:s23] =	ssyncadd.s32 $0xFFFFC000  }
0x6d: {  	_ =	swait.ge [sflag:s24], $0x2400  }
0x6e: {  	[sflag:s24] =	ssyncset.done $0x0  }
0x6f: {  	[sflag:s24] =	ssyncadd.s32 $0xFFFFDC00  }
0x70: {  	[hbm4b:s8+s2] =	stream.linear.scatter [tilespmem:s21], [sflag:$0x8], $0x2400, $0x38;
	[tilespmem:$0x11900] =	vst v63  }
0x71: {  	_ =	swait.ge [sflag:s25], $0x2400  }
0x72: {  	[sflag:s25] =	ssyncset.done $0x0  }
0x73: {  	s29 =	sadd.s32 $0x1, s29;
	[sflag:s25] =	ssyncadd.s32 $0xFFFFDC00  }
0x74: {  	p0 =	sne.s32 s29, s9;
	_ =	swait.ge [sflag:s26], $0x4000  }
.Ltmp1:
0x75: {  	[sflag:s26] =	ssyncset.done $0x0;
	(pc) =	sbr.rel @p0 .LBB2_1-.Ltmp1, $4  }
0x76: {  	[sflag:s26] =	ssyncadd.s32 $0xFFFFC000  }
0x77: {  	_ =	swait.ge [sflag:s28], $0x2400  }
0x78: {  	[sflag:s28] =	ssyncset.done $0x0  }
0x79: {  	[sflag:s28] =	ssyncadd.s32 $0xFFFFDC00  }
0x7a: {  	_ =	sfence.sel $0x180000  }
0x7b: {  	[bflag:$0x0] =	sbarrier.arrive $0xFFFF  }
0x7c: {  	_ =	strace $0x90000050  }
0x7d: {  	s0 =	stileid.u32;
	[bflag:$0x2] =	sbarrier.arrive $0xFFFF  }
0x7e: {  	p0 =	sne.s32 s0, $0x0;
	s0 =	rddreg [dreg:$0x2]  }
0x7f: {  	s0 =	sadd.s32 @!p0 $0x100000, s0  }
0x80: {  	[sflag:s0] =	ssyncadd.tile.s32 @!p0 $0x1;
	_ =	shalt  }
.Lfunc_end2:
_tile_overlayer_lowered:
.L_overlay_start_2:
0x81: {  	(tag) =	ssettag $0x2  }
0x82: {  	s0 =	rddreg [dreg:$0x0];
	s2 =	stileid.u32  }
0x83: {  	s1 =	rddreg [dreg:$0x1];
	p0 =	sne.s32 s2, $0x0  }
0x84: {  	s3 =	rddreg [dreg:$0x2];
	[bflag:$0x3] =	sbarrier.arrive $0xFFFF;
	s2 =	simm.s32 @!p0 $0x1C09  }
0x85: {  	[timem:s3], [sflag:s2] =	dma.local @!p0 [hbm:s0], s1  }
0x86: {  	s0 =	simm.s32 @!p0 $0x9  }
0x87: {  	_ =	swait.ge @!p0 [sflag:s0], s1  }
0x88: {  	s1 =	ssub.s32 @!p0 $0x0, s1;
	[sflag:s0] =	ssyncset.done @!p0 $0x0  }
0x89: {  	[sflag:s0] =	ssyncadd.s32 @!p0 s1  }
0x8a: {  	[bflag:$0x3] =	sbarrier.arrive $0xFFFF  }
0x8b: {  	_ =	shalt  }

</sc_bundles>
